<compile_context>
chip_gen: v7x
topology: tpu7x:2x2x1
jax: 0.10.2.dev20260603
libtpu: 0.0.44.dev20260713+nightly
codegen_flags: <defaults>
</compile_context>

<pallas_src>
import functools

import jax
import jax.numpy as jnp
from jax import lax
from jax.experimental import pallas as pl
from jax.experimental.pallas import tpu as pltpu
from jax.experimental.pallas import tpu_sc as plsc

N = 100000
D = 128
K = 64
BLK = 14336
NBLK = 7
NPAD = NBLK * BLK
NEG = float("-inf")



def _scores_body(q_ref, m_ref, o_ref):
    i = pl.program_id(0)
    q = q_ref[...]
    qn = q / jnp.maximum(jnp.sqrt(jnp.sum(q * q)), 1e-12)
    m = m_ref[...]
    ss = jnp.sum(m * m, axis=1, keepdims=True)
    mn = m / jnp.maximum(jnp.sqrt(ss), 1e-12)
    sc = lax.dot_general(qn.astype(jnp.bfloat16), mn.astype(jnp.bfloat16),
                         (((1,), (1,)), ((), ())),
                         preferred_element_type=jnp.float32)
    col = lax.broadcasted_iota(jnp.int32, (1, BLK), 1) + i * BLK
    sc = jnp.where(col < N, sc, NEG)
    o_ref[...] = sc.reshape((BLK,))


def _scores(q2, mem):
    return pl.pallas_call(
        _scores_body,
        grid=(NBLK,),
        in_specs=[
            pl.BlockSpec((1, D), lambda i: (0, 0)),
            pl.BlockSpec((BLK, D), lambda i: (i, 0)),
        ],
        out_specs=pl.BlockSpec((BLK,), lambda i: (i,)),
        out_shape=jax.ShapeDtypeStruct((NPAD,), jnp.float32),
    )(q2, mem)



def _rev(x):
    return lax.rev(x, (0,))


def _srt(k, v):
    return plsc.sort_key_val(k, v)


def _cmpx(ka, va, kb, vb):
    m = ka <= kb
    return (jnp.where(m, ka, kb), jnp.where(m, va, vb),
            jnp.where(m, kb, ka), jnp.where(m, vb, va))


def _merge16(ak, av, bk, bv):
    bk, bv = _rev(bk), _rev(bv)
    lok, lov, hik, hiv = _cmpx(ak, av, bk, bv)
    lok, lov = _srt(lok, lov)
    hik, hiv = _srt(hik, hiv)
    return lok, lov, hik, hiv


def _bitonic64(ks, vs):
    k0, k1, k2, k3 = ks
    v0, v1, v2, v3 = vs
    k0, v0, k2, v2 = _cmpx(k0, v0, k2, v2)
    k1, v1, k3, v3 = _cmpx(k1, v1, k3, v3)
    k0, v0, k1, v1 = _cmpx(k0, v0, k1, v1)
    k2, v2, k3, v3 = _cmpx(k2, v2, k3, v3)
    k0, v0 = _srt(k0, v0)
    k1, v1 = _srt(k1, v1)
    k2, v2 = _srt(k2, v2)
    k3, v3 = _srt(k3, v3)
    return [k0, k1, k2, k3], [v0, v1, v2, v3]


def _sort64(ks, vs):
    k0, v0 = _srt(ks[0], vs[0])
    k1, v1 = _srt(ks[1], vs[1])
    k2, v2 = _srt(ks[2], vs[2])
    k3, v3 = _srt(ks[3], vs[3])
    k0, v0, k1, v1 = _merge16(k0, v0, k1, v1)
    k2, v2, k3, v3 = _merge16(k2, v2, k3, v3)
    return _bitonic64([k0, k1, _rev(k3), _rev(k2)],
                      [v0, v1, _rev(v3), _rev(v2)])


def _topk_merge(rk, rv, bk, bv):
    dk = [_rev(bk[3]), _rev(bk[2]), _rev(bk[1]), _rev(bk[0])]
    dv = [_rev(bv[3]), _rev(bv[2]), _rev(bv[1]), _rev(bv[0])]
    ck, cv = [], []
    for c in range(4):
        m = rk[c] >= dk[c]
        ck.append(jnp.where(m, rk[c], dk[c]))
        cv.append(jnp.where(m, rv[c], dv[c]))
    return _bitonic64(ck, cv)



def _tournament(src_k, src_v, dst_k, dst_v, nblk):
    n = nblk
    while n > 1:
        half = n // 2

        @plsc.parallel_loop(0, half, 1, unroll=2)
        def _m(i, _sk=src_k, _sv=src_v, _dk=dst_k, _dv=dst_v):
            o0 = (2 * i) * K
            o1 = (2 * i + 1) * K
            od = i * K
            ak = [_sk[pl.ds(o0 + 16 * c, 16)] for c in range(4)]
            av = [_sv[pl.ds(o0 + 16 * c, 16)] for c in range(4)]
            bk = [_sk[pl.ds(o1 + 16 * c, 16)] for c in range(4)]
            bv = [_sv[pl.ds(o1 + 16 * c, 16)] for c in range(4)]
            nk, nv = _topk_merge(ak, av, bk, bv)
            for c in range(4):
                _dk[pl.ds(od + 16 * c, 16)] = nk[c]
                _dv[pl.ds(od + 16 * c, 16)] = nv[c]

        if n % 2 == 1:
            ol = (n - 1) * K
            od = half * K
            for c in range(4):
                dst_k[pl.ds(od + 16 * c, 16)] = src_k[pl.ds(ol + 16 * c, 16)]
                dst_v[pl.ds(od + 16 * c, 16)] = src_v[pl.ds(ol + 16 * c, 16)]
        n = half + (n % 2)
        src_k, src_v, dst_k, dst_v = dst_k, dst_v, src_k, src_v
    return src_k, src_v



NPAD2 = 100352
NSEG = 16
SEG2 = NPAD2 // NSEG
SEG2_BLKS = SEG2 // K


def _fused_body(scores_hbm, mem_hbm, sh_hbm, ret_hbm, ts_hbm,
                seg_v, ka_v, va_v, kb_v, vb_v, sh_v, idx_v, rows_v, ks_v,
                shared_k, shared_v, sem):
    sid = lax.axis_index("s")
    base = sid * SEG2
    pltpu.sync_copy(scores_hbm.at[pl.ds(base, SEG2)], seg_v)
    iota = lax.iota(jnp.int32, 16)

    @plsc.parallel_loop(0, SEG2_BLKS, 1, unroll=2)
    def _p1(j):
        off = j * K
        ks = [seg_v[pl.ds(off + 16 * c, 16)] for c in range(4)]
        vs = [iota + (base + off + 16 * c) for c in range(4)]
        sk, sv = _sort64(ks, vs)
        for c in range(4):
            ka_v[pl.ds(off + 16 * c, 16)] = sk[c]
            va_v[pl.ds(off + 16 * c, 16)] = sv[c]

    rk, rv = _tournament(ka_v, va_v, kb_v, vb_v, SEG2_BLKS)
    pltpu.sync_copy(rk.at[pl.ds(0, K)], shared_k.at[pl.ds(sid * K, K)])
    pltpu.sync_copy(rv.at[pl.ds(0, K)], shared_v.at[pl.ds(sid * K, K)])
    plsc.subcore_barrier()

    @pl.when(sid == 0)
    def _():
        pltpu.sync_copy(shared_k, ka_v.at[pl.ds(0, NSEG * K)])
        pltpu.sync_copy(shared_v, va_v.at[pl.ds(0, NSEG * K)])
        pltpu.sync_copy(sh_hbm, sh_v)
        fk, fv = _tournament(ka_v, va_v, kb_v, vb_v, NSEG)
        sh = sh_v[...]
        for c in range(4):
            ks_v[pl.ds(16 * c, 16)] = _rev(fk[pl.ds(16 * (3 - c), 16)])
            iv = _rev(fv[pl.ds(16 * (3 - c), 16)]) + sh
            iv = jnp.minimum(jnp.maximum(iv, 0), N - 1)
            idx_v[pl.ds(16 * c, 16)] = iv
        pltpu.async_copy(mem_hbm.at[idx_v], rows_v, sem).wait()
        pltpu.sync_copy(rows_v, ret_hbm)
        pltpu.sync_copy(ks_v, ts_hbm)


def _fused_topk(scores, mem, shift):
    mesh = plsc.VectorSubcoreMesh(core_axis_name="c", subcore_axis_name="s",
                                  num_cores=2, num_subcores=16)
    f = functools.partial(
        pl.kernel,
        out_type=[jax.ShapeDtypeStruct((K, D), jnp.float32),
                  jax.ShapeDtypeStruct((K,), jnp.float32)],
        mesh=mesh,
        compiler_params=pltpu.CompilerParams(needs_layout_passes=False),
        scratch_types=[pltpu.VMEM((SEG2,), jnp.float32),
                       pltpu.VMEM((SEG2,), jnp.float32),
                       pltpu.VMEM((SEG2,), jnp.int32),
                       pltpu.VMEM((SEG2,), jnp.float32),
                       pltpu.VMEM((SEG2,), jnp.int32),
                       pltpu.VMEM((16,), jnp.int32),
                       pltpu.VMEM((K,), jnp.int32),
                       pltpu.VMEM((K, D), jnp.float32),
                       pltpu.VMEM((K,), jnp.float32),
                       pltpu.VMEM_SHARED((NSEG * K,), jnp.float32),
                       pltpu.VMEM_SHARED((NSEG * K,), jnp.int32),
                       pltpu.SemaphoreType.DMA],
    )(_fused_body)
    return f(scores, mem, shift)



def kernel(query, memory_features, k):
    q2 = query.reshape(1, D).astype(jnp.float32)
    scores = _scores(q2, memory_features)
    shift = jnp.broadcast_to(jnp.asarray(k, jnp.int32) - K, (16,))
    retrieved, top_scores = _fused_topk(scores, memory_features, shift)
    return retrieved, top_scores

# --- scband reference (transcript-rebuilt; emitter-appended) ---
"""Pipeline reference for scband-simple-hippocampus-56410100466006 (READ-ONLY COPY).

The authoritative reference and input builder live on the scoring server;
editing this copy changes nothing except your own understanding.
"""

import jax, jax.numpy as jnp
import numpy as np

FEATURE_DIM = 128
MAX_MEMORIES = 100000

def setup_inputs(seed: int = 0) -> dict:
    key = jax.random.key(seed)
    k1, k2 = jax.random.split(key)
    query = jax.random.normal(k1, (FEATURE_DIM,), dtype=jnp.float32)
    # buffer: assume the hippocampus memory is fully populated (memory_count == max_memories)
    memory_features = jax.random.normal(k2, (MAX_MEMORIES, FEATURE_DIM), dtype=jnp.float32)
    return {"query": query, "memory_features": memory_features, "k": 64}

def reference(query, memory_features, k):
    # F.normalize(query.unsqueeze(0), dim=1) -> normalize the single query vector
    q_norm = query / jnp.maximum(jnp.linalg.norm(query), 1e-12)
    # F.normalize(active, dim=1) -> row-wise normalize memory
    m_norm = memory_features / jnp.maximum(
        jnp.linalg.norm(memory_features, axis=1, keepdims=True), 1e-12)
    # scores = q_norm @ m_norm.T  (shape [MAX_MEMORIES])
    scores = m_norm @ q_norm
    K_STATIC = 64
    top_scores, top_idx = jax.lax.top_k(scores, K_STATIC)
    top_idx = top_idx + (jnp.asarray(k, dtype=top_idx.dtype) - K_STATIC)
    retrieved = jnp.take(memory_features, top_idx, axis=0)
    return retrieved, top_scores

if __name__ == "__main__":
    import jax
    _d = setup_inputs()
    print(jax.jit(kernel)(*tuple(_d.values())))

</pallas_src>

<mosaic_0001>
#map = affine_map<(d0, d1) -> (0)>
#map1 = affine_map<(d0, d1) -> (0, 0)>
module attributes {stable_mosaic.version = 14 : i64} {
  func.func @_fused_body(%arg0: i32, %arg1: i32, %arg2: memref<100352xf32, #tpu.memory_space<hbm>>, %arg3: memref<100000x128xf32, #tpu.memory_space<hbm>>, %arg4: memref<16xi32, #tpu.memory_space<hbm>>, %arg5: memref<64x128xf32, #tpu.memory_space<hbm>>, %arg6: memref<64xf32, #tpu.memory_space<hbm>>, %arg7: memref<6272xf32, #tpu.memory_space<vmem>>, %arg8: memref<6272xf32, #tpu.memory_space<vmem>>, %arg9: memref<6272xi32, #tpu.memory_space<vmem>>, %arg10: memref<6272xf32, #tpu.memory_space<vmem>>, %arg11: memref<6272xi32, #tpu.memory_space<vmem>>, %arg12: memref<16xi32, #tpu.memory_space<vmem>>, %arg13: memref<64xi32, #tpu.memory_space<vmem>>, %arg14: memref<64x128xf32, #tpu.memory_space<vmem>>, %arg15: memref<64xf32, #tpu.memory_space<vmem>>, %arg16: memref<1024xf32, #tpu.memory_space<vmem_shared>>, %arg17: memref<1024xi32, #tpu.memory_space<vmem_shared>>, %arg18: memref<!tpu.dma_semaphore, #tpu.memory_space<semaphore_mem>>) attributes {dimension_semantics = [#tpu.dimension_semantics<core_parallel>, #tpu.dimension_semantics<subcore_parallel>], iteration_bounds = array<i64: 2, 16>, scalar_prefetch = 0 : i64, scratch_operands = 12 : i64, tpu.core_type = #tpu.core_type<sc_vector_subcore>, window_params = [{transform_indices = #map}, {transform_indices = #map1}, {transform_indices = #map}, {transform_indices = #map1}, {transform_indices = #map}]} {
    %mul3A = arith.constant 6272 : i32
    %mul3A_0 = arith.muli %arg1, %mul3A : i32
    "tpu.region"() ({
      %run_scoped3A = tpu.sem_alloc : memref<!tpu.dma_semaphore, #tpu.memory_space<semaphore_mem>>
      %dma_start3A = tpu.memref_slice %arg2[%mul3A_0] : memref<100352xf32, #tpu.memory_space<hbm>> -> memref<6272xf32, #tpu.memory_space<hbm>>
      %dma_start3A_156 = tpu.memref_slice %arg2[%mul3A_0] : memref<100352xf32, #tpu.memory_space<hbm>> -> memref<6272xf32, #tpu.memory_space<hbm>>
      tpu.enqueue_dma source(%dma_start3A_156 : memref<6272xf32, #tpu.memory_space<hbm>>) target(%arg7 : memref<6272xf32, #tpu.memory_space<vmem>>) target_semaphore(%run_scoped3A : memref<!tpu.dma_semaphore, #tpu.memory_space<semaphore_mem>>)
      %dma_wait3A = tpu.memref_slice %arg2[%mul3A_0] : memref<100352xf32, #tpu.memory_space<hbm>> -> memref<6272xf32, #tpu.memory_space<hbm>>
      %dma_wait3A_157 = tpu.memref_slice %arg2[%mul3A_0] : memref<100352xf32, #tpu.memory_space<hbm>> -> memref<6272xf32, #tpu.memory_space<hbm>>
      tpu.wait_dma2 semaphore(%run_scoped3A : memref<!tpu.dma_semaphore, #tpu.memory_space<semaphore_mem>>) src(%dma_wait3A_157 : memref<6272xf32, #tpu.memory_space<hbm>>) dst(%arg7 : memref<6272xf32, #tpu.memory_space<vmem>>)
      tpu.yield
    }) : () -> ()
    %iota3A = tpu.iota {dimensions = array<i32: 0>} : vector<16xi32>
    %parallel_loop3A = arith.constant 0 : i32
    %parallel_loop3A_1 = arith.constant 98 : i32
    %parallel_loop3A_2 = arith.constant 1 : i32
    scf.for %parallel_loop3A_156 = %parallel_loop3A to %parallel_loop3A_1 step %parallel_loop3A_2  : i32 {
      %parallel_loop3A_157 = arith.constant 64 : i32
      %parallel_loop3A_158 = arith.muli %parallel_loop3A_156, %parallel_loop3A_157 : i32
      %parallel_loop3A_159 = arith.constant 0 : i32
      %parallel_loop3A_160 = arith.addi %parallel_loop3A_158, %parallel_loop3A_159 : i32
      %parallel_loop3A_161 = arith.index_cast %parallel_loop3A_160 : i32 to index
      %parallel_loop3A_162 = tpu.vector_load %arg7[%parallel_loop3A_161] {strides = array<i32>} : memref<6272xf32, #tpu.memory_space<vmem>>, vector<16xf32>,
      %parallel_loop3A_163 = arith.constant 16 : i32
      %parallel_loop3A_164 = arith.addi %parallel_loop3A_158, %parallel_loop3A_163 : i32
      %parallel_loop3A_165 = arith.index_cast %parallel_loop3A_164 : i32 to index
      %parallel_loop3A_166 = tpu.vector_load %arg7[%parallel_loop3A_165] {strides = array<i32>} : memref<6272xf32, #tpu.memory_space<vmem>>, vector<16xf32>,
      %parallel_loop3A_167 = arith.constant 32 : i32
      %parallel_loop3A_168 = arith.addi %parallel_loop3A_158, %parallel_loop3A_167 : i32
      %parallel_loop3A_169 = arith.index_cast %parallel_loop3A_168 : i32 to index
      %parallel_loop3A_170 = tpu.vector_load %arg7[%parallel_loop3A_169] {strides = array<i32>} : memref<6272xf32, #tpu.memory_space<vmem>>, vector<16xf32>,
      %parallel_loop3A_171 = arith.constant 48 : i32
      %parallel_loop3A_172 = arith.addi %parallel_loop3A_158, %parallel_loop3A_171 : i32
      %parallel_loop3A_173 = arith.index_cast %parallel_loop3A_172 : i32 to index
      %parallel_loop3A_174 = tpu.vector_load %arg7[%parallel_loop3A_173] {strides = array<i32>} : memref<6272xf32, #tpu.memory_space<vmem>>, vector<16xf32>,
      %parallel_loop3A_175 = arith.addi %mul3A_0, %parallel_loop3A_158 : i32
      %parallel_loop3A_176 = arith.constant 0 : i32
      %parallel_loop3A_177 = arith.addi %parallel_loop3A_175, %parallel_loop3A_176 : i32
      %parallel_loop3A_178 = vector.broadcast %parallel_loop3A_177 : i32 to vector<16xi32>
      %parallel_loop3A_179 = arith.addi %iota3A, %parallel_loop3A_178 : vector<16xi32>
      %parallel_loop3A_180 = arith.addi %mul3A_0, %parallel_loop3A_158 : i32
      %parallel_loop3A_181 = arith.constant 16 : i32
      %parallel_loop3A_182 = arith.addi %parallel_loop3A_180, %parallel_loop3A_181 : i32
      %parallel_loop3A_183 = vector.broadcast %parallel_loop3A_182 : i32 to vector<16xi32>
      %parallel_loop3A_184 = arith.addi %iota3A, %parallel_loop3A_183 : vector<16xi32>
      %parallel_loop3A_185 = arith.addi %mul3A_0, %parallel_loop3A_158 : i32
      %parallel_loop3A_186 = arith.constant 32 : i32
      %parallel_loop3A_187 = arith.addi %parallel_loop3A_185, %parallel_loop3A_186 : i32
      %parallel_loop3A_188 = vector.broadcast %parallel_loop3A_187 : i32 to vector<16xi32>
      %parallel_loop3A_189 = arith.addi %iota3A, %parallel_loop3A_188 : vector<16xi32>
      %parallel_loop3A_190 = arith.addi %mul3A_0, %parallel_loop3A_158 : i32
      %parallel_loop3A_191 = arith.constant 48 : i32
      %parallel_loop3A_192 = arith.addi %parallel_loop3A_190, %parallel_loop3A_191 : i32
      %parallel_loop3A_193 = vector.broadcast %parallel_loop3A_192 : i32 to vector<16xi32>
      %parallel_loop3A_194 = arith.addi %iota3A, %parallel_loop3A_193 : vector<16xi32>
      %parallel_loop3A_195 = arith.constant dense<true> : vector<16xi1>
      %parallel_loop3A_196, %parallel_loop3A_197, %parallel_loop3A_198 = tpu.sort %parallel_loop3A_162, %parallel_loop3A_179 masked %parallel_loop3A_195 : (vector<16xf32>, vector<16xi32>, vector<16xi1>) -> (vector<16xi1>, vector<16xf32>, vector<16xi32>)
      %parallel_loop3A_199 = arith.constant dense<true> : vector<16xi1>
      %parallel_loop3A_200, %parallel_loop3A_201, %parallel_loop3A_202 = tpu.sort %parallel_loop3A_166, %parallel_loop3A_184 masked %parallel_loop3A_199 : (vector<16xf32>, vector<16xi32>, vector<16xi1>) -> (vector<16xi1>, vector<16xf32>, vector<16xi32>)
      %parallel_loop3A_203 = arith.constant dense<true> : vector<16xi1>
      %parallel_loop3A_204, %parallel_loop3A_205, %parallel_loop3A_206 = tpu.sort %parallel_loop3A_170, %parallel_loop3A_189 masked %parallel_loop3A_203 : (vector<16xf32>, vector<16xi32>, vector<16xi1>) -> (vector<16xi1>, vector<16xf32>, vector<16xi32>)
      %parallel_loop3A_207 = arith.constant dense<true> : vector<16xi1>
      %parallel_loop3A_208, %parallel_loop3A_209, %parallel_loop3A_210 = tpu.sort %parallel_loop3A_174, %parallel_loop3A_194 masked %parallel_loop3A_207 : (vector<16xf32>, vector<16xi32>, vector<16xi1>) -> (vector<16xi1>, vector<16xf32>, vector<16xi32>)
      %parallel_loop3A_211 = arith.constant 15 : i32
      %parallel_loop3A_212 = vector.broadcast %parallel_loop3A_211 : i32 to vector<16xi32>
      %parallel_loop3A_213 = tpu.iota {dimensions = array<i32: 0>} : vector<16xi32>
      %parallel_loop3A_214 = arith.subi %parallel_loop3A_212, %parallel_loop3A_213 : vector<16xi32>
      %parallel_loop3A_215 = tpu.dynamic_gather %parallel_loop3A_201[%parallel_loop3A_214] in [0] : vector<16xf32>, vector<16xi32> -> vector<16xf32>
      %parallel_loop3A_216 = arith.constant 15 : i32
      %parallel_loop3A_217 = vector.broadcast %parallel_loop3A_216 : i32 to vector<16xi32>
      %parallel_loop3A_218 = tpu.iota {dimensions = array<i32: 0>} : vector<16xi32>
      %parallel_loop3A_219 = arith.subi %parallel_loop3A_217, %parallel_loop3A_218 : vector<16xi32>
      %parallel_loop3A_220 = tpu.dynamic_gather %parallel_loop3A_202[%parallel_loop3A_219] in [0] : vector<16xi32>, vector<16xi32> -> vector<16xi32>
      %parallel_loop3A_221 = arith.cmpf ole, %parallel_loop3A_197, %parallel_loop3A_215 : vector<16xf32>
      %parallel_loop3A_222 = arith.select %parallel_loop3A_221, %parallel_loop3A_197, %parallel_loop3A_215 : vector<16xi1>, vector<16xf32>
      %parallel_loop3A_223 = arith.select %parallel_loop3A_221, %parallel_loop3A_198, %parallel_loop3A_220 : vector<16xi1>, vector<16xi32>
      %parallel_loop3A_224 = arith.select %parallel_loop3A_221, %parallel_loop3A_215, %parallel_loop3A_197 : vector<16xi1>, vector<16xf32>
      %parallel_loop3A_225 = arith.select %parallel_loop3A_221, %parallel_loop3A_220, %parallel_loop3A_198 : vector<16xi1>, vector<16xi32>
      %parallel_loop3A_226 = arith.constant dense<true> : vector<16xi1>
      %parallel_loop3A_227, %parallel_loop3A_228, %parallel_loop3A_229 = tpu.sort %parallel_loop3A_222, %parallel_loop3A_223 masked %parallel_loop3A_226 : (vector<16xf32>, vector<16xi32>, vector<16xi1>) -> (vector<16xi1>, vector<16xf32>, vector<16xi32>)
      %parallel_loop3A_230 = arith.constant dense<true> : vector<16xi1>
      %parallel_loop3A_231, %parallel_loop3A_232, %parallel_loop3A_233 = tpu.sort %parallel_loop3A_224, %parallel_loop3A_225 masked %parallel_loop3A_230 : (vector<16xf32>, vector<16xi32>, vector<16xi1>) -> (vector<16xi1>, vector<16xf32>, vector<16xi32>)
      %parallel_loop3A_234 = arith.constant 15 : i32
      %parallel_loop3A_235 = vector.broadcast %parallel_loop3A_234 : i32 to vector<16xi32>
      %parallel_loop3A_236 = tpu.iota {dimensions = array<i32: 0>} : vector<16xi32>
      %parallel_loop3A_237 = arith.subi %parallel_loop3A_235, %parallel_loop3A_236 : vector<16xi32>
      %parallel_loop3A_238 = tpu.dynamic_gather %parallel_loop3A_209[%parallel_loop3A_237] in [0] : vector<16xf32>, vector<16xi32> -> vector<16xf32>
      %parallel_loop3A_239 = arith.constant 15 : i32
      %parallel_loop3A_240 = vector.broadcast %parallel_loop3A_239 : i32 to vector<16xi32>
      %parallel_loop3A_241 = tpu.iota {dimensions = array<i32: 0>} : vector<16xi32>
      %parallel_loop3A_242 = arith.subi %parallel_loop3A_240, %parallel_loop3A_241 : vector<16xi32>
      %parallel_loop3A_243 = tpu.dynamic_gather %parallel_loop3A_210[%parallel_loop3A_242] in [0] : vector<16xi32>, vector<16xi32> -> vector<16xi32>
      %parallel_loop3A_244 = arith.cmpf ole, %parallel_loop3A_205, %parallel_loop3A_238 : vector<16xf32>
      %parallel_loop3A_245 = arith.select %parallel_loop3A_244, %parallel_loop3A_205, %parallel_loop3A_238 : vector<16xi1>, vector<16xf32>
      %parallel_loop3A_246 = arith.select %parallel_loop3A_244, %parallel_loop3A_206, %parallel_loop3A_243 : vector<16xi1>, vector<16xi32>
      %parallel_loop3A_247 = arith.select %parallel_loop3A_244, %parallel_loop3A_238, %parallel_loop3A_205 : vector<16xi1>, vector<16xf32>
      %parallel_loop3A_248 = arith.select %parallel_loop3A_244, %parallel_loop3A_243, %parallel_loop3A_206 : vector<16xi1>, vector<16xi32>
      %parallel_loop3A_249 = arith.constant dense<true> : vector<16xi1>
      %parallel_loop3A_250, %parallel_loop3A_251, %parallel_loop3A_252 = tpu.sort %parallel_loop3A_245, %parallel_loop3A_246 masked %parallel_loop3A_249 : (vector<16xf32>, vector<16xi32>, vector<16xi1>) -> (vector<16xi1>, vector<16xf32>, vector<16xi32>)
      %parallel_loop3A_253 = arith.constant dense<true> : vector<16xi1>
      %parallel_loop3A_254, %parallel_loop3A_255, %parallel_loop3A_256 = tpu.sort %parallel_loop3A_247, %parallel_loop3A_248 masked %parallel_loop3A_253 : (vector<16xf32>, vector<16xi32>, vector<16xi1>) -> (vector<16xi1>, vector<16xf32>, vector<16xi32>)
      %parallel_loop3A_257 = arith.constant 15 : i32
      %parallel_loop3A_258 = vector.broadcast %parallel_loop3A_257 : i32 to vector<16xi32>
      %parallel_loop3A_259 = tpu.iota {dimensions = array<i32: 0>} : vector<16xi32>
      %parallel_loop3A_260 = arith.subi %parallel_loop3A_258, %parallel_loop3A_259 : vector<16xi32>
      %parallel_loop3A_261 = tpu.dynamic_gather %parallel_loop3A_255[%parallel_loop3A_260] in [0] : vector<16xf32>, vector<16xi32> -> vector<16xf32>
      %parallel_loop3A_262 = arith.constant 15 : i32
      %parallel_loop3A_263 = vector.broadcast %parallel_loop3A_262 : i32 to vector<16xi32>
      %parallel_loop3A_264 = tpu.iota {dimensions = array<i32: 0>} : vector<16xi32>
      %parallel_loop3A_265 = arith.subi %parallel_loop3A_263, %parallel_loop3A_264 : vector<16xi32>
      %parallel_loop3A_266 = tpu.dynamic_gather %parallel_loop3A_251[%parallel_loop3A_265] in [0] : vector<16xf32>, vector<16xi32> -> vector<16xf32>
      %parallel_loop3A_267 = arith.constant 15 : i32
      %parallel_loop3A_268 = vector.broadcast %parallel_loop3A_267 : i32 to vector<16xi32>
      %parallel_loop3A_269 = tpu.iota {dimensions = array<i32: 0>} : vector<16xi32>
      %parallel_loop3A_270 = arith.subi %parallel_loop3A_268, %parallel_loop3A_269 : vector<16xi32>
      %parallel_loop3A_271 = tpu.dynamic_gather %parallel_loop3A_256[%parallel_loop3A_270] in [0] : vector<16xi32>, vector<16xi32> -> vector<16xi32>
      %parallel_loop3A_272 = arith.constant 15 : i32
      %parallel_loop3A_273 = vector.broadcast %parallel_loop3A_272 : i32 to vector<16xi32>
      %parallel_loop3A_274 = tpu.iota {dimensions = array<i32: 0>} : vector<16xi32>
      %parallel_loop3A_275 = arith.subi %parallel_loop3A_273, %parallel_loop3A_274 : vector<16xi32>
      %parallel_loop3A_276 = tpu.dynamic_gather %parallel_loop3A_252[%parallel_loop3A_275] in [0] : vector<16xi32>, vector<16xi32> -> vector<16xi32>
      %parallel_loop3A_277 = arith.cmpf ole, %parallel_loop3A_228, %parallel_loop3A_261 : vector<16xf32>
      %parallel_loop3A_278 = arith.select %parallel_loop3A_277, %parallel_loop3A_228, %parallel_loop3A_261 : vector<16xi1>, vector<16xf32>
      %parallel_loop3A_279 = arith.select %parallel_loop3A_277, %parallel_loop3A_229, %parallel_loop3A_271 : vector<16xi1>, vector<16xi32>
      %parallel_loop3A_280 = arith.select %parallel_loop3A_277, %parallel_loop3A_261, %parallel_loop3A_228 : vector<16xi1>, vector<16xf32>
      %parallel_loop3A_281 = arith.select %parallel_loop3A_277, %parallel_loop3A_271, %parallel_loop3A_229 : vector<16xi1>, vector<16xi32>
      %parallel_loop3A_282 = arith.cmpf ole, %parallel_loop3A_232, %parallel_loop3A_266 : vector<16xf32>
      %parallel_loop3A_283 = arith.select %parallel_loop3A_282, %parallel_loop3A_232, %parallel_loop3A_266 : vector<16xi1>, vector<16xf32>
      %parallel_loop3A_284 = arith.select %parallel_loop3A_282, %parallel_loop3A_233, %parallel_loop3A_276 : vector<16xi1>, vector<16xi32>
      %parallel_loop3A_285 = arith.select %parallel_loop3A_282, %parallel_loop3A_266, %parallel_loop3A_232 : vector<16xi1>, vector<16xf32>
      %parallel_loop3A_286 = arith.select %parallel_loop3A_282, %parallel_loop3A_276, %parallel_loop3A_233 : vector<16xi1>, vector<16xi32>
      %parallel_loop3A_287 = arith.cmpf ole, %parallel_loop3A_278, %parallel_loop3A_283 : vector<16xf32>
      %parallel_loop3A_288 = arith.select %parallel_loop3A_287, %parallel_loop3A_278, %parallel_loop3A_283 : vector<16xi1>, vector<16xf32>
      %parallel_loop3A_289 = arith.select %parallel_loop3A_287, %parallel_loop3A_279, %parallel_loop3A_284 : vector<16xi1>, vector<16xi32>
      %parallel_loop3A_290 = arith.select %parallel_loop3A_287, %parallel_loop3A_283, %parallel_loop3A_278 : vector<16xi1>, vector<16xf32>
      %parallel_loop3A_291 = arith.select %parallel_loop3A_287, %parallel_loop3A_284, %parallel_loop3A_279 : vector<16xi1>, vector<16xi32>
      %parallel_loop3A_292 = arith.cmpf ole, %parallel_loop3A_280, %parallel_loop3A_285 : vector<16xf32>
      %parallel_loop3A_293 = arith.select %parallel_loop3A_292, %parallel_loop3A_280, %parallel_loop3A_285 : vector<16xi1>, vector<16xf32>
      %parallel_loop3A_294 = arith.select %parallel_loop3A_292, %parallel_loop3A_281, %parallel_loop3A_286 : vector<16xi1>, vector<16xi32>
      %parallel_loop3A_295 = arith.select %parallel_loop3A_292, %parallel_loop3A_285, %parallel_loop3A_280 : vector<16xi1>, vector<16xf32>
      %parallel_loop3A_296 = arith.select %parallel_loop3A_292, %parallel_loop3A_286, %parallel_loop3A_281 : vector<16xi1>, vector<16xi32>
      %parallel_loop3A_297 = arith.constant dense<true> : vector<16xi1>
      %parallel_loop3A_298, %parallel_loop3A_299, %parallel_loop3A_300 = tpu.sort %parallel_loop3A_288, %parallel_loop3A_289 masked %parallel_loop3A_297 : (vector<16xf32>, vector<16xi32>, vector<16xi1>) -> (vector<16xi1>, vector<16xf32>, vector<16xi32>)
      %parallel_loop3A_301 = arith.constant dense<true> : vector<16xi1>
      %parallel_loop3A_302, %parallel_loop3A_303, %parallel_loop3A_304 = tpu.sort %parallel_loop3A_290, %parallel_loop3A_291 masked %parallel_loop3A_301 : (vector<16xf32>, vector<16xi32>, vector<16xi1>) -> (vector<16xi1>, vector<16xf32>, vector<16xi32>)
      %parallel_loop3A_305 = arith.constant dense<true> : vector<16xi1>
      %parallel_loop3A_306, %parallel_loop3A_307, %parallel_loop3A_308 = tpu.sort %parallel_loop3A_293, %parallel_loop3A_294 masked %parallel_loop3A_305 : (vector<16xf32>, vector<16xi32>, vector<16xi1>) -> (vector<16xi1>, vector<16xf32>, vector<16xi32>)
      %parallel_loop3A_309 = arith.constant dense<true> : vector<16xi1>
      %parallel_loop3A_310, %parallel_loop3A_311, %parallel_loop3A_312 = tpu.sort %parallel_loop3A_295, %parallel_loop3A_296 masked %parallel_loop3A_309 : (vector<16xf32>, vector<16xi32>, vector<16xi1>) -> (vector<16xi1>, vector<16xf32>, vector<16xi32>)
      %parallel_loop3A_313 = arith.constant 0 : i32
      %parallel_loop3A_314 = arith.addi %parallel_loop3A_158, %parallel_loop3A_313 : i32
      %parallel_loop3A_315 = arith.index_cast %parallel_loop3A_314 : i32 to index
      %parallel_loop3A_316 = tpu.vector_load %arg8[%parallel_loop3A_315] {strides = array<i32>} : memref<6272xf32, #tpu.memory_space<vmem>>, vector<16xf32>,
      tpu.vector_store %arg8[%parallel_loop3A_315], %parallel_loop3A_299 {strides = array<i32>} : memref<6272xf32, #tpu.memory_space<vmem>>, vector<16xf32>,
      %parallel_loop3A_317 = arith.constant 0 : i32
      %parallel_loop3A_318 = arith.addi %parallel_loop3A_158, %parallel_loop3A_317 : i32
      %parallel_loop3A_319 = arith.index_cast %parallel_loop3A_318 : i32 to index
      %parallel_loop3A_320 = tpu.vector_load %arg9[%parallel_loop3A_319] {strides = array<i32>} : memref<6272xi32, #tpu.memory_space<vmem>>, vector<16xi32>,
      tpu.vector_store %arg9[%parallel_loop3A_319], %parallel_loop3A_300 {strides = array<i32>} : memref<6272xi32, #tpu.memory_space<vmem>>, vector<16xi32>,
      %parallel_loop3A_321 = arith.constant 16 : i32
      %parallel_loop3A_322 = arith.addi %parallel_loop3A_158, %parallel_loop3A_321 : i32
      %parallel_loop3A_323 = arith.index_cast %parallel_loop3A_322 : i32 to index
      %parallel_loop3A_324 = tpu.vector_load %arg8[%parallel_loop3A_323] {strides = array<i32>} : memref<6272xf32, #tpu.memory_space<vmem>>, vector<16xf32>,
      tpu.vector_store %arg8[%parallel_loop3A_323], %parallel_loop3A_303 {strides = array<i32>} : memref<6272xf32, #tpu.memory_space<vmem>>, vector<16xf32>,
      %parallel_loop3A_325 = arith.constant 16 : i32
      %parallel_loop3A_326 = arith.addi %parallel_loop3A_158, %parallel_loop3A_325 : i32
      %parallel_loop3A_327 = arith.index_cast %parallel_loop3A_326 : i32 to index
      %parallel_loop3A_328 = tpu.vector_load %arg9[%parallel_loop3A_327] {strides = array<i32>} : memref<6272xi32, #tpu.memory_space<vmem>>, vector<16xi32>,
      tpu.vector_store %arg9[%parallel_loop3A_327], %parallel_loop3A_304 {strides = array<i32>} : memref<6272xi32, #tpu.memory_space<vmem>>, vector<16xi32>,
      %parallel_loop3A_329 = arith.constant 32 : i32
      %parallel_loop3A_330 = arith.addi %parallel_loop3A_158, %parallel_loop3A_329 : i32
      %parallel_loop3A_331 = arith.index_cast %parallel_loop3A_330 : i32 to index
      %parallel_loop3A_332 = tpu.vector_load %arg8[%parallel_loop3A_331] {strides = array<i32>} : memref<6272xf32, #tpu.memory_space<vmem>>, vector<16xf32>,
      tpu.vector_store %arg8[%parallel_loop3A_331], %parallel_loop3A_307 {strides = array<i32>} : memref<6272xf32, #tpu.memory_space<vmem>>, vector<16xf32>,
      %parallel_loop3A_333 = arith.constant 32 : i32
      %parallel_loop3A_334 = arith.addi %parallel_loop3A_158, %parallel_loop3A_333 : i32
      %parallel_loop3A_335 = arith.index_cast %parallel_loop3A_334 : i32 to index
      %parallel_loop3A_336 = tpu.vector_load %arg9[%parallel_loop3A_335] {strides = array<i32>} : memref<6272xi32, #tpu.memory_space<vmem>>, vector<16xi32>,
      tpu.vector_store %arg9[%parallel_loop3A_335], %parallel_loop3A_308 {strides = array<i32>} : memref<6272xi32, #tpu.memory_space<vmem>>, vector<16xi32>,
      %parallel_loop3A_337 = arith.constant 48 : i32
      %parallel_loop3A_338 = arith.addi %parallel_loop3A_158, %parallel_loop3A_337 : i32
      %parallel_loop3A_339 = arith.index_cast %parallel_loop3A_338 : i32 to index
      %parallel_loop3A_340 = tpu.vector_load %arg8[%parallel_loop3A_339] {strides = array<i32>} : memref<6272xf32, #tpu.memory_space<vmem>>, vector<16xf32>,
      tpu.vector_store %arg8[%parallel_loop3A_339], %parallel_loop3A_311 {strides = array<i32>} : memref<6272xf32, #tpu.memory_space<vmem>>, vector<16xf32>,
      %parallel_loop3A_341 = arith.constant 48 : i32
      %parallel_loop3A_342 = arith.addi %parallel_loop3A_158, %parallel_loop3A_341 : i32
      %parallel_loop3A_343 = arith.index_cast %parallel_loop3A_342 : i32 to index
      %parallel_loop3A_344 = tpu.vector_load %arg9[%parallel_loop3A_343] {strides = array<i32>} : memref<6272xi32, #tpu.memory_space<vmem>>, vector<16xi32>,
      tpu.vector_store %arg9[%parallel_loop3A_343], %parallel_loop3A_312 {strides = array<i32>} : memref<6272xi32, #tpu.memory_space<vmem>>, vector<16xi32>,
    } {sc.loop_unroll_factor = 2 : i64, sc.parallel_access}
    %parallel_loop3A_3 = arith.constant 0 : i32
    %parallel_loop3A_4 = arith.constant 49 : i32
    %parallel_loop3A_5 = arith.constant 1 : i32
    scf.for %parallel_loop3A_156 = %parallel_loop3A_3 to %parallel_loop3A_4 step %parallel_loop3A_5  : i32 {
      %parallel_loop3A_157 = arith.constant 2 : i32
      %parallel_loop3A_158 = arith.muli %parallel_loop3A_157, %parallel_loop3A_156 : i32
      %parallel_loop3A_159 = arith.constant 64 : i32
      %parallel_loop3A_160 = arith.muli %parallel_loop3A_158, %parallel_loop3A_159 : i32
      %parallel_loop3A_161 = arith.constant 2 : i32
      %parallel_loop3A_162 = arith.muli %parallel_loop3A_161, %parallel_loop3A_156 : i32
      %parallel_loop3A_163 = arith.constant 1 : i32
      %parallel_loop3A_164 = arith.addi %parallel_loop3A_162, %parallel_loop3A_163 : i32
      %parallel_loop3A_165 = arith.constant 64 : i32
      %parallel_loop3A_166 = arith.muli %parallel_loop3A_164, %parallel_loop3A_165 : i32
      %parallel_loop3A_167 = arith.constant 64 : i32
      %parallel_loop3A_168 = arith.muli %parallel_loop3A_156, %parallel_loop3A_167 : i32
      %parallel_loop3A_169 = arith.constant 0 : i32
      %parallel_loop3A_170 = arith.addi %parallel_loop3A_160, %parallel_loop3A_169 : i32
      %parallel_loop3A_171 = arith.index_cast %parallel_loop3A_170 : i32 to index
      %parallel_loop3A_172 = tpu.vector_load %arg8[%parallel_loop3A_171] {strides = array<i32>} : memref<6272xf32, #tpu.memory_space<vmem>>, vector<16xf32>,
      %parallel_loop3A_173 = arith.constant 16 : i32
      %parallel_loop3A_174 = arith.addi %parallel_loop3A_160, %parallel_loop3A_173 : i32
      %parallel_loop3A_175 = arith.index_cast %parallel_loop3A_174 : i32 to index
      %parallel_loop3A_176 = tpu.vector_load %arg8[%parallel_loop3A_175] {strides = array<i32>} : memref<6272xf32, #tpu.memory_space<vmem>>, vector<16xf32>,
      %parallel_loop3A_177 = arith.constant 32 : i32
      %parallel_loop3A_178 = arith.addi %parallel_loop3A_160, %parallel_loop3A_177 : i32
      %parallel_loop3A_179 = arith.index_cast %parallel_loop3A_178 : i32 to index
      %parallel_loop3A_180 = tpu.vector_load %arg8[%parallel_loop3A_179] {strides = array<i32>} : memref<6272xf32, #tpu.memory_space<vmem>>, vector<16xf32>,
      %parallel_loop3A_181 = arith.constant 48 : i32
      %parallel_loop3A_182 = arith.addi %parallel_loop3A_160, %parallel_loop3A_181 : i32
      %parallel_loop3A_183 = arith.index_cast %parallel_loop3A_182 : i32 to index
      %parallel_loop3A_184 = tpu.vector_load %arg8[%parallel_loop3A_183] {strides = array<i32>} : memref<6272xf32, #tpu.memory_space<vmem>>, vector<16xf32>,
      %parallel_loop3A_185 = arith.constant 0 : i32
      %parallel_loop3A_186 = arith.addi %parallel_loop3A_160, %parallel_loop3A_185 : i32
      %parallel_loop3A_187 = arith.index_cast %parallel_loop3A_186 : i32 to index
      %parallel_loop3A_188 = tpu.vector_load %arg9[%parallel_loop3A_187] {strides = array<i32>} : memref<6272xi32, #tpu.memory_space<vmem>>, vector<16xi32>,
      %parallel_loop3A_189 = arith.constant 16 : i32
      %parallel_loop3A_190 = arith.addi %parallel_loop3A_160, %parallel_loop3A_189 : i32
      %parallel_loop3A_191 = arith.index_cast %parallel_loop3A_190 : i32 to index
      %parallel_loop3A_192 = tpu.vector_load %arg9[%parallel_loop3A_191] {strides = array<i32>} : memref<6272xi32, #tpu.memory_space<vmem>>, vector<16xi32>,
      %parallel_loop3A_193 = arith.constant 32 : i32
      %parallel_loop3A_194 = arith.addi %parallel_loop3A_160, %parallel_loop3A_193 : i32
      %parallel_loop3A_195 = arith.index_cast %parallel_loop3A_194 : i32 to index
      %parallel_loop3A_196 = tpu.vector_load %arg9[%parallel_loop3A_195] {strides = array<i32>} : memref<6272xi32, #tpu.memory_space<vmem>>, vector<16xi32>,
      %parallel_loop3A_197 = arith.constant 48 : i32
      %parallel_loop3A_198 = arith.addi %parallel_loop3A_160, %parallel_loop3A_197 : i32
      %parallel_loop3A_199 = arith.index_cast %parallel_loop3A_198 : i32 to index
      %parallel_loop3A_200 = tpu.vector_load %arg9[%parallel_loop3A_199] {strides = array<i32>} : memref<6272xi32, #tpu.memory_space<vmem>>, vector<16xi32>,
      %parallel_loop3A_201 = arith.constant 0 : i32
      %parallel_loop3A_202 = arith.addi %parallel_loop3A_166, %parallel_loop3A_201 : i32
      %parallel_loop3A_203 = arith.index_cast %parallel_loop3A_202 : i32 to index
      %parallel_loop3A_204 = tpu.vector_load %arg8[%parallel_loop3A_203] {strides = array<i32>} : memref<6272xf32, #tpu.memory_space<vmem>>, vector<16xf32>,
      %parallel_loop3A_205 = arith.constant 16 : i32
      %parallel_loop3A_206 = arith.addi %parallel_loop3A_166, %parallel_loop3A_205 : i32
      %parallel_loop3A_207 = arith.index_cast %parallel_loop3A_206 : i32 to index
      %parallel_loop3A_208 = tpu.vector_load %arg8[%parallel_loop3A_207] {strides = array<i32>} : memref<6272xf32, #tpu.memory_space<vmem>>, vector<16xf32>,
      %parallel_loop3A_209 = arith.constant 32 : i32
      %parallel_loop3A_210 = arith.addi %parallel_loop3A_166, %parallel_loop3A_209 : i32
      %parallel_loop3A_211 = arith.index_cast %parallel_loop3A_210 : i32 to index
      %parallel_loop3A_212 = tpu.vector_load %arg8[%parallel_loop3A_211] {strides = array<i32>} : memref<6272xf32, #tpu.memory_space<vmem>>, vector<16xf32>,
      %parallel_loop3A_213 = arith.constant 48 : i32
      %parallel_loop3A_214 = arith.addi %parallel_loop3A_166, %parallel_loop3A_213 : i32
      %parallel_loop3A_215 = arith.index_cast %parallel_loop3A_214 : i32 to index
      %parallel_loop3A_216 = tpu.vector_load %arg8[%parallel_loop3A_215] {strides = array<i32>} : memref<6272xf32, #tpu.memory_space<vmem>>, vector<16xf32>,
      %parallel_loop3A_217 = arith.constant 0 : i32
      %parallel_loop3A_218 = arith.addi %parallel_loop3A_166, %parallel_loop3A_217 : i32
      %parallel_loop3A_219 = arith.index_cast %parallel_loop3A_218 : i32 to index
      %parallel_loop3A_220 = tpu.vector_load %arg9[%parallel_loop3A_219] {strides = array<i32>} : memref<6272xi32, #tpu.memory_space<vmem>>, vector<16xi32>,
      %parallel_loop3A_221 = arith.constant 16 : i32
      %parallel_loop3A_222 = arith.addi %parallel_loop3A_166, %parallel_loop3A_221 : i32
      %parallel_loop3A_223 = arith.index_cast %parallel_loop3A_222 : i32 to index
      %parallel_loop3A_224 = tpu.vector_load %arg9[%parallel_loop3A_223] {strides = array<i32>} : memref<6272xi32, #tpu.memory_space<vmem>>, vector<16xi32>,
      %parallel_loop3A_225 = arith.constant 32 : i32
      %parallel_loop3A_226 = arith.addi %parallel_loop3A_166, %parallel_loop3A_225 : i32
      %parallel_loop3A_227 = arith.index_cast %parallel_loop3A_226 : i32 to index
      %parallel_loop3A_228 = tpu.vector_load %arg9[%parallel_loop3A_227] {strides = array<i32>} : memref<6272xi32, #tpu.memory_space<vmem>>, vector<16xi32>,
      %parallel_loop3A_229 = arith.constant 48 : i32
      %parallel_loop3A_230 = arith.addi %parallel_loop3A_166, %parallel_loop3A_229 : i32
      %parallel_loop3A_231 = arith.index_cast %parallel_loop3A_230 : i32 to index
      %parallel_loop3A_232 = tpu.vector_load %arg9[%parallel_loop3A_231] {strides = array<i32>} : memref<6272xi32, #tpu.memory_space<vmem>>, vector<16xi32>,
      %parallel_loop3A_233 = arith.constant 15 : i32
      %parallel_loop3A_234 = vector.broadcast %parallel_loop3A_233 : i32 to vector<16xi32>
      %parallel_loop3A_235 = tpu.iota {dimensions = array<i32: 0>} : vector<16xi32>
      %parallel_loop3A_236 = arith.subi %parallel_loop3A_234, %parallel_loop3A_235 : vector<16xi32>
      %parallel_loop3A_237 = tpu.dynamic_gather %parallel_loop3A_216[%parallel_loop3A_236] in [0] : vector<16xf32>, vector<16xi32> -> vector<16xf32>
      %parallel_loop3A_238 = arith.constant 15 : i32
      %parallel_loop3A_239 = vector.broadcast %parallel_loop3A_238 : i32 to vector<16xi32>
      %parallel_loop3A_240 = tpu.iota {dimensions = array<i32: 0>} : vector<16xi32>
      %parallel_loop3A_241 = arith.subi %parallel_loop3A_239, %parallel_loop3A_240 : vector<16xi32>
      %parallel_loop3A_242 = tpu.dynamic_gather %parallel_loop3A_212[%parallel_loop3A_241] in [0] : vector<16xf32>, vector<16xi32> -> vector<16xf32>
      %parallel_loop3A_243 = arith.constant 15 : i32
      %parallel_loop3A_244 = vector.broadcast %parallel_loop3A_243 : i32 to vector<16xi32>
      %parallel_loop3A_245 = tpu.iota {dimensions = array<i32: 0>} : vector<16xi32>
      %parallel_loop3A_246 = arith.subi %parallel_loop3A_244, %parallel_loop3A_245 : vector<16xi32>
      %parallel_loop3A_247 = tpu.dynamic_gather %parallel_loop3A_208[%parallel_loop3A_246] in [0] : vector<16xf32>, vector<16xi32> -> vector<16xf32>
      %parallel_loop3A_248 = arith.constant 15 : i32
      %parallel_loop3A_249 = vector.broadcast %parallel_loop3A_248 : i32 to vector<16xi32>
      %parallel_loop3A_250 = tpu.iota {dimensions = array<i32: 0>} : vector<16xi32>
      %parallel_loop3A_251 = arith.subi %parallel_loop3A_249, %parallel_loop3A_250 : vector<16xi32>
      %parallel_loop3A_252 = tpu.dynamic_gather %parallel_loop3A_204[%parallel_loop3A_251] in [0] : vector<16xf32>, vector<16xi32> -> vector<16xf32>
      %parallel_loop3A_253 = arith.constant 15 : i32
      %parallel_loop3A_254 = vector.broadcast %parallel_loop3A_253 : i32 to vector<16xi32>
      %parallel_loop3A_255 = tpu.iota {dimensions = array<i32: 0>} : vector<16xi32>
      %parallel_loop3A_256 = arith.subi %parallel_loop3A_254, %parallel_loop3A_255 : vector<16xi32>
      %parallel_loop3A_257 = tpu.dynamic_gather %parallel_loop3A_232[%parallel_loop3A_256] in [0] : vector<16xi32>, vector<16xi32> -> vector<16xi32>
      %parallel_loop3A_258 = arith.constant 15 : i32
      %parallel_loop3A_259 = vector.broadcast %parallel_loop3A_258 : i32 to vector<16xi32>
      %parallel_loop3A_260 = tpu.iota {dimensions = array<i32: 0>} : vector<16xi32>
      %parallel_loop3A_261 = arith.subi %parallel_loop3A_259, %parallel_loop3A_260 : vector<16xi32>
      %parallel_loop3A_262 = tpu.dynamic_gather %parallel_loop3A_228[%parallel_loop3A_261] in [0] : vector<16xi32>, vector<16xi32> -> vector<16xi32>
      %parallel_loop3A_263 = arith.constant 15 : i32
      %parallel_loop3A_264 = vector.broadcast %parallel_loop3A_263 : i32 to vector<16xi32>
      %parallel_loop3A_265 = tpu.iota {dimensions = array<i32: 0>} : vector<16xi32>
      %parallel_loop3A_266 = arith.subi %parallel_loop3A_264, %parallel_loop3A_265 : vector<16xi32>
      %parallel_loop3A_267 = tpu.dynamic_gather %parallel_loop3A_224[%parallel_loop3A_266] in [0] : vector<16xi32>, vector<16xi32> -> vector<16xi32>
      %parallel_loop3A_268 = arith.constant 15 : i32
      %parallel_loop3A_269 = vector.broadcast %parallel_loop3A_268 : i32 to vector<16xi32>
      %parallel_loop3A_270 = tpu.iota {dimensions = array<i32: 0>} : vector<16xi32>
      %parallel_loop3A_271 = arith.subi %parallel_loop3A_269, %parallel_loop3A_270 : vector<16xi32>
      %parallel_loop3A_272 = tpu.dynamic_gather %parallel_loop3A_220[%parallel_loop3A_271] in [0] : vector<16xi32>, vector<16xi32> -> vector<16xi32>
      %parallel_loop3A_273 = arith.cmpf oge, %parallel_loop3A_172, %parallel_loop3A_237 : vector<16xf32>
      %parallel_loop3A_274 = arith.select %parallel_loop3A_273, %parallel_loop3A_172, %parallel_loop3A_237 : vector<16xi1>, vector<16xf32>
      %parallel_loop3A_275 = arith.select %parallel_loop3A_273, %parallel_loop3A_188, %parallel_loop3A_257 : vector<16xi1>, vector<16xi32>
      %parallel_loop3A_276 = arith.cmpf oge, %parallel_loop3A_176, %parallel_loop3A_242 : vector<16xf32>
      %parallel_loop3A_277 = arith.select %parallel_loop3A_276, %parallel_loop3A_176, %parallel_loop3A_242 : vector<16xi1>, vector<16xf32>
      %parallel_loop3A_278 = arith.select %parallel_loop3A_276, %parallel_loop3A_192, %parallel_loop3A_262 : vector<16xi1>, vector<16xi32>
      %parallel_loop3A_279 = arith.cmpf oge, %parallel_loop3A_180, %parallel_loop3A_247 : vector<16xf32>
      %parallel_loop3A_280 = arith.select %parallel_loop3A_279, %parallel_loop3A_180, %parallel_loop3A_247 : vector<16xi1>, vector<16xf32>
      %parallel_loop3A_281 = arith.select %parallel_loop3A_279, %parallel_loop3A_196, %parallel_loop3A_267 : vector<16xi1>, vector<16xi32>
      %parallel_loop3A_282 = arith.cmpf oge, %parallel_loop3A_184, %parallel_loop3A_252 : vector<16xf32>
      %parallel_loop3A_283 = arith.select %parallel_loop3A_282, %parallel_loop3A_184, %parallel_loop3A_252 : vector<16xi1>, vector<16xf32>
      %parallel_loop3A_284 = arith.select %parallel_loop3A_282, %parallel_loop3A_200, %parallel_loop3A_272 : vector<16xi1>, vector<16xi32>
      %parallel_loop3A_285 = arith.cmpf ole, %parallel_loop3A_274, %parallel_loop3A_280 : vector<16xf32>
      %parallel_loop3A_286 = arith.select %parallel_loop3A_285, %parallel_loop3A_274, %parallel_loop3A_280 : vector<16xi1>, vector<16xf32>
      %parallel_loop3A_287 = arith.select %parallel_loop3A_285, %parallel_loop3A_275, %parallel_loop3A_281 : vector<16xi1>, vector<16xi32>
      %parallel_loop3A_288 = arith.select %parallel_loop3A_285, %parallel_loop3A_280, %parallel_loop3A_274 : vector<16xi1>, vector<16xf32>
      %parallel_loop3A_289 = arith.select %parallel_loop3A_285, %parallel_loop3A_281, %parallel_loop3A_275 : vector<16xi1>, vector<16xi32>
      %parallel_loop3A_290 = arith.cmpf ole, %parallel_loop3A_277, %parallel_loop3A_283 : vector<16xf32>
      %parallel_loop3A_291 = arith.select %parallel_loop3A_290, %parallel_loop3A_277, %parallel_loop3A_283 : vector<16xi1>, vector<16xf32>
      %parallel_loop3A_292 = arith.select %parallel_loop3A_290, %parallel_loop3A_278, %parallel_loop3A_284 : vector<16xi1>, vector<16xi32>
      %parallel_loop3A_293 = arith.select %parallel_loop3A_290, %parallel_loop3A_283, %parallel_loop3A_277 : vector<16xi1>, vector<16xf32>
      %parallel_loop3A_294 = arith.select %parallel_loop3A_290, %parallel_loop3A_284, %parallel_loop3A_278 : vector<16xi1>, vector<16xi32>
      %parallel_loop3A_295 = arith.cmpf ole, %parallel_loop3A_286, %parallel_loop3A_291 : vector<16xf32>
      %parallel_loop3A_296 = arith.select %parallel_loop3A_295, %parallel_loop3A_286, %parallel_loop3A_291 : vector<16xi1>, vector<16xf32>
      %parallel_loop3A_297 = arith.select %parallel_loop3A_295, %parallel_loop3A_287, %parallel_loop3A_292 : vector<16xi1>, vector<16xi32>
      %parallel_loop3A_298 = arith.select %parallel_loop3A_295, %parallel_loop3A_291, %parallel_loop3A_286 : vector<16xi1>, vector<16xf32>
      %parallel_loop3A_299 = arith.select %parallel_loop3A_295, %parallel_loop3A_292, %parallel_loop3A_287 : vector<16xi1>, vector<16xi32>
      %parallel_loop3A_300 = arith.cmpf ole, %parallel_loop3A_288, %parallel_loop3A_293 : vector<16xf32>
      %parallel_loop3A_301 = arith.select %parallel_loop3A_300, %parallel_loop3A_288, %parallel_loop3A_293 : vector<16xi1>, vector<16xf32>
      %parallel_loop3A_302 = arith.select %parallel_loop3A_300, %parallel_loop3A_289, %parallel_loop3A_294 : vector<16xi1>, vector<16xi32>
      %parallel_loop3A_303 = arith.select %parallel_loop3A_300, %parallel_loop3A_293, %parallel_loop3A_288 : vector<16xi1>, vector<16xf32>
      %parallel_loop3A_304 = arith.select %parallel_loop3A_300, %parallel_loop3A_294, %parallel_loop3A_289 : vector<16xi1>, vector<16xi32>
      %parallel_loop3A_305 = arith.constant dense<true> : vector<16xi1>
      %parallel_loop3A_306, %parallel_loop3A_307, %parallel_loop3A_308 = tpu.sort %parallel_loop3A_296, %parallel_loop3A_297 masked %parallel_loop3A_305 : (vector<16xf32>, vector<16xi32>, vector<16xi1>) -> (vector<16xi1>, vector<16xf32>, vector<16xi32>)
      %parallel_loop3A_309 = arith.constant dense<true> : vector<16xi1>
      %parallel_loop3A_310, %parallel_loop3A_311, %parallel_loop3A_312 = tpu.sort %parallel_loop3A_298, %parallel_loop3A_299 masked %parallel_loop3A_309 : (vector<16xf32>, vector<16xi32>, vector<16xi1>) -> (vector<16xi1>, vector<16xf32>, vector<16xi32>)
      %parallel_loop3A_313 = arith.constant dense<true> : vector<16xi1>
      %parallel_loop3A_314, %parallel_loop3A_315, %parallel_loop3A_316 = tpu.sort %parallel_loop3A_301, %parallel_loop3A_302 masked %parallel_loop3A_313 : (vector<16xf32>, vector<16xi32>, vector<16xi1>) -> (vector<16xi1>, vector<16xf32>, vector<16xi32>)
      %parallel_loop3A_317 = arith.constant dense<true> : vector<16xi1>
      %parallel_loop3A_318, %parallel_loop3A_319, %parallel_loop3A_320 = tpu.sort %parallel_loop3A_303, %parallel_loop3A_304 masked %parallel_loop3A_317 : (vector<16xf32>, vector<16xi32>, vector<16xi1>) -> (vector<16xi1>, vector<16xf32>, vector<16xi32>)
      %parallel_loop3A_321 = arith.constant 0 : i32
      %parallel_loop3A_322 = arith.addi %parallel_loop3A_168, %parallel_loop3A_321 : i32
      %parallel_loop3A_323 = arith.index_cast %parallel_loop3A_322 : i32 to index
      %parallel_loop3A_324 = tpu.vector_load %arg10[%parallel_loop3A_323] {strides = array<i32>} : memref<6272xf32, #tpu.memory_space<vmem>>, vector<16xf32>,
      tpu.vector_store %arg10[%parallel_loop3A_323], %parallel_loop3A_307 {strides = array<i32>} : memref<6272xf32, #tpu.memory_space<vmem>>, vector<16xf32>,
      %parallel_loop3A_325 = arith.constant 0 : i32
      %parallel_loop3A_326 = arith.addi %parallel_loop3A_168, %parallel_loop3A_325 : i32
      %parallel_loop3A_327 = arith.index_cast %parallel_loop3A_326 : i32 to index
      %parallel_loop3A_328 = tpu.vector_load %arg11[%parallel_loop3A_327] {strides = array<i32>} : memref<6272xi32, #tpu.memory_space<vmem>>, vector<16xi32>,
      tpu.vector_store %arg11[%parallel_loop3A_327], %parallel_loop3A_308 {strides = array<i32>} : memref<6272xi32, #tpu.memory_space<vmem>>, vector<16xi32>,
      %parallel_loop3A_329 = arith.constant 16 : i32
      %parallel_loop3A_330 = arith.addi %parallel_loop3A_168, %parallel_loop3A_329 : i32
      %parallel_loop3A_331 = arith.index_cast %parallel_loop3A_330 : i32 to index
      %parallel_loop3A_332 = tpu.vector_load %arg10[%parallel_loop3A_331] {strides = array<i32>} : memref<6272xf32, #tpu.memory_space<vmem>>, vector<16xf32>,
      tpu.vector_store %arg10[%parallel_loop3A_331], %parallel_loop3A_311 {strides = array<i32>} : memref<6272xf32, #tpu.memory_space<vmem>>, vector<16xf32>,
      %parallel_loop3A_333 = arith.constant 16 : i32
      %parallel_loop3A_334 = arith.addi %parallel_loop3A_168, %parallel_loop3A_333 : i32
      %parallel_loop3A_335 = arith.index_cast %parallel_loop3A_334 : i32 to index
      %parallel_loop3A_336 = tpu.vector_load %arg11[%parallel_loop3A_335] {strides = array<i32>} : memref<6272xi32, #tpu.memory_space<vmem>>, vector<16xi32>,
      tpu.vector_store %arg11[%parallel_loop3A_335], %parallel_loop3A_312 {strides = array<i32>} : memref<6272xi32, #tpu.memory_space<vmem>>, vector<16xi32>,
      %parallel_loop3A_337 = arith.constant 32 : i32
      %parallel_loop3A_338 = arith.addi %parallel_loop3A_168, %parallel_loop3A_337 : i32
      %parallel_loop3A_339 = arith.index_cast %parallel_loop3A_338 : i32 to index
      %parallel_loop3A_340 = tpu.vector_load %arg10[%parallel_loop3A_339] {strides = array<i32>} : memref<6272xf32, #tpu.memory_space<vmem>>, vector<16xf32>,
      tpu.vector_store %arg10[%parallel_loop3A_339], %parallel_loop3A_315 {strides = array<i32>} : memref<6272xf32, #tpu.memory_space<vmem>>, vector<16xf32>,
      %parallel_loop3A_341 = arith.constant 32 : i32
      %parallel_loop3A_342 = arith.addi %parallel_loop3A_168, %parallel_loop3A_341 : i32
      %parallel_loop3A_343 = arith.index_cast %parallel_loop3A_342 : i32 to index
      %parallel_loop3A_344 = tpu.vector_load %arg11[%parallel_loop3A_343] {strides = array<i32>} : memref<6272xi32, #tpu.memory_space<vmem>>, vector<16xi32>,
      tpu.vector_store %arg11[%parallel_loop3A_343], %parallel_loop3A_316 {strides = array<i32>} : memref<6272xi32, #tpu.memory_space<vmem>>, vector<16xi32>,
      %parallel_loop3A_345 = arith.constant 48 : i32
      %parallel_loop3A_346 = arith.addi %parallel_loop3A_168, %parallel_loop3A_345 : i32
      %parallel_loop3A_347 = arith.index_cast %parallel_loop3A_346 : i32 to index
      %parallel_loop3A_348 = tpu.vector_load %arg10[%parallel_loop3A_347] {strides = array<i32>} : memref<6272xf32, #tpu.memory_space<vmem>>, vector<16xf32>,
      tpu.vector_store %arg10[%parallel_loop3A_347], %parallel_loop3A_319 {strides = array<i32>} : memref<6272xf32, #tpu.memory_space<vmem>>, vector<16xf32>,
      %parallel_loop3A_349 = arith.constant 48 : i32
      %parallel_loop3A_350 = arith.addi %parallel_loop3A_168, %parallel_loop3A_349 : i32
      %parallel_loop3A_351 = arith.index_cast %parallel_loop3A_350 : i32 to index
      %parallel_loop3A_352 = tpu.vector_load %arg11[%parallel_loop3A_351] {strides = array<i32>} : memref<6272xi32, #tpu.memory_space<vmem>>, vector<16xi32>,
      tpu.vector_store %arg11[%parallel_loop3A_351], %parallel_loop3A_320 {strides = array<i32>} : memref<6272xi32, #tpu.memory_space<vmem>>, vector<16xi32>,
    } {sc.loop_unroll_factor = 2 : i64, sc.parallel_access}
    %parallel_loop3A_6 = arith.constant 0 : i32
    %parallel_loop3A_7 = arith.constant 24 : i32
    %parallel_loop3A_8 = arith.constant 1 : i32
    scf.for %parallel_loop3A_156 = %parallel_loop3A_6 to %parallel_loop3A_7 step %parallel_loop3A_8  : i32 {
      %parallel_loop3A_157 = arith.constant 2 : i32
      %parallel_loop3A_158 = arith.muli %parallel_loop3A_157, %parallel_loop3A_156 : i32
      %parallel_loop3A_159 = arith.constant 64 : i32
      %parallel_loop3A_160 = arith.muli %parallel_loop3A_158, %parallel_loop3A_159 : i32
      %parallel_loop3A_161 = arith.constant 2 : i32
      %parallel_loop3A_162 = arith.muli %parallel_loop3A_161, %parallel_loop3A_156 : i32
      %parallel_loop3A_163 = arith.constant 1 : i32
      %parallel_loop3A_164 = arith.addi %parallel_loop3A_162, %parallel_loop3A_163 : i32
      %parallel_loop3A_165 = arith.constant 64 : i32
      %parallel_loop3A_166 = arith.muli %parallel_loop3A_164, %parallel_loop3A_165 : i32
      %parallel_loop3A_167 = arith.constant 64 : i32
      %parallel_loop3A_168 = arith.muli %parallel_loop3A_156, %parallel_loop3A_167 : i32
      %parallel_loop3A_169 = arith.constant 0 : i32
      %parallel_loop3A_170 = arith.addi %parallel_loop3A_160, %parallel_loop3A_169 : i32
      %parallel_loop3A_171 = arith.index_cast %parallel_loop3A_170 : i32 to index
      %parallel_loop3A_172 = tpu.vector_load %arg10[%parallel_loop3A_171] {strides = array<i32>} : memref<6272xf32, #tpu.memory_space<vmem>>, vector<16xf32>,
      %parallel_loop3A_173 = arith.constant 16 : i32
      %parallel_loop3A_174 = arith.addi %parallel_loop3A_160, %parallel_loop3A_173 : i32
      %parallel_loop3A_175 = arith.index_cast %parallel_loop3A_174 : i32 to index
      %parallel_loop3A_176 = tpu.vector_load %arg10[%parallel_loop3A_175] {strides = array<i32>} : memref<6272xf32, #tpu.memory_space<vmem>>, vector<16xf32>,
      %parallel_loop3A_177 = arith.constant 32 : i32
      %parallel_loop3A_178 = arith.addi %parallel_loop3A_160, %parallel_loop3A_177 : i32
      %parallel_loop3A_179 = arith.index_cast %parallel_loop3A_178 : i32 to index
      %parallel_loop3A_180 = tpu.vector_load %arg10[%parallel_loop3A_179] {strides = array<i32>} : memref<6272xf32, #tpu.memory_space<vmem>>, vector<16xf32>,
      %parallel_loop3A_181 = arith.constant 48 : i32
      %parallel_loop3A_182 = arith.addi %parallel_loop3A_160, %parallel_loop3A_181 : i32
      %parallel_loop3A_183 = arith.index_cast %parallel_loop3A_182 : i32 to index
      %parallel_loop3A_184 = tpu.vector_load %arg10[%parallel_loop3A_183] {strides = array<i32>} : memref<6272xf32, #tpu.memory_space<vmem>>, vector<16xf32>,
      %parallel_loop3A_185 = arith.constant 0 : i32
      %parallel_loop3A_186 = arith.addi %parallel_loop3A_160, %parallel_loop3A_185 : i32
      %parallel_loop3A_187 = arith.index_cast %parallel_loop3A_186 : i32 to index
      %parallel_loop3A_188 = tpu.vector_load %arg11[%parallel_loop3A_187] {strides = array<i32>} : memref<6272xi32, #tpu.memory_space<vmem>>, vector<16xi32>,
      %parallel_loop3A_189 = arith.constant 16 : i32
      %parallel_loop3A_190 = arith.addi %parallel_loop3A_160, %parallel_loop3A_189 : i32
      %parallel_loop3A_191 = arith.index_cast %parallel_loop3A_190 : i32 to index
      %parallel_loop3A_192 = tpu.vector_load %arg11[%parallel_loop3A_191] {strides = array<i32>} : memref<6272xi32, #tpu.memory_space<vmem>>, vector<16xi32>,
      %parallel_loop3A_193 = arith.constant 32 : i32
      %parallel_loop3A_194 = arith.addi %parallel_loop3A_160, %parallel_loop3A_193 : i32
      %parallel_loop3A_195 = arith.index_cast %parallel_loop3A_194 : i32 to index
      %parallel_loop3A_196 = tpu.vector_load %arg11[%parallel_loop3A_195] {strides = array<i32>} : memref<6272xi32, #tpu.memory_space<vmem>>, vector<16xi32>,
      %parallel_loop3A_197 = arith.constant 48 : i32
      %parallel_loop3A_198 = arith.addi %parallel_loop3A_160, %parallel_loop3A_197 : i32
      %parallel_loop3A_199 = arith.index_cast %parallel_loop3A_198 : i32 to index
      %parallel_loop3A_200 = tpu.vector_load %arg11[%parallel_loop3A_199] {strides = array<i32>} : memref<6272xi32, #tpu.memory_space<vmem>>, vector<16xi32>,
      %parallel_loop3A_201 = arith.constant 0 : i32
      %parallel_loop3A_202 = arith.addi %parallel_loop3A_166, %parallel_loop3A_201 : i32
      %parallel_loop3A_203 = arith.index_cast %parallel_loop3A_202 : i32 to index
      %parallel_loop3A_204 = tpu.vector_load %arg10[%parallel_loop3A_203] {strides = array<i32>} : memref<6272xf32, #tpu.memory_space<vmem>>, vector<16xf32>,
      %parallel_loop3A_205 = arith.constant 16 : i32
      %parallel_loop3A_206 = arith.addi %parallel_loop3A_166, %parallel_loop3A_205 : i32
      %parallel_loop3A_207 = arith.index_cast %parallel_loop3A_206 : i32 to index
      %parallel_loop3A_208 = tpu.vector_load %arg10[%parallel_loop3A_207] {strides = array<i32>} : memref<6272xf32, #tpu.memory_space<vmem>>, vector<16xf32>,
      %parallel_loop3A_209 = arith.constant 32 : i32
      %parallel_loop3A_210 = arith.addi %parallel_loop3A_166, %parallel_loop3A_209 : i32
      %parallel_loop3A_211 = arith.index_cast %parallel_loop3A_210 : i32 to index
      %parallel_loop3A_212 = tpu.vector_load %arg10[%parallel_loop3A_211] {strides = array<i32>} : memref<6272xf32, #tpu.memory_space<vmem>>, vector<16xf32>,
      %parallel_loop3A_213 = arith.constant 48 : i32
      %parallel_loop3A_214 = arith.addi %parallel_loop3A_166, %parallel_loop3A_213 : i32
      %parallel_loop3A_215 = arith.index_cast %parallel_loop3A_214 : i32 to index
      %parallel_loop3A_216 = tpu.vector_load %arg10[%parallel_loop3A_215] {strides = array<i32>} : memref<6272xf32, #tpu.memory_space<vmem>>, vector<16xf32>,
      %parallel_loop3A_217 = arith.constant 0 : i32
      %parallel_loop3A_218 = arith.addi %parallel_loop3A_166, %parallel_loop3A_217 : i32
      %parallel_loop3A_219 = arith.index_cast %parallel_loop3A_218 : i32 to index
      %parallel_loop3A_220 = tpu.vector_load %arg11[%parallel_loop3A_219] {strides = array<i32>} : memref<6272xi32, #tpu.memory_space<vmem>>, vector<16xi32>,
      %parallel_loop3A_221 = arith.constant 16 : i32
      %parallel_loop3A_222 = arith.addi %parallel_loop3A_166, %parallel_loop3A_221 : i32
      %parallel_loop3A_223 = arith.index_cast %parallel_loop3A_222 : i32 to index
      %parallel_loop3A_224 = tpu.vector_load %arg11[%parallel_loop3A_223] {strides = array<i32>} : memref<6272xi32, #tpu.memory_space<vmem>>, vector<16xi32>,
      %parallel_loop3A_225 = arith.constant 32 : i32
      %parallel_loop3A_226 = arith.addi %parallel_loop3A_166, %parallel_loop3A_225 : i32
      %parallel_loop3A_227 = arith.index_cast %parallel_loop3A_226 : i32 to index
      %parallel_loop3A_228 = tpu.vector_load %arg11[%parallel_loop3A_227] {strides = array<i32>} : memref<6272xi32, #tpu.memory_space<vmem>>, vector<16xi32>,
      %parallel_loop3A_229 = arith.constant 48 : i32
      %parallel_loop3A_230 = arith.addi %parallel_loop3A_166, %parallel_loop3A_229 : i32
      %parallel_loop3A_231 = arith.index_cast %parallel_loop3A_230 : i32 to index
      %parallel_loop3A_232 = tpu.vector_load %arg11[%parallel_loop3A_231] {strides = array<i32>} : memref<6272xi32, #tpu.memory_space<vmem>>, vector<16xi32>,
      %parallel_loop3A_233 = arith.constant 15 : i32
      %parallel_loop3A_234 = vector.broadcast %parallel_loop3A_233 : i32 to vector<16xi32>
      %parallel_loop3A_235 = tpu.iota {dimensions = array<i32: 0>} : vector<16xi32>
      %parallel_loop3A_236 = arith.subi %parallel_loop3A_234, %parallel_loop3A_235 : vector<16xi32>
      %parallel_loop3A_237 = tpu.dynamic_gather %parallel_loop3A_216[%parallel_loop3A_236] in [0] : vector<16xf32>, vector<16xi32> -> vector<16xf32>
      %parallel_loop3A_238 = arith.constant 15 : i32
      %parallel_loop3A_239 = vector.broadcast %parallel_loop3A_238 : i32 to vector<16xi32>
      %parallel_loop3A_240 = tpu.iota {dimensions = array<i32: 0>} : vector<16xi32>
      %parallel_loop3A_241 = arith.subi %parallel_loop3A_239, %parallel_loop3A_240 : vector<16xi32>
      %parallel_loop3A_242 = tpu.dynamic_gather %parallel_loop3A_212[%parallel_loop3A_241] in [0] : vector<16xf32>, vector<16xi32> -> vector<16xf32>
      %parallel_loop3A_243 = arith.constant 15 : i32
      %parallel_loop3A_244 = vector.broadcast %parallel_loop3A_243 : i32 to vector<16xi32>
      %parallel_loop3A_245 = tpu.iota {dimensions = array<i32: 0>} : vector<16xi32>
      %parallel_loop3A_246 = arith.subi %parallel_loop3A_244, %parallel_loop3A_245 : vector<16xi32>
      %parallel_loop3A_247 = tpu.dynamic_gather %parallel_loop3A_208[%parallel_loop3A_246] in [0] : vector<16xf32>, vector<16xi32> -> vector<16xf32>
      %parallel_loop3A_248 = arith.constant 15 : i32
      %parallel_loop3A_249 = vector.broadcast %parallel_loop3A_248 : i32 to vector<16xi32>
      %parallel_loop3A_250 = tpu.iota {dimensions = array<i32: 0>} : vector<16xi32>
      %parallel_loop3A_251 = arith.subi %parallel_loop3A_249, %parallel_loop3A_250 : vector<16xi32>
      %parallel_loop3A_252 = tpu.dynamic_gather %parallel_loop3A_204[%parallel_loop3A_251] in [0] : vector<16xf32>, vector<16xi32> -> vector<16xf32>
      %parallel_loop3A_253 = arith.constant 15 : i32
      %parallel_loop3A_254 = vector.broadcast %parallel_loop3A_253 : i32 to vector<16xi32>
      %parallel_loop3A_255 = tpu.iota {dimensions = array<i32: 0>} : vector<16xi32>
      %parallel_loop3A_256 = arith.subi %parallel_loop3A_254, %parallel_loop3A_255 : vector<16xi32>
      %parallel_loop3A_257 = tpu.dynamic_gather %parallel_loop3A_232[%parallel_loop3A_256] in [0] : vector<16xi32>, vector<16xi32> -> vector<16xi32>
      %parallel_loop3A_258 = arith.constant 15 : i32
      %parallel_loop3A_259 = vector.broadcast %parallel_loop3A_258 : i32 to vector<16xi32>
      %parallel_loop3A_260 = tpu.iota {dimensions = array<i32: 0>} : vector<16xi32>
      %parallel_loop3A_261 = arith.subi %parallel_loop3A_259, %parallel_loop3A_260 : vector<16xi32>
      %parallel_loop3A_262 = tpu.dynamic_gather %parallel_loop3A_228[%parallel_loop3A_261] in [0] : vector<16xi32>, vector<16xi32> -> vector<16xi32>
      %parallel_loop3A_263 = arith.constant 15 : i32
      %parallel_loop3A_264 = vector.broadcast %parallel_loop3A_263 : i32 to vector<16xi32>
      %parallel_loop3A_265 = tpu.iota {dimensions = array<i32: 0>} : vector<16xi32>
      %parallel_loop3A_266 = arith.subi %parallel_loop3A_264, %parallel_loop3A_265 : vector<16xi32>
      %parallel_loop3A_267 = tpu.dynamic_gather %parallel_loop3A_224[%parallel_loop3A_266] in [0] : vector<16xi32>, vector<16xi32> -> vector<16xi32>
      %parallel_loop3A_268 = arith.constant 15 : i32
      %parallel_loop3A_269 = vector.broadcast %parallel_loop3A_268 : i32 to vector<16xi32>
      %parallel_loop3A_270 = tpu.iota {dimensions = array<i32: 0>} : vector<16xi32>
      %parallel_loop3A_271 = arith.subi %parallel_loop3A_269, %parallel_loop3A_270 : vector<16xi32>
      %parallel_loop3A_272 = tpu.dynamic_gather %parallel_loop3A_220[%parallel_loop3A_271] in [0] : vector<16xi32>, vector<16xi32> -> vector<16xi32>
      %parallel_loop3A_273 = arith.cmpf oge, %parallel_loop3A_172, %parallel_loop3A_237 : vector<16xf32>
      %parallel_loop3A_274 = arith.select %parallel_loop3A_273, %parallel_loop3A_172, %parallel_loop3A_237 : vector<16xi1>, vector<16xf32>
      %parallel_loop3A_275 = arith.select %parallel_loop3A_273, %parallel_loop3A_188, %parallel_loop3A_257 : vector<16xi1>, vector<16xi32>
      %parallel_loop3A_276 = arith.cmpf oge, %parallel_loop3A_176, %parallel_loop3A_242 : vector<16xf32>
      %parallel_loop3A_277 = arith.select %parallel_loop3A_276, %parallel_loop3A_176, %parallel_loop3A_242 : vector<16xi1>, vector<16xf32>
      %parallel_loop3A_278 = arith.select %parallel_loop3A_276, %parallel_loop3A_192, %parallel_loop3A_262 : vector<16xi1>, vector<16xi32>
      %parallel_loop3A_279 = arith.cmpf oge, %parallel_loop3A_180, %parallel_loop3A_247 : vector<16xf32>
      %parallel_loop3A_280 = arith.select %parallel_loop3A_279, %parallel_loop3A_180, %parallel_loop3A_247 : vector<16xi1>, vector<16xf32>
      %parallel_loop3A_281 = arith.select %parallel_loop3A_279, %parallel_loop3A_196, %parallel_loop3A_267 : vector<16xi1>, vector<16xi32>
      %parallel_loop3A_282 = arith.cmpf oge, %parallel_loop3A_184, %parallel_loop3A_252 : vector<16xf32>
      %parallel_loop3A_283 = arith.select %parallel_loop3A_282, %parallel_loop3A_184, %parallel_loop3A_252 : vector<16xi1>, vector<16xf32>
      %parallel_loop3A_284 = arith.select %parallel_loop3A_282, %parallel_loop3A_200, %parallel_loop3A_272 : vector<16xi1>, vector<16xi32>
      %parallel_loop3A_285 = arith.cmpf ole, %parallel_loop3A_274, %parallel_loop3A_280 : vector<16xf32>
      %parallel_loop3A_286 = arith.select %parallel_loop3A_285, %parallel_loop3A_274, %parallel_loop3A_280 : vector<16xi1>, vector<16xf32>
      %parallel_loop3A_287 = arith.select %parallel_loop3A_285, %parallel_loop3A_275, %parallel_loop3A_281 : vector<16xi1>, vector<16xi32>
      %parallel_loop3A_288 = arith.select %parallel_loop3A_285, %parallel_loop3A_280, %parallel_loop3A_274 : vector<16xi1>, vector<16xf32>
      %parallel_loop3A_289 = arith.select %parallel_loop3A_285, %parallel_loop3A_281, %parallel_loop3A_275 : vector<16xi1>, vector<16xi32>
      %parallel_loop3A_290 = arith.cmpf ole, %parallel_loop3A_277, %parallel_loop3A_283 : vector<16xf32>
      %parallel_loop3A_291 = arith.select %parallel_loop3A_290, %parallel_loop3A_277, %parallel_loop3A_283 : vector<16xi1>, vector<16xf32>
      %parallel_loop3A_292 = arith.select %parallel_loop3A_290, %parallel_loop3A_278, %parallel_loop3A_284 : vector<16xi1>, vector<16xi32>
      %parallel_loop3A_293 = arith.select %parallel_loop3A_290, %parallel_loop3A_283, %parallel_loop3A_277 : vector<16xi1>, vector<16xf32>
      %parallel_loop3A_294 = arith.select %parallel_loop3A_290, %parallel_loop3A_284, %parallel_loop3A_278 : vector<16xi1>, vector<16xi32>
      %parallel_loop3A_295 = arith.cmpf ole, %parallel_loop3A_286, %parallel_loop3A_291 : vector<16xf32>
      %parallel_loop3A_296 = arith.select %parallel_loop3A_295, %parallel_loop3A_286, %parallel_loop3A_291 : vector<16xi1>, vector<16xf32>
      %parallel_loop3A_297 = arith.select %parallel_loop3A_295, %parallel_loop3A_287, %parallel_loop3A_292 : vector<16xi1>, vector<16xi32>
      %parallel_loop3A_298 = arith.select %parallel_loop3A_295, %parallel_loop3A_291, %parallel_loop3A_286 : vector<16xi1>, vector<16xf32>
      %parallel_loop3A_299 = arith.select %parallel_loop3A_295, %parallel_loop3A_292, %parallel_loop3A_287 : vector<16xi1>, vector<16xi32>
      %parallel_loop3A_300 = arith.cmpf ole, %parallel_loop3A_288, %parallel_loop3A_293 : vector<16xf32>
      %parallel_loop3A_301 = arith.select %parallel_loop3A_300, %parallel_loop3A_288, %parallel_loop3A_293 : vector<16xi1>, vector<16xf32>
      %parallel_loop3A_302 = arith.select %parallel_loop3A_300, %parallel_loop3A_289, %parallel_loop3A_294 : vector<16xi1>, vector<16xi32>
      %parallel_loop3A_303 = arith.select %parallel_loop3A_300, %parallel_loop3A_293, %parallel_loop3A_288 : vector<16xi1>, vector<16xf32>
      %parallel_loop3A_304 = arith.select %parallel_loop3A_300, %parallel_loop3A_294, %parallel_loop3A_289 : vector<16xi1>, vector<16xi32>
      %parallel_loop3A_305 = arith.constant dense<true> : vector<16xi1>
      %parallel_loop3A_306, %parallel_loop3A_307, %parallel_loop3A_308 = tpu.sort %parallel_loop3A_296, %parallel_loop3A_297 masked %parallel_loop3A_305 : (vector<16xf32>, vector<16xi32>, vector<16xi1>) -> (vector<16xi1>, vector<16xf32>, vector<16xi32>)
      %parallel_loop3A_309 = arith.constant dense<true> : vector<16xi1>
      %parallel_loop3A_310, %parallel_loop3A_311, %parallel_loop3A_312 = tpu.sort %parallel_loop3A_298, %parallel_loop3A_299 masked %parallel_loop3A_309 : (vector<16xf32>, vector<16xi32>, vector<16xi1>) -> (vector<16xi1>, vector<16xf32>, vector<16xi32>)
      %parallel_loop3A_313 = arith.constant dense<true> : vector<16xi1>
      %parallel_loop3A_314, %parallel_loop3A_315, %parallel_loop3A_316 = tpu.sort %parallel_loop3A_301, %parallel_loop3A_302 masked %parallel_loop3A_313 : (vector<16xf32>, vector<16xi32>, vector<16xi1>) -> (vector<16xi1>, vector<16xf32>, vector<16xi32>)
      %parallel_loop3A_317 = arith.constant dense<true> : vector<16xi1>
      %parallel_loop3A_318, %parallel_loop3A_319, %parallel_loop3A_320 = tpu.sort %parallel_loop3A_303, %parallel_loop3A_304 masked %parallel_loop3A_317 : (vector<16xf32>, vector<16xi32>, vector<16xi1>) -> (vector<16xi1>, vector<16xf32>, vector<16xi32>)
      %parallel_loop3A_321 = arith.constant 0 : i32
      %parallel_loop3A_322 = arith.addi %parallel_loop3A_168, %parallel_loop3A_321 : i32
      %parallel_loop3A_323 = arith.index_cast %parallel_loop3A_322 : i32 to index
      %parallel_loop3A_324 = tpu.vector_load %arg8[%parallel_loop3A_323] {strides = array<i32>} : memref<6272xf32, #tpu.memory_space<vmem>>, vector<16xf32>,
      tpu.vector_store %arg8[%parallel_loop3A_323], %parallel_loop3A_307 {strides = array<i32>} : memref<6272xf32, #tpu.memory_space<vmem>>, vector<16xf32>,
      %parallel_loop3A_325 = arith.constant 0 : i32
      %parallel_loop3A_326 = arith.addi %parallel_loop3A_168, %parallel_loop3A_325 : i32
      %parallel_loop3A_327 = arith.index_cast %parallel_loop3A_326 : i32 to index
      %parallel_loop3A_328 = tpu.vector_load %arg9[%parallel_loop3A_327] {strides = array<i32>} : memref<6272xi32, #tpu.memory_space<vmem>>, vector<16xi32>,
      tpu.vector_store %arg9[%parallel_loop3A_327], %parallel_loop3A_308 {strides = array<i32>} : memref<6272xi32, #tpu.memory_space<vmem>>, vector<16xi32>,
      %parallel_loop3A_329 = arith.constant 16 : i32
      %parallel_loop3A_330 = arith.addi %parallel_loop3A_168, %parallel_loop3A_329 : i32
      %parallel_loop3A_331 = arith.index_cast %parallel_loop3A_330 : i32 to index
      %parallel_loop3A_332 = tpu.vector_load %arg8[%parallel_loop3A_331] {strides = array<i32>} : memref<6272xf32, #tpu.memory_space<vmem>>, vector<16xf32>,
      tpu.vector_store %arg8[%parallel_loop3A_331], %parallel_loop3A_311 {strides = array<i32>} : memref<6272xf32, #tpu.memory_space<vmem>>, vector<16xf32>,
      %parallel_loop3A_333 = arith.constant 16 : i32
      %parallel_loop3A_334 = arith.addi %parallel_loop3A_168, %parallel_loop3A_333 : i32
      %parallel_loop3A_335 = arith.index_cast %parallel_loop3A_334 : i32 to index
      %parallel_loop3A_336 = tpu.vector_load %arg9[%parallel_loop3A_335] {strides = array<i32>} : memref<6272xi32, #tpu.memory_space<vmem>>, vector<16xi32>,
      tpu.vector_store %arg9[%parallel_loop3A_335], %parallel_loop3A_312 {strides = array<i32>} : memref<6272xi32, #tpu.memory_space<vmem>>, vector<16xi32>,
      %parallel_loop3A_337 = arith.constant 32 : i32
      %parallel_loop3A_338 = arith.addi %parallel_loop3A_168, %parallel_loop3A_337 : i32
      %parallel_loop3A_339 = arith.index_cast %parallel_loop3A_338 : i32 to index
      %parallel_loop3A_340 = tpu.vector_load %arg8[%parallel_loop3A_339] {strides = array<i32>} : memref<6272xf32, #tpu.memory_space<vmem>>, vector<16xf32>,
      tpu.vector_store %arg8[%parallel_loop3A_339], %parallel_loop3A_315 {strides = array<i32>} : memref<6272xf32, #tpu.memory_space<vmem>>, vector<16xf32>,
      %parallel_loop3A_341 = arith.constant 32 : i32
      %parallel_loop3A_342 = arith.addi %parallel_loop3A_168, %parallel_loop3A_341 : i32
      %parallel_loop3A_343 = arith.index_cast %parallel_loop3A_342 : i32 to index
      %parallel_loop3A_344 = tpu.vector_load %arg9[%parallel_loop3A_343] {strides = array<i32>} : memref<6272xi32, #tpu.memory_space<vmem>>, vector<16xi32>,
      tpu.vector_store %arg9[%parallel_loop3A_343], %parallel_loop3A_316 {strides = array<i32>} : memref<6272xi32, #tpu.memory_space<vmem>>, vector<16xi32>,
      %parallel_loop3A_345 = arith.constant 48 : i32
      %parallel_loop3A_346 = arith.addi %parallel_loop3A_168, %parallel_loop3A_345 : i32
      %parallel_loop3A_347 = arith.index_cast %parallel_loop3A_346 : i32 to index
      %parallel_loop3A_348 = tpu.vector_load %arg8[%parallel_loop3A_347] {strides = array<i32>} : memref<6272xf32, #tpu.memory_space<vmem>>, vector<16xf32>,
      tpu.vector_store %arg8[%parallel_loop3A_347], %parallel_loop3A_319 {strides = array<i32>} : memref<6272xf32, #tpu.memory_space<vmem>>, vector<16xf32>,
      %parallel_loop3A_349 = arith.constant 48 : i32
      %parallel_loop3A_350 = arith.addi %parallel_loop3A_168, %parallel_loop3A_349 : i32
      %parallel_loop3A_351 = arith.index_cast %parallel_loop3A_350 : i32 to index
      %parallel_loop3A_352 = tpu.vector_load %arg9[%parallel_loop3A_351] {strides = array<i32>} : memref<6272xi32, #tpu.memory_space<vmem>>, vector<16xi32>,
      tpu.vector_store %arg9[%parallel_loop3A_351], %parallel_loop3A_320 {strides = array<i32>} : memref<6272xi32, #tpu.memory_space<vmem>>, vector<16xi32>,
    } {sc.loop_unroll_factor = 2 : i64, sc.parallel_access}
    %get3A = arith.constant 3072 : index
    %get3A_9 = tpu.vector_load %arg10[%get3A] {strides = array<i32>} : memref<6272xf32, #tpu.memory_space<vmem>>, vector<16xf32>,
    %swap3A = arith.constant 1536 : index
    %swap3A_10 = tpu.vector_load %arg8[%swap3A] {strides = array<i32>} : memref<6272xf32, #tpu.memory_space<vmem>>, vector<16xf32>,
    tpu.vector_store %arg8[%swap3A], %get3A_9 {strides = array<i32>} : memref<6272xf32, #tpu.memory_space<vmem>>, vector<16xf32>,
    %get3A_11 = arith.constant 3072 : index
    %get3A_12 = tpu.vector_load %arg11[%get3A_11] {strides = array<i32>} : memref<6272xi32, #tpu.memory_space<vmem>>, vector<16xi32>,
    %swap3A_13 = arith.constant 1536 : index
    %swap3A_14 = tpu.vector_load %arg9[%swap3A_13] {strides = array<i32>} : memref<6272xi32, #tpu.memory_space<vmem>>, vector<16xi32>,
    tpu.vector_store %arg9[%swap3A_13], %get3A_12 {strides = array<i32>} : memref<6272xi32, #tpu.memory_space<vmem>>, vector<16xi32>,
    %get3A_15 = arith.constant 3088 : index
    %get3A_16 = tpu.vector_load %arg10[%get3A_15] {strides = array<i32>} : memref<6272xf32, #tpu.memory_space<vmem>>, vector<16xf32>,
    %swap3A_17 = arith.constant 1552 : index
    %swap3A_18 = tpu.vector_load %arg8[%swap3A_17] {strides = array<i32>} : memref<6272xf32, #tpu.memory_space<vmem>>, vector<16xf32>,
    tpu.vector_store %arg8[%swap3A_17], %get3A_16 {strides = array<i32>} : memref<6272xf32, #tpu.memory_space<vmem>>, vector<16xf32>,
    %get3A_19 = arith.constant 3088 : index
    %get3A_20 = tpu.vector_load %arg11[%get3A_19] {strides = array<i32>} : memref<6272xi32, #tpu.memory_space<vmem>>, vector<16xi32>,
    %swap3A_21 = arith.constant 1552 : index
    %swap3A_22 = tpu.vector_load %arg9[%swap3A_21] {strides = array<i32>} : memref<6272xi32, #tpu.memory_space<vmem>>, vector<16xi32>,
    tpu.vector_store %arg9[%swap3A_21], %get3A_20 {strides = array<i32>} : memref<6272xi32, #tpu.memory_space<vmem>>, vector<16xi32>,
    %get3A_23 = arith.constant 3104 : index
    %get3A_24 = tpu.vector_load %arg10[%get3A_23] {strides = array<i32>} : memref<6272xf32, #tpu.memory_space<vmem>>, vector<16xf32>,
    %swap3A_25 = arith.constant 1568 : index
    %swap3A_26 = tpu.vector_load %arg8[%swap3A_25] {strides = array<i32>} : memref<6272xf32, #tpu.memory_space<vmem>>, vector<16xf32>,
    tpu.vector_store %arg8[%swap3A_25], %get3A_24 {strides = array<i32>} : memref<6272xf32, #tpu.memory_space<vmem>>, vector<16xf32>,
    %get3A_27 = arith.constant 3104 : index
    %get3A_28 = tpu.vector_load %arg11[%get3A_27] {strides = array<i32>} : memref<6272xi32, #tpu.memory_space<vmem>>, vector<16xi32>,
    %swap3A_29 = arith.constant 1568 : index
    %swap3A_30 = tpu.vector_load %arg9[%swap3A_29] {strides = array<i32>} : memref<6272xi32, #tpu.memory_space<vmem>>, vector<16xi32>,
    tpu.vector_store %arg9[%swap3A_29], %get3A_28 {strides = array<i32>} : memref<6272xi32, #tpu.memory_space<vmem>>, vector<16xi32>,
    %get3A_31 = arith.constant 3120 : index
    %get3A_32 = tpu.vector_load %arg10[%get3A_31] {strides = array<i32>} : memref<6272xf32, #tpu.memory_space<vmem>>, vector<16xf32>,
    %swap3A_33 = arith.constant 1584 : index
    %swap3A_34 = tpu.vector_load %arg8[%swap3A_33] {strides = array<i32>} : memref<6272xf32, #tpu.memory_space<vmem>>, vector<16xf32>,
    tpu.vector_store %arg8[%swap3A_33], %get3A_32 {strides = array<i32>} : memref<6272xf32, #tpu.memory_space<vmem>>, vector<16xf32>,
    %get3A_35 = arith.constant 3120 : index
    %get3A_36 = tpu.vector_load %arg11[%get3A_35] {strides = array<i32>} : memref<6272xi32, #tpu.memory_space<vmem>>, vector<16xi32>,
    %swap3A_37 = arith.constant 1584 : index
    %swap3A_38 = tpu.vector_load %arg9[%swap3A_37] {strides = array<i32>} : memref<6272xi32, #tpu.memory_space<vmem>>, vector<16xi32>,
    tpu.vector_store %arg9[%swap3A_37], %get3A_36 {strides = array<i32>} : memref<6272xi32, #tpu.memory_space<vmem>>, vector<16xi32>,
    %parallel_loop3A_39 = arith.constant 0 : i32
    %parallel_loop3A_40 = arith.constant 12 : i32
    %parallel_loop3A_41 = arith.constant 1 : i32
    scf.for %parallel_loop3A_156 = %parallel_loop3A_39 to %parallel_loop3A_40 step %parallel_loop3A_41  : i32 {
      %parallel_loop3A_157 = arith.constant 2 : i32
      %parallel_loop3A_158 = arith.muli %parallel_loop3A_157, %parallel_loop3A_156 : i32
      %parallel_loop3A_159 = arith.constant 64 : i32
      %parallel_loop3A_160 = arith.muli %parallel_loop3A_158, %parallel_loop3A_159 : i32
      %parallel_loop3A_161 = arith.constant 2 : i32
      %parallel_loop3A_162 = arith.muli %parallel_loop3A_161, %parallel_loop3A_156 : i32
      %parallel_loop3A_163 = arith.constant 1 : i32
      %parallel_loop3A_164 = arith.addi %parallel_loop3A_162, %parallel_loop3A_163 : i32
      %parallel_loop3A_165 = arith.constant 64 : i32
      %parallel_loop3A_166 = arith.muli %parallel_loop3A_164, %parallel_loop3A_165 : i32
      %parallel_loop3A_167 = arith.constant 64 : i32
      %parallel_loop3A_168 = arith.muli %parallel_loop3A_156, %parallel_loop3A_167 : i32
      %parallel_loop3A_169 = arith.constant 0 : i32
      %parallel_loop3A_170 = arith.addi %parallel_loop3A_160, %parallel_loop3A_169 : i32
      %parallel_loop3A_171 = arith.index_cast %parallel_loop3A_170 : i32 to index
      %parallel_loop3A_172 = tpu.vector_load %arg8[%parallel_loop3A_171] {strides = array<i32>} : memref<6272xf32, #tpu.memory_space<vmem>>, vector<16xf32>,
      %parallel_loop3A_173 = arith.constant 16 : i32
      %parallel_loop3A_174 = arith.addi %parallel_loop3A_160, %parallel_loop3A_173 : i32
      %parallel_loop3A_175 = arith.index_cast %parallel_loop3A_174 : i32 to index
      %parallel_loop3A_176 = tpu.vector_load %arg8[%parallel_loop3A_175] {strides = array<i32>} : memref<6272xf32, #tpu.memory_space<vmem>>, vector<16xf32>,
      %parallel_loop3A_177 = arith.constant 32 : i32
      %parallel_loop3A_178 = arith.addi %parallel_loop3A_160, %parallel_loop3A_177 : i32
      %parallel_loop3A_179 = arith.index_cast %parallel_loop3A_178 : i32 to index
      %parallel_loop3A_180 = tpu.vector_load %arg8[%parallel_loop3A_179] {strides = array<i32>} : memref<6272xf32, #tpu.memory_space<vmem>>, vector<16xf32>,
      %parallel_loop3A_181 = arith.constant 48 : i32
      %parallel_loop3A_182 = arith.addi %parallel_loop3A_160, %parallel_loop3A_181 : i32
      %parallel_loop3A_183 = arith.index_cast %parallel_loop3A_182 : i32 to index
      %parallel_loop3A_184 = tpu.vector_load %arg8[%parallel_loop3A_183] {strides = array<i32>} : memref<6272xf32, #tpu.memory_space<vmem>>, vector<16xf32>,
      %parallel_loop3A_185 = arith.constant 0 : i32
      %parallel_loop3A_186 = arith.addi %parallel_loop3A_160, %parallel_loop3A_185 : i32
      %parallel_loop3A_187 = arith.index_cast %parallel_loop3A_186 : i32 to index
      %parallel_loop3A_188 = tpu.vector_load %arg9[%parallel_loop3A_187] {strides = array<i32>} : memref<6272xi32, #tpu.memory_space<vmem>>, vector<16xi32>,
      %parallel_loop3A_189 = arith.constant 16 : i32
      %parallel_loop3A_190 = arith.addi %parallel_loop3A_160, %parallel_loop3A_189 : i32
      %parallel_loop3A_191 = arith.index_cast %parallel_loop3A_190 : i32 to index
      %parallel_loop3A_192 = tpu.vector_load %arg9[%parallel_loop3A_191] {strides = array<i32>} : memref<6272xi32, #tpu.memory_space<vmem>>, vector<16xi32>,
      %parallel_loop3A_193 = arith.constant 32 : i32
      %parallel_loop3A_194 = arith.addi %parallel_loop3A_160, %parallel_loop3A_193 : i32
      %parallel_loop3A_195 = arith.index_cast %parallel_loop3A_194 : i32 to index
      %parallel_loop3A_196 = tpu.vector_load %arg9[%parallel_loop3A_195] {strides = array<i32>} : memref<6272xi32, #tpu.memory_space<vmem>>, vector<16xi32>,
      %parallel_loop3A_197 = arith.constant 48 : i32
      %parallel_loop3A_198 = arith.addi %parallel_loop3A_160, %parallel_loop3A_197 : i32
      %parallel_loop3A_199 = arith.index_cast %parallel_loop3A_198 : i32 to index
      %parallel_loop3A_200 = tpu.vector_load %arg9[%parallel_loop3A_199] {strides = array<i32>} : memref<6272xi32, #tpu.memory_space<vmem>>, vector<16xi32>,
      %parallel_loop3A_201 = arith.constant 0 : i32
      %parallel_loop3A_202 = arith.addi %parallel_loop3A_166, %parallel_loop3A_201 : i32
      %parallel_loop3A_203 = arith.index_cast %parallel_loop3A_202 : i32 to index
      %parallel_loop3A_204 = tpu.vector_load %arg8[%parallel_loop3A_203] {strides = array<i32>} : memref<6272xf32, #tpu.memory_space<vmem>>, vector<16xf32>,
      %parallel_loop3A_205 = arith.constant 16 : i32
      %parallel_loop3A_206 = arith.addi %parallel_loop3A_166, %parallel_loop3A_205 : i32
      %parallel_loop3A_207 = arith.index_cast %parallel_loop3A_206 : i32 to index
      %parallel_loop3A_208 = tpu.vector_load %arg8[%parallel_loop3A_207] {strides = array<i32>} : memref<6272xf32, #tpu.memory_space<vmem>>, vector<16xf32>,
      %parallel_loop3A_209 = arith.constant 32 : i32
      %parallel_loop3A_210 = arith.addi %parallel_loop3A_166, %parallel_loop3A_209 : i32
      %parallel_loop3A_211 = arith.index_cast %parallel_loop3A_210 : i32 to index
      %parallel_loop3A_212 = tpu.vector_load %arg8[%parallel_loop3A_211] {strides = array<i32>} : memref<6272xf32, #tpu.memory_space<vmem>>, vector<16xf32>,
      %parallel_loop3A_213 = arith.constant 48 : i32
      %parallel_loop3A_214 = arith.addi %parallel_loop3A_166, %parallel_loop3A_213 : i32
      %parallel_loop3A_215 = arith.index_cast %parallel_loop3A_214 : i32 to index
      %parallel_loop3A_216 = tpu.vector_load %arg8[%parallel_loop3A_215] {strides = array<i32>} : memref<6272xf32, #tpu.memory_space<vmem>>, vector<16xf32>,
      %parallel_loop3A_217 = arith.constant 0 : i32
      %parallel_loop3A_218 = arith.addi %parallel_loop3A_166, %parallel_loop3A_217 : i32
      %parallel_loop3A_219 = arith.index_cast %parallel_loop3A_218 : i32 to index
      %parallel_loop3A_220 = tpu.vector_load %arg9[%parallel_loop3A_219] {strides = array<i32>} : memref<6272xi32, #tpu.memory_space<vmem>>, vector<16xi32>,
      %parallel_loop3A_221 = arith.constant 16 : i32
      %parallel_loop3A_222 = arith.addi %parallel_loop3A_166, %parallel_loop3A_221 : i32
      %parallel_loop3A_223 = arith.index_cast %parallel_loop3A_222 : i32 to index
      %parallel_loop3A_224 = tpu.vector_load %arg9[%parallel_loop3A_223] {strides = array<i32>} : memref<6272xi32, #tpu.memory_space<vmem>>, vector<16xi32>,
      %parallel_loop3A_225 = arith.constant 32 : i32
      %parallel_loop3A_226 = arith.addi %parallel_loop3A_166, %parallel_loop3A_225 : i32
      %parallel_loop3A_227 = arith.index_cast %parallel_loop3A_226 : i32 to index
      %parallel_loop3A_228 = tpu.vector_load %arg9[%parallel_loop3A_227] {strides = array<i32>} : memref<6272xi32, #tpu.memory_space<vmem>>, vector<16xi32>,
      %parallel_loop3A_229 = arith.constant 48 : i32
      %parallel_loop3A_230 = arith.addi %parallel_loop3A_166, %parallel_loop3A_229 : i32
      %parallel_loop3A_231 = arith.index_cast %parallel_loop3A_230 : i32 to index
      %parallel_loop3A_232 = tpu.vector_load %arg9[%parallel_loop3A_231] {strides = array<i32>} : memref<6272xi32, #tpu.memory_space<vmem>>, vector<16xi32>,
      %parallel_loop3A_233 = arith.constant 15 : i32
      %parallel_loop3A_234 = vector.broadcast %parallel_loop3A_233 : i32 to vector<16xi32>
      %parallel_loop3A_235 = tpu.iota {dimensions = array<i32: 0>} : vector<16xi32>
      %parallel_loop3A_236 = arith.subi %parallel_loop3A_234, %parallel_loop3A_235 : vector<16xi32>
      %parallel_loop3A_237 = tpu.dynamic_gather %parallel_loop3A_216[%parallel_loop3A_236] in [0] : vector<16xf32>, vector<16xi32> -> vector<16xf32>
      %parallel_loop3A_238 = arith.constant 15 : i32
      %parallel_loop3A_239 = vector.broadcast %parallel_loop3A_238 : i32 to vector<16xi32>
      %parallel_loop3A_240 = tpu.iota {dimensions = array<i32: 0>} : vector<16xi32>
      %parallel_loop3A_241 = arith.subi %parallel_loop3A_239, %parallel_loop3A_240 : vector<16xi32>
      %parallel_loop3A_242 = tpu.dynamic_gather %parallel_loop3A_212[%parallel_loop3A_241] in [0] : vector<16xf32>, vector<16xi32> -> vector<16xf32>
      %parallel_loop3A_243 = arith.constant 15 : i32
      %parallel_loop3A_244 = vector.broadcast %parallel_loop3A_243 : i32 to vector<16xi32>
      %parallel_loop3A_245 = tpu.iota {dimensions = array<i32: 0>} : vector<16xi32>
      %parallel_loop3A_246 = arith.subi %parallel_loop3A_244, %parallel_loop3A_245 : vector<16xi32>
      %parallel_loop3A_247 = tpu.dynamic_gather %parallel_loop3A_208[%parallel_loop3A_246] in [0] : vector<16xf32>, vector<16xi32> -> vector<16xf32>
      %parallel_loop3A_248 = arith.constant 15 : i32
      %parallel_loop3A_249 = vector.broadcast %parallel_loop3A_248 : i32 to vector<16xi32>
      %parallel_loop3A_250 = tpu.iota {dimensions = array<i32: 0>} : vector<16xi32>
      %parallel_loop3A_251 = arith.subi %parallel_loop3A_249, %parallel_loop3A_250 : vector<16xi32>
      %parallel_loop3A_252 = tpu.dynamic_gather %parallel_loop3A_204[%parallel_loop3A_251] in [0] : vector<16xf32>, vector<16xi32> -> vector<16xf32>
      %parallel_loop3A_253 = arith.constant 15 : i32
      %parallel_loop3A_254 = vector.broadcast %parallel_loop3A_253 : i32 to vector<16xi32>
      %parallel_loop3A_255 = tpu.iota {dimensions = array<i32: 0>} : vector<16xi32>
      %parallel_loop3A_256 = arith.subi %parallel_loop3A_254, %parallel_loop3A_255 : vector<16xi32>
      %parallel_loop3A_257 = tpu.dynamic_gather %parallel_loop3A_232[%parallel_loop3A_256] in [0] : vector<16xi32>, vector<16xi32> -> vector<16xi32>
      %parallel_loop3A_258 = arith.constant 15 : i32
      %parallel_loop3A_259 = vector.broadcast %parallel_loop3A_258 : i32 to vector<16xi32>
      %parallel_loop3A_260 = tpu.iota {dimensions = array<i32: 0>} : vector<16xi32>
      %parallel_loop3A_261 = arith.subi %parallel_loop3A_259, %parallel_loop3A_260 : vector<16xi32>
      %parallel_loop3A_262 = tpu.dynamic_gather %parallel_loop3A_228[%parallel_loop3A_261] in [0] : vector<16xi32>, vector<16xi32> -> vector<16xi32>
      %parallel_loop3A_263 = arith.constant 15 : i32
      %parallel_loop3A_264 = vector.broadcast %parallel_loop3A_263 : i32 to vector<16xi32>
      %parallel_loop3A_265 = tpu.iota {dimensions = array<i32: 0>} : vector<16xi32>
      %parallel_loop3A_266 = arith.subi %parallel_loop3A_264, %parallel_loop3A_265 : vector<16xi32>
      %parallel_loop3A_267 = tpu.dynamic_gather %parallel_loop3A_224[%parallel_loop3A_266] in [0] : vector<16xi32>, vector<16xi32> -> vector<16xi32>
      %parallel_loop3A_268 = arith.constant 15 : i32
      %parallel_loop3A_269 = vector.broadcast %parallel_loop3A_268 : i32 to vector<16xi32>
      %parallel_loop3A_270 = tpu.iota {dimensions = array<i32: 0>} : vector<16xi32>
      %parallel_loop3A_271 = arith.subi %parallel_loop3A_269, %parallel_loop3A_270 : vector<16xi32>
      %parallel_loop3A_272 = tpu.dynamic_gather %parallel_loop3A_220[%parallel_loop3A_271] in [0] : vector<16xi32>, vector<16xi32> -> vector<16xi32>
      %parallel_loop3A_273 = arith.cmpf oge, %parallel_loop3A_172, %parallel_loop3A_237 : vector<16xf32>
      %parallel_loop3A_274 = arith.select %parallel_loop3A_273, %parallel_loop3A_172, %parallel_loop3A_237 : vector<16xi1>, vector<16xf32>
      %parallel_loop3A_275 = arith.select %parallel_loop3A_273, %parallel_loop3A_188, %parallel_loop3A_257 : vector<16xi1>, vector<16xi32>
      %parallel_loop3A_276 = arith.cmpf oge, %parallel_loop3A_176, %parallel_loop3A_242 : vector<16xf32>
      %parallel_loop3A_277 = arith.select %parallel_loop3A_276, %parallel_loop3A_176, %parallel_loop3A_242 : vector<16xi1>, vector<16xf32>
      %parallel_loop3A_278 = arith.select %parallel_loop3A_276, %parallel_loop3A_192, %parallel_loop3A_262 : vector<16xi1>, vector<16xi32>
      %parallel_loop3A_279 = arith.cmpf oge, %parallel_loop3A_180, %parallel_loop3A_247 : vector<16xf32>
      %parallel_loop3A_280 = arith.select %parallel_loop3A_279, %parallel_loop3A_180, %parallel_loop3A_247 : vector<16xi1>, vector<16xf32>
      %parallel_loop3A_281 = arith.select %parallel_loop3A_279, %parallel_loop3A_196, %parallel_loop3A_267 : vector<16xi1>, vector<16xi32>
      %parallel_loop3A_282 = arith.cmpf oge, %parallel_loop3A_184, %parallel_loop3A_252 : vector<16xf32>
      %parallel_loop3A_283 = arith.select %parallel_loop3A_282, %parallel_loop3A_184, %parallel_loop3A_252 : vector<16xi1>, vector<16xf32>
      %parallel_loop3A_284 = arith.select %parallel_loop3A_282, %parallel_loop3A_200, %parallel_loop3A_272 : vector<16xi1>, vector<16xi32>
      %parallel_loop3A_285 = arith.cmpf ole, %parallel_loop3A_274, %parallel_loop3A_280 : vector<16xf32>
      %parallel_loop3A_286 = arith.select %parallel_loop3A_285, %parallel_loop3A_274, %parallel_loop3A_280 : vector<16xi1>, vector<16xf32>
      %parallel_loop3A_287 = arith.select %parallel_loop3A_285, %parallel_loop3A_275, %parallel_loop3A_281 : vector<16xi1>, vector<16xi32>
      %parallel_loop3A_288 = arith.select %parallel_loop3A_285, %parallel_loop3A_280, %parallel_loop3A_274 : vector<16xi1>, vector<16xf32>
      %parallel_loop3A_289 = arith.select %parallel_loop3A_285, %parallel_loop3A_281, %parallel_loop3A_275 : vector<16xi1>, vector<16xi32>
      %parallel_loop3A_290 = arith.cmpf ole, %parallel_loop3A_277, %parallel_loop3A_283 : vector<16xf32>
      %parallel_loop3A_291 = arith.select %parallel_loop3A_290, %parallel_loop3A_277, %parallel_loop3A_283 : vector<16xi1>, vector<16xf32>
      %parallel_loop3A_292 = arith.select %parallel_loop3A_290, %parallel_loop3A_278, %parallel_loop3A_284 : vector<16xi1>, vector<16xi32>
      %parallel_loop3A_293 = arith.select %parallel_loop3A_290, %parallel_loop3A_283, %parallel_loop3A_277 : vector<16xi1>, vector<16xf32>
      %parallel_loop3A_294 = arith.select %parallel_loop3A_290, %parallel_loop3A_284, %parallel_loop3A_278 : vector<16xi1>, vector<16xi32>
      %parallel_loop3A_295 = arith.cmpf ole, %parallel_loop3A_286, %parallel_loop3A_291 : vector<16xf32>
      %parallel_loop3A_296 = arith.select %parallel_loop3A_295, %parallel_loop3A_286, %parallel_loop3A_291 : vector<16xi1>, vector<16xf32>
      %parallel_loop3A_297 = arith.select %parallel_loop3A_295, %parallel_loop3A_287, %parallel_loop3A_292 : vector<16xi1>, vector<16xi32>
      %parallel_loop3A_298 = arith.select %parallel_loop3A_295, %parallel_loop3A_291, %parallel_loop3A_286 : vector<16xi1>, vector<16xf32>
      %parallel_loop3A_299 = arith.select %parallel_loop3A_295, %parallel_loop3A_292, %parallel_loop3A_287 : vector<16xi1>, vector<16xi32>
      %parallel_loop3A_300 = arith.cmpf ole, %parallel_loop3A_288, %parallel_loop3A_293 : vector<16xf32>
      %parallel_loop3A_301 = arith.select %parallel_loop3A_300, %parallel_loop3A_288, %parallel_loop3A_293 : vector<16xi1>, vector<16xf32>
      %parallel_loop3A_302 = arith.select %parallel_loop3A_300, %parallel_loop3A_289, %parallel_loop3A_294 : vector<16xi1>, vector<16xi32>
      %parallel_loop3A_303 = arith.select %parallel_loop3A_300, %parallel_loop3A_293, %parallel_loop3A_288 : vector<16xi1>, vector<16xf32>
      %parallel_loop3A_304 = arith.select %parallel_loop3A_300, %parallel_loop3A_294, %parallel_loop3A_289 : vector<16xi1>, vector<16xi32>
      %parallel_loop3A_305 = arith.constant dense<true> : vector<16xi1>
      %parallel_loop3A_306, %parallel_loop3A_307, %parallel_loop3A_308 = tpu.sort %parallel_loop3A_296, %parallel_loop3A_297 masked %parallel_loop3A_305 : (vector<16xf32>, vector<16xi32>, vector<16xi1>) -> (vector<16xi1>, vector<16xf32>, vector<16xi32>)
      %parallel_loop3A_309 = arith.constant dense<true> : vector<16xi1>
      %parallel_loop3A_310, %parallel_loop3A_311, %parallel_loop3A_312 = tpu.sort %parallel_loop3A_298, %parallel_loop3A_299 masked %parallel_loop3A_309 : (vector<16xf32>, vector<16xi32>, vector<16xi1>) -> (vector<16xi1>, vector<16xf32>, vector<16xi32>)
      %parallel_loop3A_313 = arith.constant dense<true> : vector<16xi1>
      %parallel_loop3A_314, %parallel_loop3A_315, %parallel_loop3A_316 = tpu.sort %parallel_loop3A_301, %parallel_loop3A_302 masked %parallel_loop3A_313 : (vector<16xf32>, vector<16xi32>, vector<16xi1>) -> (vector<16xi1>, vector<16xf32>, vector<16xi32>)
      %parallel_loop3A_317 = arith.constant dense<true> : vector<16xi1>
      %parallel_loop3A_318, %parallel_loop3A_319, %parallel_loop3A_320 = tpu.sort %parallel_loop3A_303, %parallel_loop3A_304 masked %parallel_loop3A_317 : (vector<16xf32>, vector<16xi32>, vector<16xi1>) -> (vector<16xi1>, vector<16xf32>, vector<16xi32>)
      %parallel_loop3A_321 = arith.constant 0 : i32
      %parallel_loop3A_322 = arith.addi %parallel_loop3A_168, %parallel_loop3A_321 : i32
      %parallel_loop3A_323 = arith.index_cast %parallel_loop3A_322 : i32 to index
      %parallel_loop3A_324 = tpu.vector_load %arg10[%parallel_loop3A_323] {strides = array<i32>} : memref<6272xf32, #tpu.memory_space<vmem>>, vector<16xf32>,
      tpu.vector_store %arg10[%parallel_loop3A_323], %parallel_loop3A_307 {strides = array<i32>} : memref<6272xf32, #tpu.memory_space<vmem>>, vector<16xf32>,
      %parallel_loop3A_325 = arith.constant 0 : i32
      %parallel_loop3A_326 = arith.addi %parallel_loop3A_168, %parallel_loop3A_325 : i32
      %parallel_loop3A_327 = arith.index_cast %parallel_loop3A_326 : i32 to index
      %parallel_loop3A_328 = tpu.vector_load %arg11[%parallel_loop3A_327] {strides = array<i32>} : memref<6272xi32, #tpu.memory_space<vmem>>, vector<16xi32>,
      tpu.vector_store %arg11[%parallel_loop3A_327], %parallel_loop3A_308 {strides = array<i32>} : memref<6272xi32, #tpu.memory_space<vmem>>, vector<16xi32>,
      %parallel_loop3A_329 = arith.constant 16 : i32
      %parallel_loop3A_330 = arith.addi %parallel_loop3A_168, %parallel_loop3A_329 : i32
      %parallel_loop3A_331 = arith.index_cast %parallel_loop3A_330 : i32 to index
      %parallel_loop3A_332 = tpu.vector_load %arg10[%parallel_loop3A_331] {strides = array<i32>} : memref<6272xf32, #tpu.memory_space<vmem>>, vector<16xf32>,
      tpu.vector_store %arg10[%parallel_loop3A_331], %parallel_loop3A_311 {strides = array<i32>} : memref<6272xf32, #tpu.memory_space<vmem>>, vector<16xf32>,
      %parallel_loop3A_333 = arith.constant 16 : i32
      %parallel_loop3A_334 = arith.addi %parallel_loop3A_168, %parallel_loop3A_333 : i32
      %parallel_loop3A_335 = arith.index_cast %parallel_loop3A_334 : i32 to index
      %parallel_loop3A_336 = tpu.vector_load %arg11[%parallel_loop3A_335] {strides = array<i32>} : memref<6272xi32, #tpu.memory_space<vmem>>, vector<16xi32>,
      tpu.vector_store %arg11[%parallel_loop3A_335], %parallel_loop3A_312 {strides = array<i32>} : memref<6272xi32, #tpu.memory_space<vmem>>, vector<16xi32>,
      %parallel_loop3A_337 = arith.constant 32 : i32
      %parallel_loop3A_338 = arith.addi %parallel_loop3A_168, %parallel_loop3A_337 : i32
      %parallel_loop3A_339 = arith.index_cast %parallel_loop3A_338 : i32 to index
      %parallel_loop3A_340 = tpu.vector_load %arg10[%parallel_loop3A_339] {strides = array<i32>} : memref<6272xf32, #tpu.memory_space<vmem>>, vector<16xf32>,
      tpu.vector_store %arg10[%parallel_loop3A_339], %parallel_loop3A_315 {strides = array<i32>} : memref<6272xf32, #tpu.memory_space<vmem>>, vector<16xf32>,
      %parallel_loop3A_341 = arith.constant 32 : i32
      %parallel_loop3A_342 = arith.addi %parallel_loop3A_168, %parallel_loop3A_341 : i32
      %parallel_loop3A_343 = arith.index_cast %parallel_loop3A_342 : i32 to index
      %parallel_loop3A_344 = tpu.vector_load %arg11[%parallel_loop3A_343] {strides = array<i32>} : memref<6272xi32, #tpu.memory_space<vmem>>, vector<16xi32>,
      tpu.vector_store %arg11[%parallel_loop3A_343], %parallel_loop3A_316 {strides = array<i32>} : memref<6272xi32, #tpu.memory_space<vmem>>, vector<16xi32>,
      %parallel_loop3A_345 = arith.constant 48 : i32
      %parallel_loop3A_346 = arith.addi %parallel_loop3A_168, %parallel_loop3A_345 : i32
      %parallel_loop3A_347 = arith.index_cast %parallel_loop3A_346 : i32 to index
      %parallel_loop3A_348 = tpu.vector_load %arg10[%parallel_loop3A_347] {strides = array<i32>} : memref<6272xf32, #tpu.memory_space<vmem>>, vector<16xf32>,
      tpu.vector_store %arg10[%parallel_loop3A_347], %parallel_loop3A_319 {strides = array<i32>} : memref<6272xf32, #tpu.memory_space<vmem>>, vector<16xf32>,
      %parallel_loop3A_349 = arith.constant 48 : i32
      %parallel_loop3A_350 = arith.addi %parallel_loop3A_168, %parallel_loop3A_349 : i32
      %parallel_loop3A_351 = arith.index_cast %parallel_loop3A_350 : i32 to index
      %parallel_loop3A_352 = tpu.vector_load %arg11[%parallel_loop3A_351] {strides = array<i32>} : memref<6272xi32, #tpu.memory_space<vmem>>, vector<16xi32>,
      tpu.vector_store %arg11[%parallel_loop3A_351], %parallel_loop3A_320 {strides = array<i32>} : memref<6272xi32, #tpu.memory_space<vmem>>, vector<16xi32>,
    } {sc.loop_unroll_factor = 2 : i64, sc.parallel_access}
    %get3A_42 = arith.constant 1536 : index
    %get3A_43 = tpu.vector_load %arg8[%get3A_42] {strides = array<i32>} : memref<6272xf32, #tpu.memory_space<vmem>>, vector<16xf32>,
    %swap3A_44 = arith.constant 768 : index
    %swap3A_45 = tpu.vector_load %arg10[%swap3A_44] {strides = array<i32>} : memref<6272xf32, #tpu.memory_space<vmem>>, vector<16xf32>,
    tpu.vector_store %arg10[%swap3A_44], %get3A_43 {strides = array<i32>} : memref<6272xf32, #tpu.memory_space<vmem>>, vector<16xf32>,
    %get3A_46 = arith.constant 1536 : index
    %get3A_47 = tpu.vector_load %arg9[%get3A_46] {strides = array<i32>} : memref<6272xi32, #tpu.memory_space<vmem>>, vector<16xi32>,
    %swap3A_48 = arith.constant 768 : index
    %swap3A_49 = tpu.vector_load %arg11[%swap3A_48] {strides = array<i32>} : memref<6272xi32, #tpu.memory_space<vmem>>, vector<16xi32>,
    tpu.vector_store %arg11[%swap3A_48], %get3A_47 {strides = array<i32>} : memref<6272xi32, #tpu.memory_space<vmem>>, vector<16xi32>,
    %get3A_50 = arith.constant 1552 : index
    %get3A_51 = tpu.vector_load %arg8[%get3A_50] {strides = array<i32>} : memref<6272xf32, #tpu.memory_space<vmem>>, vector<16xf32>,
    %swap3A_52 = arith.constant 784 : index
    %swap3A_53 = tpu.vector_load %arg10[%swap3A_52] {strides = array<i32>} : memref<6272xf32, #tpu.memory_space<vmem>>, vector<16xf32>,
    tpu.vector_store %arg10[%swap3A_52], %get3A_51 {strides = array<i32>} : memref<6272xf32, #tpu.memory_space<vmem>>, vector<16xf32>,
    %get3A_54 = arith.constant 1552 : index
    %get3A_55 = tpu.vector_load %arg9[%get3A_54] {strides = array<i32>} : memref<6272xi32, #tpu.memory_space<vmem>>, vector<16xi32>,
    %swap3A_56 = arith.constant 784 : index
    %swap3A_57 = tpu.vector_load %arg11[%swap3A_56] {strides = array<i32>} : memref<6272xi32, #tpu.memory_space<vmem>>, vector<16xi32>,
    tpu.vector_store %arg11[%swap3A_56], %get3A_55 {strides = array<i32>} : memref<6272xi32, #tpu.memory_space<vmem>>, vector<16xi32>,
    %get3A_58 = arith.constant 1568 : index
    %get3A_59 = tpu.vector_load %arg8[%get3A_58] {strides = array<i32>} : memref<6272xf32, #tpu.memory_space<vmem>>, vector<16xf32>,
    %swap3A_60 = arith.constant 800 : index
    %swap3A_61 = tpu.vector_load %arg10[%swap3A_60] {strides = array<i32>} : memref<6272xf32, #tpu.memory_space<vmem>>, vector<16xf32>,
    tpu.vector_store %arg10[%swap3A_60], %get3A_59 {strides = array<i32>} : memref<6272xf32, #tpu.memory_space<vmem>>, vector<16xf32>,
    %get3A_62 = arith.constant 1568 : index
    %get3A_63 = tpu.vector_load %arg9[%get3A_62] {strides = array<i32>} : memref<6272xi32, #tpu.memory_space<vmem>>, vector<16xi32>,
    %swap3A_64 = arith.constant 800 : index
    %swap3A_65 = tpu.vector_load %arg11[%swap3A_64] {strides = array<i32>} : memref<6272xi32, #tpu.memory_space<vmem>>, vector<16xi32>,
    tpu.vector_store %arg11[%swap3A_64], %get3A_63 {strides = array<i32>} : memref<6272xi32, #tpu.memory_space<vmem>>, vector<16xi32>,
    %get3A_66 = arith.constant 1584 : index
    %get3A_67 = tpu.vector_load %arg8[%get3A_66] {strides = array<i32>} : memref<6272xf32, #tpu.memory_space<vmem>>, vector<16xf32>,
    %swap3A_68 = arith.constant 816 : index
    %swap3A_69 = tpu.vector_load %arg10[%swap3A_68] {strides = array<i32>} : memref<6272xf32, #tpu.memory_space<vmem>>, vector<16xf32>,
    tpu.vector_store %arg10[%swap3A_68], %get3A_67 {strides = array<i32>} : memref<6272xf32, #tpu.memory_space<vmem>>, vector<16xf32>,
    %get3A_70 = arith.constant 1584 : index
    %get3A_71 = tpu.vector_load %arg9[%get3A_70] {strides = array<i32>} : memref<6272xi32, #tpu.memory_space<vmem>>, vector<16xi32>,
    %swap3A_72 = arith.constant 816 : index
    %swap3A_73 = tpu.vector_load %arg11[%swap3A_72] {strides = array<i32>} : memref<6272xi32, #tpu.memory_space<vmem>>, vector<16xi32>,
    tpu.vector_store %arg11[%swap3A_72], %get3A_71 {strides = array<i32>} : memref<6272xi32, #tpu.memory_space<vmem>>, vector<16xi32>,
    %parallel_loop3A_74 = arith.constant 0 : i32
    %parallel_loop3A_75 = arith.constant 6 : i32
    %parallel_loop3A_76 = arith.constant 1 : i32
    scf.for %parallel_loop3A_156 = %parallel_loop3A_74 to %parallel_loop3A_75 step %parallel_loop3A_76  : i32 {
      %parallel_loop3A_157 = arith.constant 2 : i32
      %parallel_loop3A_158 = arith.muli %parallel_loop3A_157, %parallel_loop3A_156 : i32
      %parallel_loop3A_159 = arith.constant 64 : i32
      %parallel_loop3A_160 = arith.muli %parallel_loop3A_158, %parallel_loop3A_159 : i32
      %parallel_loop3A_161 = arith.constant 2 : i32
      %parallel_loop3A_162 = arith.muli %parallel_loop3A_161, %parallel_loop3A_156 : i32
      %parallel_loop3A_163 = arith.constant 1 : i32
      %parallel_loop3A_164 = arith.addi %parallel_loop3A_162, %parallel_loop3A_163 : i32
      %parallel_loop3A_165 = arith.constant 64 : i32
      %parallel_loop3A_166 = arith.muli %parallel_loop3A_164, %parallel_loop3A_165 : i32
      %parallel_loop3A_167 = arith.constant 64 : i32
      %parallel_loop3A_168 = arith.muli %parallel_loop3A_156, %parallel_loop3A_167 : i32
      %parallel_loop3A_169 = arith.constant 0 : i32
      %parallel_loop3A_170 = arith.addi %parallel_loop3A_160, %parallel_loop3A_169 : i32
      %parallel_loop3A_171 = arith.index_cast %parallel_loop3A_170 : i32 to index
      %parallel_loop3A_172 = tpu.vector_load %arg10[%parallel_loop3A_171] {strides = array<i32>} : memref<6272xf32, #tpu.memory_space<vmem>>, vector<16xf32>,
      %parallel_loop3A_173 = arith.constant 16 : i32
      %parallel_loop3A_174 = arith.addi %parallel_loop3A_160, %parallel_loop3A_173 : i32
      %parallel_loop3A_175 = arith.index_cast %parallel_loop3A_174 : i32 to index
      %parallel_loop3A_176 = tpu.vector_load %arg10[%parallel_loop3A_175] {strides = array<i32>} : memref<6272xf32, #tpu.memory_space<vmem>>, vector<16xf32>,
      %parallel_loop3A_177 = arith.constant 32 : i32
      %parallel_loop3A_178 = arith.addi %parallel_loop3A_160, %parallel_loop3A_177 : i32
      %parallel_loop3A_179 = arith.index_cast %parallel_loop3A_178 : i32 to index
      %parallel_loop3A_180 = tpu.vector_load %arg10[%parallel_loop3A_179] {strides = array<i32>} : memref<6272xf32, #tpu.memory_space<vmem>>, vector<16xf32>,
      %parallel_loop3A_181 = arith.constant 48 : i32
      %parallel_loop3A_182 = arith.addi %parallel_loop3A_160, %parallel_loop3A_181 : i32
      %parallel_loop3A_183 = arith.index_cast %parallel_loop3A_182 : i32 to index
      %parallel_loop3A_184 = tpu.vector_load %arg10[%parallel_loop3A_183] {strides = array<i32>} : memref<6272xf32, #tpu.memory_space<vmem>>, vector<16xf32>,
      %parallel_loop3A_185 = arith.constant 0 : i32
      %parallel_loop3A_186 = arith.addi %parallel_loop3A_160, %parallel_loop3A_185 : i32
      %parallel_loop3A_187 = arith.index_cast %parallel_loop3A_186 : i32 to index
      %parallel_loop3A_188 = tpu.vector_load %arg11[%parallel_loop3A_187] {strides = array<i32>} : memref<6272xi32, #tpu.memory_space<vmem>>, vector<16xi32>,
      %parallel_loop3A_189 = arith.constant 16 : i32
      %parallel_loop3A_190 = arith.addi %parallel_loop3A_160, %parallel_loop3A_189 : i32
      %parallel_loop3A_191 = arith.index_cast %parallel_loop3A_190 : i32 to index
      %parallel_loop3A_192 = tpu.vector_load %arg11[%parallel_loop3A_191] {strides = array<i32>} : memref<6272xi32, #tpu.memory_space<vmem>>, vector<16xi32>,
      %parallel_loop3A_193 = arith.constant 32 : i32
      %parallel_loop3A_194 = arith.addi %parallel_loop3A_160, %parallel_loop3A_193 : i32
      %parallel_loop3A_195 = arith.index_cast %parallel_loop3A_194 : i32 to index
      %parallel_loop3A_196 = tpu.vector_load %arg11[%parallel_loop3A_195] {strides = array<i32>} : memref<6272xi32, #tpu.memory_space<vmem>>, vector<16xi32>,
      %parallel_loop3A_197 = arith.constant 48 : i32
      %parallel_loop3A_198 = arith.addi %parallel_loop3A_160, %parallel_loop3A_197 : i32
      %parallel_loop3A_199 = arith.index_cast %parallel_loop3A_198 : i32 to index
      %parallel_loop3A_200 = tpu.vector_load %arg11[%parallel_loop3A_199] {strides = array<i32>} : memref<6272xi32, #tpu.memory_space<vmem>>, vector<16xi32>,
      %parallel_loop3A_201 = arith.constant 0 : i32
      %parallel_loop3A_202 = arith.addi %parallel_loop3A_166, %parallel_loop3A_201 : i32
      %parallel_loop3A_203 = arith.index_cast %parallel_loop3A_202 : i32 to index
      %parallel_loop3A_204 = tpu.vector_load %arg10[%parallel_loop3A_203] {strides = array<i32>} : memref<6272xf32, #tpu.memory_space<vmem>>, vector<16xf32>,
      %parallel_loop3A_205 = arith.constant 16 : i32
      %parallel_loop3A_206 = arith.addi %parallel_loop3A_166, %parallel_loop3A_205 : i32
      %parallel_loop3A_207 = arith.index_cast %parallel_loop3A_206 : i32 to index
      %parallel_loop3A_208 = tpu.vector_load %arg10[%parallel_loop3A_207] {strides = array<i32>} : memref<6272xf32, #tpu.memory_space<vmem>>, vector<16xf32>,
      %parallel_loop3A_209 = arith.constant 32 : i32
      %parallel_loop3A_210 = arith.addi %parallel_loop3A_166, %parallel_loop3A_209 : i32
      %parallel_loop3A_211 = arith.index_cast %parallel_loop3A_210 : i32 to index
      %parallel_loop3A_212 = tpu.vector_load %arg10[%parallel_loop3A_211] {strides = array<i32>} : memref<6272xf32, #tpu.memory_space<vmem>>, vector<16xf32>,
      %parallel_loop3A_213 = arith.constant 48 : i32
      %parallel_loop3A_214 = arith.addi %parallel_loop3A_166, %parallel_loop3A_213 : i32
      %parallel_loop3A_215 = arith.index_cast %parallel_loop3A_214 : i32 to index
      %parallel_loop3A_216 = tpu.vector_load %arg10[%parallel_loop3A_215] {strides = array<i32>} : memref<6272xf32, #tpu.memory_space<vmem>>, vector<16xf32>,
      %parallel_loop3A_217 = arith.constant 0 : i32
      %parallel_loop3A_218 = arith.addi %parallel_loop3A_166, %parallel_loop3A_217 : i32
      %parallel_loop3A_219 = arith.index_cast %parallel_loop3A_218 : i32 to index
      %parallel_loop3A_220 = tpu.vector_load %arg11[%parallel_loop3A_219] {strides = array<i32>} : memref<6272xi32, #tpu.memory_space<vmem>>, vector<16xi32>,
      %parallel_loop3A_221 = arith.constant 16 : i32
      %parallel_loop3A_222 = arith.addi %parallel_loop3A_166, %parallel_loop3A_221 : i32
      %parallel_loop3A_223 = arith.index_cast %parallel_loop3A_222 : i32 to index
      %parallel_loop3A_224 = tpu.vector_load %arg11[%parallel_loop3A_223] {strides = array<i32>} : memref<6272xi32, #tpu.memory_space<vmem>>, vector<16xi32>,
      %parallel_loop3A_225 = arith.constant 32 : i32
      %parallel_loop3A_226 = arith.addi %parallel_loop3A_166, %parallel_loop3A_225 : i32
      %parallel_loop3A_227 = arith.index_cast %parallel_loop3A_226 : i32 to index
      %parallel_loop3A_228 = tpu.vector_load %arg11[%parallel_loop3A_227] {strides = array<i32>} : memref<6272xi32, #tpu.memory_space<vmem>>, vector<16xi32>,
      %parallel_loop3A_229 = arith.constant 48 : i32
      %parallel_loop3A_230 = arith.addi %parallel_loop3A_166, %parallel_loop3A_229 : i32
      %parallel_loop3A_231 = arith.index_cast %parallel_loop3A_230 : i32 to index
      %parallel_loop3A_232 = tpu.vector_load %arg11[%parallel_loop3A_231] {strides = array<i32>} : memref<6272xi32, #tpu.memory_space<vmem>>, vector<16xi32>,
      %parallel_loop3A_233 = arith.constant 15 : i32
      %parallel_loop3A_234 = vector.broadcast %parallel_loop3A_233 : i32 to vector<16xi32>
      %parallel_loop3A_235 = tpu.iota {dimensions = array<i32: 0>} : vector<16xi32>
      %parallel_loop3A_236 = arith.subi %parallel_loop3A_234, %parallel_loop3A_235 : vector<16xi32>
      %parallel_loop3A_237 = tpu.dynamic_gather %parallel_loop3A_216[%parallel_loop3A_236] in [0] : vector<16xf32>, vector<16xi32> -> vector<16xf32>
      %parallel_loop3A_238 = arith.constant 15 : i32
      %parallel_loop3A_239 = vector.broadcast %parallel_loop3A_238 : i32 to vector<16xi32>
      %parallel_loop3A_240 = tpu.iota {dimensions = array<i32: 0>} : vector<16xi32>
      %parallel_loop3A_241 = arith.subi %parallel_loop3A_239, %parallel_loop3A_240 : vector<16xi32>
      %parallel_loop3A_242 = tpu.dynamic_gather %parallel_loop3A_212[%parallel_loop3A_241] in [0] : vector<16xf32>, vector<16xi32> -> vector<16xf32>
      %parallel_loop3A_243 = arith.constant 15 : i32
      %parallel_loop3A_244 = vector.broadcast %parallel_loop3A_243 : i32 to vector<16xi32>
      %parallel_loop3A_245 = tpu.iota {dimensions = array<i32: 0>} : vector<16xi32>
      %parallel_loop3A_246 = arith.subi %parallel_loop3A_244, %parallel_loop3A_245 : vector<16xi32>
      %parallel_loop3A_247 = tpu.dynamic_gather %parallel_loop3A_208[%parallel_loop3A_246] in [0] : vector<16xf32>, vector<16xi32> -> vector<16xf32>
      %parallel_loop3A_248 = arith.constant 15 : i32
      %parallel_loop3A_249 = vector.broadcast %parallel_loop3A_248 : i32 to vector<16xi32>
      %parallel_loop3A_250 = tpu.iota {dimensions = array<i32: 0>} : vector<16xi32>
      %parallel_loop3A_251 = arith.subi %parallel_loop3A_249, %parallel_loop3A_250 : vector<16xi32>
      %parallel_loop3A_252 = tpu.dynamic_gather %parallel_loop3A_204[%parallel_loop3A_251] in [0] : vector<16xf32>, vector<16xi32> -> vector<16xf32>
      %parallel_loop3A_253 = arith.constant 15 : i32
      %parallel_loop3A_254 = vector.broadcast %parallel_loop3A_253 : i32 to vector<16xi32>
      %parallel_loop3A_255 = tpu.iota {dimensions = array<i32: 0>} : vector<16xi32>
      %parallel_loop3A_256 = arith.subi %parallel_loop3A_254, %parallel_loop3A_255 : vector<16xi32>
      %parallel_loop3A_257 = tpu.dynamic_gather %parallel_loop3A_232[%parallel_loop3A_256] in [0] : vector<16xi32>, vector<16xi32> -> vector<16xi32>
      %parallel_loop3A_258 = arith.constant 15 : i32
      %parallel_loop3A_259 = vector.broadcast %parallel_loop3A_258 : i32 to vector<16xi32>
      %parallel_loop3A_260 = tpu.iota {dimensions = array<i32: 0>} : vector<16xi32>
      %parallel_loop3A_261 = arith.subi %parallel_loop3A_259, %parallel_loop3A_260 : vector<16xi32>
      %parallel_loop3A_262 = tpu.dynamic_gather %parallel_loop3A_228[%parallel_loop3A_261] in [0] : vector<16xi32>, vector<16xi32> -> vector<16xi32>
      %parallel_loop3A_263 = arith.constant 15 : i32
      %parallel_loop3A_264 = vector.broadcast %parallel_loop3A_263 : i32 to vector<16xi32>
      %parallel_loop3A_265 = tpu.iota {dimensions = array<i32: 0>} : vector<16xi32>
      %parallel_loop3A_266 = arith.subi %parallel_loop3A_264, %parallel_loop3A_265 : vector<16xi32>
      %parallel_loop3A_267 = tpu.dynamic_gather %parallel_loop3A_224[%parallel_loop3A_266] in [0] : vector<16xi32>, vector<16xi32> -> vector<16xi32>
      %parallel_loop3A_268 = arith.constant 15 : i32
      %parallel_loop3A_269 = vector.broadcast %parallel_loop3A_268 : i32 to vector<16xi32>
      %parallel_loop3A_270 = tpu.iota {dimensions = array<i32: 0>} : vector<16xi32>
      %parallel_loop3A_271 = arith.subi %parallel_loop3A_269, %parallel_loop3A_270 : vector<16xi32>
      %parallel_loop3A_272 = tpu.dynamic_gather %parallel_loop3A_220[%parallel_loop3A_271] in [0] : vector<16xi32>, vector<16xi32> -> vector<16xi32>
      %parallel_loop3A_273 = arith.cmpf oge, %parallel_loop3A_172, %parallel_loop3A_237 : vector<16xf32>
      %parallel_loop3A_274 = arith.select %parallel_loop3A_273, %parallel_loop3A_172, %parallel_loop3A_237 : vector<16xi1>, vector<16xf32>
      %parallel_loop3A_275 = arith.select %parallel_loop3A_273, %parallel_loop3A_188, %parallel_loop3A_257 : vector<16xi1>, vector<16xi32>
      %parallel_loop3A_276 = arith.cmpf oge, %parallel_loop3A_176, %parallel_loop3A_242 : vector<16xf32>
      %parallel_loop3A_277 = arith.select %parallel_loop3A_276, %parallel_loop3A_176, %parallel_loop3A_242 : vector<16xi1>, vector<16xf32>
      %parallel_loop3A_278 = arith.select %parallel_loop3A_276, %parallel_loop3A_192, %parallel_loop3A_262 : vector<16xi1>, vector<16xi32>
      %parallel_loop3A_279 = arith.cmpf oge, %parallel_loop3A_180, %parallel_loop3A_247 : vector<16xf32>
      %parallel_loop3A_280 = arith.select %parallel_loop3A_279, %parallel_loop3A_180, %parallel_loop3A_247 : vector<16xi1>, vector<16xf32>
      %parallel_loop3A_281 = arith.select %parallel_loop3A_279, %parallel_loop3A_196, %parallel_loop3A_267 : vector<16xi1>, vector<16xi32>
      %parallel_loop3A_282 = arith.cmpf oge, %parallel_loop3A_184, %parallel_loop3A_252 : vector<16xf32>
      %parallel_loop3A_283 = arith.select %parallel_loop3A_282, %parallel_loop3A_184, %parallel_loop3A_252 : vector<16xi1>, vector<16xf32>
      %parallel_loop3A_284 = arith.select %parallel_loop3A_282, %parallel_loop3A_200, %parallel_loop3A_272 : vector<16xi1>, vector<16xi32>
      %parallel_loop3A_285 = arith.cmpf ole, %parallel_loop3A_274, %parallel_loop3A_280 : vector<16xf32>
      %parallel_loop3A_286 = arith.select %parallel_loop3A_285, %parallel_loop3A_274, %parallel_loop3A_280 : vector<16xi1>, vector<16xf32>
      %parallel_loop3A_287 = arith.select %parallel_loop3A_285, %parallel_loop3A_275, %parallel_loop3A_281 : vector<16xi1>, vector<16xi32>
      %parallel_loop3A_288 = arith.select %parallel_loop3A_285, %parallel_loop3A_280, %parallel_loop3A_274 : vector<16xi1>, vector<16xf32>
      %parallel_loop3A_289 = arith.select %parallel_loop3A_285, %parallel_loop3A_281, %parallel_loop3A_275 : vector<16xi1>, vector<16xi32>
      %parallel_loop3A_290 = arith.cmpf ole, %parallel_loop3A_277, %parallel_loop3A_283 : vector<16xf32>
      %parallel_loop3A_291 = arith.select %parallel_loop3A_290, %parallel_loop3A_277, %parallel_loop3A_283 : vector<16xi1>, vector<16xf32>
      %parallel_loop3A_292 = arith.select %parallel_loop3A_290, %parallel_loop3A_278, %parallel_loop3A_284 : vector<16xi1>, vector<16xi32>
      %parallel_loop3A_293 = arith.select %parallel_loop3A_290, %parallel_loop3A_283, %parallel_loop3A_277 : vector<16xi1>, vector<16xf32>
      %parallel_loop3A_294 = arith.select %parallel_loop3A_290, %parallel_loop3A_284, %parallel_loop3A_278 : vector<16xi1>, vector<16xi32>
      %parallel_loop3A_295 = arith.cmpf ole, %parallel_loop3A_286, %parallel_loop3A_291 : vector<16xf32>
      %parallel_loop3A_296 = arith.select %parallel_loop3A_295, %parallel_loop3A_286, %parallel_loop3A_291 : vector<16xi1>, vector<16xf32>
      %parallel_loop3A_297 = arith.select %parallel_loop3A_295, %parallel_loop3A_287, %parallel_loop3A_292 : vector<16xi1>, vector<16xi32>
      %parallel_loop3A_298 = arith.select %parallel_loop3A_295, %parallel_loop3A_291, %parallel_loop3A_286 : vector<16xi1>, vector<16xf32>
      %parallel_loop3A_299 = arith.select %parallel_loop3A_295, %parallel_loop3A_292, %parallel_loop3A_287 : vector<16xi1>, vector<16xi32>
      %parallel_loop3A_300 = arith.cmpf ole, %parallel_loop3A_288, %parallel_loop3A_293 : vector<16xf32>
      %parallel_loop3A_301 = arith.select %parallel_loop3A_300, %parallel_loop3A_288, %parallel_loop3A_293 : vector<16xi1>, vector<16xf32>
      %parallel_loop3A_302 = arith.select %parallel_loop3A_300, %parallel_loop3A_289, %parallel_loop3A_294 : vector<16xi1>, vector<16xi32>
      %parallel_loop3A_303 = arith.select %parallel_loop3A_300, %parallel_loop3A_293, %parallel_loop3A_288 : vector<16xi1>, vector<16xf32>
      %parallel_loop3A_304 = arith.select %parallel_loop3A_300, %parallel_loop3A_294, %parallel_loop3A_289 : vector<16xi1>, vector<16xi32>
      %parallel_loop3A_305 = arith.constant dense<true> : vector<16xi1>
      %parallel_loop3A_306, %parallel_loop3A_307, %parallel_loop3A_308 = tpu.sort %parallel_loop3A_296, %parallel_loop3A_297 masked %parallel_loop3A_305 : (vector<16xf32>, vector<16xi32>, vector<16xi1>) -> (vector<16xi1>, vector<16xf32>, vector<16xi32>)
      %parallel_loop3A_309 = arith.constant dense<true> : vector<16xi1>
      %parallel_loop3A_310, %parallel_loop3A_311, %parallel_loop3A_312 = tpu.sort %parallel_loop3A_298, %parallel_loop3A_299 masked %parallel_loop3A_309 : (vector<16xf32>, vector<16xi32>, vector<16xi1>) -> (vector<16xi1>, vector<16xf32>, vector<16xi32>)
      %parallel_loop3A_313 = arith.constant dense<true> : vector<16xi1>
      %parallel_loop3A_314, %parallel_loop3A_315, %parallel_loop3A_316 = tpu.sort %parallel_loop3A_301, %parallel_loop3A_302 masked %parallel_loop3A_313 : (vector<16xf32>, vector<16xi32>, vector<16xi1>) -> (vector<16xi1>, vector<16xf32>, vector<16xi32>)
      %parallel_loop3A_317 = arith.constant dense<true> : vector<16xi1>
      %parallel_loop3A_318, %parallel_loop3A_319, %parallel_loop3A_320 = tpu.sort %parallel_loop3A_303, %parallel_loop3A_304 masked %parallel_loop3A_317 : (vector<16xf32>, vector<16xi32>, vector<16xi1>) -> (vector<16xi1>, vector<16xf32>, vector<16xi32>)
      %parallel_loop3A_321 = arith.constant 0 : i32
      %parallel_loop3A_322 = arith.addi %parallel_loop3A_168, %parallel_loop3A_321 : i32
      %parallel_loop3A_323 = arith.index_cast %parallel_loop3A_322 : i32 to index
      %parallel_loop3A_324 = tpu.vector_load %arg8[%parallel_loop3A_323] {strides = array<i32>} : memref<6272xf32, #tpu.memory_space<vmem>>, vector<16xf32>,
      tpu.vector_store %arg8[%parallel_loop3A_323], %parallel_loop3A_307 {strides = array<i32>} : memref<6272xf32, #tpu.memory_space<vmem>>, vector<16xf32>,
      %parallel_loop3A_325 = arith.constant 0 : i32
      %parallel_loop3A_326 = arith.addi %parallel_loop3A_168, %parallel_loop3A_325 : i32
      %parallel_loop3A_327 = arith.index_cast %parallel_loop3A_326 : i32 to index
      %parallel_loop3A_328 = tpu.vector_load %arg9[%parallel_loop3A_327] {strides = array<i32>} : memref<6272xi32, #tpu.memory_space<vmem>>, vector<16xi32>,
      tpu.vector_store %arg9[%parallel_loop3A_327], %parallel_loop3A_308 {strides = array<i32>} : memref<6272xi32, #tpu.memory_space<vmem>>, vector<16xi32>,
      %parallel_loop3A_329 = arith.constant 16 : i32
      %parallel_loop3A_330 = arith.addi %parallel_loop3A_168, %parallel_loop3A_329 : i32
      %parallel_loop3A_331 = arith.index_cast %parallel_loop3A_330 : i32 to index
      %parallel_loop3A_332 = tpu.vector_load %arg8[%parallel_loop3A_331] {strides = array<i32>} : memref<6272xf32, #tpu.memory_space<vmem>>, vector<16xf32>,
      tpu.vector_store %arg8[%parallel_loop3A_331], %parallel_loop3A_311 {strides = array<i32>} : memref<6272xf32, #tpu.memory_space<vmem>>, vector<16xf32>,
      %parallel_loop3A_333 = arith.constant 16 : i32
      %parallel_loop3A_334 = arith.addi %parallel_loop3A_168, %parallel_loop3A_333 : i32
      %parallel_loop3A_335 = arith.index_cast %parallel_loop3A_334 : i32 to index
      %parallel_loop3A_336 = tpu.vector_load %arg9[%parallel_loop3A_335] {strides = array<i32>} : memref<6272xi32, #tpu.memory_space<vmem>>, vector<16xi32>,
      tpu.vector_store %arg9[%parallel_loop3A_335], %parallel_loop3A_312 {strides = array<i32>} : memref<6272xi32, #tpu.memory_space<vmem>>, vector<16xi32>,
      %parallel_loop3A_337 = arith.constant 32 : i32
      %parallel_loop3A_338 = arith.addi %parallel_loop3A_168, %parallel_loop3A_337 : i32
      %parallel_loop3A_339 = arith.index_cast %parallel_loop3A_338 : i32 to index
      %parallel_loop3A_340 = tpu.vector_load %arg8[%parallel_loop3A_339] {strides = array<i32>} : memref<6272xf32, #tpu.memory_space<vmem>>, vector<16xf32>,
      tpu.vector_store %arg8[%parallel_loop3A_339], %parallel_loop3A_315 {strides = array<i32>} : memref<6272xf32, #tpu.memory_space<vmem>>, vector<16xf32>,
      %parallel_loop3A_341 = arith.constant 32 : i32
      %parallel_loop3A_342 = arith.addi %parallel_loop3A_168, %parallel_loop3A_341 : i32
      %parallel_loop3A_343 = arith.index_cast %parallel_loop3A_342 : i32 to index
      %parallel_loop3A_344 = tpu.vector_load %arg9[%parallel_loop3A_343] {strides = array<i32>} : memref<6272xi32, #tpu.memory_space<vmem>>, vector<16xi32>,
      tpu.vector_store %arg9[%parallel_loop3A_343], %parallel_loop3A_316 {strides = array<i32>} : memref<6272xi32, #tpu.memory_space<vmem>>, vector<16xi32>,
      %parallel_loop3A_345 = arith.constant 48 : i32
      %parallel_loop3A_346 = arith.addi %parallel_loop3A_168, %parallel_loop3A_345 : i32
      %parallel_loop3A_347 = arith.index_cast %parallel_loop3A_346 : i32 to index
      %parallel_loop3A_348 = tpu.vector_load %arg8[%parallel_loop3A_347] {strides = array<i32>} : memref<6272xf32, #tpu.memory_space<vmem>>, vector<16xf32>,
      tpu.vector_store %arg8[%parallel_loop3A_347], %parallel_loop3A_319 {strides = array<i32>} : memref<6272xf32, #tpu.memory_space<vmem>>, vector<16xf32>,
      %parallel_loop3A_349 = arith.constant 48 : i32
      %parallel_loop3A_350 = arith.addi %parallel_loop3A_168, %parallel_loop3A_349 : i32
      %parallel_loop3A_351 = arith.index_cast %parallel_loop3A_350 : i32 to index
      %parallel_loop3A_352 = tpu.vector_load %arg9[%parallel_loop3A_351] {strides = array<i32>} : memref<6272xi32, #tpu.memory_space<vmem>>, vector<16xi32>,
      tpu.vector_store %arg9[%parallel_loop3A_351], %parallel_loop3A_320 {strides = array<i32>} : memref<6272xi32, #tpu.memory_space<vmem>>, vector<16xi32>,
    } {sc.loop_unroll_factor = 2 : i64, sc.parallel_access}
    %get3A_77 = arith.constant 768 : index
    %get3A_78 = tpu.vector_load %arg10[%get3A_77] {strides = array<i32>} : memref<6272xf32, #tpu.memory_space<vmem>>, vector<16xf32>,
    %swap3A_79 = arith.constant 384 : index
    %swap3A_80 = tpu.vector_load %arg8[%swap3A_79] {strides = array<i32>} : memref<6272xf32, #tpu.memory_space<vmem>>, vector<16xf32>,
    tpu.vector_store %arg8[%swap3A_79], %get3A_78 {strides = array<i32>} : memref<6272xf32, #tpu.memory_space<vmem>>, vector<16xf32>,
    %get3A_81 = arith.constant 768 : index
    %get3A_82 = tpu.vector_load %arg11[%get3A_81] {strides = array<i32>} : memref<6272xi32, #tpu.memory_space<vmem>>, vector<16xi32>,
    %swap3A_83 = arith.constant 384 : index
    %swap3A_84 = tpu.vector_load %arg9[%swap3A_83] {strides = array<i32>} : memref<6272xi32, #tpu.memory_space<vmem>>, vector<16xi32>,
    tpu.vector_store %arg9[%swap3A_83], %get3A_82 {strides = array<i32>} : memref<6272xi32, #tpu.memory_space<vmem>>, vector<16xi32>,
    %get3A_85 = arith.constant 784 : index
    %get3A_86 = tpu.vector_load %arg10[%get3A_85] {strides = array<i32>} : memref<6272xf32, #tpu.memory_space<vmem>>, vector<16xf32>,
    %swap3A_87 = arith.constant 400 : index
    %swap3A_88 = tpu.vector_load %arg8[%swap3A_87] {strides = array<i32>} : memref<6272xf32, #tpu.memory_space<vmem>>, vector<16xf32>,
    tpu.vector_store %arg8[%swap3A_87], %get3A_86 {strides = array<i32>} : memref<6272xf32, #tpu.memory_space<vmem>>, vector<16xf32>,
    %get3A_89 = arith.constant 784 : index
    %get3A_90 = tpu.vector_load %arg11[%get3A_89] {strides = array<i32>} : memref<6272xi32, #tpu.memory_space<vmem>>, vector<16xi32>,
    %swap3A_91 = arith.constant 400 : index
    %swap3A_92 = tpu.vector_load %arg9[%swap3A_91] {strides = array<i32>} : memref<6272xi32, #tpu.memory_space<vmem>>, vector<16xi32>,
    tpu.vector_store %arg9[%swap3A_91], %get3A_90 {strides = array<i32>} : memref<6272xi32, #tpu.memory_space<vmem>>, vector<16xi32>,
    %get3A_93 = arith.constant 800 : index
    %get3A_94 = tpu.vector_load %arg10[%get3A_93] {strides = array<i32>} : memref<6272xf32, #tpu.memory_space<vmem>>, vector<16xf32>,
    %swap3A_95 = arith.constant 416 : index
    %swap3A_96 = tpu.vector_load %arg8[%swap3A_95] {strides = array<i32>} : memref<6272xf32, #tpu.memory_space<vmem>>, vector<16xf32>,
    tpu.vector_store %arg8[%swap3A_95], %get3A_94 {strides = array<i32>} : memref<6272xf32, #tpu.memory_space<vmem>>, vector<16xf32>,
    %get3A_97 = arith.constant 800 : index
    %get3A_98 = tpu.vector_load %arg11[%get3A_97] {strides = array<i32>} : memref<6272xi32, #tpu.memory_space<vmem>>, vector<16xi32>,
    %swap3A_99 = arith.constant 416 : index
    %swap3A_100 = tpu.vector_load %arg9[%swap3A_99] {strides = array<i32>} : memref<6272xi32, #tpu.memory_space<vmem>>, vector<16xi32>,
    tpu.vector_store %arg9[%swap3A_99], %get3A_98 {strides = array<i32>} : memref<6272xi32, #tpu.memory_space<vmem>>, vector<16xi32>,
    %get3A_101 = arith.constant 816 : index
    %get3A_102 = tpu.vector_load %arg10[%get3A_101] {strides = array<i32>} : memref<6272xf32, #tpu.memory_space<vmem>>, vector<16xf32>,
    %swap3A_103 = arith.constant 432 : index
    %swap3A_104 = tpu.vector_load %arg8[%swap3A_103] {strides = array<i32>} : memref<6272xf32, #tpu.memory_space<vmem>>, vector<16xf32>,
    tpu.vector_store %arg8[%swap3A_103], %get3A_102 {strides = array<i32>} : memref<6272xf32, #tpu.memory_space<vmem>>, vector<16xf32>,
    %get3A_105 = arith.constant 816 : index
    %get3A_106 = tpu.vector_load %arg11[%get3A_105] {strides = array<i32>} : memref<6272xi32, #tpu.memory_space<vmem>>, vector<16xi32>,
    %swap3A_107 = arith.constant 432 : index
    %swap3A_108 = tpu.vector_load %arg9[%swap3A_107] {strides = array<i32>} : memref<6272xi32, #tpu.memory_space<vmem>>, vector<16xi32>,
    tpu.vector_store %arg9[%swap3A_107], %get3A_106 {strides = array<i32>} : memref<6272xi32, #tpu.memory_space<vmem>>, vector<16xi32>,
    %parallel_loop3A_109 = arith.constant 0 : i32
    %parallel_loop3A_110 = arith.constant 3 : i32
    %parallel_loop3A_111 = arith.constant 1 : i32
    scf.for %parallel_loop3A_156 = %parallel_loop3A_109 to %parallel_loop3A_110 step %parallel_loop3A_111  : i32 {
      %parallel_loop3A_157 = arith.constant 2 : i32
      %parallel_loop3A_158 = arith.muli %parallel_loop3A_157, %parallel_loop3A_156 : i32
      %parallel_loop3A_159 = arith.constant 64 : i32
      %parallel_loop3A_160 = arith.muli %parallel_loop3A_158, %parallel_loop3A_159 : i32
      %parallel_loop3A_161 = arith.constant 2 : i32
      %parallel_loop3A_162 = arith.muli %parallel_loop3A_161, %parallel_loop3A_156 : i32
      %parallel_loop3A_163 = arith.constant 1 : i32
      %parallel_loop3A_164 = arith.addi %parallel_loop3A_162, %parallel_loop3A_163 : i32
      %parallel_loop3A_165 = arith.constant 64 : i32
      %parallel_loop3A_166 = arith.muli %parallel_loop3A_164, %parallel_loop3A_165 : i32
      %parallel_loop3A_167 = arith.constant 64 : i32
      %parallel_loop3A_168 = arith.muli %parallel_loop3A_156, %parallel_loop3A_167 : i32
      %parallel_loop3A_169 = arith.constant 0 : i32
      %parallel_loop3A_170 = arith.addi %parallel_loop3A_160, %parallel_loop3A_169 : i32
      %parallel_loop3A_171 = arith.index_cast %parallel_loop3A_170 : i32 to index
      %parallel_loop3A_172 = tpu.vector_load %arg8[%parallel_loop3A_171] {strides = array<i32>} : memref<6272xf32, #tpu.memory_space<vmem>>, vector<16xf32>,
      %parallel_loop3A_173 = arith.constant 16 : i32
      %parallel_loop3A_174 = arith.addi %parallel_loop3A_160, %parallel_loop3A_173 : i32
      %parallel_loop3A_175 = arith.index_cast %parallel_loop3A_174 : i32 to index
      %parallel_loop3A_176 = tpu.vector_load %arg8[%parallel_loop3A_175] {strides = array<i32>} : memref<6272xf32, #tpu.memory_space<vmem>>, vector<16xf32>,
      %parallel_loop3A_177 = arith.constant 32 : i32
      %parallel_loop3A_178 = arith.addi %parallel_loop3A_160, %parallel_loop3A_177 : i32
      %parallel_loop3A_179 = arith.index_cast %parallel_loop3A_178 : i32 to index
      %parallel_loop3A_180 = tpu.vector_load %arg8[%parallel_loop3A_179] {strides = array<i32>} : memref<6272xf32, #tpu.memory_space<vmem>>, vector<16xf32>,
      %parallel_loop3A_181 = arith.constant 48 : i32
      %parallel_loop3A_182 = arith.addi %parallel_loop3A_160, %parallel_loop3A_181 : i32
      %parallel_loop3A_183 = arith.index_cast %parallel_loop3A_182 : i32 to index
      %parallel_loop3A_184 = tpu.vector_load %arg8[%parallel_loop3A_183] {strides = array<i32>} : memref<6272xf32, #tpu.memory_space<vmem>>, vector<16xf32>,
      %parallel_loop3A_185 = arith.constant 0 : i32
      %parallel_loop3A_186 = arith.addi %parallel_loop3A_160, %parallel_loop3A_185 : i32
      %parallel_loop3A_187 = arith.index_cast %parallel_loop3A_186 : i32 to index
      %parallel_loop3A_188 = tpu.vector_load %arg9[%parallel_loop3A_187] {strides = array<i32>} : memref<6272xi32, #tpu.memory_space<vmem>>, vector<16xi32>,
      %parallel_loop3A_189 = arith.constant 16 : i32
      %parallel_loop3A_190 = arith.addi %parallel_loop3A_160, %parallel_loop3A_189 : i32
      %parallel_loop3A_191 = arith.index_cast %parallel_loop3A_190 : i32 to index
      %parallel_loop3A_192 = tpu.vector_load %arg9[%parallel_loop3A_191] {strides = array<i32>} : memref<6272xi32, #tpu.memory_space<vmem>>, vector<16xi32>,
      %parallel_loop3A_193 = arith.constant 32 : i32
      %parallel_loop3A_194 = arith.addi %parallel_loop3A_160, %parallel_loop3A_193 : i32
      %parallel_loop3A_195 = arith.index_cast %parallel_loop3A_194 : i32 to index
      %parallel_loop3A_196 = tpu.vector_load %arg9[%parallel_loop3A_195] {strides = array<i32>} : memref<6272xi32, #tpu.memory_space<vmem>>, vector<16xi32>,
      %parallel_loop3A_197 = arith.constant 48 : i32
      %parallel_loop3A_198 = arith.addi %parallel_loop3A_160, %parallel_loop3A_197 : i32
      %parallel_loop3A_199 = arith.index_cast %parallel_loop3A_198 : i32 to index
      %parallel_loop3A_200 = tpu.vector_load %arg9[%parallel_loop3A_199] {strides = array<i32>} : memref<6272xi32, #tpu.memory_space<vmem>>, vector<16xi32>,
      %parallel_loop3A_201 = arith.constant 0 : i32
      %parallel_loop3A_202 = arith.addi %parallel_loop3A_166, %parallel_loop3A_201 : i32
      %parallel_loop3A_203 = arith.index_cast %parallel_loop3A_202 : i32 to index
      %parallel_loop3A_204 = tpu.vector_load %arg8[%parallel_loop3A_203] {strides = array<i32>} : memref<6272xf32, #tpu.memory_space<vmem>>, vector<16xf32>,
      %parallel_loop3A_205 = arith.constant 16 : i32
      %parallel_loop3A_206 = arith.addi %parallel_loop3A_166, %parallel_loop3A_205 : i32
      %parallel_loop3A_207 = arith.index_cast %parallel_loop3A_206 : i32 to index
      %parallel_loop3A_208 = tpu.vector_load %arg8[%parallel_loop3A_207] {strides = array<i32>} : memref<6272xf32, #tpu.memory_space<vmem>>, vector<16xf32>,
      %parallel_loop3A_209 = arith.constant 32 : i32
      %parallel_loop3A_210 = arith.addi %parallel_loop3A_166, %parallel_loop3A_209 : i32
      %parallel_loop3A_211 = arith.index_cast %parallel_loop3A_210 : i32 to index
      %parallel_loop3A_212 = tpu.vector_load %arg8[%parallel_loop3A_211] {strides = array<i32>} : memref<6272xf32, #tpu.memory_space<vmem>>, vector<16xf32>,
      %parallel_loop3A_213 = arith.constant 48 : i32
      %parallel_loop3A_214 = arith.addi %parallel_loop3A_166, %parallel_loop3A_213 : i32
      %parallel_loop3A_215 = arith.index_cast %parallel_loop3A_214 : i32 to index
      %parallel_loop3A_216 = tpu.vector_load %arg8[%parallel_loop3A_215] {strides = array<i32>} : memref<6272xf32, #tpu.memory_space<vmem>>, vector<16xf32>,
      %parallel_loop3A_217 = arith.constant 0 : i32
      %parallel_loop3A_218 = arith.addi %parallel_loop3A_166, %parallel_loop3A_217 : i32
      %parallel_loop3A_219 = arith.index_cast %parallel_loop3A_218 : i32 to index
      %parallel_loop3A_220 = tpu.vector_load %arg9[%parallel_loop3A_219] {strides = array<i32>} : memref<6272xi32, #tpu.memory_space<vmem>>, vector<16xi32>,
      %parallel_loop3A_221 = arith.constant 16 : i32
      %parallel_loop3A_222 = arith.addi %parallel_loop3A_166, %parallel_loop3A_221 : i32
      %parallel_loop3A_223 = arith.index_cast %parallel_loop3A_222 : i32 to index
      %parallel_loop3A_224 = tpu.vector_load %arg9[%parallel_loop3A_223] {strides = array<i32>} : memref<6272xi32, #tpu.memory_space<vmem>>, vector<16xi32>,
      %parallel_loop3A_225 = arith.constant 32 : i32
      %parallel_loop3A_226 = arith.addi %parallel_loop3A_166, %parallel_loop3A_225 : i32
      %parallel_loop3A_227 = arith.index_cast %parallel_loop3A_226 : i32 to index
      %parallel_loop3A_228 = tpu.vector_load %arg9[%parallel_loop3A_227] {strides = array<i32>} : memref<6272xi32, #tpu.memory_space<vmem>>, vector<16xi32>,
      %parallel_loop3A_229 = arith.constant 48 : i32
      %parallel_loop3A_230 = arith.addi %parallel_loop3A_166, %parallel_loop3A_229 : i32
      %parallel_loop3A_231 = arith.index_cast %parallel_loop3A_230 : i32 to index
      %parallel_loop3A_232 = tpu.vector_load %arg9[%parallel_loop3A_231] {strides = array<i32>} : memref<6272xi32, #tpu.memory_space<vmem>>, vector<16xi32>,
      %parallel_loop3A_233 = arith.constant 15 : i32
      %parallel_loop3A_234 = vector.broadcast %parallel_loop3A_233 : i32 to vector<16xi32>
      %parallel_loop3A_235 = tpu.iota {dimensions = array<i32: 0>} : vector<16xi32>
      %parallel_loop3A_236 = arith.subi %parallel_loop3A_234, %parallel_loop3A_235 : vector<16xi32>
      %parallel_loop3A_237 = tpu.dynamic_gather %parallel_loop3A_216[%parallel_loop3A_236] in [0] : vector<16xf32>, vector<16xi32> -> vector<16xf32>
      %parallel_loop3A_238 = arith.constant 15 : i32
      %parallel_loop3A_239 = vector.broadcast %parallel_loop3A_238 : i32 to vector<16xi32>
      %parallel_loop3A_240 = tpu.iota {dimensions = array<i32: 0>} : vector<16xi32>
      %parallel_loop3A_241 = arith.subi %parallel_loop3A_239, %parallel_loop3A_240 : vector<16xi32>
      %parallel_loop3A_242 = tpu.dynamic_gather %parallel_loop3A_212[%parallel_loop3A_241] in [0] : vector<16xf32>, vector<16xi32> -> vector<16xf32>
      %parallel_loop3A_243 = arith.constant 15 : i32
      %parallel_loop3A_244 = vector.broadcast %parallel_loop3A_243 : i32 to vector<16xi32>
      %parallel_loop3A_245 = tpu.iota {dimensions = array<i32: 0>} : vector<16xi32>
      %parallel_loop3A_246 = arith.subi %parallel_loop3A_244, %parallel_loop3A_245 : vector<16xi32>
      %parallel_loop3A_247 = tpu.dynamic_gather %parallel_loop3A_208[%parallel_loop3A_246] in [0] : vector<16xf32>, vector<16xi32> -> vector<16xf32>
      %parallel_loop3A_248 = arith.constant 15 : i32
      %parallel_loop3A_249 = vector.broadcast %parallel_loop3A_248 : i32 to vector<16xi32>
      %parallel_loop3A_250 = tpu.iota {dimensions = array<i32: 0>} : vector<16xi32>
      %parallel_loop3A_251 = arith.subi %parallel_loop3A_249, %parallel_loop3A_250 : vector<16xi32>
      %parallel_loop3A_252 = tpu.dynamic_gather %parallel_loop3A_204[%parallel_loop3A_251] in [0] : vector<16xf32>, vector<16xi32> -> vector<16xf32>
      %parallel_loop3A_253 = arith.constant 15 : i32
      %parallel_loop3A_254 = vector.broadcast %parallel_loop3A_253 : i32 to vector<16xi32>
      %parallel_loop3A_255 = tpu.iota {dimensions = array<i32: 0>} : vector<16xi32>
      %parallel_loop3A_256 = arith.subi %parallel_loop3A_254, %parallel_loop3A_255 : vector<16xi32>
      %parallel_loop3A_257 = tpu.dynamic_gather %parallel_loop3A_232[%parallel_loop3A_256] in [0] : vector<16xi32>, vector<16xi32> -> vector<16xi32>
      %parallel_loop3A_258 = arith.constant 15 : i32
      %parallel_loop3A_259 = vector.broadcast %parallel_loop3A_258 : i32 to vector<16xi32>
      %parallel_loop3A_260 = tpu.iota {dimensions = array<i32: 0>} : vector<16xi32>
      %parallel_loop3A_261 = arith.subi %parallel_loop3A_259, %parallel_loop3A_260 : vector<16xi32>
      %parallel_loop3A_262 = tpu.dynamic_gather %parallel_loop3A_228[%parallel_loop3A_261] in [0] : vector<16xi32>, vector<16xi32> -> vector<16xi32>
      %parallel_loop3A_263 = arith.constant 15 : i32
      %parallel_loop3A_264 = vector.broadcast %parallel_loop3A_263 : i32 to vector<16xi32>
      %parallel_loop3A_265 = tpu.iota {dimensions = array<i32: 0>} : vector<16xi32>
      %parallel_loop3A_266 = arith.subi %parallel_loop3A_264, %parallel_loop3A_265 : vector<16xi32>
      %parallel_loop3A_267 = tpu.dynamic_gather %parallel_loop3A_224[%parallel_loop3A_266] in [0] : vector<16xi32>, vector<16xi32> -> vector<16xi32>
      %parallel_loop3A_268 = arith.constant 15 : i32
      %parallel_loop3A_269 = vector.broadcast %parallel_loop3A_268 : i32 to vector<16xi32>
      %parallel_loop3A_270 = tpu.iota {dimensions = array<i32: 0>} : vector<16xi32>
      %parallel_loop3A_271 = arith.subi %parallel_loop3A_269, %parallel_loop3A_270 : vector<16xi32>
      %parallel_loop3A_272 = tpu.dynamic_gather %parallel_loop3A_220[%parallel_loop3A_271] in [0] : vector<16xi32>, vector<16xi32> -> vector<16xi32>
      %parallel_loop3A_273 = arith.cmpf oge, %parallel_loop3A_172, %parallel_loop3A_237 : vector<16xf32>
      %parallel_loop3A_274 = arith.select %parallel_loop3A_273, %parallel_loop3A_172, %parallel_loop3A_237 : vector<16xi1>, vector<16xf32>
      %parallel_loop3A_275 = arith.select %parallel_loop3A_273, %parallel_loop3A_188, %parallel_loop3A_257 : vector<16xi1>, vector<16xi32>
      %parallel_loop3A_276 = arith.cmpf oge, %parallel_loop3A_176, %parallel_loop3A_242 : vector<16xf32>
      %parallel_loop3A_277 = arith.select %parallel_loop3A_276, %parallel_loop3A_176, %parallel_loop3A_242 : vector<16xi1>, vector<16xf32>
      %parallel_loop3A_278 = arith.select %parallel_loop3A_276, %parallel_loop3A_192, %parallel_loop3A_262 : vector<16xi1>, vector<16xi32>
      %parallel_loop3A_279 = arith.cmpf oge, %parallel_loop3A_180, %parallel_loop3A_247 : vector<16xf32>
      %parallel_loop3A_280 = arith.select %parallel_loop3A_279, %parallel_loop3A_180, %parallel_loop3A_247 : vector<16xi1>, vector<16xf32>
      %parallel_loop3A_281 = arith.select %parallel_loop3A_279, %parallel_loop3A_196, %parallel_loop3A_267 : vector<16xi1>, vector<16xi32>
      %parallel_loop3A_282 = arith.cmpf oge, %parallel_loop3A_184, %parallel_loop3A_252 : vector<16xf32>
      %parallel_loop3A_283 = arith.select %parallel_loop3A_282, %parallel_loop3A_184, %parallel_loop3A_252 : vector<16xi1>, vector<16xf32>
      %parallel_loop3A_284 = arith.select %parallel_loop3A_282, %parallel_loop3A_200, %parallel_loop3A_272 : vector<16xi1>, vector<16xi32>
      %parallel_loop3A_285 = arith.cmpf ole, %parallel_loop3A_274, %parallel_loop3A_280 : vector<16xf32>
      %parallel_loop3A_286 = arith.select %parallel_loop3A_285, %parallel_loop3A_274, %parallel_loop3A_280 : vector<16xi1>, vector<16xf32>
      %parallel_loop3A_287 = arith.select %parallel_loop3A_285, %parallel_loop3A_275, %parallel_loop3A_281 : vector<16xi1>, vector<16xi32>
      %parallel_loop3A_288 = arith.select %parallel_loop3A_285, %parallel_loop3A_280, %parallel_loop3A_274 : vector<16xi1>, vector<16xf32>
      %parallel_loop3A_289 = arith.select %parallel_loop3A_285, %parallel_loop3A_281, %parallel_loop3A_275 : vector<16xi1>, vector<16xi32>
      %parallel_loop3A_290 = arith.cmpf ole, %parallel_loop3A_277, %parallel_loop3A_283 : vector<16xf32>
      %parallel_loop3A_291 = arith.select %parallel_loop3A_290, %parallel_loop3A_277, %parallel_loop3A_283 : vector<16xi1>, vector<16xf32>
      %parallel_loop3A_292 = arith.select %parallel_loop3A_290, %parallel_loop3A_278, %parallel_loop3A_284 : vector<16xi1>, vector<16xi32>
      %parallel_loop3A_293 = arith.select %parallel_loop3A_290, %parallel_loop3A_283, %parallel_loop3A_277 : vector<16xi1>, vector<16xf32>
      %parallel_loop3A_294 = arith.select %parallel_loop3A_290, %parallel_loop3A_284, %parallel_loop3A_278 : vector<16xi1>, vector<16xi32>
      %parallel_loop3A_295 = arith.cmpf ole, %parallel_loop3A_286, %parallel_loop3A_291 : vector<16xf32>
      %parallel_loop3A_296 = arith.select %parallel_loop3A_295, %parallel_loop3A_286, %parallel_loop3A_291 : vector<16xi1>, vector<16xf32>
      %parallel_loop3A_297 = arith.select %parallel_loop3A_295, %parallel_loop3A_287, %parallel_loop3A_292 : vector<16xi1>, vector<16xi32>
      %parallel_loop3A_298 = arith.select %parallel_loop3A_295, %parallel_loop3A_291, %parallel_loop3A_286 : vector<16xi1>, vector<16xf32>
      %parallel_loop3A_299 = arith.select %parallel_loop3A_295, %parallel_loop3A_292, %parallel_loop3A_287 : vector<16xi1>, vector<16xi32>
      %parallel_loop3A_300 = arith.cmpf ole, %parallel_loop3A_288, %parallel_loop3A_293 : vector<16xf32>
      %parallel_loop3A_301 = arith.select %parallel_loop3A_300, %parallel_loop3A_288, %parallel_loop3A_293 : vector<16xi1>, vector<16xf32>
      %parallel_loop3A_302 = arith.select %parallel_loop3A_300, %parallel_loop3A_289, %parallel_loop3A_294 : vector<16xi1>, vector<16xi32>
      %parallel_loop3A_303 = arith.select %parallel_loop3A_300, %parallel_loop3A_293, %parallel_loop3A_288 : vector<16xi1>, vector<16xf32>
      %parallel_loop3A_304 = arith.select %parallel_loop3A_300, %parallel_loop3A_294, %parallel_loop3A_289 : vector<16xi1>, vector<16xi32>
      %parallel_loop3A_305 = arith.constant dense<true> : vector<16xi1>
      %parallel_loop3A_306, %parallel_loop3A_307, %parallel_loop3A_308 = tpu.sort %parallel_loop3A_296, %parallel_loop3A_297 masked %parallel_loop3A_305 : (vector<16xf32>, vector<16xi32>, vector<16xi1>) -> (vector<16xi1>, vector<16xf32>, vector<16xi32>)
      %parallel_loop3A_309 = arith.constant dense<true> : vector<16xi1>
      %parallel_loop3A_310, %parallel_loop3A_311, %parallel_loop3A_312 = tpu.sort %parallel_loop3A_298, %parallel_loop3A_299 masked %parallel_loop3A_309 : (vector<16xf32>, vector<16xi32>, vector<16xi1>) -> (vector<16xi1>, vector<16xf32>, vector<16xi32>)
      %parallel_loop3A_313 = arith.constant dense<true> : vector<16xi1>
      %parallel_loop3A_314, %parallel_loop3A_315, %parallel_loop3A_316 = tpu.sort %parallel_loop3A_301, %parallel_loop3A_302 masked %parallel_loop3A_313 : (vector<16xf32>, vector<16xi32>, vector<16xi1>) -> (vector<16xi1>, vector<16xf32>, vector<16xi32>)
      %parallel_loop3A_317 = arith.constant dense<true> : vector<16xi1>
      %parallel_loop3A_318, %parallel_loop3A_319, %parallel_loop3A_320 = tpu.sort %parallel_loop3A_303, %parallel_loop3A_304 masked %parallel_loop3A_317 : (vector<16xf32>, vector<16xi32>, vector<16xi1>) -> (vector<16xi1>, vector<16xf32>, vector<16xi32>)
      %parallel_loop3A_321 = arith.constant 0 : i32
      %parallel_loop3A_322 = arith.addi %parallel_loop3A_168, %parallel_loop3A_321 : i32
      %parallel_loop3A_323 = arith.index_cast %parallel_loop3A_322 : i32 to index
      %parallel_loop3A_324 = tpu.vector_load %arg10[%parallel_loop3A_323] {strides = array<i32>} : memref<6272xf32, #tpu.memory_space<vmem>>, vector<16xf32>,
      tpu.vector_store %arg10[%parallel_loop3A_323], %parallel_loop3A_307 {strides = array<i32>} : memref<6272xf32, #tpu.memory_space<vmem>>, vector<16xf32>,
      %parallel_loop3A_325 = arith.constant 0 : i32
      %parallel_loop3A_326 = arith.addi %parallel_loop3A_168, %parallel_loop3A_325 : i32
      %parallel_loop3A_327 = arith.index_cast %parallel_loop3A_326 : i32 to index
      %parallel_loop3A_328 = tpu.vector_load %arg11[%parallel_loop3A_327] {strides = array<i32>} : memref<6272xi32, #tpu.memory_space<vmem>>, vector<16xi32>,
      tpu.vector_store %arg11[%parallel_loop3A_327], %parallel_loop3A_308 {strides = array<i32>} : memref<6272xi32, #tpu.memory_space<vmem>>, vector<16xi32>,
      %parallel_loop3A_329 = arith.constant 16 : i32
      %parallel_loop3A_330 = arith.addi %parallel_loop3A_168, %parallel_loop3A_329 : i32
      %parallel_loop3A_331 = arith.index_cast %parallel_loop3A_330 : i32 to index
      %parallel_loop3A_332 = tpu.vector_load %arg10[%parallel_loop3A_331] {strides = array<i32>} : memref<6272xf32, #tpu.memory_space<vmem>>, vector<16xf32>,
      tpu.vector_store %arg10[%parallel_loop3A_331], %parallel_loop3A_311 {strides = array<i32>} : memref<6272xf32, #tpu.memory_space<vmem>>, vector<16xf32>,
      %parallel_loop3A_333 = arith.constant 16 : i32
      %parallel_loop3A_334 = arith.addi %parallel_loop3A_168, %parallel_loop3A_333 : i32
      %parallel_loop3A_335 = arith.index_cast %parallel_loop3A_334 : i32 to index
      %parallel_loop3A_336 = tpu.vector_load %arg11[%parallel_loop3A_335] {strides = array<i32>} : memref<6272xi32, #tpu.memory_space<vmem>>, vector<16xi32>,
      tpu.vector_store %arg11[%parallel_loop3A_335], %parallel_loop3A_312 {strides = array<i32>} : memref<6272xi32, #tpu.memory_space<vmem>>, vector<16xi32>,
      %parallel_loop3A_337 = arith.constant 32 : i32
      %parallel_loop3A_338 = arith.addi %parallel_loop3A_168, %parallel_loop3A_337 : i32
      %parallel_loop3A_339 = arith.index_cast %parallel_loop3A_338 : i32 to index
      %parallel_loop3A_340 = tpu.vector_load %arg10[%parallel_loop3A_339] {strides = array<i32>} : memref<6272xf32, #tpu.memory_space<vmem>>, vector<16xf32>,
      tpu.vector_store %arg10[%parallel_loop3A_339], %parallel_loop3A_315 {strides = array<i32>} : memref<6272xf32, #tpu.memory_space<vmem>>, vector<16xf32>,
      %parallel_loop3A_341 = arith.constant 32 : i32
      %parallel_loop3A_342 = arith.addi %parallel_loop3A_168, %parallel_loop3A_341 : i32
      %parallel_loop3A_343 = arith.index_cast %parallel_loop3A_342 : i32 to index
      %parallel_loop3A_344 = tpu.vector_load %arg11[%parallel_loop3A_343] {strides = array<i32>} : memref<6272xi32, #tpu.memory_space<vmem>>, vector<16xi32>,
      tpu.vector_store %arg11[%parallel_loop3A_343], %parallel_loop3A_316 {strides = array<i32>} : memref<6272xi32, #tpu.memory_space<vmem>>, vector<16xi32>,
      %parallel_loop3A_345 = arith.constant 48 : i32
      %parallel_loop3A_346 = arith.addi %parallel_loop3A_168, %parallel_loop3A_345 : i32
      %parallel_loop3A_347 = arith.index_cast %parallel_loop3A_346 : i32 to index
      %parallel_loop3A_348 = tpu.vector_load %arg10[%parallel_loop3A_347] {strides = array<i32>} : memref<6272xf32, #tpu.memory_space<vmem>>, vector<16xf32>,
      tpu.vector_store %arg10[%parallel_loop3A_347], %parallel_loop3A_319 {strides = array<i32>} : memref<6272xf32, #tpu.memory_space<vmem>>, vector<16xf32>,
      %parallel_loop3A_349 = arith.constant 48 : i32
      %parallel_loop3A_350 = arith.addi %parallel_loop3A_168, %parallel_loop3A_349 : i32
      %parallel_loop3A_351 = arith.index_cast %parallel_loop3A_350 : i32 to index
      %parallel_loop3A_352 = tpu.vector_load %arg11[%parallel_loop3A_351] {strides = array<i32>} : memref<6272xi32, #tpu.memory_space<vmem>>, vector<16xi32>,
      tpu.vector_store %arg11[%parallel_loop3A_351], %parallel_loop3A_320 {strides = array<i32>} : memref<6272xi32, #tpu.memory_space<vmem>>, vector<16xi32>,
    } {sc.loop_unroll_factor = 2 : i64, sc.parallel_access}
    %get3A_112 = arith.constant 384 : index
    %get3A_113 = tpu.vector_load %arg8[%get3A_112] {strides = array<i32>} : memref<6272xf32, #tpu.memory_space<vmem>>, vector<16xf32>,
    %swap3A_114 = arith.constant 192 : index
    %swap3A_115 = tpu.vector_load %arg10[%swap3A_114] {strides = array<i32>} : memref<6272xf32, #tpu.memory_space<vmem>>, vector<16xf32>,
    tpu.vector_store %arg10[%swap3A_114], %get3A_113 {strides = array<i32>} : memref<6272xf32, #tpu.memory_space<vmem>>, vector<16xf32>,
    %get3A_116 = arith.constant 384 : index
    %get3A_117 = tpu.vector_load %arg9[%get3A_116] {strides = array<i32>} : memref<6272xi32, #tpu.memory_space<vmem>>, vector<16xi32>,
    %swap3A_118 = arith.constant 192 : index
    %swap3A_119 = tpu.vector_load %arg11[%swap3A_118] {strides = array<i32>} : memref<6272xi32, #tpu.memory_space<vmem>>, vector<16xi32>,
    tpu.vector_store %arg11[%swap3A_118], %get3A_117 {strides = array<i32>} : memref<6272xi32, #tpu.memory_space<vmem>>, vector<16xi32>,
    %get3A_120 = arith.constant 400 : index
    %get3A_121 = tpu.vector_load %arg8[%get3A_120] {strides = array<i32>} : memref<6272xf32, #tpu.memory_space<vmem>>, vector<16xf32>,
    %swap3A_122 = arith.constant 208 : index
    %swap3A_123 = tpu.vector_load %arg10[%swap3A_122] {strides = array<i32>} : memref<6272xf32, #tpu.memory_space<vmem>>, vector<16xf32>,
    tpu.vector_store %arg10[%swap3A_122], %get3A_121 {strides = array<i32>} : memref<6272xf32, #tpu.memory_space<vmem>>, vector<16xf32>,
    %get3A_124 = arith.constant 400 : index
    %get3A_125 = tpu.vector_load %arg9[%get3A_124] {strides = array<i32>} : memref<6272xi32, #tpu.memory_space<vmem>>, vector<16xi32>,
    %swap3A_126 = arith.constant 208 : index
    %swap3A_127 = tpu.vector_load %arg11[%swap3A_126] {strides = array<i32>} : memref<6272xi32, #tpu.memory_space<vmem>>, vector<16xi32>,
    tpu.vector_store %arg11[%swap3A_126], %get3A_125 {strides = array<i32>} : memref<6272xi32, #tpu.memory_space<vmem>>, vector<16xi32>,
    %get3A_128 = arith.constant 416 : index
    %get3A_129 = tpu.vector_load %arg8[%get3A_128] {strides = array<i32>} : memref<6272xf32, #tpu.memory_space<vmem>>, vector<16xf32>,
    %swap3A_130 = arith.constant 224 : index
    %swap3A_131 = tpu.vector_load %arg10[%swap3A_130] {strides = array<i32>} : memref<6272xf32, #tpu.memory_space<vmem>>, vector<16xf32>,
    tpu.vector_store %arg10[%swap3A_130], %get3A_129 {strides = array<i32>} : memref<6272xf32, #tpu.memory_space<vmem>>, vector<16xf32>,
    %get3A_132 = arith.constant 416 : index
    %get3A_133 = tpu.vector_load %arg9[%get3A_132] {strides = array<i32>} : memref<6272xi32, #tpu.memory_space<vmem>>, vector<16xi32>,
    %swap3A_134 = arith.constant 224 : index
    %swap3A_135 = tpu.vector_load %arg11[%swap3A_134] {strides = array<i32>} : memref<6272xi32, #tpu.memory_space<vmem>>, vector<16xi32>,
    tpu.vector_store %arg11[%swap3A_134], %get3A_133 {strides = array<i32>} : memref<6272xi32, #tpu.memory_space<vmem>>, vector<16xi32>,
    %get3A_136 = arith.constant 432 : index
    %get3A_137 = tpu.vector_load %arg8[%get3A_136] {strides = array<i32>} : memref<6272xf32, #tpu.memory_space<vmem>>, vector<16xf32>,
    %swap3A_138 = arith.constant 240 : index
    %swap3A_139 = tpu.vector_load %arg10[%swap3A_138] {strides = array<i32>} : memref<6272xf32, #tpu.memory_space<vmem>>, vector<16xf32>,
    tpu.vector_store %arg10[%swap3A_138], %get3A_137 {strides = array<i32>} : memref<6272xf32, #tpu.memory_space<vmem>>, vector<16xf32>,
    %get3A_140 = arith.constant 432 : index
    %get3A_141 = tpu.vector_load %arg9[%get3A_140] {strides = array<i32>} : memref<6272xi32, #tpu.memory_space<vmem>>, vector<16xi32>,
    %swap3A_142 = arith.constant 240 : index
    %swap3A_143 = tpu.vector_load %arg11[%swap3A_142] {strides = array<i32>} : memref<6272xi32, #tpu.memory_space<vmem>>, vector<16xi32>,
    tpu.vector_store %arg11[%swap3A_142], %get3A_141 {strides = array<i32>} : memref<6272xi32, #tpu.memory_space<vmem>>, vector<16xi32>,
    %parallel_loop3A_144 = arith.constant 0 : i32
    %parallel_loop3A_145 = arith.constant 2 : i32
    %parallel_loop3A_146 = arith.constant 1 : i32
    scf.for %parallel_loop3A_156 = %parallel_loop3A_144 to %parallel_loop3A_145 step %parallel_loop3A_146  : i32 {
      %parallel_loop3A_157 = arith.constant 2 : i32
      %parallel_loop3A_158 = arith.muli %parallel_loop3A_157, %parallel_loop3A_156 : i32
      %parallel_loop3A_159 = arith.constant 64 : i32
      %parallel_loop3A_160 = arith.muli %parallel_loop3A_158, %parallel_loop3A_159 : i32
      %parallel_loop3A_161 = arith.constant 2 : i32
      %parallel_loop3A_162 = arith.muli %parallel_loop3A_161, %parallel_loop3A_156 : i32
      %parallel_loop3A_163 = arith.constant 1 : i32
      %parallel_loop3A_164 = arith.addi %parallel_loop3A_162, %parallel_loop3A_163 : i32
      %parallel_loop3A_165 = arith.constant 64 : i32
      %parallel_loop3A_166 = arith.muli %parallel_loop3A_164, %parallel_loop3A_165 : i32
      %parallel_loop3A_167 = arith.constant 64 : i32
      %parallel_loop3A_168 = arith.muli %parallel_loop3A_156, %parallel_loop3A_167 : i32
      %parallel_loop3A_169 = arith.constant 0 : i32
      %parallel_loop3A_170 = arith.addi %parallel_loop3A_160, %parallel_loop3A_169 : i32
      %parallel_loop3A_171 = arith.index_cast %parallel_loop3A_170 : i32 to index
      %parallel_loop3A_172 = tpu.vector_load %arg10[%parallel_loop3A_171] {strides = array<i32>} : memref<6272xf32, #tpu.memory_space<vmem>>, vector<16xf32>,
      %parallel_loop3A_173 = arith.constant 16 : i32
      %parallel_loop3A_174 = arith.addi %parallel_loop3A_160, %parallel_loop3A_173 : i32
      %parallel_loop3A_175 = arith.index_cast %parallel_loop3A_174 : i32 to index
      %parallel_loop3A_176 = tpu.vector_load %arg10[%parallel_loop3A_175] {strides = array<i32>} : memref<6272xf32, #tpu.memory_space<vmem>>, vector<16xf32>,
      %parallel_loop3A_177 = arith.constant 32 : i32
      %parallel_loop3A_178 = arith.addi %parallel_loop3A_160, %parallel_loop3A_177 : i32
      %parallel_loop3A_179 = arith.index_cast %parallel_loop3A_178 : i32 to index
      %parallel_loop3A_180 = tpu.vector_load %arg10[%parallel_loop3A_179] {strides = array<i32>} : memref<6272xf32, #tpu.memory_space<vmem>>, vector<16xf32>,
      %parallel_loop3A_181 = arith.constant 48 : i32
      %parallel_loop3A_182 = arith.addi %parallel_loop3A_160, %parallel_loop3A_181 : i32
      %parallel_loop3A_183 = arith.index_cast %parallel_loop3A_182 : i32 to index
      %parallel_loop3A_184 = tpu.vector_load %arg10[%parallel_loop3A_183] {strides = array<i32>} : memref<6272xf32, #tpu.memory_space<vmem>>, vector<16xf32>,
      %parallel_loop3A_185 = arith.constant 0 : i32
      %parallel_loop3A_186 = arith.addi %parallel_loop3A_160, %parallel_loop3A_185 : i32
      %parallel_loop3A_187 = arith.index_cast %parallel_loop3A_186 : i32 to index
      %parallel_loop3A_188 = tpu.vector_load %arg11[%parallel_loop3A_187] {strides = array<i32>} : memref<6272xi32, #tpu.memory_space<vmem>>, vector<16xi32>,
      %parallel_loop3A_189 = arith.constant 16 : i32
      %parallel_loop3A_190 = arith.addi %parallel_loop3A_160, %parallel_loop3A_189 : i32
      %parallel_loop3A_191 = arith.index_cast %parallel_loop3A_190 : i32 to index
      %parallel_loop3A_192 = tpu.vector_load %arg11[%parallel_loop3A_191] {strides = array<i32>} : memref<6272xi32, #tpu.memory_space<vmem>>, vector<16xi32>,
      %parallel_loop3A_193 = arith.constant 32 : i32
      %parallel_loop3A_194 = arith.addi %parallel_loop3A_160, %parallel_loop3A_193 : i32
      %parallel_loop3A_195 = arith.index_cast %parallel_loop3A_194 : i32 to index
      %parallel_loop3A_196 = tpu.vector_load %arg11[%parallel_loop3A_195] {strides = array<i32>} : memref<6272xi32, #tpu.memory_space<vmem>>, vector<16xi32>,
      %parallel_loop3A_197 = arith.constant 48 : i32
      %parallel_loop3A_198 = arith.addi %parallel_loop3A_160, %parallel_loop3A_197 : i32
      %parallel_loop3A_199 = arith.index_cast %parallel_loop3A_198 : i32 to index
      %parallel_loop3A_200 = tpu.vector_load %arg11[%parallel_loop3A_199] {strides = array<i32>} : memref<6272xi32, #tpu.memory_space<vmem>>, vector<16xi32>,
      %parallel_loop3A_201 = arith.constant 0 : i32
      %parallel_loop3A_202 = arith.addi %parallel_loop3A_166, %parallel_loop3A_201 : i32
      %parallel_loop3A_203 = arith.index_cast %parallel_loop3A_202 : i32 to index
      %parallel_loop3A_204 = tpu.vector_load %arg10[%parallel_loop3A_203] {strides = array<i32>} : memref<6272xf32, #tpu.memory_space<vmem>>, vector<16xf32>,
      %parallel_loop3A_205 = arith.constant 16 : i32
      %parallel_loop3A_206 = arith.addi %parallel_loop3A_166, %parallel_loop3A_205 : i32
      %parallel_loop3A_207 = arith.index_cast %parallel_loop3A_206 : i32 to index
      %parallel_loop3A_208 = tpu.vector_load %arg10[%parallel_loop3A_207] {strides = array<i32>} : memref<6272xf32, #tpu.memory_space<vmem>>, vector<16xf32>,
      %parallel_loop3A_209 = arith.constant 32 : i32
      %parallel_loop3A_210 = arith.addi %parallel_loop3A_166, %parallel_loop3A_209 : i32
      %parallel_loop3A_211 = arith.index_cast %parallel_loop3A_210 : i32 to index
      %parallel_loop3A_212 = tpu.vector_load %arg10[%parallel_loop3A_211] {strides = array<i32>} : memref<6272xf32, #tpu.memory_space<vmem>>, vector<16xf32>,
      %parallel_loop3A_213 = arith.constant 48 : i32
      %parallel_loop3A_214 = arith.addi %parallel_loop3A_166, %parallel_loop3A_213 : i32
      %parallel_loop3A_215 = arith.index_cast %parallel_loop3A_214 : i32 to index
      %parallel_loop3A_216 = tpu.vector_load %arg10[%parallel_loop3A_215] {strides = array<i32>} : memref<6272xf32, #tpu.memory_space<vmem>>, vector<16xf32>,
      %parallel_loop3A_217 = arith.constant 0 : i32
      %parallel_loop3A_218 = arith.addi %parallel_loop3A_166, %parallel_loop3A_217 : i32
      %parallel_loop3A_219 = arith.index_cast %parallel_loop3A_218 : i32 to index
      %parallel_loop3A_220 = tpu.vector_load %arg11[%parallel_loop3A_219] {strides = array<i32>} : memref<6272xi32, #tpu.memory_space<vmem>>, vector<16xi32>,
      %parallel_loop3A_221 = arith.constant 16 : i32
      %parallel_loop3A_222 = arith.addi %parallel_loop3A_166, %parallel_loop3A_221 : i32
      %parallel_loop3A_223 = arith.index_cast %parallel_loop3A_222 : i32 to index
      %parallel_loop3A_224 = tpu.vector_load %arg11[%parallel_loop3A_223] {strides = array<i32>} : memref<6272xi32, #tpu.memory_space<vmem>>, vector<16xi32>,
      %parallel_loop3A_225 = arith.constant 32 : i32
      %parallel_loop3A_226 = arith.addi %parallel_loop3A_166, %parallel_loop3A_225 : i32
      %parallel_loop3A_227 = arith.index_cast %parallel_loop3A_226 : i32 to index
      %parallel_loop3A_228 = tpu.vector_load %arg11[%parallel_loop3A_227] {strides = array<i32>} : memref<6272xi32, #tpu.memory_space<vmem>>, vector<16xi32>,
      %parallel_loop3A_229 = arith.constant 48 : i32
      %parallel_loop3A_230 = arith.addi %parallel_loop3A_166, %parallel_loop3A_229 : i32
      %parallel_loop3A_231 = arith.index_cast %parallel_loop3A_230 : i32 to index
      %parallel_loop3A_232 = tpu.vector_load %arg11[%parallel_loop3A_231] {strides = array<i32>} : memref<6272xi32, #tpu.memory_space<vmem>>, vector<16xi32>,
      %parallel_loop3A_233 = arith.constant 15 : i32
      %parallel_loop3A_234 = vector.broadcast %parallel_loop3A_233 : i32 to vector<16xi32>
      %parallel_loop3A_235 = tpu.iota {dimensions = array<i32: 0>} : vector<16xi32>
      %parallel_loop3A_236 = arith.subi %parallel_loop3A_234, %parallel_loop3A_235 : vector<16xi32>
      %parallel_loop3A_237 = tpu.dynamic_gather %parallel_loop3A_216[%parallel_loop3A_236] in [0] : vector<16xf32>, vector<16xi32> -> vector<16xf32>
      %parallel_loop3A_238 = arith.constant 15 : i32
      %parallel_loop3A_239 = vector.broadcast %parallel_loop3A_238 : i32 to vector<16xi32>
      %parallel_loop3A_240 = tpu.iota {dimensions = array<i32: 0>} : vector<16xi32>
      %parallel_loop3A_241 = arith.subi %parallel_loop3A_239, %parallel_loop3A_240 : vector<16xi32>
      %parallel_loop3A_242 = tpu.dynamic_gather %parallel_loop3A_212[%parallel_loop3A_241] in [0] : vector<16xf32>, vector<16xi32> -> vector<16xf32>
      %parallel_loop3A_243 = arith.constant 15 : i32
      %parallel_loop3A_244 = vector.broadcast %parallel_loop3A_243 : i32 to vector<16xi32>
      %parallel_loop3A_245 = tpu.iota {dimensions = array<i32: 0>} : vector<16xi32>
      %parallel_loop3A_246 = arith.subi %parallel_loop3A_244, %parallel_loop3A_245 : vector<16xi32>
      %parallel_loop3A_247 = tpu.dynamic_gather %parallel_loop3A_208[%parallel_loop3A_246] in [0] : vector<16xf32>, vector<16xi32> -> vector<16xf32>
      %parallel_loop3A_248 = arith.constant 15 : i32
      %parallel_loop3A_249 = vector.broadcast %parallel_loop3A_248 : i32 to vector<16xi32>
      %parallel_loop3A_250 = tpu.iota {dimensions = array<i32: 0>} : vector<16xi32>
      %parallel_loop3A_251 = arith.subi %parallel_loop3A_249, %parallel_loop3A_250 : vector<16xi32>
      %parallel_loop3A_252 = tpu.dynamic_gather %parallel_loop3A_204[%parallel_loop3A_251] in [0] : vector<16xf32>, vector<16xi32> -> vector<16xf32>
      %parallel_loop3A_253 = arith.constant 15 : i32
      %parallel_loop3A_254 = vector.broadcast %parallel_loop3A_253 : i32 to vector<16xi32>
      %parallel_loop3A_255 = tpu.iota {dimensions = array<i32: 0>} : vector<16xi32>
      %parallel_loop3A_256 = arith.subi %parallel_loop3A_254, %parallel_loop3A_255 : vector<16xi32>
      %parallel_loop3A_257 = tpu.dynamic_gather %parallel_loop3A_232[%parallel_loop3A_256] in [0] : vector<16xi32>, vector<16xi32> -> vector<16xi32>
      %parallel_loop3A_258 = arith.constant 15 : i32
      %parallel_loop3A_259 = vector.broadcast %parallel_loop3A_258 : i32 to vector<16xi32>
      %parallel_loop3A_260 = tpu.iota {dimensions = array<i32: 0>} : vector<16xi32>
      %parallel_loop3A_261 = arith.subi %parallel_loop3A_259, %parallel_loop3A_260 : vector<16xi32>
      %parallel_loop3A_262 = tpu.dynamic_gather %parallel_loop3A_228[%parallel_loop3A_261] in [0] : vector<16xi32>, vector<16xi32> -> vector<16xi32>
      %parallel_loop3A_263 = arith.constant 15 : i32
      %parallel_loop3A_264 = vector.broadcast %parallel_loop3A_263 : i32 to vector<16xi32>
      %parallel_loop3A_265 = tpu.iota {dimensions = array<i32: 0>} : vector<16xi32>
      %parallel_loop3A_266 = arith.subi %parallel_loop3A_264, %parallel_loop3A_265 : vector<16xi32>
      %parallel_loop3A_267 = tpu.dynamic_gather %parallel_loop3A_224[%parallel_loop3A_266] in [0] : vector<16xi32>, vector<16xi32> -> vector<16xi32>
      %parallel_loop3A_268 = arith.constant 15 : i32
      %parallel_loop3A_269 = vector.broadcast %parallel_loop3A_268 : i32 to vector<16xi32>
      %parallel_loop3A_270 = tpu.iota {dimensions = array<i32: 0>} : vector<16xi32>
      %parallel_loop3A_271 = arith.subi %parallel_loop3A_269, %parallel_loop3A_270 : vector<16xi32>
      %parallel_loop3A_272 = tpu.dynamic_gather %parallel_loop3A_220[%parallel_loop3A_271] in [0] : vector<16xi32>, vector<16xi32> -> vector<16xi32>
      %parallel_loop3A_273 = arith.cmpf oge, %parallel_loop3A_172, %parallel_loop3A_237 : vector<16xf32>
      %parallel_loop3A_274 = arith.select %parallel_loop3A_273, %parallel_loop3A_172, %parallel_loop3A_237 : vector<16xi1>, vector<16xf32>
      %parallel_loop3A_275 = arith.select %parallel_loop3A_273, %parallel_loop3A_188, %parallel_loop3A_257 : vector<16xi1>, vector<16xi32>
      %parallel_loop3A_276 = arith.cmpf oge, %parallel_loop3A_176, %parallel_loop3A_242 : vector<16xf32>
      %parallel_loop3A_277 = arith.select %parallel_loop3A_276, %parallel_loop3A_176, %parallel_loop3A_242 : vector<16xi1>, vector<16xf32>
      %parallel_loop3A_278 = arith.select %parallel_loop3A_276, %parallel_loop3A_192, %parallel_loop3A_262 : vector<16xi1>, vector<16xi32>
      %parallel_loop3A_279 = arith.cmpf oge, %parallel_loop3A_180, %parallel_loop3A_247 : vector<16xf32>
      %parallel_loop3A_280 = arith.select %parallel_loop3A_279, %parallel_loop3A_180, %parallel_loop3A_247 : vector<16xi1>, vector<16xf32>
      %parallel_loop3A_281 = arith.select %parallel_loop3A_279, %parallel_loop3A_196, %parallel_loop3A_267 : vector<16xi1>, vector<16xi32>
      %parallel_loop3A_282 = arith.cmpf oge, %parallel_loop3A_184, %parallel_loop3A_252 : vector<16xf32>
      %parallel_loop3A_283 = arith.select %parallel_loop3A_282, %parallel_loop3A_184, %parallel_loop3A_252 : vector<16xi1>, vector<16xf32>
      %parallel_loop3A_284 = arith.select %parallel_loop3A_282, %parallel_loop3A_200, %parallel_loop3A_272 : vector<16xi1>, vector<16xi32>
      %parallel_loop3A_285 = arith.cmpf ole, %parallel_loop3A_274, %parallel_loop3A_280 : vector<16xf32>
      %parallel_loop3A_286 = arith.select %parallel_loop3A_285, %parallel_loop3A_274, %parallel_loop3A_280 : vector<16xi1>, vector<16xf32>
      %parallel_loop3A_287 = arith.select %parallel_loop3A_285, %parallel_loop3A_275, %parallel_loop3A_281 : vector<16xi1>, vector<16xi32>
      %parallel_loop3A_288 = arith.select %parallel_loop3A_285, %parallel_loop3A_280, %parallel_loop3A_274 : vector<16xi1>, vector<16xf32>
      %parallel_loop3A_289 = arith.select %parallel_loop3A_285, %parallel_loop3A_281, %parallel_loop3A_275 : vector<16xi1>, vector<16xi32>
      %parallel_loop3A_290 = arith.cmpf ole, %parallel_loop3A_277, %parallel_loop3A_283 : vector<16xf32>
      %parallel_loop3A_291 = arith.select %parallel_loop3A_290, %parallel_loop3A_277, %parallel_loop3A_283 : vector<16xi1>, vector<16xf32>
      %parallel_loop3A_292 = arith.select %parallel_loop3A_290, %parallel_loop3A_278, %parallel_loop3A_284 : vector<16xi1>, vector<16xi32>
      %parallel_loop3A_293 = arith.select %parallel_loop3A_290, %parallel_loop3A_283, %parallel_loop3A_277 : vector<16xi1>, vector<16xf32>
      %parallel_loop3A_294 = arith.select %parallel_loop3A_290, %parallel_loop3A_284, %parallel_loop3A_278 : vector<16xi1>, vector<16xi32>
      %parallel_loop3A_295 = arith.cmpf ole, %parallel_loop3A_286, %parallel_loop3A_291 : vector<16xf32>
      %parallel_loop3A_296 = arith.select %parallel_loop3A_295, %parallel_loop3A_286, %parallel_loop3A_291 : vector<16xi1>, vector<16xf32>
      %parallel_loop3A_297 = arith.select %parallel_loop3A_295, %parallel_loop3A_287, %parallel_loop3A_292 : vector<16xi1>, vector<16xi32>
      %parallel_loop3A_298 = arith.select %parallel_loop3A_295, %parallel_loop3A_291, %parallel_loop3A_286 : vector<16xi1>, vector<16xf32>
      %parallel_loop3A_299 = arith.select %parallel_loop3A_295, %parallel_loop3A_292, %parallel_loop3A_287 : vector<16xi1>, vector<16xi32>
      %parallel_loop3A_300 = arith.cmpf ole, %parallel_loop3A_288, %parallel_loop3A_293 : vector<16xf32>
      %parallel_loop3A_301 = arith.select %parallel_loop3A_300, %parallel_loop3A_288, %parallel_loop3A_293 : vector<16xi1>, vector<16xf32>
      %parallel_loop3A_302 = arith.select %parallel_loop3A_300, %parallel_loop3A_289, %parallel_loop3A_294 : vector<16xi1>, vector<16xi32>
      %parallel_loop3A_303 = arith.select %parallel_loop3A_300, %parallel_loop3A_293, %parallel_loop3A_288 : vector<16xi1>, vector<16xf32>
      %parallel_loop3A_304 = arith.select %parallel_loop3A_300, %parallel_loop3A_294, %parallel_loop3A_289 : vector<16xi1>, vector<16xi32>
      %parallel_loop3A_305 = arith.constant dense<true> : vector<16xi1>
      %parallel_loop3A_306, %parallel_loop3A_307, %parallel_loop3A_308 = tpu.sort %parallel_loop3A_296, %parallel_loop3A_297 masked %parallel_loop3A_305 : (vector<16xf32>, vector<16xi32>, vector<16xi1>) -> (vector<16xi1>, vector<16xf32>, vector<16xi32>)
      %parallel_loop3A_309 = arith.constant dense<true> : vector<16xi1>
      %parallel_loop3A_310, %parallel_loop3A_311, %parallel_loop3A_312 = tpu.sort %parallel_loop3A_298, %parallel_loop3A_299 masked %parallel_loop3A_309 : (vector<16xf32>, vector<16xi32>, vector<16xi1>) -> (vector<16xi1>, vector<16xf32>, vector<16xi32>)
      %parallel_loop3A_313 = arith.constant dense<true> : vector<16xi1>
      %parallel_loop3A_314, %parallel_loop3A_315, %parallel_loop3A_316 = tpu.sort %parallel_loop3A_301, %parallel_loop3A_302 masked %parallel_loop3A_313 : (vector<16xf32>, vector<16xi32>, vector<16xi1>) -> (vector<16xi1>, vector<16xf32>, vector<16xi32>)
      %parallel_loop3A_317 = arith.constant dense<true> : vector<16xi1>
      %parallel_loop3A_318, %parallel_loop3A_319, %parallel_loop3A_320 = tpu.sort %parallel_loop3A_303, %parallel_loop3A_304 masked %parallel_loop3A_317 : (vector<16xf32>, vector<16xi32>, vector<16xi1>) -> (vector<16xi1>, vector<16xf32>, vector<16xi32>)
      %parallel_loop3A_321 = arith.constant 0 : i32
      %parallel_loop3A_322 = arith.addi %parallel_loop3A_168, %parallel_loop3A_321 : i32
      %parallel_loop3A_323 = arith.index_cast %parallel_loop3A_322 : i32 to index
      %parallel_loop3A_324 = tpu.vector_load %arg8[%parallel_loop3A_323] {strides = array<i32>} : memref<6272xf32, #tpu.memory_space<vmem>>, vector<16xf32>,
      tpu.vector_store %arg8[%parallel_loop3A_323], %parallel_loop3A_307 {strides = array<i32>} : memref<6272xf32, #tpu.memory_space<vmem>>, vector<16xf32>,
      %parallel_loop3A_325 = arith.constant 0 : i32
      %parallel_loop3A_326 = arith.addi %parallel_loop3A_168, %parallel_loop3A_325 : i32
      %parallel_loop3A_327 = arith.index_cast %parallel_loop3A_326 : i32 to index
      %parallel_loop3A_328 = tpu.vector_load %arg9[%parallel_loop3A_327] {strides = array<i32>} : memref<6272xi32, #tpu.memory_space<vmem>>, vector<16xi32>,
      tpu.vector_store %arg9[%parallel_loop3A_327], %parallel_loop3A_308 {strides = array<i32>} : memref<6272xi32, #tpu.memory_space<vmem>>, vector<16xi32>,
      %parallel_loop3A_329 = arith.constant 16 : i32
      %parallel_loop3A_330 = arith.addi %parallel_loop3A_168, %parallel_loop3A_329 : i32
      %parallel_loop3A_331 = arith.index_cast %parallel_loop3A_330 : i32 to index
      %parallel_loop3A_332 = tpu.vector_load %arg8[%parallel_loop3A_331] {strides = array<i32>} : memref<6272xf32, #tpu.memory_space<vmem>>, vector<16xf32>,
      tpu.vector_store %arg8[%parallel_loop3A_331], %parallel_loop3A_311 {strides = array<i32>} : memref<6272xf32, #tpu.memory_space<vmem>>, vector<16xf32>,
      %parallel_loop3A_333 = arith.constant 16 : i32
      %parallel_loop3A_334 = arith.addi %parallel_loop3A_168, %parallel_loop3A_333 : i32
      %parallel_loop3A_335 = arith.index_cast %parallel_loop3A_334 : i32 to index
      %parallel_loop3A_336 = tpu.vector_load %arg9[%parallel_loop3A_335] {strides = array<i32>} : memref<6272xi32, #tpu.memory_space<vmem>>, vector<16xi32>,
      tpu.vector_store %arg9[%parallel_loop3A_335], %parallel_loop3A_312 {strides = array<i32>} : memref<6272xi32, #tpu.memory_space<vmem>>, vector<16xi32>,
      %parallel_loop3A_337 = arith.constant 32 : i32
      %parallel_loop3A_338 = arith.addi %parallel_loop3A_168, %parallel_loop3A_337 : i32
      %parallel_loop3A_339 = arith.index_cast %parallel_loop3A_338 : i32 to index
      %parallel_loop3A_340 = tpu.vector_load %arg8[%parallel_loop3A_339] {strides = array<i32>} : memref<6272xf32, #tpu.memory_space<vmem>>, vector<16xf32>,
      tpu.vector_store %arg8[%parallel_loop3A_339], %parallel_loop3A_315 {strides = array<i32>} : memref<6272xf32, #tpu.memory_space<vmem>>, vector<16xf32>,
      %parallel_loop3A_341 = arith.constant 32 : i32
      %parallel_loop3A_342 = arith.addi %parallel_loop3A_168, %parallel_loop3A_341 : i32
      %parallel_loop3A_343 = arith.index_cast %parallel_loop3A_342 : i32 to index
      %parallel_loop3A_344 = tpu.vector_load %arg9[%parallel_loop3A_343] {strides = array<i32>} : memref<6272xi32, #tpu.memory_space<vmem>>, vector<16xi32>,
      tpu.vector_store %arg9[%parallel_loop3A_343], %parallel_loop3A_316 {strides = array<i32>} : memref<6272xi32, #tpu.memory_space<vmem>>, vector<16xi32>,
      %parallel_loop3A_345 = arith.constant 48 : i32
      %parallel_loop3A_346 = arith.addi %parallel_loop3A_168, %parallel_loop3A_345 : i32
      %parallel_loop3A_347 = arith.index_cast %parallel_loop3A_346 : i32 to index
      %parallel_loop3A_348 = tpu.vector_load %arg8[%parallel_loop3A_347] {strides = array<i32>} : memref<6272xf32, #tpu.memory_space<vmem>>, vector<16xf32>,
      tpu.vector_store %arg8[%parallel_loop3A_347], %parallel_loop3A_319 {strides = array<i32>} : memref<6272xf32, #tpu.memory_space<vmem>>, vector<16xf32>,
      %parallel_loop3A_349 = arith.constant 48 : i32
      %parallel_loop3A_350 = arith.addi %parallel_loop3A_168, %parallel_loop3A_349 : i32
      %parallel_loop3A_351 = arith.index_cast %parallel_loop3A_350 : i32 to index
      %parallel_loop3A_352 = tpu.vector_load %arg9[%parallel_loop3A_351] {strides = array<i32>} : memref<6272xi32, #tpu.memory_space<vmem>>, vector<16xi32>,
      tpu.vector_store %arg9[%parallel_loop3A_351], %parallel_loop3A_320 {strides = array<i32>} : memref<6272xi32, #tpu.memory_space<vmem>>, vector<16xi32>,
    } {sc.loop_unroll_factor = 2 : i64, sc.parallel_access}
    %parallel_loop3A_147 = arith.constant 0 : i32
    %parallel_loop3A_148 = arith.constant 1 : i32
    %parallel_loop3A_149 = arith.constant 1 : i32
    scf.for %parallel_loop3A_156 = %parallel_loop3A_147 to %parallel_loop3A_148 step %parallel_loop3A_149  : i32 {
      %parallel_loop3A_157 = arith.constant 2 : i32
      %parallel_loop3A_158 = arith.muli %parallel_loop3A_157, %parallel_loop3A_156 : i32
      %parallel_loop3A_159 = arith.constant 64 : i32
      %parallel_loop3A_160 = arith.muli %parallel_loop3A_158, %parallel_loop3A_159 : i32
      %parallel_loop3A_161 = arith.constant 2 : i32
      %parallel_loop3A_162 = arith.muli %parallel_loop3A_161, %parallel_loop3A_156 : i32
      %parallel_loop3A_163 = arith.constant 1 : i32
      %parallel_loop3A_164 = arith.addi %parallel_loop3A_162, %parallel_loop3A_163 : i32
      %parallel_loop3A_165 = arith.constant 64 : i32
      %parallel_loop3A_166 = arith.muli %parallel_loop3A_164, %parallel_loop3A_165 : i32
      %parallel_loop3A_167 = arith.constant 64 : i32
      %parallel_loop3A_168 = arith.muli %parallel_loop3A_156, %parallel_loop3A_167 : i32
      %parallel_loop3A_169 = arith.constant 0 : i32
      %parallel_loop3A_170 = arith.addi %parallel_loop3A_160, %parallel_loop3A_169 : i32
      %parallel_loop3A_171 = arith.index_cast %parallel_loop3A_170 : i32 to index
      %parallel_loop3A_172 = tpu.vector_load %arg8[%parallel_loop3A_171] {strides = array<i32>} : memref<6272xf32, #tpu.memory_space<vmem>>, vector<16xf32>,
      %parallel_loop3A_173 = arith.constant 16 : i32
      %parallel_loop3A_174 = arith.addi %parallel_loop3A_160, %parallel_loop3A_173 : i32
      %parallel_loop3A_175 = arith.index_cast %parallel_loop3A_174 : i32 to index
      %parallel_loop3A_176 = tpu.vector_load %arg8[%parallel_loop3A_175] {strides = array<i32>} : memref<6272xf32, #tpu.memory_space<vmem>>, vector<16xf32>,
      %parallel_loop3A_177 = arith.constant 32 : i32
      %parallel_loop3A_178 = arith.addi %parallel_loop3A_160, %parallel_loop3A_177 : i32
      %parallel_loop3A_179 = arith.index_cast %parallel_loop3A_178 : i32 to index
      %parallel_loop3A_180 = tpu.vector_load %arg8[%parallel_loop3A_179] {strides = array<i32>} : memref<6272xf32, #tpu.memory_space<vmem>>, vector<16xf32>,
      %parallel_loop3A_181 = arith.constant 48 : i32
      %parallel_loop3A_182 = arith.addi %parallel_loop3A_160, %parallel_loop3A_181 : i32
      %parallel_loop3A_183 = arith.index_cast %parallel_loop3A_182 : i32 to index
      %parallel_loop3A_184 = tpu.vector_load %arg8[%parallel_loop3A_183] {strides = array<i32>} : memref<6272xf32, #tpu.memory_space<vmem>>, vector<16xf32>,
      %parallel_loop3A_185 = arith.constant 0 : i32
      %parallel_loop3A_186 = arith.addi %parallel_loop3A_160, %parallel_loop3A_185 : i32
      %parallel_loop3A_187 = arith.index_cast %parallel_loop3A_186 : i32 to index
      %parallel_loop3A_188 = tpu.vector_load %arg9[%parallel_loop3A_187] {strides = array<i32>} : memref<6272xi32, #tpu.memory_space<vmem>>, vector<16xi32>,
      %parallel_loop3A_189 = arith.constant 16 : i32
      %parallel_loop3A_190 = arith.addi %parallel_loop3A_160, %parallel_loop3A_189 : i32
      %parallel_loop3A_191 = arith.index_cast %parallel_loop3A_190 : i32 to index
      %parallel_loop3A_192 = tpu.vector_load %arg9[%parallel_loop3A_191] {strides = array<i32>} : memref<6272xi32, #tpu.memory_space<vmem>>, vector<16xi32>,
      %parallel_loop3A_193 = arith.constant 32 : i32
      %parallel_loop3A_194 = arith.addi %parallel_loop3A_160, %parallel_loop3A_193 : i32
      %parallel_loop3A_195 = arith.index_cast %parallel_loop3A_194 : i32 to index
      %parallel_loop3A_196 = tpu.vector_load %arg9[%parallel_loop3A_195] {strides = array<i32>} : memref<6272xi32, #tpu.memory_space<vmem>>, vector<16xi32>,
      %parallel_loop3A_197 = arith.constant 48 : i32
      %parallel_loop3A_198 = arith.addi %parallel_loop3A_160, %parallel_loop3A_197 : i32
      %parallel_loop3A_199 = arith.index_cast %parallel_loop3A_198 : i32 to index
      %parallel_loop3A_200 = tpu.vector_load %arg9[%parallel_loop3A_199] {strides = array<i32>} : memref<6272xi32, #tpu.memory_space<vmem>>, vector<16xi32>,
      %parallel_loop3A_201 = arith.constant 0 : i32
      %parallel_loop3A_202 = arith.addi %parallel_loop3A_166, %parallel_loop3A_201 : i32
      %parallel_loop3A_203 = arith.index_cast %parallel_loop3A_202 : i32 to index
      %parallel_loop3A_204 = tpu.vector_load %arg8[%parallel_loop3A_203] {strides = array<i32>} : memref<6272xf32, #tpu.memory_space<vmem>>, vector<16xf32>,
      %parallel_loop3A_205 = arith.constant 16 : i32
      %parallel_loop3A_206 = arith.addi %parallel_loop3A_166, %parallel_loop3A_205 : i32
      %parallel_loop3A_207 = arith.index_cast %parallel_loop3A_206 : i32 to index
      %parallel_loop3A_208 = tpu.vector_load %arg8[%parallel_loop3A_207] {strides = array<i32>} : memref<6272xf32, #tpu.memory_space<vmem>>, vector<16xf32>,
      %parallel_loop3A_209 = arith.constant 32 : i32
      %parallel_loop3A_210 = arith.addi %parallel_loop3A_166, %parallel_loop3A_209 : i32
      %parallel_loop3A_211 = arith.index_cast %parallel_loop3A_210 : i32 to index
      %parallel_loop3A_212 = tpu.vector_load %arg8[%parallel_loop3A_211] {strides = array<i32>} : memref<6272xf32, #tpu.memory_space<vmem>>, vector<16xf32>,
      %parallel_loop3A_213 = arith.constant 48 : i32
      %parallel_loop3A_214 = arith.addi %parallel_loop3A_166, %parallel_loop3A_213 : i32
      %parallel_loop3A_215 = arith.index_cast %parallel_loop3A_214 : i32 to index
      %parallel_loop3A_216 = tpu.vector_load %arg8[%parallel_loop3A_215] {strides = array<i32>} : memref<6272xf32, #tpu.memory_space<vmem>>, vector<16xf32>,
      %parallel_loop3A_217 = arith.constant 0 : i32
      %parallel_loop3A_218 = arith.addi %parallel_loop3A_166, %parallel_loop3A_217 : i32
      %parallel_loop3A_219 = arith.index_cast %parallel_loop3A_218 : i32 to index
      %parallel_loop3A_220 = tpu.vector_load %arg9[%parallel_loop3A_219] {strides = array<i32>} : memref<6272xi32, #tpu.memory_space<vmem>>, vector<16xi32>,
      %parallel_loop3A_221 = arith.constant 16 : i32
      %parallel_loop3A_222 = arith.addi %parallel_loop3A_166, %parallel_loop3A_221 : i32
      %parallel_loop3A_223 = arith.index_cast %parallel_loop3A_222 : i32 to index
      %parallel_loop3A_224 = tpu.vector_load %arg9[%parallel_loop3A_223] {strides = array<i32>} : memref<6272xi32, #tpu.memory_space<vmem>>, vector<16xi32>,
      %parallel_loop3A_225 = arith.constant 32 : i32
      %parallel_loop3A_226 = arith.addi %parallel_loop3A_166, %parallel_loop3A_225 : i32
      %parallel_loop3A_227 = arith.index_cast %parallel_loop3A_226 : i32 to index
      %parallel_loop3A_228 = tpu.vector_load %arg9[%parallel_loop3A_227] {strides = array<i32>} : memref<6272xi32, #tpu.memory_space<vmem>>, vector<16xi32>,
      %parallel_loop3A_229 = arith.constant 48 : i32
      %parallel_loop3A_230 = arith.addi %parallel_loop3A_166, %parallel_loop3A_229 : i32
      %parallel_loop3A_231 = arith.index_cast %parallel_loop3A_230 : i32 to index
      %parallel_loop3A_232 = tpu.vector_load %arg9[%parallel_loop3A_231] {strides = array<i32>} : memref<6272xi32, #tpu.memory_space<vmem>>, vector<16xi32>,
      %parallel_loop3A_233 = arith.constant 15 : i32
      %parallel_loop3A_234 = vector.broadcast %parallel_loop3A_233 : i32 to vector<16xi32>
      %parallel_loop3A_235 = tpu.iota {dimensions = array<i32: 0>} : vector<16xi32>
      %parallel_loop3A_236 = arith.subi %parallel_loop3A_234, %parallel_loop3A_235 : vector<16xi32>
      %parallel_loop3A_237 = tpu.dynamic_gather %parallel_loop3A_216[%parallel_loop3A_236] in [0] : vector<16xf32>, vector<16xi32> -> vector<16xf32>
      %parallel_loop3A_238 = arith.constant 15 : i32
      %parallel_loop3A_239 = vector.broadcast %parallel_loop3A_238 : i32 to vector<16xi32>
      %parallel_loop3A_240 = tpu.iota {dimensions = array<i32: 0>} : vector<16xi32>
      %parallel_loop3A_241 = arith.subi %parallel_loop3A_239, %parallel_loop3A_240 : vector<16xi32>
      %parallel_loop3A_242 = tpu.dynamic_gather %parallel_loop3A_212[%parallel_loop3A_241] in [0] : vector<16xf32>, vector<16xi32> -> vector<16xf32>
      %parallel_loop3A_243 = arith.constant 15 : i32
      %parallel_loop3A_244 = vector.broadcast %parallel_loop3A_243 : i32 to vector<16xi32>
      %parallel_loop3A_245 = tpu.iota {dimensions = array<i32: 0>} : vector<16xi32>
      %parallel_loop3A_246 = arith.subi %parallel_loop3A_244, %parallel_loop3A_245 : vector<16xi32>
      %parallel_loop3A_247 = tpu.dynamic_gather %parallel_loop3A_208[%parallel_loop3A_246] in [0] : vector<16xf32>, vector<16xi32> -> vector<16xf32>
      %parallel_loop3A_248 = arith.constant 15 : i32
      %parallel_loop3A_249 = vector.broadcast %parallel_loop3A_248 : i32 to vector<16xi32>
      %parallel_loop3A_250 = tpu.iota {dimensions = array<i32: 0>} : vector<16xi32>
      %parallel_loop3A_251 = arith.subi %parallel_loop3A_249, %parallel_loop3A_250 : vector<16xi32>
      %parallel_loop3A_252 = tpu.dynamic_gather %parallel_loop3A_204[%parallel_loop3A_251] in [0] : vector<16xf32>, vector<16xi32> -> vector<16xf32>
      %parallel_loop3A_253 = arith.constant 15 : i32
      %parallel_loop3A_254 = vector.broadcast %parallel_loop3A_253 : i32 to vector<16xi32>
      %parallel_loop3A_255 = tpu.iota {dimensions = array<i32: 0>} : vector<16xi32>
      %parallel_loop3A_256 = arith.subi %parallel_loop3A_254, %parallel_loop3A_255 : vector<16xi32>
      %parallel_loop3A_257 = tpu.dynamic_gather %parallel_loop3A_232[%parallel_loop3A_256] in [0] : vector<16xi32>, vector<16xi32> -> vector<16xi32>
      %parallel_loop3A_258 = arith.constant 15 : i32
      %parallel_loop3A_259 = vector.broadcast %parallel_loop3A_258 : i32 to vector<16xi32>
      %parallel_loop3A_260 = tpu.iota {dimensions = array<i32: 0>} : vector<16xi32>
      %parallel_loop3A_261 = arith.subi %parallel_loop3A_259, %parallel_loop3A_260 : vector<16xi32>
      %parallel_loop3A_262 = tpu.dynamic_gather %parallel_loop3A_228[%parallel_loop3A_261] in [0] : vector<16xi32>, vector<16xi32> -> vector<16xi32>
      %parallel_loop3A_263 = arith.constant 15 : i32
      %parallel_loop3A_264 = vector.broadcast %parallel_loop3A_263 : i32 to vector<16xi32>
      %parallel_loop3A_265 = tpu.iota {dimensions = array<i32: 0>} : vector<16xi32>
      %parallel_loop3A_266 = arith.subi %parallel_loop3A_264, %parallel_loop3A_265 : vector<16xi32>
      %parallel_loop3A_267 = tpu.dynamic_gather %parallel_loop3A_224[%parallel_loop3A_266] in [0] : vector<16xi32>, vector<16xi32> -> vector<16xi32>
      %parallel_loop3A_268 = arith.constant 15 : i32
      %parallel_loop3A_269 = vector.broadcast %parallel_loop3A_268 : i32 to vector<16xi32>
      %parallel_loop3A_270 = tpu.iota {dimensions = array<i32: 0>} : vector<16xi32>
      %parallel_loop3A_271 = arith.subi %parallel_loop3A_269, %parallel_loop3A_270 : vector<16xi32>
      %parallel_loop3A_272 = tpu.dynamic_gather %parallel_loop3A_220[%parallel_loop3A_271] in [0] : vector<16xi32>, vector<16xi32> -> vector<16xi32>
      %parallel_loop3A_273 = arith.cmpf oge, %parallel_loop3A_172, %parallel_loop3A_237 : vector<16xf32>
      %parallel_loop3A_274 = arith.select %parallel_loop3A_273, %parallel_loop3A_172, %parallel_loop3A_237 : vector<16xi1>, vector<16xf32>
      %parallel_loop3A_275 = arith.select %parallel_loop3A_273, %parallel_loop3A_188, %parallel_loop3A_257 : vector<16xi1>, vector<16xi32>
      %parallel_loop3A_276 = arith.cmpf oge, %parallel_loop3A_176, %parallel_loop3A_242 : vector<16xf32>
      %parallel_loop3A_277 = arith.select %parallel_loop3A_276, %parallel_loop3A_176, %parallel_loop3A_242 : vector<16xi1>, vector<16xf32>
      %parallel_loop3A_278 = arith.select %parallel_loop3A_276, %parallel_loop3A_192, %parallel_loop3A_262 : vector<16xi1>, vector<16xi32>
      %parallel_loop3A_279 = arith.cmpf oge, %parallel_loop3A_180, %parallel_loop3A_247 : vector<16xf32>
      %parallel_loop3A_280 = arith.select %parallel_loop3A_279, %parallel_loop3A_180, %parallel_loop3A_247 : vector<16xi1>, vector<16xf32>
      %parallel_loop3A_281 = arith.select %parallel_loop3A_279, %parallel_loop3A_196, %parallel_loop3A_267 : vector<16xi1>, vector<16xi32>
      %parallel_loop3A_282 = arith.cmpf oge, %parallel_loop3A_184, %parallel_loop3A_252 : vector<16xf32>
      %parallel_loop3A_283 = arith.select %parallel_loop3A_282, %parallel_loop3A_184, %parallel_loop3A_252 : vector<16xi1>, vector<16xf32>
      %parallel_loop3A_284 = arith.select %parallel_loop3A_282, %parallel_loop3A_200, %parallel_loop3A_272 : vector<16xi1>, vector<16xi32>
      %parallel_loop3A_285 = arith.cmpf ole, %parallel_loop3A_274, %parallel_loop3A_280 : vector<16xf32>
      %parallel_loop3A_286 = arith.select %parallel_loop3A_285, %parallel_loop3A_274, %parallel_loop3A_280 : vector<16xi1>, vector<16xf32>
      %parallel_loop3A_287 = arith.select %parallel_loop3A_285, %parallel_loop3A_275, %parallel_loop3A_281 : vector<16xi1>, vector<16xi32>
      %parallel_loop3A_288 = arith.select %parallel_loop3A_285, %parallel_loop3A_280, %parallel_loop3A_274 : vector<16xi1>, vector<16xf32>
      %parallel_loop3A_289 = arith.select %parallel_loop3A_285, %parallel_loop3A_281, %parallel_loop3A_275 : vector<16xi1>, vector<16xi32>
      %parallel_loop3A_290 = arith.cmpf ole, %parallel_loop3A_277, %parallel_loop3A_283 : vector<16xf32>
      %parallel_loop3A_291 = arith.select %parallel_loop3A_290, %parallel_loop3A_277, %parallel_loop3A_283 : vector<16xi1>, vector<16xf32>
      %parallel_loop3A_292 = arith.select %parallel_loop3A_290, %parallel_loop3A_278, %parallel_loop3A_284 : vector<16xi1>, vector<16xi32>
      %parallel_loop3A_293 = arith.select %parallel_loop3A_290, %parallel_loop3A_283, %parallel_loop3A_277 : vector<16xi1>, vector<16xf32>
      %parallel_loop3A_294 = arith.select %parallel_loop3A_290, %parallel_loop3A_284, %parallel_loop3A_278 : vector<16xi1>, vector<16xi32>
      %parallel_loop3A_295 = arith.cmpf ole, %parallel_loop3A_286, %parallel_loop3A_291 : vector<16xf32>
      %parallel_loop3A_296 = arith.select %parallel_loop3A_295, %parallel_loop3A_286, %parallel_loop3A_291 : vector<16xi1>, vector<16xf32>
      %parallel_loop3A_297 = arith.select %parallel_loop3A_295, %parallel_loop3A_287, %parallel_loop3A_292 : vector<16xi1>, vector<16xi32>
      %parallel_loop3A_298 = arith.select %parallel_loop3A_295, %parallel_loop3A_291, %parallel_loop3A_286 : vector<16xi1>, vector<16xf32>
      %parallel_loop3A_299 = arith.select %parallel_loop3A_295, %parallel_loop3A_292, %parallel_loop3A_287 : vector<16xi1>, vector<16xi32>
      %parallel_loop3A_300 = arith.cmpf ole, %parallel_loop3A_288, %parallel_loop3A_293 : vector<16xf32>
      %parallel_loop3A_301 = arith.select %parallel_loop3A_300, %parallel_loop3A_288, %parallel_loop3A_293 : vector<16xi1>, vector<16xf32>
      %parallel_loop3A_302 = arith.select %parallel_loop3A_300, %parallel_loop3A_289, %parallel_loop3A_294 : vector<16xi1>, vector<16xi32>
      %parallel_loop3A_303 = arith.select %parallel_loop3A_300, %parallel_loop3A_293, %parallel_loop3A_288 : vector<16xi1>, vector<16xf32>
      %parallel_loop3A_304 = arith.select %parallel_loop3A_300, %parallel_loop3A_294, %parallel_loop3A_289 : vector<16xi1>, vector<16xi32>
      %parallel_loop3A_305 = arith.constant dense<true> : vector<16xi1>
      %parallel_loop3A_306, %parallel_loop3A_307, %parallel_loop3A_308 = tpu.sort %parallel_loop3A_296, %parallel_loop3A_297 masked %parallel_loop3A_305 : (vector<16xf32>, vector<16xi32>, vector<16xi1>) -> (vector<16xi1>, vector<16xf32>, vector<16xi32>)
      %parallel_loop3A_309 = arith.constant dense<true> : vector<16xi1>
      %parallel_loop3A_310, %parallel_loop3A_311, %parallel_loop3A_312 = tpu.sort %parallel_loop3A_298, %parallel_loop3A_299 masked %parallel_loop3A_309 : (vector<16xf32>, vector<16xi32>, vector<16xi1>) -> (vector<16xi1>, vector<16xf32>, vector<16xi32>)
      %parallel_loop3A_313 = arith.constant dense<true> : vector<16xi1>
      %parallel_loop3A_314, %parallel_loop3A_315, %parallel_loop3A_316 = tpu.sort %parallel_loop3A_301, %parallel_loop3A_302 masked %parallel_loop3A_313 : (vector<16xf32>, vector<16xi32>, vector<16xi1>) -> (vector<16xi1>, vector<16xf32>, vector<16xi32>)
      %parallel_loop3A_317 = arith.constant dense<true> : vector<16xi1>
      %parallel_loop3A_318, %parallel_loop3A_319, %parallel_loop3A_320 = tpu.sort %parallel_loop3A_303, %parallel_loop3A_304 masked %parallel_loop3A_317 : (vector<16xf32>, vector<16xi32>, vector<16xi1>) -> (vector<16xi1>, vector<16xf32>, vector<16xi32>)
      %parallel_loop3A_321 = arith.constant 0 : i32
      %parallel_loop3A_322 = arith.addi %parallel_loop3A_168, %parallel_loop3A_321 : i32
      %parallel_loop3A_323 = arith.index_cast %parallel_loop3A_322 : i32 to index
      %parallel_loop3A_324 = tpu.vector_load %arg10[%parallel_loop3A_323] {strides = array<i32>} : memref<6272xf32, #tpu.memory_space<vmem>>, vector<16xf32>,
      tpu.vector_store %arg10[%parallel_loop3A_323], %parallel_loop3A_307 {strides = array<i32>} : memref<6272xf32, #tpu.memory_space<vmem>>, vector<16xf32>,
      %parallel_loop3A_325 = arith.constant 0 : i32
      %parallel_loop3A_326 = arith.addi %parallel_loop3A_168, %parallel_loop3A_325 : i32
      %parallel_loop3A_327 = arith.index_cast %parallel_loop3A_326 : i32 to index
      %parallel_loop3A_328 = tpu.vector_load %arg11[%parallel_loop3A_327] {strides = array<i32>} : memref<6272xi32, #tpu.memory_space<vmem>>, vector<16xi32>,
      tpu.vector_store %arg11[%parallel_loop3A_327], %parallel_loop3A_308 {strides = array<i32>} : memref<6272xi32, #tpu.memory_space<vmem>>, vector<16xi32>,
      %parallel_loop3A_329 = arith.constant 16 : i32
      %parallel_loop3A_330 = arith.addi %parallel_loop3A_168, %parallel_loop3A_329 : i32
      %parallel_loop3A_331 = arith.index_cast %parallel_loop3A_330 : i32 to index
      %parallel_loop3A_332 = tpu.vector_load %arg10[%parallel_loop3A_331] {strides = array<i32>} : memref<6272xf32, #tpu.memory_space<vmem>>, vector<16xf32>,
      tpu.vector_store %arg10[%parallel_loop3A_331], %parallel_loop3A_311 {strides = array<i32>} : memref<6272xf32, #tpu.memory_space<vmem>>, vector<16xf32>,
      %parallel_loop3A_333 = arith.constant 16 : i32
      %parallel_loop3A_334 = arith.addi %parallel_loop3A_168, %parallel_loop3A_333 : i32
      %parallel_loop3A_335 = arith.index_cast %parallel_loop3A_334 : i32 to index
      %parallel_loop3A_336 = tpu.vector_load %arg11[%parallel_loop3A_335] {strides = array<i32>} : memref<6272xi32, #tpu.memory_space<vmem>>, vector<16xi32>,
      tpu.vector_store %arg11[%parallel_loop3A_335], %parallel_loop3A_312 {strides = array<i32>} : memref<6272xi32, #tpu.memory_space<vmem>>, vector<16xi32>,
      %parallel_loop3A_337 = arith.constant 32 : i32
      %parallel_loop3A_338 = arith.addi %parallel_loop3A_168, %parallel_loop3A_337 : i32
      %parallel_loop3A_339 = arith.index_cast %parallel_loop3A_338 : i32 to index
      %parallel_loop3A_340 = tpu.vector_load %arg10[%parallel_loop3A_339] {strides = array<i32>} : memref<6272xf32, #tpu.memory_space<vmem>>, vector<16xf32>,
      tpu.vector_store %arg10[%parallel_loop3A_339], %parallel_loop3A_315 {strides = array<i32>} : memref<6272xf32, #tpu.memory_space<vmem>>, vector<16xf32>,
      %parallel_loop3A_341 = arith.constant 32 : i32
      %parallel_loop3A_342 = arith.addi %parallel_loop3A_168, %parallel_loop3A_341 : i32
      %parallel_loop3A_343 = arith.index_cast %parallel_loop3A_342 : i32 to index
      %parallel_loop3A_344 = tpu.vector_load %arg11[%parallel_loop3A_343] {strides = array<i32>} : memref<6272xi32, #tpu.memory_space<vmem>>, vector<16xi32>,
      tpu.vector_store %arg11[%parallel_loop3A_343], %parallel_loop3A_316 {strides = array<i32>} : memref<6272xi32, #tpu.memory_space<vmem>>, vector<16xi32>,
      %parallel_loop3A_345 = arith.constant 48 : i32
      %parallel_loop3A_346 = arith.addi %parallel_loop3A_168, %parallel_loop3A_345 : i32
      %parallel_loop3A_347 = arith.index_cast %parallel_loop3A_346 : i32 to index
      %parallel_loop3A_348 = tpu.vector_load %arg10[%parallel_loop3A_347] {strides = array<i32>} : memref<6272xf32, #tpu.memory_space<vmem>>, vector<16xf32>,
      tpu.vector_store %arg10[%parallel_loop3A_347], %parallel_loop3A_319 {strides = array<i32>} : memref<6272xf32, #tpu.memory_space<vmem>>, vector<16xf32>,
      %parallel_loop3A_349 = arith.constant 48 : i32
      %parallel_loop3A_350 = arith.addi %parallel_loop3A_168, %parallel_loop3A_349 : i32
      %parallel_loop3A_351 = arith.index_cast %parallel_loop3A_350 : i32 to index
      %parallel_loop3A_352 = tpu.vector_load %arg11[%parallel_loop3A_351] {strides = array<i32>} : memref<6272xi32, #tpu.memory_space<vmem>>, vector<16xi32>,
      tpu.vector_store %arg11[%parallel_loop3A_351], %parallel_loop3A_320 {strides = array<i32>} : memref<6272xi32, #tpu.memory_space<vmem>>, vector<16xi32>,
    } {sc.loop_unroll_factor = 2 : i64, sc.parallel_access}
    %mul3A_150 = arith.constant 64 : i32
    %mul3A_151 = arith.muli %arg1, %mul3A_150 : i32
    "tpu.region"() ({
      %run_scoped3A = tpu.sem_alloc : memref<!tpu.dma_semaphore, #tpu.memory_space<semaphore_mem>>
      %dma_start3A = arith.constant 0 : i32
      %dma_start3A_156 = tpu.memref_slice %arg10[%dma_start3A] : memref<6272xf32, #tpu.memory_space<vmem>> -> memref<64xf32, #tpu.memory_space<vmem>>
      %dma_start3A_157 = tpu.memref_slice %arg16[%mul3A_151] : memref<1024xf32, #tpu.memory_space<vmem_shared>> -> memref<64xf32, #tpu.memory_space<vmem_shared>>
      %dma_start3A_158 = tpu.memref_slice %arg16[%mul3A_151] : memref<1024xf32, #tpu.memory_space<vmem_shared>> -> memref<64xf32, #tpu.memory_space<vmem_shared>>
      %dma_start3A_159 = arith.constant 0 : i32
      %dma_start3A_160 = tpu.memref_slice %arg10[%dma_start3A_159] : memref<6272xf32, #tpu.memory_space<vmem>> -> memref<64xf32, #tpu.memory_space<vmem>>
      tpu.enqueue_dma source(%dma_start3A_160 : memref<64xf32, #tpu.memory_space<vmem>>) target(%dma_start3A_158 : memref<64xf32, #tpu.memory_space<vmem_shared>>) target_semaphore(%run_scoped3A : memref<!tpu.dma_semaphore, #tpu.memory_space<semaphore_mem>>)
      %dma_wait3A = arith.constant 0 : i32
      %dma_wait3A_161 = tpu.memref_slice %arg10[%dma_wait3A] : memref<6272xf32, #tpu.memory_space<vmem>> -> memref<64xf32, #tpu.memory_space<vmem>>
      %dma_wait3A_162 = tpu.memref_slice %arg16[%mul3A_151] : memref<1024xf32, #tpu.memory_space<vmem_shared>> -> memref<64xf32, #tpu.memory_space<vmem_shared>>
      %dma_wait3A_163 = tpu.memref_slice %arg16[%mul3A_151] : memref<1024xf32, #tpu.memory_space<vmem_shared>> -> memref<64xf32, #tpu.memory_space<vmem_shared>>
      %dma_wait3A_164 = arith.constant 0 : i32
      %dma_wait3A_165 = tpu.memref_slice %arg10[%dma_wait3A_164] : memref<6272xf32, #tpu.memory_space<vmem>> -> memref<64xf32, #tpu.memory_space<vmem>>
      tpu.wait_dma2 semaphore(%run_scoped3A : memref<!tpu.dma_semaphore, #tpu.memory_space<semaphore_mem>>) src(%dma_wait3A_165 : memref<64xf32, #tpu.memory_space<vmem>>) dst(%dma_wait3A_163 : memref<64xf32, #tpu.memory_space<vmem_shared>>)
      tpu.yield
    }) : () -> ()
    %mul3A_152 = arith.constant 64 : i32
    %mul3A_153 = arith.muli %arg1, %mul3A_152 : i32
    "tpu.region"() ({
      %run_scoped3A = tpu.sem_alloc : memref<!tpu.dma_semaphore, #tpu.memory_space<semaphore_mem>>
      %dma_start3A = arith.constant 0 : i32
      %dma_start3A_156 = tpu.memref_slice %arg11[%dma_start3A] : memref<6272xi32, #tpu.memory_space<vmem>> -> memref<64xi32, #tpu.memory_space<vmem>>
      %dma_start3A_157 = tpu.memref_slice %arg17[%mul3A_153] : memref<1024xi32, #tpu.memory_space<vmem_shared>> -> memref<64xi32, #tpu.memory_space<vmem_shared>>
      %dma_start3A_158 = tpu.memref_slice %arg17[%mul3A_153] : memref<1024xi32, #tpu.memory_space<vmem_shared>> -> memref<64xi32, #tpu.memory_space<vmem_shared>>
      %dma_start3A_159 = arith.constant 0 : i32
      %dma_start3A_160 = tpu.memref_slice %arg11[%dma_start3A_159] : memref<6272xi32, #tpu.memory_space<vmem>> -> memref<64xi32, #tpu.memory_space<vmem>>
      tpu.enqueue_dma source(%dma_start3A_160 : memref<64xi32, #tpu.memory_space<vmem>>) target(%dma_start3A_158 : memref<64xi32, #tpu.memory_space<vmem_shared>>) target_semaphore(%run_scoped3A : memref<!tpu.dma_semaphore, #tpu.memory_space<semaphore_mem>>)
      %dma_wait3A = arith.constant 0 : i32
      %dma_wait3A_161 = tpu.memref_slice %arg11[%dma_wait3A] : memref<6272xi32, #tpu.memory_space<vmem>> -> memref<64xi32, #tpu.memory_space<vmem>>
      %dma_wait3A_162 = tpu.memref_slice %arg17[%mul3A_153] : memref<1024xi32, #tpu.memory_space<vmem_shared>> -> memref<64xi32, #tpu.memory_space<vmem_shared>>
      %dma_wait3A_163 = tpu.memref_slice %arg17[%mul3A_153] : memref<1024xi32, #tpu.memory_space<vmem_shared>> -> memref<64xi32, #tpu.memory_space<vmem_shared>>
      %dma_wait3A_164 = arith.constant 0 : i32
      %dma_wait3A_165 = tpu.memref_slice %arg11[%dma_wait3A_164] : memref<6272xi32, #tpu.memory_space<vmem>> -> memref<64xi32, #tpu.memory_space<vmem>>
      tpu.wait_dma2 semaphore(%run_scoped3A : memref<!tpu.dma_semaphore, #tpu.memory_space<semaphore_mem>>) src(%dma_wait3A_165 : memref<64xi32, #tpu.memory_space<vmem>>) dst(%dma_wait3A_163 : memref<64xi32, #tpu.memory_space<vmem_shared>>)
      tpu.yield
    }) : () -> ()
    %barrier3A = arith.constant 0 : index
    tpu.barrier barrier_id(%barrier3A)
    %eq3A = arith.constant 0 : i32
    %eq3A_154 = arith.cmpi eq, %arg1, %eq3A : i32
    %convert_element_type3A = arith.extui %eq3A_154 : i1 to i32
    %cond3A = arith.constant 0 : i32
    %cond3A_155 = arith.cmpi ne, %convert_element_type3A, %cond3A : i32
    scf.if %cond3A_155 {
      "tpu.region"() ({
        %run_scoped3A = tpu.sem_alloc : memref<!tpu.dma_semaphore, #tpu.memory_space<semaphore_mem>>
        %dma_start3A_270 = arith.constant 0 : i32
        %dma_start3A_271 = tpu.memref_slice %arg8[%dma_start3A_270] : memref<6272xf32, #tpu.memory_space<vmem>> -> memref<1024xf32, #tpu.memory_space<vmem>>
        %dma_start3A_272 = arith.constant 0 : i32
        %dma_start3A_273 = tpu.memref_slice %arg8[%dma_start3A_272] : memref<6272xf32, #tpu.memory_space<vmem>> -> memref<1024xf32, #tpu.memory_space<vmem>>
        tpu.enqueue_dma source(%arg16 : memref<1024xf32, #tpu.memory_space<vmem_shared>>) target(%dma_start3A_273 : memref<1024xf32, #tpu.memory_space<vmem>>) target_semaphore(%run_scoped3A : memref<!tpu.dma_semaphore, #tpu.memory_space<semaphore_mem>>)
        %dma_wait3A_274 = arith.constant 0 : i32
        %dma_wait3A_275 = tpu.memref_slice %arg8[%dma_wait3A_274] : memref<6272xf32, #tpu.memory_space<vmem>> -> memref<1024xf32, #tpu.memory_space<vmem>>
        %dma_wait3A_276 = arith.constant 0 : i32
        %dma_wait3A_277 = tpu.memref_slice %arg8[%dma_wait3A_276] : memref<6272xf32, #tpu.memory_space<vmem>> -> memref<1024xf32, #tpu.memory_space<vmem>>
        tpu.wait_dma2 semaphore(%run_scoped3A : memref<!tpu.dma_semaphore, #tpu.memory_space<semaphore_mem>>) src(%arg16 : memref<1024xf32, #tpu.memory_space<vmem_shared>>) dst(%dma_wait3A_277 : memref<1024xf32, #tpu.memory_space<vmem>>)
        tpu.yield
      }) : () -> ()
      "tpu.region"() ({
        %run_scoped3A = tpu.sem_alloc : memref<!tpu.dma_semaphore, #tpu.memory_space<semaphore_mem>>
        %dma_start3A_270 = arith.constant 0 : i32
        %dma_start3A_271 = tpu.memref_slice %arg9[%dma_start3A_270] : memref<6272xi32, #tpu.memory_space<vmem>> -> memref<1024xi32, #tpu.memory_space<vmem>>
        %dma_start3A_272 = arith.constant 0 : i32
        %dma_start3A_273 = tpu.memref_slice %arg9[%dma_start3A_272] : memref<6272xi32, #tpu.memory_space<vmem>> -> memref<1024xi32, #tpu.memory_space<vmem>>
        tpu.enqueue_dma source(%arg17 : memref<1024xi32, #tpu.memory_space<vmem_shared>>) target(%dma_start3A_273 : memref<1024xi32, #tpu.memory_space<vmem>>) target_semaphore(%run_scoped3A : memref<!tpu.dma_semaphore, #tpu.memory_space<semaphore_mem>>)
        %dma_wait3A_274 = arith.constant 0 : i32
        %dma_wait3A_275 = tpu.memref_slice %arg9[%dma_wait3A_274] : memref<6272xi32, #tpu.memory_space<vmem>> -> memref<1024xi32, #tpu.memory_space<vmem>>
        %dma_wait3A_276 = arith.constant 0 : i32
        %dma_wait3A_277 = tpu.memref_slice %arg9[%dma_wait3A_276] : memref<6272xi32, #tpu.memory_space<vmem>> -> memref<1024xi32, #tpu.memory_space<vmem>>
        tpu.wait_dma2 semaphore(%run_scoped3A : memref<!tpu.dma_semaphore, #tpu.memory_space<semaphore_mem>>) src(%arg17 : memref<1024xi32, #tpu.memory_space<vmem_shared>>) dst(%dma_wait3A_277 : memref<1024xi32, #tpu.memory_space<vmem>>)
        tpu.yield
      }) : () -> ()
      "tpu.region"() ({
        %run_scoped3A = tpu.sem_alloc : memref<!tpu.dma_semaphore, #tpu.memory_space<semaphore_mem>>
        tpu.enqueue_dma source(%arg4 : memref<16xi32, #tpu.memory_space<hbm>>) target(%arg12 : memref<16xi32, #tpu.memory_space<vmem>>) target_semaphore(%run_scoped3A : memref<!tpu.dma_semaphore, #tpu.memory_space<semaphore_mem>>)
        tpu.wait_dma2 semaphore(%run_scoped3A : memref<!tpu.dma_semaphore, #tpu.memory_space<semaphore_mem>>) src(%arg4 : memref<16xi32, #tpu.memory_space<hbm>>) dst(%arg12 : memref<16xi32, #tpu.memory_space<vmem>>)
        tpu.yield
      }) : () -> ()
      %parallel_loop3A_156 = arith.constant 0 : i32
      %parallel_loop3A_157 = arith.constant 8 : i32
      %parallel_loop3A_158 = arith.constant 1 : i32
      scf.for %parallel_loop3A_270 = %parallel_loop3A_156 to %parallel_loop3A_157 step %parallel_loop3A_158  : i32 {
        %parallel_loop3A_271 = arith.constant 2 : i32
        %parallel_loop3A_272 = arith.muli %parallel_loop3A_271, %parallel_loop3A_270 : i32
        %parallel_loop3A_273 = arith.constant 64 : i32
        %parallel_loop3A_274 = arith.muli %parallel_loop3A_272, %parallel_loop3A_273 : i32
        %parallel_loop3A_275 = arith.constant 2 : i32
        %parallel_loop3A_276 = arith.muli %parallel_loop3A_275, %parallel_loop3A_270 : i32
        %parallel_loop3A_277 = arith.constant 1 : i32
        %parallel_loop3A_278 = arith.addi %parallel_loop3A_276, %parallel_loop3A_277 : i32
        %parallel_loop3A_279 = arith.constant 64 : i32
        %parallel_loop3A_280 = arith.muli %parallel_loop3A_278, %parallel_loop3A_279 : i32
        %parallel_loop3A_281 = arith.constant 64 : i32
        %parallel_loop3A_282 = arith.muli %parallel_loop3A_270, %parallel_loop3A_281 : i32
        %parallel_loop3A_283 = arith.constant 0 : i32
        %parallel_loop3A_284 = arith.addi %parallel_loop3A_274, %parallel_loop3A_283 : i32
        %parallel_loop3A_285 = arith.index_cast %parallel_loop3A_284 : i32 to index
        %parallel_loop3A_286 = tpu.vector_load %arg8[%parallel_loop3A_285] {strides = array<i32>} : memref<6272xf32, #tpu.memory_space<vmem>>, vector<16xf32>,
        %parallel_loop3A_287 = arith.constant 16 : i32
        %parallel_loop3A_288 = arith.addi %parallel_loop3A_274, %parallel_loop3A_287 : i32
        %parallel_loop3A_289 = arith.index_cast %parallel_loop3A_288 : i32 to index
        %parallel_loop3A_290 = tpu.vector_load %arg8[%parallel_loop3A_289] {strides = array<i32>} : memref<6272xf32, #tpu.memory_space<vmem>>, vector<16xf32>,
        %parallel_loop3A_291 = arith.constant 32 : i32
        %parallel_loop3A_292 = arith.addi %parallel_loop3A_274, %parallel_loop3A_291 : i32
        %parallel_loop3A_293 = arith.index_cast %parallel_loop3A_292 : i32 to index
        %parallel_loop3A_294 = tpu.vector_load %arg8[%parallel_loop3A_293] {strides = array<i32>} : memref<6272xf32, #tpu.memory_space<vmem>>, vector<16xf32>,
        %parallel_loop3A_295 = arith.constant 48 : i32
        %parallel_loop3A_296 = arith.addi %parallel_loop3A_274, %parallel_loop3A_295 : i32
        %parallel_loop3A_297 = arith.index_cast %parallel_loop3A_296 : i32 to index
        %parallel_loop3A_298 = tpu.vector_load %arg8[%parallel_loop3A_297] {strides = array<i32>} : memref<6272xf32, #tpu.memory_space<vmem>>, vector<16xf32>,
        %parallel_loop3A_299 = arith.constant 0 : i32
        %parallel_loop3A_300 = arith.addi %parallel_loop3A_274, %parallel_loop3A_299 : i32
        %parallel_loop3A_301 = arith.index_cast %parallel_loop3A_300 : i32 to index
        %parallel_loop3A_302 = tpu.vector_load %arg9[%parallel_loop3A_301] {strides = array<i32>} : memref<6272xi32, #tpu.memory_space<vmem>>, vector<16xi32>,
        %parallel_loop3A_303 = arith.constant 16 : i32
        %parallel_loop3A_304 = arith.addi %parallel_loop3A_274, %parallel_loop3A_303 : i32
        %parallel_loop3A_305 = arith.index_cast %parallel_loop3A_304 : i32 to index
        %parallel_loop3A_306 = tpu.vector_load %arg9[%parallel_loop3A_305] {strides = array<i32>} : memref<6272xi32, #tpu.memory_space<vmem>>, vector<16xi32>,
        %parallel_loop3A_307 = arith.constant 32 : i32
        %parallel_loop3A_308 = arith.addi %parallel_loop3A_274, %parallel_loop3A_307 : i32
        %parallel_loop3A_309 = arith.index_cast %parallel_loop3A_308 : i32 to index
        %parallel_loop3A_310 = tpu.vector_load %arg9[%parallel_loop3A_309] {strides = array<i32>} : memref<6272xi32, #tpu.memory_space<vmem>>, vector<16xi32>,
        %parallel_loop3A_311 = arith.constant 48 : i32
        %parallel_loop3A_312 = arith.addi %parallel_loop3A_274, %parallel_loop3A_311 : i32
        %parallel_loop3A_313 = arith.index_cast %parallel_loop3A_312 : i32 to index
        %parallel_loop3A_314 = tpu.vector_load %arg9[%parallel_loop3A_313] {strides = array<i32>} : memref<6272xi32, #tpu.memory_space<vmem>>, vector<16xi32>,
        %parallel_loop3A_315 = arith.constant 0 : i32
        %parallel_loop3A_316 = arith.addi %parallel_loop3A_280, %parallel_loop3A_315 : i32
        %parallel_loop3A_317 = arith.index_cast %parallel_loop3A_316 : i32 to index
        %parallel_loop3A_318 = tpu.vector_load %arg8[%parallel_loop3A_317] {strides = array<i32>} : memref<6272xf32, #tpu.memory_space<vmem>>, vector<16xf32>,
        %parallel_loop3A_319 = arith.constant 16 : i32
        %parallel_loop3A_320 = arith.addi %parallel_loop3A_280, %parallel_loop3A_319 : i32
        %parallel_loop3A_321 = arith.index_cast %parallel_loop3A_320 : i32 to index
        %parallel_loop3A_322 = tpu.vector_load %arg8[%parallel_loop3A_321] {strides = array<i32>} : memref<6272xf32, #tpu.memory_space<vmem>>, vector<16xf32>,
        %parallel_loop3A_323 = arith.constant 32 : i32
        %parallel_loop3A_324 = arith.addi %parallel_loop3A_280, %parallel_loop3A_323 : i32
        %parallel_loop3A_325 = arith.index_cast %parallel_loop3A_324 : i32 to index
        %parallel_loop3A_326 = tpu.vector_load %arg8[%parallel_loop3A_325] {strides = array<i32>} : memref<6272xf32, #tpu.memory_space<vmem>>, vector<16xf32>,
        %parallel_loop3A_327 = arith.constant 48 : i32
        %parallel_loop3A_328 = arith.addi %parallel_loop3A_280, %parallel_loop3A_327 : i32
        %parallel_loop3A_329 = arith.index_cast %parallel_loop3A_328 : i32 to index
        %parallel_loop3A_330 = tpu.vector_load %arg8[%parallel_loop3A_329] {strides = array<i32>} : memref<6272xf32, #tpu.memory_space<vmem>>, vector<16xf32>,
        %parallel_loop3A_331 = arith.constant 0 : i32
        %parallel_loop3A_332 = arith.addi %parallel_loop3A_280, %parallel_loop3A_331 : i32
        %parallel_loop3A_333 = arith.index_cast %parallel_loop3A_332 : i32 to index
        %parallel_loop3A_334 = tpu.vector_load %arg9[%parallel_loop3A_333] {strides = array<i32>} : memref<6272xi32, #tpu.memory_space<vmem>>, vector<16xi32>,
        %parallel_loop3A_335 = arith.constant 16 : i32
        %parallel_loop3A_336 = arith.addi %parallel_loop3A_280, %parallel_loop3A_335 : i32
        %parallel_loop3A_337 = arith.index_cast %parallel_loop3A_336 : i32 to index
        %parallel_loop3A_338 = tpu.vector_load %arg9[%parallel_loop3A_337] {strides = array<i32>} : memref<6272xi32, #tpu.memory_space<vmem>>, vector<16xi32>,
        %parallel_loop3A_339 = arith.constant 32 : i32
        %parallel_loop3A_340 = arith.addi %parallel_loop3A_280, %parallel_loop3A_339 : i32
        %parallel_loop3A_341 = arith.index_cast %parallel_loop3A_340 : i32 to index
        %parallel_loop3A_342 = tpu.vector_load %arg9[%parallel_loop3A_341] {strides = array<i32>} : memref<6272xi32, #tpu.memory_space<vmem>>, vector<16xi32>,
        %parallel_loop3A_343 = arith.constant 48 : i32
        %parallel_loop3A_344 = arith.addi %parallel_loop3A_280, %parallel_loop3A_343 : i32
        %parallel_loop3A_345 = arith.index_cast %parallel_loop3A_344 : i32 to index
        %parallel_loop3A_346 = tpu.vector_load %arg9[%parallel_loop3A_345] {strides = array<i32>} : memref<6272xi32, #tpu.memory_space<vmem>>, vector<16xi32>,
        %parallel_loop3A_347 = arith.constant 15 : i32
        %parallel_loop3A_348 = vector.broadcast %parallel_loop3A_347 : i32 to vector<16xi32>
        %parallel_loop3A_349 = tpu.iota {dimensions = array<i32: 0>} : vector<16xi32>
        %parallel_loop3A_350 = arith.subi %parallel_loop3A_348, %parallel_loop3A_349 : vector<16xi32>
        %parallel_loop3A_351 = tpu.dynamic_gather %parallel_loop3A_330[%parallel_loop3A_350] in [0] : vector<16xf32>, vector<16xi32> -> vector<16xf32>
        %parallel_loop3A_352 = arith.constant 15 : i32
        %parallel_loop3A_353 = vector.broadcast %parallel_loop3A_352 : i32 to vector<16xi32>
        %parallel_loop3A_354 = tpu.iota {dimensions = array<i32: 0>} : vector<16xi32>
        %parallel_loop3A_355 = arith.subi %parallel_loop3A_353, %parallel_loop3A_354 : vector<16xi32>
        %parallel_loop3A_356 = tpu.dynamic_gather %parallel_loop3A_326[%parallel_loop3A_355] in [0] : vector<16xf32>, vector<16xi32> -> vector<16xf32>
        %parallel_loop3A_357 = arith.constant 15 : i32
        %parallel_loop3A_358 = vector.broadcast %parallel_loop3A_357 : i32 to vector<16xi32>
        %parallel_loop3A_359 = tpu.iota {dimensions = array<i32: 0>} : vector<16xi32>
        %parallel_loop3A_360 = arith.subi %parallel_loop3A_358, %parallel_loop3A_359 : vector<16xi32>
        %parallel_loop3A_361 = tpu.dynamic_gather %parallel_loop3A_322[%parallel_loop3A_360] in [0] : vector<16xf32>, vector<16xi32> -> vector<16xf32>
        %parallel_loop3A_362 = arith.constant 15 : i32
        %parallel_loop3A_363 = vector.broadcast %parallel_loop3A_362 : i32 to vector<16xi32>
        %parallel_loop3A_364 = tpu.iota {dimensions = array<i32: 0>} : vector<16xi32>
        %parallel_loop3A_365 = arith.subi %parallel_loop3A_363, %parallel_loop3A_364 : vector<16xi32>
        %parallel_loop3A_366 = tpu.dynamic_gather %parallel_loop3A_318[%parallel_loop3A_365] in [0] : vector<16xf32>, vector<16xi32> -> vector<16xf32>
        %parallel_loop3A_367 = arith.constant 15 : i32
        %parallel_loop3A_368 = vector.broadcast %parallel_loop3A_367 : i32 to vector<16xi32>
        %parallel_loop3A_369 = tpu.iota {dimensions = array<i32: 0>} : vector<16xi32>
        %parallel_loop3A_370 = arith.subi %parallel_loop3A_368, %parallel_loop3A_369 : vector<16xi32>
        %parallel_loop3A_371 = tpu.dynamic_gather %parallel_loop3A_346[%parallel_loop3A_370] in [0] : vector<16xi32>, vector<16xi32> -> vector<16xi32>
        %parallel_loop3A_372 = arith.constant 15 : i32
        %parallel_loop3A_373 = vector.broadcast %parallel_loop3A_372 : i32 to vector<16xi32>
        %parallel_loop3A_374 = tpu.iota {dimensions = array<i32: 0>} : vector<16xi32>
        %parallel_loop3A_375 = arith.subi %parallel_loop3A_373, %parallel_loop3A_374 : vector<16xi32>
        %parallel_loop3A_376 = tpu.dynamic_gather %parallel_loop3A_342[%parallel_loop3A_375] in [0] : vector<16xi32>, vector<16xi32> -> vector<16xi32>
        %parallel_loop3A_377 = arith.constant 15 : i32
        %parallel_loop3A_378 = vector.broadcast %parallel_loop3A_377 : i32 to vector<16xi32>
        %parallel_loop3A_379 = tpu.iota {dimensions = array<i32: 0>} : vector<16xi32>
        %parallel_loop3A_380 = arith.subi %parallel_loop3A_378, %parallel_loop3A_379 : vector<16xi32>
        %parallel_loop3A_381 = tpu.dynamic_gather %parallel_loop3A_338[%parallel_loop3A_380] in [0] : vector<16xi32>, vector<16xi32> -> vector<16xi32>
        %parallel_loop3A_382 = arith.constant 15 : i32
        %parallel_loop3A_383 = vector.broadcast %parallel_loop3A_382 : i32 to vector<16xi32>
        %parallel_loop3A_384 = tpu.iota {dimensions = array<i32: 0>} : vector<16xi32>
        %parallel_loop3A_385 = arith.subi %parallel_loop3A_383, %parallel_loop3A_384 : vector<16xi32>
        %parallel_loop3A_386 = tpu.dynamic_gather %parallel_loop3A_334[%parallel_loop3A_385] in [0] : vector<16xi32>, vector<16xi32> -> vector<16xi32>
        %parallel_loop3A_387 = arith.cmpf oge, %parallel_loop3A_286, %parallel_loop3A_351 : vector<16xf32>
        %parallel_loop3A_388 = arith.select %parallel_loop3A_387, %parallel_loop3A_286, %parallel_loop3A_351 : vector<16xi1>, vector<16xf32>
        %parallel_loop3A_389 = arith.select %parallel_loop3A_387, %parallel_loop3A_302, %parallel_loop3A_371 : vector<16xi1>, vector<16xi32>
        %parallel_loop3A_390 = arith.cmpf oge, %parallel_loop3A_290, %parallel_loop3A_356 : vector<16xf32>
        %parallel_loop3A_391 = arith.select %parallel_loop3A_390, %parallel_loop3A_290, %parallel_loop3A_356 : vector<16xi1>, vector<16xf32>
        %parallel_loop3A_392 = arith.select %parallel_loop3A_390, %parallel_loop3A_306, %parallel_loop3A_376 : vector<16xi1>, vector<16xi32>
        %parallel_loop3A_393 = arith.cmpf oge, %parallel_loop3A_294, %parallel_loop3A_361 : vector<16xf32>
        %parallel_loop3A_394 = arith.select %parallel_loop3A_393, %parallel_loop3A_294, %parallel_loop3A_361 : vector<16xi1>, vector<16xf32>
        %parallel_loop3A_395 = arith.select %parallel_loop3A_393, %parallel_loop3A_310, %parallel_loop3A_381 : vector<16xi1>, vector<16xi32>
        %parallel_loop3A_396 = arith.cmpf oge, %parallel_loop3A_298, %parallel_loop3A_366 : vector<16xf32>
        %parallel_loop3A_397 = arith.select %parallel_loop3A_396, %parallel_loop3A_298, %parallel_loop3A_366 : vector<16xi1>, vector<16xf32>
        %parallel_loop3A_398 = arith.select %parallel_loop3A_396, %parallel_loop3A_314, %parallel_loop3A_386 : vector<16xi1>, vector<16xi32>
        %parallel_loop3A_399 = arith.cmpf ole, %parallel_loop3A_388, %parallel_loop3A_394 : vector<16xf32>
        %parallel_loop3A_400 = arith.select %parallel_loop3A_399, %parallel_loop3A_388, %parallel_loop3A_394 : vector<16xi1>, vector<16xf32>
        %parallel_loop3A_401 = arith.select %parallel_loop3A_399, %parallel_loop3A_389, %parallel_loop3A_395 : vector<16xi1>, vector<16xi32>
        %parallel_loop3A_402 = arith.select %parallel_loop3A_399, %parallel_loop3A_394, %parallel_loop3A_388 : vector<16xi1>, vector<16xf32>
        %parallel_loop3A_403 = arith.select %parallel_loop3A_399, %parallel_loop3A_395, %parallel_loop3A_389 : vector<16xi1>, vector<16xi32>
        %parallel_loop3A_404 = arith.cmpf ole, %parallel_loop3A_391, %parallel_loop3A_397 : vector<16xf32>
        %parallel_loop3A_405 = arith.select %parallel_loop3A_404, %parallel_loop3A_391, %parallel_loop3A_397 : vector<16xi1>, vector<16xf32>
        %parallel_loop3A_406 = arith.select %parallel_loop3A_404, %parallel_loop3A_392, %parallel_loop3A_398 : vector<16xi1>, vector<16xi32>
        %parallel_loop3A_407 = arith.select %parallel_loop3A_404, %parallel_loop3A_397, %parallel_loop3A_391 : vector<16xi1>, vector<16xf32>
        %parallel_loop3A_408 = arith.select %parallel_loop3A_404, %parallel_loop3A_398, %parallel_loop3A_392 : vector<16xi1>, vector<16xi32>
        %parallel_loop3A_409 = arith.cmpf ole, %parallel_loop3A_400, %parallel_loop3A_405 : vector<16xf32>
        %parallel_loop3A_410 = arith.select %parallel_loop3A_409, %parallel_loop3A_400, %parallel_loop3A_405 : vector<16xi1>, vector<16xf32>
        %parallel_loop3A_411 = arith.select %parallel_loop3A_409, %parallel_loop3A_401, %parallel_loop3A_406 : vector<16xi1>, vector<16xi32>
        %parallel_loop3A_412 = arith.select %parallel_loop3A_409, %parallel_loop3A_405, %parallel_loop3A_400 : vector<16xi1>, vector<16xf32>
        %parallel_loop3A_413 = arith.select %parallel_loop3A_409, %parallel_loop3A_406, %parallel_loop3A_401 : vector<16xi1>, vector<16xi32>
        %parallel_loop3A_414 = arith.cmpf ole, %parallel_loop3A_402, %parallel_loop3A_407 : vector<16xf32>
        %parallel_loop3A_415 = arith.select %parallel_loop3A_414, %parallel_loop3A_402, %parallel_loop3A_407 : vector<16xi1>, vector<16xf32>
        %parallel_loop3A_416 = arith.select %parallel_loop3A_414, %parallel_loop3A_403, %parallel_loop3A_408 : vector<16xi1>, vector<16xi32>
        %parallel_loop3A_417 = arith.select %parallel_loop3A_414, %parallel_loop3A_407, %parallel_loop3A_402 : vector<16xi1>, vector<16xf32>
        %parallel_loop3A_418 = arith.select %parallel_loop3A_414, %parallel_loop3A_408, %parallel_loop3A_403 : vector<16xi1>, vector<16xi32>
        %parallel_loop3A_419 = arith.constant dense<true> : vector<16xi1>
        %parallel_loop3A_420, %parallel_loop3A_421, %parallel_loop3A_422 = tpu.sort %parallel_loop3A_410, %parallel_loop3A_411 masked %parallel_loop3A_419 : (vector<16xf32>, vector<16xi32>, vector<16xi1>) -> (vector<16xi1>, vector<16xf32>, vector<16xi32>)
        %parallel_loop3A_423 = arith.constant dense<true> : vector<16xi1>
        %parallel_loop3A_424, %parallel_loop3A_425, %parallel_loop3A_426 = tpu.sort %parallel_loop3A_412, %parallel_loop3A_413 masked %parallel_loop3A_423 : (vector<16xf32>, vector<16xi32>, vector<16xi1>) -> (vector<16xi1>, vector<16xf32>, vector<16xi32>)
        %parallel_loop3A_427 = arith.constant dense<true> : vector<16xi1>
        %parallel_loop3A_428, %parallel_loop3A_429, %parallel_loop3A_430 = tpu.sort %parallel_loop3A_415, %parallel_loop3A_416 masked %parallel_loop3A_427 : (vector<16xf32>, vector<16xi32>, vector<16xi1>) -> (vector<16xi1>, vector<16xf32>, vector<16xi32>)
        %parallel_loop3A_431 = arith.constant dense<true> : vector<16xi1>
        %parallel_loop3A_432, %parallel_loop3A_433, %parallel_loop3A_434 = tpu.sort %parallel_loop3A_417, %parallel_loop3A_418 masked %parallel_loop3A_431 : (vector<16xf32>, vector<16xi32>, vector<16xi1>) -> (vector<16xi1>, vector<16xf32>, vector<16xi32>)
        %parallel_loop3A_435 = arith.constant 0 : i32
        %parallel_loop3A_436 = arith.addi %parallel_loop3A_282, %parallel_loop3A_435 : i32
        %parallel_loop3A_437 = arith.index_cast %parallel_loop3A_436 : i32 to index
        %parallel_loop3A_438 = tpu.vector_load %arg10[%parallel_loop3A_437] {strides = array<i32>} : memref<6272xf32, #tpu.memory_space<vmem>>, vector<16xf32>,
        tpu.vector_store %arg10[%parallel_loop3A_437], %parallel_loop3A_421 {strides = array<i32>} : memref<6272xf32, #tpu.memory_space<vmem>>, vector<16xf32>,
        %parallel_loop3A_439 = arith.constant 0 : i32
        %parallel_loop3A_440 = arith.addi %parallel_loop3A_282, %parallel_loop3A_439 : i32
        %parallel_loop3A_441 = arith.index_cast %parallel_loop3A_440 : i32 to index
        %parallel_loop3A_442 = tpu.vector_load %arg11[%parallel_loop3A_441] {strides = array<i32>} : memref<6272xi32, #tpu.memory_space<vmem>>, vector<16xi32>,
        tpu.vector_store %arg11[%parallel_loop3A_441], %parallel_loop3A_422 {strides = array<i32>} : memref<6272xi32, #tpu.memory_space<vmem>>, vector<16xi32>,
        %parallel_loop3A_443 = arith.constant 16 : i32
        %parallel_loop3A_444 = arith.addi %parallel_loop3A_282, %parallel_loop3A_443 : i32
        %parallel_loop3A_445 = arith.index_cast %parallel_loop3A_444 : i32 to index
        %parallel_loop3A_446 = tpu.vector_load %arg10[%parallel_loop3A_445] {strides = array<i32>} : memref<6272xf32, #tpu.memory_space<vmem>>, vector<16xf32>,
        tpu.vector_store %arg10[%parallel_loop3A_445], %parallel_loop3A_425 {strides = array<i32>} : memref<6272xf32, #tpu.memory_space<vmem>>, vector<16xf32>,
        %parallel_loop3A_447 = arith.constant 16 : i32
        %parallel_loop3A_448 = arith.addi %parallel_loop3A_282, %parallel_loop3A_447 : i32
        %parallel_loop3A_449 = arith.index_cast %parallel_loop3A_448 : i32 to index
        %parallel_loop3A_450 = tpu.vector_load %arg11[%parallel_loop3A_449] {strides = array<i32>} : memref<6272xi32, #tpu.memory_space<vmem>>, vector<16xi32>,
        tpu.vector_store %arg11[%parallel_loop3A_449], %parallel_loop3A_426 {strides = array<i32>} : memref<6272xi32, #tpu.memory_space<vmem>>, vector<16xi32>,
        %parallel_loop3A_451 = arith.constant 32 : i32
        %parallel_loop3A_452 = arith.addi %parallel_loop3A_282, %parallel_loop3A_451 : i32
        %parallel_loop3A_453 = arith.index_cast %parallel_loop3A_452 : i32 to index
        %parallel_loop3A_454 = tpu.vector_load %arg10[%parallel_loop3A_453] {strides = array<i32>} : memref<6272xf32, #tpu.memory_space<vmem>>, vector<16xf32>,
        tpu.vector_store %arg10[%parallel_loop3A_453], %parallel_loop3A_429 {strides = array<i32>} : memref<6272xf32, #tpu.memory_space<vmem>>, vector<16xf32>,
        %parallel_loop3A_455 = arith.constant 32 : i32
        %parallel_loop3A_456 = arith.addi %parallel_loop3A_282, %parallel_loop3A_455 : i32
        %parallel_loop3A_457 = arith.index_cast %parallel_loop3A_456 : i32 to index
        %parallel_loop3A_458 = tpu.vector_load %arg11[%parallel_loop3A_457] {strides = array<i32>} : memref<6272xi32, #tpu.memory_space<vmem>>, vector<16xi32>,
        tpu.vector_store %arg11[%parallel_loop3A_457], %parallel_loop3A_430 {strides = array<i32>} : memref<6272xi32, #tpu.memory_space<vmem>>, vector<16xi32>,
        %parallel_loop3A_459 = arith.constant 48 : i32
        %parallel_loop3A_460 = arith.addi %parallel_loop3A_282, %parallel_loop3A_459 : i32
        %parallel_loop3A_461 = arith.index_cast %parallel_loop3A_460 : i32 to index
        %parallel_loop3A_462 = tpu.vector_load %arg10[%parallel_loop3A_461] {strides = array<i32>} : memref<6272xf32, #tpu.memory_space<vmem>>, vector<16xf32>,
        tpu.vector_store %arg10[%parallel_loop3A_461], %parallel_loop3A_433 {strides = array<i32>} : memref<6272xf32, #tpu.memory_space<vmem>>, vector<16xf32>,
        %parallel_loop3A_463 = arith.constant 48 : i32
        %parallel_loop3A_464 = arith.addi %parallel_loop3A_282, %parallel_loop3A_463 : i32
        %parallel_loop3A_465 = arith.index_cast %parallel_loop3A_464 : i32 to index
        %parallel_loop3A_466 = tpu.vector_load %arg11[%parallel_loop3A_465] {strides = array<i32>} : memref<6272xi32, #tpu.memory_space<vmem>>, vector<16xi32>,
        tpu.vector_store %arg11[%parallel_loop3A_465], %parallel_loop3A_434 {strides = array<i32>} : memref<6272xi32, #tpu.memory_space<vmem>>, vector<16xi32>,
      } {sc.loop_unroll_factor = 2 : i64, sc.parallel_access}
      %parallel_loop3A_159 = arith.constant 0 : i32
      %parallel_loop3A_160 = arith.constant 4 : i32
      %parallel_loop3A_161 = arith.constant 1 : i32
      scf.for %parallel_loop3A_270 = %parallel_loop3A_159 to %parallel_loop3A_160 step %parallel_loop3A_161  : i32 {
        %parallel_loop3A_271 = arith.constant 2 : i32
        %parallel_loop3A_272 = arith.muli %parallel_loop3A_271, %parallel_loop3A_270 : i32
        %parallel_loop3A_273 = arith.constant 64 : i32
        %parallel_loop3A_274 = arith.muli %parallel_loop3A_272, %parallel_loop3A_273 : i32
        %parallel_loop3A_275 = arith.constant 2 : i32
        %parallel_loop3A_276 = arith.muli %parallel_loop3A_275, %parallel_loop3A_270 : i32
        %parallel_loop3A_277 = arith.constant 1 : i32
        %parallel_loop3A_278 = arith.addi %parallel_loop3A_276, %parallel_loop3A_277 : i32
        %parallel_loop3A_279 = arith.constant 64 : i32
        %parallel_loop3A_280 = arith.muli %parallel_loop3A_278, %parallel_loop3A_279 : i32
        %parallel_loop3A_281 = arith.constant 64 : i32
        %parallel_loop3A_282 = arith.muli %parallel_loop3A_270, %parallel_loop3A_281 : i32
        %parallel_loop3A_283 = arith.constant 0 : i32
        %parallel_loop3A_284 = arith.addi %parallel_loop3A_274, %parallel_loop3A_283 : i32
        %parallel_loop3A_285 = arith.index_cast %parallel_loop3A_284 : i32 to index
        %parallel_loop3A_286 = tpu.vector_load %arg10[%parallel_loop3A_285] {strides = array<i32>} : memref<6272xf32, #tpu.memory_space<vmem>>, vector<16xf32>,
        %parallel_loop3A_287 = arith.constant 16 : i32
        %parallel_loop3A_288 = arith.addi %parallel_loop3A_274, %parallel_loop3A_287 : i32
        %parallel_loop3A_289 = arith.index_cast %parallel_loop3A_288 : i32 to index
        %parallel_loop3A_290 = tpu.vector_load %arg10[%parallel_loop3A_289] {strides = array<i32>} : memref<6272xf32, #tpu.memory_space<vmem>>, vector<16xf32>,
        %parallel_loop3A_291 = arith.constant 32 : i32
        %parallel_loop3A_292 = arith.addi %parallel_loop3A_274, %parallel_loop3A_291 : i32
        %parallel_loop3A_293 = arith.index_cast %parallel_loop3A_292 : i32 to index
        %parallel_loop3A_294 = tpu.vector_load %arg10[%parallel_loop3A_293] {strides = array<i32>} : memref<6272xf32, #tpu.memory_space<vmem>>, vector<16xf32>,
        %parallel_loop3A_295 = arith.constant 48 : i32
        %parallel_loop3A_296 = arith.addi %parallel_loop3A_274, %parallel_loop3A_295 : i32
        %parallel_loop3A_297 = arith.index_cast %parallel_loop3A_296 : i32 to index
        %parallel_loop3A_298 = tpu.vector_load %arg10[%parallel_loop3A_297] {strides = array<i32>} : memref<6272xf32, #tpu.memory_space<vmem>>, vector<16xf32>,
        %parallel_loop3A_299 = arith.constant 0 : i32
        %parallel_loop3A_300 = arith.addi %parallel_loop3A_274, %parallel_loop3A_299 : i32
        %parallel_loop3A_301 = arith.index_cast %parallel_loop3A_300 : i32 to index
        %parallel_loop3A_302 = tpu.vector_load %arg11[%parallel_loop3A_301] {strides = array<i32>} : memref<6272xi32, #tpu.memory_space<vmem>>, vector<16xi32>,
        %parallel_loop3A_303 = arith.constant 16 : i32
        %parallel_loop3A_304 = arith.addi %parallel_loop3A_274, %parallel_loop3A_303 : i32
        %parallel_loop3A_305 = arith.index_cast %parallel_loop3A_304 : i32 to index
        %parallel_loop3A_306 = tpu.vector_load %arg11[%parallel_loop3A_305] {strides = array<i32>} : memref<6272xi32, #tpu.memory_space<vmem>>, vector<16xi32>,
        %parallel_loop3A_307 = arith.constant 32 : i32
        %parallel_loop3A_308 = arith.addi %parallel_loop3A_274, %parallel_loop3A_307 : i32
        %parallel_loop3A_309 = arith.index_cast %parallel_loop3A_308 : i32 to index
        %parallel_loop3A_310 = tpu.vector_load %arg11[%parallel_loop3A_309] {strides = array<i32>} : memref<6272xi32, #tpu.memory_space<vmem>>, vector<16xi32>,
        %parallel_loop3A_311 = arith.constant 48 : i32
        %parallel_loop3A_312 = arith.addi %parallel_loop3A_274, %parallel_loop3A_311 : i32
        %parallel_loop3A_313 = arith.index_cast %parallel_loop3A_312 : i32 to index
        %parallel_loop3A_314 = tpu.vector_load %arg11[%parallel_loop3A_313] {strides = array<i32>} : memref<6272xi32, #tpu.memory_space<vmem>>, vector<16xi32>,
        %parallel_loop3A_315 = arith.constant 0 : i32
        %parallel_loop3A_316 = arith.addi %parallel_loop3A_280, %parallel_loop3A_315 : i32
        %parallel_loop3A_317 = arith.index_cast %parallel_loop3A_316 : i32 to index
        %parallel_loop3A_318 = tpu.vector_load %arg10[%parallel_loop3A_317] {strides = array<i32>} : memref<6272xf32, #tpu.memory_space<vmem>>, vector<16xf32>,
        %parallel_loop3A_319 = arith.constant 16 : i32
        %parallel_loop3A_320 = arith.addi %parallel_loop3A_280, %parallel_loop3A_319 : i32
        %parallel_loop3A_321 = arith.index_cast %parallel_loop3A_320 : i32 to index
        %parallel_loop3A_322 = tpu.vector_load %arg10[%parallel_loop3A_321] {strides = array<i32>} : memref<6272xf32, #tpu.memory_space<vmem>>, vector<16xf32>,
        %parallel_loop3A_323 = arith.constant 32 : i32
        %parallel_loop3A_324 = arith.addi %parallel_loop3A_280, %parallel_loop3A_323 : i32
        %parallel_loop3A_325 = arith.index_cast %parallel_loop3A_324 : i32 to index
        %parallel_loop3A_326 = tpu.vector_load %arg10[%parallel_loop3A_325] {strides = array<i32>} : memref<6272xf32, #tpu.memory_space<vmem>>, vector<16xf32>,
        %parallel_loop3A_327 = arith.constant 48 : i32
        %parallel_loop3A_328 = arith.addi %parallel_loop3A_280, %parallel_loop3A_327 : i32
        %parallel_loop3A_329 = arith.index_cast %parallel_loop3A_328 : i32 to index
        %parallel_loop3A_330 = tpu.vector_load %arg10[%parallel_loop3A_329] {strides = array<i32>} : memref<6272xf32, #tpu.memory_space<vmem>>, vector<16xf32>,
        %parallel_loop3A_331 = arith.constant 0 : i32
        %parallel_loop3A_332 = arith.addi %parallel_loop3A_280, %parallel_loop3A_331 : i32
        %parallel_loop3A_333 = arith.index_cast %parallel_loop3A_332 : i32 to index
        %parallel_loop3A_334 = tpu.vector_load %arg11[%parallel_loop3A_333] {strides = array<i32>} : memref<6272xi32, #tpu.memory_space<vmem>>, vector<16xi32>,
        %parallel_loop3A_335 = arith.constant 16 : i32
        %parallel_loop3A_336 = arith.addi %parallel_loop3A_280, %parallel_loop3A_335 : i32
        %parallel_loop3A_337 = arith.index_cast %parallel_loop3A_336 : i32 to index
        %parallel_loop3A_338 = tpu.vector_load %arg11[%parallel_loop3A_337] {strides = array<i32>} : memref<6272xi32, #tpu.memory_space<vmem>>, vector<16xi32>,
        %parallel_loop3A_339 = arith.constant 32 : i32
        %parallel_loop3A_340 = arith.addi %parallel_loop3A_280, %parallel_loop3A_339 : i32
        %parallel_loop3A_341 = arith.index_cast %parallel_loop3A_340 : i32 to index
        %parallel_loop3A_342 = tpu.vector_load %arg11[%parallel_loop3A_341] {strides = array<i32>} : memref<6272xi32, #tpu.memory_space<vmem>>, vector<16xi32>,
        %parallel_loop3A_343 = arith.constant 48 : i32
        %parallel_loop3A_344 = arith.addi %parallel_loop3A_280, %parallel_loop3A_343 : i32
        %parallel_loop3A_345 = arith.index_cast %parallel_loop3A_344 : i32 to index
        %parallel_loop3A_346 = tpu.vector_load %arg11[%parallel_loop3A_345] {strides = array<i32>} : memref<6272xi32, #tpu.memory_space<vmem>>, vector<16xi32>,
        %parallel_loop3A_347 = arith.constant 15 : i32
        %parallel_loop3A_348 = vector.broadcast %parallel_loop3A_347 : i32 to vector<16xi32>
        %parallel_loop3A_349 = tpu.iota {dimensions = array<i32: 0>} : vector<16xi32>
        %parallel_loop3A_350 = arith.subi %parallel_loop3A_348, %parallel_loop3A_349 : vector<16xi32>
        %parallel_loop3A_351 = tpu.dynamic_gather %parallel_loop3A_330[%parallel_loop3A_350] in [0] : vector<16xf32>, vector<16xi32> -> vector<16xf32>
        %parallel_loop3A_352 = arith.constant 15 : i32
        %parallel_loop3A_353 = vector.broadcast %parallel_loop3A_352 : i32 to vector<16xi32>
        %parallel_loop3A_354 = tpu.iota {dimensions = array<i32: 0>} : vector<16xi32>
        %parallel_loop3A_355 = arith.subi %parallel_loop3A_353, %parallel_loop3A_354 : vector<16xi32>
        %parallel_loop3A_356 = tpu.dynamic_gather %parallel_loop3A_326[%parallel_loop3A_355] in [0] : vector<16xf32>, vector<16xi32> -> vector<16xf32>
        %parallel_loop3A_357 = arith.constant 15 : i32
        %parallel_loop3A_358 = vector.broadcast %parallel_loop3A_357 : i32 to vector<16xi32>
        %parallel_loop3A_359 = tpu.iota {dimensions = array<i32: 0>} : vector<16xi32>
        %parallel_loop3A_360 = arith.subi %parallel_loop3A_358, %parallel_loop3A_359 : vector<16xi32>
        %parallel_loop3A_361 = tpu.dynamic_gather %parallel_loop3A_322[%parallel_loop3A_360] in [0] : vector<16xf32>, vector<16xi32> -> vector<16xf32>
        %parallel_loop3A_362 = arith.constant 15 : i32
        %parallel_loop3A_363 = vector.broadcast %parallel_loop3A_362 : i32 to vector<16xi32>
        %parallel_loop3A_364 = tpu.iota {dimensions = array<i32: 0>} : vector<16xi32>
        %parallel_loop3A_365 = arith.subi %parallel_loop3A_363, %parallel_loop3A_364 : vector<16xi32>
        %parallel_loop3A_366 = tpu.dynamic_gather %parallel_loop3A_318[%parallel_loop3A_365] in [0] : vector<16xf32>, vector<16xi32> -> vector<16xf32>
        %parallel_loop3A_367 = arith.constant 15 : i32
        %parallel_loop3A_368 = vector.broadcast %parallel_loop3A_367 : i32 to vector<16xi32>
        %parallel_loop3A_369 = tpu.iota {dimensions = array<i32: 0>} : vector<16xi32>
        %parallel_loop3A_370 = arith.subi %parallel_loop3A_368, %parallel_loop3A_369 : vector<16xi32>
        %parallel_loop3A_371 = tpu.dynamic_gather %parallel_loop3A_346[%parallel_loop3A_370] in [0] : vector<16xi32>, vector<16xi32> -> vector<16xi32>
        %parallel_loop3A_372 = arith.constant 15 : i32
        %parallel_loop3A_373 = vector.broadcast %parallel_loop3A_372 : i32 to vector<16xi32>
        %parallel_loop3A_374 = tpu.iota {dimensions = array<i32: 0>} : vector<16xi32>
        %parallel_loop3A_375 = arith.subi %parallel_loop3A_373, %parallel_loop3A_374 : vector<16xi32>
        %parallel_loop3A_376 = tpu.dynamic_gather %parallel_loop3A_342[%parallel_loop3A_375] in [0] : vector<16xi32>, vector<16xi32> -> vector<16xi32>
        %parallel_loop3A_377 = arith.constant 15 : i32
        %parallel_loop3A_378 = vector.broadcast %parallel_loop3A_377 : i32 to vector<16xi32>
        %parallel_loop3A_379 = tpu.iota {dimensions = array<i32: 0>} : vector<16xi32>
        %parallel_loop3A_380 = arith.subi %parallel_loop3A_378, %parallel_loop3A_379 : vector<16xi32>
        %parallel_loop3A_381 = tpu.dynamic_gather %parallel_loop3A_338[%parallel_loop3A_380] in [0] : vector<16xi32>, vector<16xi32> -> vector<16xi32>
        %parallel_loop3A_382 = arith.constant 15 : i32
        %parallel_loop3A_383 = vector.broadcast %parallel_loop3A_382 : i32 to vector<16xi32>
        %parallel_loop3A_384 = tpu.iota {dimensions = array<i32: 0>} : vector<16xi32>
        %parallel_loop3A_385 = arith.subi %parallel_loop3A_383, %parallel_loop3A_384 : vector<16xi32>
        %parallel_loop3A_386 = tpu.dynamic_gather %parallel_loop3A_334[%parallel_loop3A_385] in [0] : vector<16xi32>, vector<16xi32> -> vector<16xi32>
        %parallel_loop3A_387 = arith.cmpf oge, %parallel_loop3A_286, %parallel_loop3A_351 : vector<16xf32>
        %parallel_loop3A_388 = arith.select %parallel_loop3A_387, %parallel_loop3A_286, %parallel_loop3A_351 : vector<16xi1>, vector<16xf32>
        %parallel_loop3A_389 = arith.select %parallel_loop3A_387, %parallel_loop3A_302, %parallel_loop3A_371 : vector<16xi1>, vector<16xi32>
        %parallel_loop3A_390 = arith.cmpf oge, %parallel_loop3A_290, %parallel_loop3A_356 : vector<16xf32>
        %parallel_loop3A_391 = arith.select %parallel_loop3A_390, %parallel_loop3A_290, %parallel_loop3A_356 : vector<16xi1>, vector<16xf32>
        %parallel_loop3A_392 = arith.select %parallel_loop3A_390, %parallel_loop3A_306, %parallel_loop3A_376 : vector<16xi1>, vector<16xi32>
        %parallel_loop3A_393 = arith.cmpf oge, %parallel_loop3A_294, %parallel_loop3A_361 : vector<16xf32>
        %parallel_loop3A_394 = arith.select %parallel_loop3A_393, %parallel_loop3A_294, %parallel_loop3A_361 : vector<16xi1>, vector<16xf32>
        %parallel_loop3A_395 = arith.select %parallel_loop3A_393, %parallel_loop3A_310, %parallel_loop3A_381 : vector<16xi1>, vector<16xi32>
        %parallel_loop3A_396 = arith.cmpf oge, %parallel_loop3A_298, %parallel_loop3A_366 : vector<16xf32>
        %parallel_loop3A_397 = arith.select %parallel_loop3A_396, %parallel_loop3A_298, %parallel_loop3A_366 : vector<16xi1>, vector<16xf32>
        %parallel_loop3A_398 = arith.select %parallel_loop3A_396, %parallel_loop3A_314, %parallel_loop3A_386 : vector<16xi1>, vector<16xi32>
        %parallel_loop3A_399 = arith.cmpf ole, %parallel_loop3A_388, %parallel_loop3A_394 : vector<16xf32>
        %parallel_loop3A_400 = arith.select %parallel_loop3A_399, %parallel_loop3A_388, %parallel_loop3A_394 : vector<16xi1>, vector<16xf32>
        %parallel_loop3A_401 = arith.select %parallel_loop3A_399, %parallel_loop3A_389, %parallel_loop3A_395 : vector<16xi1>, vector<16xi32>
        %parallel_loop3A_402 = arith.select %parallel_loop3A_399, %parallel_loop3A_394, %parallel_loop3A_388 : vector<16xi1>, vector<16xf32>
        %parallel_loop3A_403 = arith.select %parallel_loop3A_399, %parallel_loop3A_395, %parallel_loop3A_389 : vector<16xi1>, vector<16xi32>
        %parallel_loop3A_404 = arith.cmpf ole, %parallel_loop3A_391, %parallel_loop3A_397 : vector<16xf32>
        %parallel_loop3A_405 = arith.select %parallel_loop3A_404, %parallel_loop3A_391, %parallel_loop3A_397 : vector<16xi1>, vector<16xf32>
        %parallel_loop3A_406 = arith.select %parallel_loop3A_404, %parallel_loop3A_392, %parallel_loop3A_398 : vector<16xi1>, vector<16xi32>
        %parallel_loop3A_407 = arith.select %parallel_loop3A_404, %parallel_loop3A_397, %parallel_loop3A_391 : vector<16xi1>, vector<16xf32>
        %parallel_loop3A_408 = arith.select %parallel_loop3A_404, %parallel_loop3A_398, %parallel_loop3A_392 : vector<16xi1>, vector<16xi32>
        %parallel_loop3A_409 = arith.cmpf ole, %parallel_loop3A_400, %parallel_loop3A_405 : vector<16xf32>
        %parallel_loop3A_410 = arith.select %parallel_loop3A_409, %parallel_loop3A_400, %parallel_loop3A_405 : vector<16xi1>, vector<16xf32>
        %parallel_loop3A_411 = arith.select %parallel_loop3A_409, %parallel_loop3A_401, %parallel_loop3A_406 : vector<16xi1>, vector<16xi32>
        %parallel_loop3A_412 = arith.select %parallel_loop3A_409, %parallel_loop3A_405, %parallel_loop3A_400 : vector<16xi1>, vector<16xf32>
        %parallel_loop3A_413 = arith.select %parallel_loop3A_409, %parallel_loop3A_406, %parallel_loop3A_401 : vector<16xi1>, vector<16xi32>
        %parallel_loop3A_414 = arith.cmpf ole, %parallel_loop3A_402, %parallel_loop3A_407 : vector<16xf32>
        %parallel_loop3A_415 = arith.select %parallel_loop3A_414, %parallel_loop3A_402, %parallel_loop3A_407 : vector<16xi1>, vector<16xf32>
        %parallel_loop3A_416 = arith.select %parallel_loop3A_414, %parallel_loop3A_403, %parallel_loop3A_408 : vector<16xi1>, vector<16xi32>
        %parallel_loop3A_417 = arith.select %parallel_loop3A_414, %parallel_loop3A_407, %parallel_loop3A_402 : vector<16xi1>, vector<16xf32>
        %parallel_loop3A_418 = arith.select %parallel_loop3A_414, %parallel_loop3A_408, %parallel_loop3A_403 : vector<16xi1>, vector<16xi32>
        %parallel_loop3A_419 = arith.constant dense<true> : vector<16xi1>
        %parallel_loop3A_420, %parallel_loop3A_421, %parallel_loop3A_422 = tpu.sort %parallel_loop3A_410, %parallel_loop3A_411 masked %parallel_loop3A_419 : (vector<16xf32>, vector<16xi32>, vector<16xi1>) -> (vector<16xi1>, vector<16xf32>, vector<16xi32>)
        %parallel_loop3A_423 = arith.constant dense<true> : vector<16xi1>
        %parallel_loop3A_424, %parallel_loop3A_425, %parallel_loop3A_426 = tpu.sort %parallel_loop3A_412, %parallel_loop3A_413 masked %parallel_loop3A_423 : (vector<16xf32>, vector<16xi32>, vector<16xi1>) -> (vector<16xi1>, vector<16xf32>, vector<16xi32>)
        %parallel_loop3A_427 = arith.constant dense<true> : vector<16xi1>
        %parallel_loop3A_428, %parallel_loop3A_429, %parallel_loop3A_430 = tpu.sort %parallel_loop3A_415, %parallel_loop3A_416 masked %parallel_loop3A_427 : (vector<16xf32>, vector<16xi32>, vector<16xi1>) -> (vector<16xi1>, vector<16xf32>, vector<16xi32>)
        %parallel_loop3A_431 = arith.constant dense<true> : vector<16xi1>
        %parallel_loop3A_432, %parallel_loop3A_433, %parallel_loop3A_434 = tpu.sort %parallel_loop3A_417, %parallel_loop3A_418 masked %parallel_loop3A_431 : (vector<16xf32>, vector<16xi32>, vector<16xi1>) -> (vector<16xi1>, vector<16xf32>, vector<16xi32>)
        %parallel_loop3A_435 = arith.constant 0 : i32
        %parallel_loop3A_436 = arith.addi %parallel_loop3A_282, %parallel_loop3A_435 : i32
        %parallel_loop3A_437 = arith.index_cast %parallel_loop3A_436 : i32 to index
        %parallel_loop3A_438 = tpu.vector_load %arg8[%parallel_loop3A_437] {strides = array<i32>} : memref<6272xf32, #tpu.memory_space<vmem>>, vector<16xf32>,
        tpu.vector_store %arg8[%parallel_loop3A_437], %parallel_loop3A_421 {strides = array<i32>} : memref<6272xf32, #tpu.memory_space<vmem>>, vector<16xf32>,
        %parallel_loop3A_439 = arith.constant 0 : i32
        %parallel_loop3A_440 = arith.addi %parallel_loop3A_282, %parallel_loop3A_439 : i32
        %parallel_loop3A_441 = arith.index_cast %parallel_loop3A_440 : i32 to index
        %parallel_loop3A_442 = tpu.vector_load %arg9[%parallel_loop3A_441] {strides = array<i32>} : memref<6272xi32, #tpu.memory_space<vmem>>, vector<16xi32>,
        tpu.vector_store %arg9[%parallel_loop3A_441], %parallel_loop3A_422 {strides = array<i32>} : memref<6272xi32, #tpu.memory_space<vmem>>, vector<16xi32>,
        %parallel_loop3A_443 = arith.constant 16 : i32
        %parallel_loop3A_444 = arith.addi %parallel_loop3A_282, %parallel_loop3A_443 : i32
        %parallel_loop3A_445 = arith.index_cast %parallel_loop3A_444 : i32 to index
        %parallel_loop3A_446 = tpu.vector_load %arg8[%parallel_loop3A_445] {strides = array<i32>} : memref<6272xf32, #tpu.memory_space<vmem>>, vector<16xf32>,
        tpu.vector_store %arg8[%parallel_loop3A_445], %parallel_loop3A_425 {strides = array<i32>} : memref<6272xf32, #tpu.memory_space<vmem>>, vector<16xf32>,
        %parallel_loop3A_447 = arith.constant 16 : i32
        %parallel_loop3A_448 = arith.addi %parallel_loop3A_282, %parallel_loop3A_447 : i32
        %parallel_loop3A_449 = arith.index_cast %parallel_loop3A_448 : i32 to index
        %parallel_loop3A_450 = tpu.vector_load %arg9[%parallel_loop3A_449] {strides = array<i32>} : memref<6272xi32, #tpu.memory_space<vmem>>, vector<16xi32>,
        tpu.vector_store %arg9[%parallel_loop3A_449], %parallel_loop3A_426 {strides = array<i32>} : memref<6272xi32, #tpu.memory_space<vmem>>, vector<16xi32>,
        %parallel_loop3A_451 = arith.constant 32 : i32
        %parallel_loop3A_452 = arith.addi %parallel_loop3A_282, %parallel_loop3A_451 : i32
        %parallel_loop3A_453 = arith.index_cast %parallel_loop3A_452 : i32 to index
        %parallel_loop3A_454 = tpu.vector_load %arg8[%parallel_loop3A_453] {strides = array<i32>} : memref<6272xf32, #tpu.memory_space<vmem>>, vector<16xf32>,
        tpu.vector_store %arg8[%parallel_loop3A_453], %parallel_loop3A_429 {strides = array<i32>} : memref<6272xf32, #tpu.memory_space<vmem>>, vector<16xf32>,
        %parallel_loop3A_455 = arith.constant 32 : i32
        %parallel_loop3A_456 = arith.addi %parallel_loop3A_282, %parallel_loop3A_455 : i32
        %parallel_loop3A_457 = arith.index_cast %parallel_loop3A_456 : i32 to index
        %parallel_loop3A_458 = tpu.vector_load %arg9[%parallel_loop3A_457] {strides = array<i32>} : memref<6272xi32, #tpu.memory_space<vmem>>, vector<16xi32>,
        tpu.vector_store %arg9[%parallel_loop3A_457], %parallel_loop3A_430 {strides = array<i32>} : memref<6272xi32, #tpu.memory_space<vmem>>, vector<16xi32>,
        %parallel_loop3A_459 = arith.constant 48 : i32
        %parallel_loop3A_460 = arith.addi %parallel_loop3A_282, %parallel_loop3A_459 : i32
        %parallel_loop3A_461 = arith.index_cast %parallel_loop3A_460 : i32 to index
        %parallel_loop3A_462 = tpu.vector_load %arg8[%parallel_loop3A_461] {strides = array<i32>} : memref<6272xf32, #tpu.memory_space<vmem>>, vector<16xf32>,
        tpu.vector_store %arg8[%parallel_loop3A_461], %parallel_loop3A_433 {strides = array<i32>} : memref<6272xf32, #tpu.memory_space<vmem>>, vector<16xf32>,
        %parallel_loop3A_463 = arith.constant 48 : i32
        %parallel_loop3A_464 = arith.addi %parallel_loop3A_282, %parallel_loop3A_463 : i32
        %parallel_loop3A_465 = arith.index_cast %parallel_loop3A_464 : i32 to index
        %parallel_loop3A_466 = tpu.vector_load %arg9[%parallel_loop3A_465] {strides = array<i32>} : memref<6272xi32, #tpu.memory_space<vmem>>, vector<16xi32>,
        tpu.vector_store %arg9[%parallel_loop3A_465], %parallel_loop3A_434 {strides = array<i32>} : memref<6272xi32, #tpu.memory_space<vmem>>, vector<16xi32>,
      } {sc.loop_unroll_factor = 2 : i64, sc.parallel_access}
      %parallel_loop3A_162 = arith.constant 0 : i32
      %parallel_loop3A_163 = arith.constant 2 : i32
      %parallel_loop3A_164 = arith.constant 1 : i32
      scf.for %parallel_loop3A_270 = %parallel_loop3A_162 to %parallel_loop3A_163 step %parallel_loop3A_164  : i32 {
        %parallel_loop3A_271 = arith.constant 2 : i32
        %parallel_loop3A_272 = arith.muli %parallel_loop3A_271, %parallel_loop3A_270 : i32
        %parallel_loop3A_273 = arith.constant 64 : i32
        %parallel_loop3A_274 = arith.muli %parallel_loop3A_272, %parallel_loop3A_273 : i32
        %parallel_loop3A_275 = arith.constant 2 : i32
        %parallel_loop3A_276 = arith.muli %parallel_loop3A_275, %parallel_loop3A_270 : i32
        %parallel_loop3A_277 = arith.constant 1 : i32
        %parallel_loop3A_278 = arith.addi %parallel_loop3A_276, %parallel_loop3A_277 : i32
        %parallel_loop3A_279 = arith.constant 64 : i32
        %parallel_loop3A_280 = arith.muli %parallel_loop3A_278, %parallel_loop3A_279 : i32
        %parallel_loop3A_281 = arith.constant 64 : i32
        %parallel_loop3A_282 = arith.muli %parallel_loop3A_270, %parallel_loop3A_281 : i32
        %parallel_loop3A_283 = arith.constant 0 : i32
        %parallel_loop3A_284 = arith.addi %parallel_loop3A_274, %parallel_loop3A_283 : i32
        %parallel_loop3A_285 = arith.index_cast %parallel_loop3A_284 : i32 to index
        %parallel_loop3A_286 = tpu.vector_load %arg8[%parallel_loop3A_285] {strides = array<i32>} : memref<6272xf32, #tpu.memory_space<vmem>>, vector<16xf32>,
        %parallel_loop3A_287 = arith.constant 16 : i32
        %parallel_loop3A_288 = arith.addi %parallel_loop3A_274, %parallel_loop3A_287 : i32
        %parallel_loop3A_289 = arith.index_cast %parallel_loop3A_288 : i32 to index
        %parallel_loop3A_290 = tpu.vector_load %arg8[%parallel_loop3A_289] {strides = array<i32>} : memref<6272xf32, #tpu.memory_space<vmem>>, vector<16xf32>,
        %parallel_loop3A_291 = arith.constant 32 : i32
        %parallel_loop3A_292 = arith.addi %parallel_loop3A_274, %parallel_loop3A_291 : i32
        %parallel_loop3A_293 = arith.index_cast %parallel_loop3A_292 : i32 to index
        %parallel_loop3A_294 = tpu.vector_load %arg8[%parallel_loop3A_293] {strides = array<i32>} : memref<6272xf32, #tpu.memory_space<vmem>>, vector<16xf32>,
        %parallel_loop3A_295 = arith.constant 48 : i32
        %parallel_loop3A_296 = arith.addi %parallel_loop3A_274, %parallel_loop3A_295 : i32
        %parallel_loop3A_297 = arith.index_cast %parallel_loop3A_296 : i32 to index
        %parallel_loop3A_298 = tpu.vector_load %arg8[%parallel_loop3A_297] {strides = array<i32>} : memref<6272xf32, #tpu.memory_space<vmem>>, vector<16xf32>,
        %parallel_loop3A_299 = arith.constant 0 : i32
        %parallel_loop3A_300 = arith.addi %parallel_loop3A_274, %parallel_loop3A_299 : i32
        %parallel_loop3A_301 = arith.index_cast %parallel_loop3A_300 : i32 to index
        %parallel_loop3A_302 = tpu.vector_load %arg9[%parallel_loop3A_301] {strides = array<i32>} : memref<6272xi32, #tpu.memory_space<vmem>>, vector<16xi32>,
        %parallel_loop3A_303 = arith.constant 16 : i32
        %parallel_loop3A_304 = arith.addi %parallel_loop3A_274, %parallel_loop3A_303 : i32
        %parallel_loop3A_305 = arith.index_cast %parallel_loop3A_304 : i32 to index
        %parallel_loop3A_306 = tpu.vector_load %arg9[%parallel_loop3A_305] {strides = array<i32>} : memref<6272xi32, #tpu.memory_space<vmem>>, vector<16xi32>,
        %parallel_loop3A_307 = arith.constant 32 : i32
        %parallel_loop3A_308 = arith.addi %parallel_loop3A_274, %parallel_loop3A_307 : i32
        %parallel_loop3A_309 = arith.index_cast %parallel_loop3A_308 : i32 to index
        %parallel_loop3A_310 = tpu.vector_load %arg9[%parallel_loop3A_309] {strides = array<i32>} : memref<6272xi32, #tpu.memory_space<vmem>>, vector<16xi32>,
        %parallel_loop3A_311 = arith.constant 48 : i32
        %parallel_loop3A_312 = arith.addi %parallel_loop3A_274, %parallel_loop3A_311 : i32
        %parallel_loop3A_313 = arith.index_cast %parallel_loop3A_312 : i32 to index
        %parallel_loop3A_314 = tpu.vector_load %arg9[%parallel_loop3A_313] {strides = array<i32>} : memref<6272xi32, #tpu.memory_space<vmem>>, vector<16xi32>,
        %parallel_loop3A_315 = arith.constant 0 : i32
        %parallel_loop3A_316 = arith.addi %parallel_loop3A_280, %parallel_loop3A_315 : i32
        %parallel_loop3A_317 = arith.index_cast %parallel_loop3A_316 : i32 to index
        %parallel_loop3A_318 = tpu.vector_load %arg8[%parallel_loop3A_317] {strides = array<i32>} : memref<6272xf32, #tpu.memory_space<vmem>>, vector<16xf32>,
        %parallel_loop3A_319 = arith.constant 16 : i32
        %parallel_loop3A_320 = arith.addi %parallel_loop3A_280, %parallel_loop3A_319 : i32
        %parallel_loop3A_321 = arith.index_cast %parallel_loop3A_320 : i32 to index
        %parallel_loop3A_322 = tpu.vector_load %arg8[%parallel_loop3A_321] {strides = array<i32>} : memref<6272xf32, #tpu.memory_space<vmem>>, vector<16xf32>,
        %parallel_loop3A_323 = arith.constant 32 : i32
        %parallel_loop3A_324 = arith.addi %parallel_loop3A_280, %parallel_loop3A_323 : i32
        %parallel_loop3A_325 = arith.index_cast %parallel_loop3A_324 : i32 to index
        %parallel_loop3A_326 = tpu.vector_load %arg8[%parallel_loop3A_325] {strides = array<i32>} : memref<6272xf32, #tpu.memory_space<vmem>>, vector<16xf32>,
        %parallel_loop3A_327 = arith.constant 48 : i32
        %parallel_loop3A_328 = arith.addi %parallel_loop3A_280, %parallel_loop3A_327 : i32
        %parallel_loop3A_329 = arith.index_cast %parallel_loop3A_328 : i32 to index
        %parallel_loop3A_330 = tpu.vector_load %arg8[%parallel_loop3A_329] {strides = array<i32>} : memref<6272xf32, #tpu.memory_space<vmem>>, vector<16xf32>,
        %parallel_loop3A_331 = arith.constant 0 : i32
        %parallel_loop3A_332 = arith.addi %parallel_loop3A_280, %parallel_loop3A_331 : i32
        %parallel_loop3A_333 = arith.index_cast %parallel_loop3A_332 : i32 to index
        %parallel_loop3A_334 = tpu.vector_load %arg9[%parallel_loop3A_333] {strides = array<i32>} : memref<6272xi32, #tpu.memory_space<vmem>>, vector<16xi32>,
        %parallel_loop3A_335 = arith.constant 16 : i32
        %parallel_loop3A_336 = arith.addi %parallel_loop3A_280, %parallel_loop3A_335 : i32
        %parallel_loop3A_337 = arith.index_cast %parallel_loop3A_336 : i32 to index
        %parallel_loop3A_338 = tpu.vector_load %arg9[%parallel_loop3A_337] {strides = array<i32>} : memref<6272xi32, #tpu.memory_space<vmem>>, vector<16xi32>,
        %parallel_loop3A_339 = arith.constant 32 : i32
        %parallel_loop3A_340 = arith.addi %parallel_loop3A_280, %parallel_loop3A_339 : i32
        %parallel_loop3A_341 = arith.index_cast %parallel_loop3A_340 : i32 to index
        %parallel_loop3A_342 = tpu.vector_load %arg9[%parallel_loop3A_341] {strides = array<i32>} : memref<6272xi32, #tpu.memory_space<vmem>>, vector<16xi32>,
        %parallel_loop3A_343 = arith.constant 48 : i32
        %parallel_loop3A_344 = arith.addi %parallel_loop3A_280, %parallel_loop3A_343 : i32
        %parallel_loop3A_345 = arith.index_cast %parallel_loop3A_344 : i32 to index
        %parallel_loop3A_346 = tpu.vector_load %arg9[%parallel_loop3A_345] {strides = array<i32>} : memref<6272xi32, #tpu.memory_space<vmem>>, vector<16xi32>,
        %parallel_loop3A_347 = arith.constant 15 : i32
        %parallel_loop3A_348 = vector.broadcast %parallel_loop3A_347 : i32 to vector<16xi32>
        %parallel_loop3A_349 = tpu.iota {dimensions = array<i32: 0>} : vector<16xi32>
        %parallel_loop3A_350 = arith.subi %parallel_loop3A_348, %parallel_loop3A_349 : vector<16xi32>
        %parallel_loop3A_351 = tpu.dynamic_gather %parallel_loop3A_330[%parallel_loop3A_350] in [0] : vector<16xf32>, vector<16xi32> -> vector<16xf32>
        %parallel_loop3A_352 = arith.constant 15 : i32
        %parallel_loop3A_353 = vector.broadcast %parallel_loop3A_352 : i32 to vector<16xi32>
        %parallel_loop3A_354 = tpu.iota {dimensions = array<i32: 0>} : vector<16xi32>
        %parallel_loop3A_355 = arith.subi %parallel_loop3A_353, %parallel_loop3A_354 : vector<16xi32>
        %parallel_loop3A_356 = tpu.dynamic_gather %parallel_loop3A_326[%parallel_loop3A_355] in [0] : vector<16xf32>, vector<16xi32> -> vector<16xf32>
        %parallel_loop3A_357 = arith.constant 15 : i32
        %parallel_loop3A_358 = vector.broadcast %parallel_loop3A_357 : i32 to vector<16xi32>
        %parallel_loop3A_359 = tpu.iota {dimensions = array<i32: 0>} : vector<16xi32>
        %parallel_loop3A_360 = arith.subi %parallel_loop3A_358, %parallel_loop3A_359 : vector<16xi32>
        %parallel_loop3A_361 = tpu.dynamic_gather %parallel_loop3A_322[%parallel_loop3A_360] in [0] : vector<16xf32>, vector<16xi32> -> vector<16xf32>
        %parallel_loop3A_362 = arith.constant 15 : i32
        %parallel_loop3A_363 = vector.broadcast %parallel_loop3A_362 : i32 to vector<16xi32>
        %parallel_loop3A_364 = tpu.iota {dimensions = array<i32: 0>} : vector<16xi32>
        %parallel_loop3A_365 = arith.subi %parallel_loop3A_363, %parallel_loop3A_364 : vector<16xi32>
        %parallel_loop3A_366 = tpu.dynamic_gather %parallel_loop3A_318[%parallel_loop3A_365] in [0] : vector<16xf32>, vector<16xi32> -> vector<16xf32>
        %parallel_loop3A_367 = arith.constant 15 : i32
        %parallel_loop3A_368 = vector.broadcast %parallel_loop3A_367 : i32 to vector<16xi32>
        %parallel_loop3A_369 = tpu.iota {dimensions = array<i32: 0>} : vector<16xi32>
        %parallel_loop3A_370 = arith.subi %parallel_loop3A_368, %parallel_loop3A_369 : vector<16xi32>
        %parallel_loop3A_371 = tpu.dynamic_gather %parallel_loop3A_346[%parallel_loop3A_370] in [0] : vector<16xi32>, vector<16xi32> -> vector<16xi32>
        %parallel_loop3A_372 = arith.constant 15 : i32
        %parallel_loop3A_373 = vector.broadcast %parallel_loop3A_372 : i32 to vector<16xi32>
        %parallel_loop3A_374 = tpu.iota {dimensions = array<i32: 0>} : vector<16xi32>
        %parallel_loop3A_375 = arith.subi %parallel_loop3A_373, %parallel_loop3A_374 : vector<16xi32>
        %parallel_loop3A_376 = tpu.dynamic_gather %parallel_loop3A_342[%parallel_loop3A_375] in [0] : vector<16xi32>, vector<16xi32> -> vector<16xi32>
        %parallel_loop3A_377 = arith.constant 15 : i32
        %parallel_loop3A_378 = vector.broadcast %parallel_loop3A_377 : i32 to vector<16xi32>
        %parallel_loop3A_379 = tpu.iota {dimensions = array<i32: 0>} : vector<16xi32>
        %parallel_loop3A_380 = arith.subi %parallel_loop3A_378, %parallel_loop3A_379 : vector<16xi32>
        %parallel_loop3A_381 = tpu.dynamic_gather %parallel_loop3A_338[%parallel_loop3A_380] in [0] : vector<16xi32>, vector<16xi32> -> vector<16xi32>
        %parallel_loop3A_382 = arith.constant 15 : i32
        %parallel_loop3A_383 = vector.broadcast %parallel_loop3A_382 : i32 to vector<16xi32>
        %parallel_loop3A_384 = tpu.iota {dimensions = array<i32: 0>} : vector<16xi32>
        %parallel_loop3A_385 = arith.subi %parallel_loop3A_383, %parallel_loop3A_384 : vector<16xi32>
        %parallel_loop3A_386 = tpu.dynamic_gather %parallel_loop3A_334[%parallel_loop3A_385] in [0] : vector<16xi32>, vector<16xi32> -> vector<16xi32>
        %parallel_loop3A_387 = arith.cmpf oge, %parallel_loop3A_286, %parallel_loop3A_351 : vector<16xf32>
        %parallel_loop3A_388 = arith.select %parallel_loop3A_387, %parallel_loop3A_286, %parallel_loop3A_351 : vector<16xi1>, vector<16xf32>
        %parallel_loop3A_389 = arith.select %parallel_loop3A_387, %parallel_loop3A_302, %parallel_loop3A_371 : vector<16xi1>, vector<16xi32>
        %parallel_loop3A_390 = arith.cmpf oge, %parallel_loop3A_290, %parallel_loop3A_356 : vector<16xf32>
        %parallel_loop3A_391 = arith.select %parallel_loop3A_390, %parallel_loop3A_290, %parallel_loop3A_356 : vector<16xi1>, vector<16xf32>
        %parallel_loop3A_392 = arith.select %parallel_loop3A_390, %parallel_loop3A_306, %parallel_loop3A_376 : vector<16xi1>, vector<16xi32>
        %parallel_loop3A_393 = arith.cmpf oge, %parallel_loop3A_294, %parallel_loop3A_361 : vector<16xf32>
        %parallel_loop3A_394 = arith.select %parallel_loop3A_393, %parallel_loop3A_294, %parallel_loop3A_361 : vector<16xi1>, vector<16xf32>
        %parallel_loop3A_395 = arith.select %parallel_loop3A_393, %parallel_loop3A_310, %parallel_loop3A_381 : vector<16xi1>, vector<16xi32>
        %parallel_loop3A_396 = arith.cmpf oge, %parallel_loop3A_298, %parallel_loop3A_366 : vector<16xf32>
        %parallel_loop3A_397 = arith.select %parallel_loop3A_396, %parallel_loop3A_298, %parallel_loop3A_366 : vector<16xi1>, vector<16xf32>
        %parallel_loop3A_398 = arith.select %parallel_loop3A_396, %parallel_loop3A_314, %parallel_loop3A_386 : vector<16xi1>, vector<16xi32>
        %parallel_loop3A_399 = arith.cmpf ole, %parallel_loop3A_388, %parallel_loop3A_394 : vector<16xf32>
        %parallel_loop3A_400 = arith.select %parallel_loop3A_399, %parallel_loop3A_388, %parallel_loop3A_394 : vector<16xi1>, vector<16xf32>
        %parallel_loop3A_401 = arith.select %parallel_loop3A_399, %parallel_loop3A_389, %parallel_loop3A_395 : vector<16xi1>, vector<16xi32>
        %parallel_loop3A_402 = arith.select %parallel_loop3A_399, %parallel_loop3A_394, %parallel_loop3A_388 : vector<16xi1>, vector<16xf32>
        %parallel_loop3A_403 = arith.select %parallel_loop3A_399, %parallel_loop3A_395, %parallel_loop3A_389 : vector<16xi1>, vector<16xi32>
        %parallel_loop3A_404 = arith.cmpf ole, %parallel_loop3A_391, %parallel_loop3A_397 : vector<16xf32>
        %parallel_loop3A_405 = arith.select %parallel_loop3A_404, %parallel_loop3A_391, %parallel_loop3A_397 : vector<16xi1>, vector<16xf32>
        %parallel_loop3A_406 = arith.select %parallel_loop3A_404, %parallel_loop3A_392, %parallel_loop3A_398 : vector<16xi1>, vector<16xi32>
        %parallel_loop3A_407 = arith.select %parallel_loop3A_404, %parallel_loop3A_397, %parallel_loop3A_391 : vector<16xi1>, vector<16xf32>
        %parallel_loop3A_408 = arith.select %parallel_loop3A_404, %parallel_loop3A_398, %parallel_loop3A_392 : vector<16xi1>, vector<16xi32>
        %parallel_loop3A_409 = arith.cmpf ole, %parallel_loop3A_400, %parallel_loop3A_405 : vector<16xf32>
        %parallel_loop3A_410 = arith.select %parallel_loop3A_409, %parallel_loop3A_400, %parallel_loop3A_405 : vector<16xi1>, vector<16xf32>
        %parallel_loop3A_411 = arith.select %parallel_loop3A_409, %parallel_loop3A_401, %parallel_loop3A_406 : vector<16xi1>, vector<16xi32>
        %parallel_loop3A_412 = arith.select %parallel_loop3A_409, %parallel_loop3A_405, %parallel_loop3A_400 : vector<16xi1>, vector<16xf32>
        %parallel_loop3A_413 = arith.select %parallel_loop3A_409, %parallel_loop3A_406, %parallel_loop3A_401 : vector<16xi1>, vector<16xi32>
        %parallel_loop3A_414 = arith.cmpf ole, %parallel_loop3A_402, %parallel_loop3A_407 : vector<16xf32>
        %parallel_loop3A_415 = arith.select %parallel_loop3A_414, %parallel_loop3A_402, %parallel_loop3A_407 : vector<16xi1>, vector<16xf32>
        %parallel_loop3A_416 = arith.select %parallel_loop3A_414, %parallel_loop3A_403, %parallel_loop3A_408 : vector<16xi1>, vector<16xi32>
        %parallel_loop3A_417 = arith.select %parallel_loop3A_414, %parallel_loop3A_407, %parallel_loop3A_402 : vector<16xi1>, vector<16xf32>
        %parallel_loop3A_418 = arith.select %parallel_loop3A_414, %parallel_loop3A_408, %parallel_loop3A_403 : vector<16xi1>, vector<16xi32>
        %parallel_loop3A_419 = arith.constant dense<true> : vector<16xi1>
        %parallel_loop3A_420, %parallel_loop3A_421, %parallel_loop3A_422 = tpu.sort %parallel_loop3A_410, %parallel_loop3A_411 masked %parallel_loop3A_419 : (vector<16xf32>, vector<16xi32>, vector<16xi1>) -> (vector<16xi1>, vector<16xf32>, vector<16xi32>)
        %parallel_loop3A_423 = arith.constant dense<true> : vector<16xi1>
        %parallel_loop3A_424, %parallel_loop3A_425, %parallel_loop3A_426 = tpu.sort %parallel_loop3A_412, %parallel_loop3A_413 masked %parallel_loop3A_423 : (vector<16xf32>, vector<16xi32>, vector<16xi1>) -> (vector<16xi1>, vector<16xf32>, vector<16xi32>)
        %parallel_loop3A_427 = arith.constant dense<true> : vector<16xi1>
        %parallel_loop3A_428, %parallel_loop3A_429, %parallel_loop3A_430 = tpu.sort %parallel_loop3A_415, %parallel_loop3A_416 masked %parallel_loop3A_427 : (vector<16xf32>, vector<16xi32>, vector<16xi1>) -> (vector<16xi1>, vector<16xf32>, vector<16xi32>)
        %parallel_loop3A_431 = arith.constant dense<true> : vector<16xi1>
        %parallel_loop3A_432, %parallel_loop3A_433, %parallel_loop3A_434 = tpu.sort %parallel_loop3A_417, %parallel_loop3A_418 masked %parallel_loop3A_431 : (vector<16xf32>, vector<16xi32>, vector<16xi1>) -> (vector<16xi1>, vector<16xf32>, vector<16xi32>)
        %parallel_loop3A_435 = arith.constant 0 : i32
        %parallel_loop3A_436 = arith.addi %parallel_loop3A_282, %parallel_loop3A_435 : i32
        %parallel_loop3A_437 = arith.index_cast %parallel_loop3A_436 : i32 to index
        %parallel_loop3A_438 = tpu.vector_load %arg10[%parallel_loop3A_437] {strides = array<i32>} : memref<6272xf32, #tpu.memory_space<vmem>>, vector<16xf32>,
        tpu.vector_store %arg10[%parallel_loop3A_437], %parallel_loop3A_421 {strides = array<i32>} : memref<6272xf32, #tpu.memory_space<vmem>>, vector<16xf32>,
        %parallel_loop3A_439 = arith.constant 0 : i32
        %parallel_loop3A_440 = arith.addi %parallel_loop3A_282, %parallel_loop3A_439 : i32
        %parallel_loop3A_441 = arith.index_cast %parallel_loop3A_440 : i32 to index
        %parallel_loop3A_442 = tpu.vector_load %arg11[%parallel_loop3A_441] {strides = array<i32>} : memref<6272xi32, #tpu.memory_space<vmem>>, vector<16xi32>,
        tpu.vector_store %arg11[%parallel_loop3A_441], %parallel_loop3A_422 {strides = array<i32>} : memref<6272xi32, #tpu.memory_space<vmem>>, vector<16xi32>,
        %parallel_loop3A_443 = arith.constant 16 : i32
        %parallel_loop3A_444 = arith.addi %parallel_loop3A_282, %parallel_loop3A_443 : i32
        %parallel_loop3A_445 = arith.index_cast %parallel_loop3A_444 : i32 to index
        %parallel_loop3A_446 = tpu.vector_load %arg10[%parallel_loop3A_445] {strides = array<i32>} : memref<6272xf32, #tpu.memory_space<vmem>>, vector<16xf32>,
        tpu.vector_store %arg10[%parallel_loop3A_445], %parallel_loop3A_425 {strides = array<i32>} : memref<6272xf32, #tpu.memory_space<vmem>>, vector<16xf32>,
        %parallel_loop3A_447 = arith.constant 16 : i32
        %parallel_loop3A_448 = arith.addi %parallel_loop3A_282, %parallel_loop3A_447 : i32
        %parallel_loop3A_449 = arith.index_cast %parallel_loop3A_448 : i32 to index
        %parallel_loop3A_450 = tpu.vector_load %arg11[%parallel_loop3A_449] {strides = array<i32>} : memref<6272xi32, #tpu.memory_space<vmem>>, vector<16xi32>,
        tpu.vector_store %arg11[%parallel_loop3A_449], %parallel_loop3A_426 {strides = array<i32>} : memref<6272xi32, #tpu.memory_space<vmem>>, vector<16xi32>,
        %parallel_loop3A_451 = arith.constant 32 : i32
        %parallel_loop3A_452 = arith.addi %parallel_loop3A_282, %parallel_loop3A_451 : i32
        %parallel_loop3A_453 = arith.index_cast %parallel_loop3A_452 : i32 to index
        %parallel_loop3A_454 = tpu.vector_load %arg10[%parallel_loop3A_453] {strides = array<i32>} : memref<6272xf32, #tpu.memory_space<vmem>>, vector<16xf32>,
        tpu.vector_store %arg10[%parallel_loop3A_453], %parallel_loop3A_429 {strides = array<i32>} : memref<6272xf32, #tpu.memory_space<vmem>>, vector<16xf32>,
        %parallel_loop3A_455 = arith.constant 32 : i32
        %parallel_loop3A_456 = arith.addi %parallel_loop3A_282, %parallel_loop3A_455 : i32
        %parallel_loop3A_457 = arith.index_cast %parallel_loop3A_456 : i32 to index
        %parallel_loop3A_458 = tpu.vector_load %arg11[%parallel_loop3A_457] {strides = array<i32>} : memref<6272xi32, #tpu.memory_space<vmem>>, vector<16xi32>,
        tpu.vector_store %arg11[%parallel_loop3A_457], %parallel_loop3A_430 {strides = array<i32>} : memref<6272xi32, #tpu.memory_space<vmem>>, vector<16xi32>,
        %parallel_loop3A_459 = arith.constant 48 : i32
        %parallel_loop3A_460 = arith.addi %parallel_loop3A_282, %parallel_loop3A_459 : i32
        %parallel_loop3A_461 = arith.index_cast %parallel_loop3A_460 : i32 to index
        %parallel_loop3A_462 = tpu.vector_load %arg10[%parallel_loop3A_461] {strides = array<i32>} : memref<6272xf32, #tpu.memory_space<vmem>>, vector<16xf32>,
        tpu.vector_store %arg10[%parallel_loop3A_461], %parallel_loop3A_433 {strides = array<i32>} : memref<6272xf32, #tpu.memory_space<vmem>>, vector<16xf32>,
        %parallel_loop3A_463 = arith.constant 48 : i32
        %parallel_loop3A_464 = arith.addi %parallel_loop3A_282, %parallel_loop3A_463 : i32
        %parallel_loop3A_465 = arith.index_cast %parallel_loop3A_464 : i32 to index
        %parallel_loop3A_466 = tpu.vector_load %arg11[%parallel_loop3A_465] {strides = array<i32>} : memref<6272xi32, #tpu.memory_space<vmem>>, vector<16xi32>,
        tpu.vector_store %arg11[%parallel_loop3A_465], %parallel_loop3A_434 {strides = array<i32>} : memref<6272xi32, #tpu.memory_space<vmem>>, vector<16xi32>,
      } {sc.loop_unroll_factor = 2 : i64, sc.parallel_access}
      %parallel_loop3A_165 = arith.constant 0 : i32
      %parallel_loop3A_166 = arith.constant 1 : i32
      %parallel_loop3A_167 = arith.constant 1 : i32
      scf.for %parallel_loop3A_270 = %parallel_loop3A_165 to %parallel_loop3A_166 step %parallel_loop3A_167  : i32 {
        %parallel_loop3A_271 = arith.constant 2 : i32
        %parallel_loop3A_272 = arith.muli %parallel_loop3A_271, %parallel_loop3A_270 : i32
        %parallel_loop3A_273 = arith.constant 64 : i32
        %parallel_loop3A_274 = arith.muli %parallel_loop3A_272, %parallel_loop3A_273 : i32
        %parallel_loop3A_275 = arith.constant 2 : i32
        %parallel_loop3A_276 = arith.muli %parallel_loop3A_275, %parallel_loop3A_270 : i32
        %parallel_loop3A_277 = arith.constant 1 : i32
        %parallel_loop3A_278 = arith.addi %parallel_loop3A_276, %parallel_loop3A_277 : i32
        %parallel_loop3A_279 = arith.constant 64 : i32
        %parallel_loop3A_280 = arith.muli %parallel_loop3A_278, %parallel_loop3A_279 : i32
        %parallel_loop3A_281 = arith.constant 64 : i32
        %parallel_loop3A_282 = arith.muli %parallel_loop3A_270, %parallel_loop3A_281 : i32
        %parallel_loop3A_283 = arith.constant 0 : i32
        %parallel_loop3A_284 = arith.addi %parallel_loop3A_274, %parallel_loop3A_283 : i32
        %parallel_loop3A_285 = arith.index_cast %parallel_loop3A_284 : i32 to index
        %parallel_loop3A_286 = tpu.vector_load %arg10[%parallel_loop3A_285] {strides = array<i32>} : memref<6272xf32, #tpu.memory_space<vmem>>, vector<16xf32>,
        %parallel_loop3A_287 = arith.constant 16 : i32
        %parallel_loop3A_288 = arith.addi %parallel_loop3A_274, %parallel_loop3A_287 : i32
        %parallel_loop3A_289 = arith.index_cast %parallel_loop3A_288 : i32 to index
        %parallel_loop3A_290 = tpu.vector_load %arg10[%parallel_loop3A_289] {strides = array<i32>} : memref<6272xf32, #tpu.memory_space<vmem>>, vector<16xf32>,
        %parallel_loop3A_291 = arith.constant 32 : i32
        %parallel_loop3A_292 = arith.addi %parallel_loop3A_274, %parallel_loop3A_291 : i32
        %parallel_loop3A_293 = arith.index_cast %parallel_loop3A_292 : i32 to index
        %parallel_loop3A_294 = tpu.vector_load %arg10[%parallel_loop3A_293] {strides = array<i32>} : memref<6272xf32, #tpu.memory_space<vmem>>, vector<16xf32>,
        %parallel_loop3A_295 = arith.constant 48 : i32
        %parallel_loop3A_296 = arith.addi %parallel_loop3A_274, %parallel_loop3A_295 : i32
        %parallel_loop3A_297 = arith.index_cast %parallel_loop3A_296 : i32 to index
        %parallel_loop3A_298 = tpu.vector_load %arg10[%parallel_loop3A_297] {strides = array<i32>} : memref<6272xf32, #tpu.memory_space<vmem>>, vector<16xf32>,
        %parallel_loop3A_299 = arith.constant 0 : i32
        %parallel_loop3A_300 = arith.addi %parallel_loop3A_274, %parallel_loop3A_299 : i32
        %parallel_loop3A_301 = arith.index_cast %parallel_loop3A_300 : i32 to index
        %parallel_loop3A_302 = tpu.vector_load %arg11[%parallel_loop3A_301] {strides = array<i32>} : memref<6272xi32, #tpu.memory_space<vmem>>, vector<16xi32>,
        %parallel_loop3A_303 = arith.constant 16 : i32
        %parallel_loop3A_304 = arith.addi %parallel_loop3A_274, %parallel_loop3A_303 : i32
        %parallel_loop3A_305 = arith.index_cast %parallel_loop3A_304 : i32 to index
        %parallel_loop3A_306 = tpu.vector_load %arg11[%parallel_loop3A_305] {strides = array<i32>} : memref<6272xi32, #tpu.memory_space<vmem>>, vector<16xi32>,
        %parallel_loop3A_307 = arith.constant 32 : i32
        %parallel_loop3A_308 = arith.addi %parallel_loop3A_274, %parallel_loop3A_307 : i32
        %parallel_loop3A_309 = arith.index_cast %parallel_loop3A_308 : i32 to index
        %parallel_loop3A_310 = tpu.vector_load %arg11[%parallel_loop3A_309] {strides = array<i32>} : memref<6272xi32, #tpu.memory_space<vmem>>, vector<16xi32>,
        %parallel_loop3A_311 = arith.constant 48 : i32
        %parallel_loop3A_312 = arith.addi %parallel_loop3A_274, %parallel_loop3A_311 : i32
        %parallel_loop3A_313 = arith.index_cast %parallel_loop3A_312 : i32 to index
        %parallel_loop3A_314 = tpu.vector_load %arg11[%parallel_loop3A_313] {strides = array<i32>} : memref<6272xi32, #tpu.memory_space<vmem>>, vector<16xi32>,
        %parallel_loop3A_315 = arith.constant 0 : i32
        %parallel_loop3A_316 = arith.addi %parallel_loop3A_280, %parallel_loop3A_315 : i32
        %parallel_loop3A_317 = arith.index_cast %parallel_loop3A_316 : i32 to index
        %parallel_loop3A_318 = tpu.vector_load %arg10[%parallel_loop3A_317] {strides = array<i32>} : memref<6272xf32, #tpu.memory_space<vmem>>, vector<16xf32>,
        %parallel_loop3A_319 = arith.constant 16 : i32
        %parallel_loop3A_320 = arith.addi %parallel_loop3A_280, %parallel_loop3A_319 : i32
        %parallel_loop3A_321 = arith.index_cast %parallel_loop3A_320 : i32 to index
        %parallel_loop3A_322 = tpu.vector_load %arg10[%parallel_loop3A_321] {strides = array<i32>} : memref<6272xf32, #tpu.memory_space<vmem>>, vector<16xf32>,
        %parallel_loop3A_323 = arith.constant 32 : i32
        %parallel_loop3A_324 = arith.addi %parallel_loop3A_280, %parallel_loop3A_323 : i32
        %parallel_loop3A_325 = arith.index_cast %parallel_loop3A_324 : i32 to index
        %parallel_loop3A_326 = tpu.vector_load %arg10[%parallel_loop3A_325] {strides = array<i32>} : memref<6272xf32, #tpu.memory_space<vmem>>, vector<16xf32>,
        %parallel_loop3A_327 = arith.constant 48 : i32
        %parallel_loop3A_328 = arith.addi %parallel_loop3A_280, %parallel_loop3A_327 : i32
        %parallel_loop3A_329 = arith.index_cast %parallel_loop3A_328 : i32 to index
        %parallel_loop3A_330 = tpu.vector_load %arg10[%parallel_loop3A_329] {strides = array<i32>} : memref<6272xf32, #tpu.memory_space<vmem>>, vector<16xf32>,
        %parallel_loop3A_331 = arith.constant 0 : i32
        %parallel_loop3A_332 = arith.addi %parallel_loop3A_280, %parallel_loop3A_331 : i32
        %parallel_loop3A_333 = arith.index_cast %parallel_loop3A_332 : i32 to index
        %parallel_loop3A_334 = tpu.vector_load %arg11[%parallel_loop3A_333] {strides = array<i32>} : memref<6272xi32, #tpu.memory_space<vmem>>, vector<16xi32>,
        %parallel_loop3A_335 = arith.constant 16 : i32
        %parallel_loop3A_336 = arith.addi %parallel_loop3A_280, %parallel_loop3A_335 : i32
        %parallel_loop3A_337 = arith.index_cast %parallel_loop3A_336 : i32 to index
        %parallel_loop3A_338 = tpu.vector_load %arg11[%parallel_loop3A_337] {strides = array<i32>} : memref<6272xi32, #tpu.memory_space<vmem>>, vector<16xi32>,
        %parallel_loop3A_339 = arith.constant 32 : i32
        %parallel_loop3A_340 = arith.addi %parallel_loop3A_280, %parallel_loop3A_339 : i32
        %parallel_loop3A_341 = arith.index_cast %parallel_loop3A_340 : i32 to index
        %parallel_loop3A_342 = tpu.vector_load %arg11[%parallel_loop3A_341] {strides = array<i32>} : memref<6272xi32, #tpu.memory_space<vmem>>, vector<16xi32>,
        %parallel_loop3A_343 = arith.constant 48 : i32
        %parallel_loop3A_344 = arith.addi %parallel_loop3A_280, %parallel_loop3A_343 : i32
        %parallel_loop3A_345 = arith.index_cast %parallel_loop3A_344 : i32 to index
        %parallel_loop3A_346 = tpu.vector_load %arg11[%parallel_loop3A_345] {strides = array<i32>} : memref<6272xi32, #tpu.memory_space<vmem>>, vector<16xi32>,
        %parallel_loop3A_347 = arith.constant 15 : i32
        %parallel_loop3A_348 = vector.broadcast %parallel_loop3A_347 : i32 to vector<16xi32>
        %parallel_loop3A_349 = tpu.iota {dimensions = array<i32: 0>} : vector<16xi32>
        %parallel_loop3A_350 = arith.subi %parallel_loop3A_348, %parallel_loop3A_349 : vector<16xi32>
        %parallel_loop3A_351 = tpu.dynamic_gather %parallel_loop3A_330[%parallel_loop3A_350] in [0] : vector<16xf32>, vector<16xi32> -> vector<16xf32>
        %parallel_loop3A_352 = arith.constant 15 : i32
        %parallel_loop3A_353 = vector.broadcast %parallel_loop3A_352 : i32 to vector<16xi32>
        %parallel_loop3A_354 = tpu.iota {dimensions = array<i32: 0>} : vector<16xi32>
        %parallel_loop3A_355 = arith.subi %parallel_loop3A_353, %parallel_loop3A_354 : vector<16xi32>
        %parallel_loop3A_356 = tpu.dynamic_gather %parallel_loop3A_326[%parallel_loop3A_355] in [0] : vector<16xf32>, vector<16xi32> -> vector<16xf32>
        %parallel_loop3A_357 = arith.constant 15 : i32
        %parallel_loop3A_358 = vector.broadcast %parallel_loop3A_357 : i32 to vector<16xi32>
        %parallel_loop3A_359 = tpu.iota {dimensions = array<i32: 0>} : vector<16xi32>
        %parallel_loop3A_360 = arith.subi %parallel_loop3A_358, %parallel_loop3A_359 : vector<16xi32>
        %parallel_loop3A_361 = tpu.dynamic_gather %parallel_loop3A_322[%parallel_loop3A_360] in [0] : vector<16xf32>, vector<16xi32> -> vector<16xf32>
        %parallel_loop3A_362 = arith.constant 15 : i32
        %parallel_loop3A_363 = vector.broadcast %parallel_loop3A_362 : i32 to vector<16xi32>
        %parallel_loop3A_364 = tpu.iota {dimensions = array<i32: 0>} : vector<16xi32>
        %parallel_loop3A_365 = arith.subi %parallel_loop3A_363, %parallel_loop3A_364 : vector<16xi32>
        %parallel_loop3A_366 = tpu.dynamic_gather %parallel_loop3A_318[%parallel_loop3A_365] in [0] : vector<16xf32>, vector<16xi32> -> vector<16xf32>
        %parallel_loop3A_367 = arith.constant 15 : i32
        %parallel_loop3A_368 = vector.broadcast %parallel_loop3A_367 : i32 to vector<16xi32>
        %parallel_loop3A_369 = tpu.iota {dimensions = array<i32: 0>} : vector<16xi32>
        %parallel_loop3A_370 = arith.subi %parallel_loop3A_368, %parallel_loop3A_369 : vector<16xi32>
        %parallel_loop3A_371 = tpu.dynamic_gather %parallel_loop3A_346[%parallel_loop3A_370] in [0] : vector<16xi32>, vector<16xi32> -> vector<16xi32>
        %parallel_loop3A_372 = arith.constant 15 : i32
        %parallel_loop3A_373 = vector.broadcast %parallel_loop3A_372 : i32 to vector<16xi32>
        %parallel_loop3A_374 = tpu.iota {dimensions = array<i32: 0>} : vector<16xi32>
        %parallel_loop3A_375 = arith.subi %parallel_loop3A_373, %parallel_loop3A_374 : vector<16xi32>
        %parallel_loop3A_376 = tpu.dynamic_gather %parallel_loop3A_342[%parallel_loop3A_375] in [0] : vector<16xi32>, vector<16xi32> -> vector<16xi32>
        %parallel_loop3A_377 = arith.constant 15 : i32
        %parallel_loop3A_378 = vector.broadcast %parallel_loop3A_377 : i32 to vector<16xi32>
        %parallel_loop3A_379 = tpu.iota {dimensions = array<i32: 0>} : vector<16xi32>
        %parallel_loop3A_380 = arith.subi %parallel_loop3A_378, %parallel_loop3A_379 : vector<16xi32>
        %parallel_loop3A_381 = tpu.dynamic_gather %parallel_loop3A_338[%parallel_loop3A_380] in [0] : vector<16xi32>, vector<16xi32> -> vector<16xi32>
        %parallel_loop3A_382 = arith.constant 15 : i32
        %parallel_loop3A_383 = vector.broadcast %parallel_loop3A_382 : i32 to vector<16xi32>
        %parallel_loop3A_384 = tpu.iota {dimensions = array<i32: 0>} : vector<16xi32>
        %parallel_loop3A_385 = arith.subi %parallel_loop3A_383, %parallel_loop3A_384 : vector<16xi32>
        %parallel_loop3A_386 = tpu.dynamic_gather %parallel_loop3A_334[%parallel_loop3A_385] in [0] : vector<16xi32>, vector<16xi32> -> vector<16xi32>
        %parallel_loop3A_387 = arith.cmpf oge, %parallel_loop3A_286, %parallel_loop3A_351 : vector<16xf32>
        %parallel_loop3A_388 = arith.select %parallel_loop3A_387, %parallel_loop3A_286, %parallel_loop3A_351 : vector<16xi1>, vector<16xf32>
        %parallel_loop3A_389 = arith.select %parallel_loop3A_387, %parallel_loop3A_302, %parallel_loop3A_371 : vector<16xi1>, vector<16xi32>
        %parallel_loop3A_390 = arith.cmpf oge, %parallel_loop3A_290, %parallel_loop3A_356 : vector<16xf32>
        %parallel_loop3A_391 = arith.select %parallel_loop3A_390, %parallel_loop3A_290, %parallel_loop3A_356 : vector<16xi1>, vector<16xf32>
        %parallel_loop3A_392 = arith.select %parallel_loop3A_390, %parallel_loop3A_306, %parallel_loop3A_376 : vector<16xi1>, vector<16xi32>
        %parallel_loop3A_393 = arith.cmpf oge, %parallel_loop3A_294, %parallel_loop3A_361 : vector<16xf32>
        %parallel_loop3A_394 = arith.select %parallel_loop3A_393, %parallel_loop3A_294, %parallel_loop3A_361 : vector<16xi1>, vector<16xf32>
        %parallel_loop3A_395 = arith.select %parallel_loop3A_393, %parallel_loop3A_310, %parallel_loop3A_381 : vector<16xi1>, vector<16xi32>
        %parallel_loop3A_396 = arith.cmpf oge, %parallel_loop3A_298, %parallel_loop3A_366 : vector<16xf32>
        %parallel_loop3A_397 = arith.select %parallel_loop3A_396, %parallel_loop3A_298, %parallel_loop3A_366 : vector<16xi1>, vector<16xf32>
        %parallel_loop3A_398 = arith.select %parallel_loop3A_396, %parallel_loop3A_314, %parallel_loop3A_386 : vector<16xi1>, vector<16xi32>
        %parallel_loop3A_399 = arith.cmpf ole, %parallel_loop3A_388, %parallel_loop3A_394 : vector<16xf32>
        %parallel_loop3A_400 = arith.select %parallel_loop3A_399, %parallel_loop3A_388, %parallel_loop3A_394 : vector<16xi1>, vector<16xf32>
        %parallel_loop3A_401 = arith.select %parallel_loop3A_399, %parallel_loop3A_389, %parallel_loop3A_395 : vector<16xi1>, vector<16xi32>
        %parallel_loop3A_402 = arith.select %parallel_loop3A_399, %parallel_loop3A_394, %parallel_loop3A_388 : vector<16xi1>, vector<16xf32>
        %parallel_loop3A_403 = arith.select %parallel_loop3A_399, %parallel_loop3A_395, %parallel_loop3A_389 : vector<16xi1>, vector<16xi32>
        %parallel_loop3A_404 = arith.cmpf ole, %parallel_loop3A_391, %parallel_loop3A_397 : vector<16xf32>
        %parallel_loop3A_405 = arith.select %parallel_loop3A_404, %parallel_loop3A_391, %parallel_loop3A_397 : vector<16xi1>, vector<16xf32>
        %parallel_loop3A_406 = arith.select %parallel_loop3A_404, %parallel_loop3A_392, %parallel_loop3A_398 : vector<16xi1>, vector<16xi32>
        %parallel_loop3A_407 = arith.select %parallel_loop3A_404, %parallel_loop3A_397, %parallel_loop3A_391 : vector<16xi1>, vector<16xf32>
        %parallel_loop3A_408 = arith.select %parallel_loop3A_404, %parallel_loop3A_398, %parallel_loop3A_392 : vector<16xi1>, vector<16xi32>
        %parallel_loop3A_409 = arith.cmpf ole, %parallel_loop3A_400, %parallel_loop3A_405 : vector<16xf32>
        %parallel_loop3A_410 = arith.select %parallel_loop3A_409, %parallel_loop3A_400, %parallel_loop3A_405 : vector<16xi1>, vector<16xf32>
        %parallel_loop3A_411 = arith.select %parallel_loop3A_409, %parallel_loop3A_401, %parallel_loop3A_406 : vector<16xi1>, vector<16xi32>
        %parallel_loop3A_412 = arith.select %parallel_loop3A_409, %parallel_loop3A_405, %parallel_loop3A_400 : vector<16xi1>, vector<16xf32>
        %parallel_loop3A_413 = arith.select %parallel_loop3A_409, %parallel_loop3A_406, %parallel_loop3A_401 : vector<16xi1>, vector<16xi32>
        %parallel_loop3A_414 = arith.cmpf ole, %parallel_loop3A_402, %parallel_loop3A_407 : vector<16xf32>
        %parallel_loop3A_415 = arith.select %parallel_loop3A_414, %parallel_loop3A_402, %parallel_loop3A_407 : vector<16xi1>, vector<16xf32>
        %parallel_loop3A_416 = arith.select %parallel_loop3A_414, %parallel_loop3A_403, %parallel_loop3A_408 : vector<16xi1>, vector<16xi32>
        %parallel_loop3A_417 = arith.select %parallel_loop3A_414, %parallel_loop3A_407, %parallel_loop3A_402 : vector<16xi1>, vector<16xf32>
        %parallel_loop3A_418 = arith.select %parallel_loop3A_414, %parallel_loop3A_408, %parallel_loop3A_403 : vector<16xi1>, vector<16xi32>
        %parallel_loop3A_419 = arith.constant dense<true> : vector<16xi1>
        %parallel_loop3A_420, %parallel_loop3A_421, %parallel_loop3A_422 = tpu.sort %parallel_loop3A_410, %parallel_loop3A_411 masked %parallel_loop3A_419 : (vector<16xf32>, vector<16xi32>, vector<16xi1>) -> (vector<16xi1>, vector<16xf32>, vector<16xi32>)
        %parallel_loop3A_423 = arith.constant dense<true> : vector<16xi1>
        %parallel_loop3A_424, %parallel_loop3A_425, %parallel_loop3A_426 = tpu.sort %parallel_loop3A_412, %parallel_loop3A_413 masked %parallel_loop3A_423 : (vector<16xf32>, vector<16xi32>, vector<16xi1>) -> (vector<16xi1>, vector<16xf32>, vector<16xi32>)
        %parallel_loop3A_427 = arith.constant dense<true> : vector<16xi1>
        %parallel_loop3A_428, %parallel_loop3A_429, %parallel_loop3A_430 = tpu.sort %parallel_loop3A_415, %parallel_loop3A_416 masked %parallel_loop3A_427 : (vector<16xf32>, vector<16xi32>, vector<16xi1>) -> (vector<16xi1>, vector<16xf32>, vector<16xi32>)
        %parallel_loop3A_431 = arith.constant dense<true> : vector<16xi1>
        %parallel_loop3A_432, %parallel_loop3A_433, %parallel_loop3A_434 = tpu.sort %parallel_loop3A_417, %parallel_loop3A_418 masked %parallel_loop3A_431 : (vector<16xf32>, vector<16xi32>, vector<16xi1>) -> (vector<16xi1>, vector<16xf32>, vector<16xi32>)
        %parallel_loop3A_435 = arith.constant 0 : i32
        %parallel_loop3A_436 = arith.addi %parallel_loop3A_282, %parallel_loop3A_435 : i32
        %parallel_loop3A_437 = arith.index_cast %parallel_loop3A_436 : i32 to index
        %parallel_loop3A_438 = tpu.vector_load %arg8[%parallel_loop3A_437] {strides = array<i32>} : memref<6272xf32, #tpu.memory_space<vmem>>, vector<16xf32>,
        tpu.vector_store %arg8[%parallel_loop3A_437], %parallel_loop3A_421 {strides = array<i32>} : memref<6272xf32, #tpu.memory_space<vmem>>, vector<16xf32>,
        %parallel_loop3A_439 = arith.constant 0 : i32
        %parallel_loop3A_440 = arith.addi %parallel_loop3A_282, %parallel_loop3A_439 : i32
        %parallel_loop3A_441 = arith.index_cast %parallel_loop3A_440 : i32 to index
        %parallel_loop3A_442 = tpu.vector_load %arg9[%parallel_loop3A_441] {strides = array<i32>} : memref<6272xi32, #tpu.memory_space<vmem>>, vector<16xi32>,
        tpu.vector_store %arg9[%parallel_loop3A_441], %parallel_loop3A_422 {strides = array<i32>} : memref<6272xi32, #tpu.memory_space<vmem>>, vector<16xi32>,
        %parallel_loop3A_443 = arith.constant 16 : i32
        %parallel_loop3A_444 = arith.addi %parallel_loop3A_282, %parallel_loop3A_443 : i32
        %parallel_loop3A_445 = arith.index_cast %parallel_loop3A_444 : i32 to index
        %parallel_loop3A_446 = tpu.vector_load %arg8[%parallel_loop3A_445] {strides = array<i32>} : memref<6272xf32, #tpu.memory_space<vmem>>, vector<16xf32>,
        tpu.vector_store %arg8[%parallel_loop3A_445], %parallel_loop3A_425 {strides = array<i32>} : memref<6272xf32, #tpu.memory_space<vmem>>, vector<16xf32>,
        %parallel_loop3A_447 = arith.constant 16 : i32
        %parallel_loop3A_448 = arith.addi %parallel_loop3A_282, %parallel_loop3A_447 : i32
        %parallel_loop3A_449 = arith.index_cast %parallel_loop3A_448 : i32 to index
        %parallel_loop3A_450 = tpu.vector_load %arg9[%parallel_loop3A_449] {strides = array<i32>} : memref<6272xi32, #tpu.memory_space<vmem>>, vector<16xi32>,
        tpu.vector_store %arg9[%parallel_loop3A_449], %parallel_loop3A_426 {strides = array<i32>} : memref<6272xi32, #tpu.memory_space<vmem>>, vector<16xi32>,
        %parallel_loop3A_451 = arith.constant 32 : i32
        %parallel_loop3A_452 = arith.addi %parallel_loop3A_282, %parallel_loop3A_451 : i32
        %parallel_loop3A_453 = arith.index_cast %parallel_loop3A_452 : i32 to index
        %parallel_loop3A_454 = tpu.vector_load %arg8[%parallel_loop3A_453] {strides = array<i32>} : memref<6272xf32, #tpu.memory_space<vmem>>, vector<16xf32>,
        tpu.vector_store %arg8[%parallel_loop3A_453], %parallel_loop3A_429 {strides = array<i32>} : memref<6272xf32, #tpu.memory_space<vmem>>, vector<16xf32>,
        %parallel_loop3A_455 = arith.constant 32 : i32
        %parallel_loop3A_456 = arith.addi %parallel_loop3A_282, %parallel_loop3A_455 : i32
        %parallel_loop3A_457 = arith.index_cast %parallel_loop3A_456 : i32 to index
        %parallel_loop3A_458 = tpu.vector_load %arg9[%parallel_loop3A_457] {strides = array<i32>} : memref<6272xi32, #tpu.memory_space<vmem>>, vector<16xi32>,
        tpu.vector_store %arg9[%parallel_loop3A_457], %parallel_loop3A_430 {strides = array<i32>} : memref<6272xi32, #tpu.memory_space<vmem>>, vector<16xi32>,
        %parallel_loop3A_459 = arith.constant 48 : i32
        %parallel_loop3A_460 = arith.addi %parallel_loop3A_282, %parallel_loop3A_459 : i32
        %parallel_loop3A_461 = arith.index_cast %parallel_loop3A_460 : i32 to index
        %parallel_loop3A_462 = tpu.vector_load %arg8[%parallel_loop3A_461] {strides = array<i32>} : memref<6272xf32, #tpu.memory_space<vmem>>, vector<16xf32>,
        tpu.vector_store %arg8[%parallel_loop3A_461], %parallel_loop3A_433 {strides = array<i32>} : memref<6272xf32, #tpu.memory_space<vmem>>, vector<16xf32>,
        %parallel_loop3A_463 = arith.constant 48 : i32
        %parallel_loop3A_464 = arith.addi %parallel_loop3A_282, %parallel_loop3A_463 : i32
        %parallel_loop3A_465 = arith.index_cast %parallel_loop3A_464 : i32 to index
        %parallel_loop3A_466 = tpu.vector_load %arg9[%parallel_loop3A_465] {strides = array<i32>} : memref<6272xi32, #tpu.memory_space<vmem>>, vector<16xi32>,
        tpu.vector_store %arg9[%parallel_loop3A_465], %parallel_loop3A_434 {strides = array<i32>} : memref<6272xi32, #tpu.memory_space<vmem>>, vector<16xi32>,
      } {sc.loop_unroll_factor = 2 : i64, sc.parallel_access}
      %get3A_168 = arith.constant 0 : index
      %get3A_169 = tpu.vector_load %arg12[%get3A_168] {strides = array<i32>} : memref<16xi32, #tpu.memory_space<vmem>>, vector<16xi32>,
      %get3A_170 = arith.constant 48 : index
      %get3A_171 = tpu.vector_load %arg8[%get3A_170] {strides = array<i32>} : memref<6272xf32, #tpu.memory_space<vmem>>, vector<16xf32>,
      %rev3A = arith.constant 15 : i32
      %rev3A_172 = vector.broadcast %rev3A : i32 to vector<16xi32>
      %rev3A_173 = tpu.iota {dimensions = array<i32: 0>} : vector<16xi32>
      %rev3A_174 = arith.subi %rev3A_172, %rev3A_173 : vector<16xi32>
      %rev3A_175 = tpu.dynamic_gather %get3A_171[%rev3A_174] in [0] : vector<16xf32>, vector<16xi32> -> vector<16xf32>
      %swap3A_176 = arith.constant 0 : index
      %swap3A_177 = tpu.vector_load %arg15[%swap3A_176] {strides = array<i32>} : memref<64xf32, #tpu.memory_space<vmem>>, vector<16xf32>,
      tpu.vector_store %arg15[%swap3A_176], %rev3A_175 {strides = array<i32>} : memref<64xf32, #tpu.memory_space<vmem>>, vector<16xf32>,
      %get3A_178 = arith.constant 48 : index
      %get3A_179 = tpu.vector_load %arg9[%get3A_178] {strides = array<i32>} : memref<6272xi32, #tpu.memory_space<vmem>>, vector<16xi32>,
      %rev3A_180 = arith.constant 15 : i32
      %rev3A_181 = vector.broadcast %rev3A_180 : i32 to vector<16xi32>
      %rev3A_182 = tpu.iota {dimensions = array<i32: 0>} : vector<16xi32>
      %rev3A_183 = arith.subi %rev3A_181, %rev3A_182 : vector<16xi32>
      %rev3A_184 = tpu.dynamic_gather %get3A_179[%rev3A_183] in [0] : vector<16xi32>, vector<16xi32> -> vector<16xi32>
      %add3A = arith.addi %rev3A_184, %get3A_169 : vector<16xi32>
      %max3A = arith.constant 0 : i32
      %max3A_185 = vector.broadcast %max3A : i32 to vector<16xi32>
      %max3A_186 = arith.maxsi %add3A, %max3A_185 : vector<16xi32>
      %min3A = arith.constant 99999 : i32
      %min3A_187 = vector.broadcast %min3A : i32 to vector<16xi32>
      %min3A_188 = arith.minsi %max3A_186, %min3A_187 : vector<16xi32>
      %swap3A_189 = arith.constant 0 : index
      %swap3A_190 = tpu.vector_load %arg13[%swap3A_189] {strides = array<i32>} : memref<64xi32, #tpu.memory_space<vmem>>, vector<16xi32>,
      tpu.vector_store %arg13[%swap3A_189], %min3A_188 {strides = array<i32>} : memref<64xi32, #tpu.memory_space<vmem>>, vector<16xi32>,
      %get3A_191 = arith.constant 32 : index
      %get3A_192 = tpu.vector_load %arg8[%get3A_191] {strides = array<i32>} : memref<6272xf32, #tpu.memory_space<vmem>>, vector<16xf32>,
      %rev3A_193 = arith.constant 15 : i32
      %rev3A_194 = vector.broadcast %rev3A_193 : i32 to vector<16xi32>
      %rev3A_195 = tpu.iota {dimensions = array<i32: 0>} : vector<16xi32>
      %rev3A_196 = arith.subi %rev3A_194, %rev3A_195 : vector<16xi32>
      %rev3A_197 = tpu.dynamic_gather %get3A_192[%rev3A_196] in [0] : vector<16xf32>, vector<16xi32> -> vector<16xf32>
      %swap3A_198 = arith.constant 16 : index
      %swap3A_199 = tpu.vector_load %arg15[%swap3A_198] {strides = array<i32>} : memref<64xf32, #tpu.memory_space<vmem>>, vector<16xf32>,
      tpu.vector_store %arg15[%swap3A_198], %rev3A_197 {strides = array<i32>} : memref<64xf32, #tpu.memory_space<vmem>>, vector<16xf32>,
      %get3A_200 = arith.constant 32 : index
      %get3A_201 = tpu.vector_load %arg9[%get3A_200] {strides = array<i32>} : memref<6272xi32, #tpu.memory_space<vmem>>, vector<16xi32>,
      %rev3A_202 = arith.constant 15 : i32
      %rev3A_203 = vector.broadcast %rev3A_202 : i32 to vector<16xi32>
      %rev3A_204 = tpu.iota {dimensions = array<i32: 0>} : vector<16xi32>
      %rev3A_205 = arith.subi %rev3A_203, %rev3A_204 : vector<16xi32>
      %rev3A_206 = tpu.dynamic_gather %get3A_201[%rev3A_205] in [0] : vector<16xi32>, vector<16xi32> -> vector<16xi32>
      %add3A_207 = arith.addi %rev3A_206, %get3A_169 : vector<16xi32>
      %max3A_208 = arith.constant 0 : i32
      %max3A_209 = vector.broadcast %max3A_208 : i32 to vector<16xi32>
      %max3A_210 = arith.maxsi %add3A_207, %max3A_209 : vector<16xi32>
      %min3A_211 = arith.constant 99999 : i32
      %min3A_212 = vector.broadcast %min3A_211 : i32 to vector<16xi32>
      %min3A_213 = arith.minsi %max3A_210, %min3A_212 : vector<16xi32>
      %swap3A_214 = arith.constant 16 : index
      %swap3A_215 = tpu.vector_load %arg13[%swap3A_214] {strides = array<i32>} : memref<64xi32, #tpu.memory_space<vmem>>, vector<16xi32>,
      tpu.vector_store %arg13[%swap3A_214], %min3A_213 {strides = array<i32>} : memref<64xi32, #tpu.memory_space<vmem>>, vector<16xi32>,
      %get3A_216 = arith.constant 16 : index
      %get3A_217 = tpu.vector_load %arg8[%get3A_216] {strides = array<i32>} : memref<6272xf32, #tpu.memory_space<vmem>>, vector<16xf32>,
      %rev3A_218 = arith.constant 15 : i32
      %rev3A_219 = vector.broadcast %rev3A_218 : i32 to vector<16xi32>
      %rev3A_220 = tpu.iota {dimensions = array<i32: 0>} : vector<16xi32>
      %rev3A_221 = arith.subi %rev3A_219, %rev3A_220 : vector<16xi32>
      %rev3A_222 = tpu.dynamic_gather %get3A_217[%rev3A_221] in [0] : vector<16xf32>, vector<16xi32> -> vector<16xf32>
      %swap3A_223 = arith.constant 32 : index
      %swap3A_224 = tpu.vector_load %arg15[%swap3A_223] {strides = array<i32>} : memref<64xf32, #tpu.memory_space<vmem>>, vector<16xf32>,
      tpu.vector_store %arg15[%swap3A_223], %rev3A_222 {strides = array<i32>} : memref<64xf32, #tpu.memory_space<vmem>>, vector<16xf32>,
      %get3A_225 = arith.constant 16 : index
      %get3A_226 = tpu.vector_load %arg9[%get3A_225] {strides = array<i32>} : memref<6272xi32, #tpu.memory_space<vmem>>, vector<16xi32>,
      %rev3A_227 = arith.constant 15 : i32
      %rev3A_228 = vector.broadcast %rev3A_227 : i32 to vector<16xi32>
      %rev3A_229 = tpu.iota {dimensions = array<i32: 0>} : vector<16xi32>
      %rev3A_230 = arith.subi %rev3A_228, %rev3A_229 : vector<16xi32>
      %rev3A_231 = tpu.dynamic_gather %get3A_226[%rev3A_230] in [0] : vector<16xi32>, vector<16xi32> -> vector<16xi32>
      %add3A_232 = arith.addi %rev3A_231, %get3A_169 : vector<16xi32>
      %max3A_233 = arith.constant 0 : i32
      %max3A_234 = vector.broadcast %max3A_233 : i32 to vector<16xi32>
      %max3A_235 = arith.maxsi %add3A_232, %max3A_234 : vector<16xi32>
      %min3A_236 = arith.constant 99999 : i32
      %min3A_237 = vector.broadcast %min3A_236 : i32 to vector<16xi32>
      %min3A_238 = arith.minsi %max3A_235, %min3A_237 : vector<16xi32>
      %swap3A_239 = arith.constant 32 : index
      %swap3A_240 = tpu.vector_load %arg13[%swap3A_239] {strides = array<i32>} : memref<64xi32, #tpu.memory_space<vmem>>, vector<16xi32>,
      tpu.vector_store %arg13[%swap3A_239], %min3A_238 {strides = array<i32>} : memref<64xi32, #tpu.memory_space<vmem>>, vector<16xi32>,
      %get3A_241 = arith.constant 0 : index
      %get3A_242 = tpu.vector_load %arg8[%get3A_241] {strides = array<i32>} : memref<6272xf32, #tpu.memory_space<vmem>>, vector<16xf32>,
      %rev3A_243 = arith.constant 15 : i32
      %rev3A_244 = vector.broadcast %rev3A_243 : i32 to vector<16xi32>
      %rev3A_245 = tpu.iota {dimensions = array<i32: 0>} : vector<16xi32>
      %rev3A_246 = arith.subi %rev3A_244, %rev3A_245 : vector<16xi32>
      %rev3A_247 = tpu.dynamic_gather %get3A_242[%rev3A_246] in [0] : vector<16xf32>, vector<16xi32> -> vector<16xf32>
      %swap3A_248 = arith.constant 48 : index
      %swap3A_249 = tpu.vector_load %arg15[%swap3A_248] {strides = array<i32>} : memref<64xf32, #tpu.memory_space<vmem>>, vector<16xf32>,
      tpu.vector_store %arg15[%swap3A_248], %rev3A_247 {strides = array<i32>} : memref<64xf32, #tpu.memory_space<vmem>>, vector<16xf32>,
      %get3A_250 = arith.constant 0 : index
      %get3A_251 = tpu.vector_load %arg9[%get3A_250] {strides = array<i32>} : memref<6272xi32, #tpu.memory_space<vmem>>, vector<16xi32>,
      %rev3A_252 = arith.constant 15 : i32
      %rev3A_253 = vector.broadcast %rev3A_252 : i32 to vector<16xi32>
      %rev3A_254 = tpu.iota {dimensions = array<i32: 0>} : vector<16xi32>
      %rev3A_255 = arith.subi %rev3A_253, %rev3A_254 : vector<16xi32>
      %rev3A_256 = tpu.dynamic_gather %get3A_251[%rev3A_255] in [0] : vector<16xi32>, vector<16xi32> -> vector<16xi32>
      %add3A_257 = arith.addi %rev3A_256, %get3A_169 : vector<16xi32>
      %max3A_258 = arith.constant 0 : i32
      %max3A_259 = vector.broadcast %max3A_258 : i32 to vector<16xi32>
      %max3A_260 = arith.maxsi %add3A_257, %max3A_259 : vector<16xi32>
      %min3A_261 = arith.constant 99999 : i32
      %min3A_262 = vector.broadcast %min3A_261 : i32 to vector<16xi32>
      %min3A_263 = arith.minsi %max3A_260, %min3A_262 : vector<16xi32>
      %swap3A_264 = arith.constant 48 : index
      %swap3A_265 = tpu.vector_load %arg13[%swap3A_264] {strides = array<i32>} : memref<64xi32, #tpu.memory_space<vmem>>, vector<16xi32>,
      tpu.vector_store %arg13[%swap3A_264], %min3A_263 {strides = array<i32>} : memref<64xi32, #tpu.memory_space<vmem>>, vector<16xi32>,
      %dma_start3A = arith.constant 0 : i32
      %dma_start3A_266 = arith.constant 0 : i32
      %dma_start3A_267 = tpu.memref_slice %arg3[%dma_start3A, %dma_start3A_266] : memref<100000x128xf32, #tpu.memory_space<hbm>> -> memref<100000x128xf32, #tpu.memory_space<hbm>>
      tpu.enqueue_indirect_dma source(%dma_start3A_267 : memref<100000x128xf32, #tpu.memory_space<hbm>>) target(%arg14 : memref<64x128xf32, #tpu.memory_space<vmem>>) offsets(%arg13 : memref<64xi32, #tpu.memory_space<vmem>>) semaphore(%arg18 : memref<!tpu.dma_semaphore, #tpu.memory_space<semaphore_mem>>)
      %dma_wait3A = arith.constant 0 : i32
      %dma_wait3A_268 = arith.constant 0 : i32
      %dma_wait3A_269 = tpu.memref_slice %arg3[%dma_wait3A, %dma_wait3A_268] : memref<100000x128xf32, #tpu.memory_space<hbm>> -> memref<100000x128xf32, #tpu.memory_space<hbm>>
      tpu.wait_indirect_dma semaphore(%arg18 : memref<!tpu.dma_semaphore, #tpu.memory_space<semaphore_mem>>) src(%dma_wait3A_269 : memref<100000x128xf32, #tpu.memory_space<hbm>>) dst(%arg14 : memref<64x128xf32, #tpu.memory_space<vmem>>)
      "tpu.region"() ({
        %run_scoped3A = tpu.sem_alloc : memref<!tpu.dma_semaphore, #tpu.memory_space<semaphore_mem>>
        tpu.enqueue_dma source(%arg14 : memref<64x128xf32, #tpu.memory_space<vmem>>) target(%arg5 : memref<64x128xf32, #tpu.memory_space<hbm>>) target_semaphore(%run_scoped3A : memref<!tpu.dma_semaphore, #tpu.memory_space<semaphore_mem>>)
        tpu.wait_dma2 semaphore(%run_scoped3A : memref<!tpu.dma_semaphore, #tpu.memory_space<semaphore_mem>>) src(%arg14 : memref<64x128xf32, #tpu.memory_space<vmem>>) dst(%arg5 : memref<64x128xf32, #tpu.memory_space<hbm>>)
        tpu.yield
      }) : () -> ()
      "tpu.region"() ({
        %run_scoped3A = tpu.sem_alloc : memref<!tpu.dma_semaphore, #tpu.memory_space<semaphore_mem>>
        tpu.enqueue_dma source(%arg15 : memref<64xf32, #tpu.memory_space<vmem>>) target(%arg6 : memref<64xf32, #tpu.memory_space<hbm>>) target_semaphore(%run_scoped3A : memref<!tpu.dma_semaphore, #tpu.memory_space<semaphore_mem>>)
        tpu.wait_dma2 semaphore(%run_scoped3A : memref<!tpu.dma_semaphore, #tpu.memory_space<semaphore_mem>>) src(%arg15 : memref<64xf32, #tpu.memory_space<vmem>>) dst(%arg6 : memref<64xf32, #tpu.memory_space<hbm>>)
        tpu.yield
      }) : () -> ()
    } else {
    }
    return
  }
}

module attributes {stable_mosaic.version = 14 : i64} {
  func.func @_scores_body(%arg0: i32, %arg1: memref<1x128xf32, #tpu.memory_space<vmem>>, %arg2: memref<14336x128xf32, #tpu.memory_space<vmem>>, %arg3: memref<14336xf32, #tpu.memory_space<vmem>>) attributes {dimension_semantics = [#tpu.dimension_semantics<arbitrary>], iteration_bounds = array<i64: 7>, scalar_prefetch = 0 : i64, scratch_operands = 0 : i64, tpu.core_type = #tpu.core_type<tc>, window_params = [{pipeline_mode = #tpu.pipeline_mode<synchronous>, transform_indices = @transform_0, window_bounds = array<i64: 1, 128>}, {transform_indices = @transform_1, window_bounds = array<i64: 14336, 128>}, {transform_indices = @transform_2, window_bounds = array<i64: 14336>}]} {
    %get3A = arith.constant 0 : index
    %get3A_0 = arith.constant 0 : index
    %get3A_1 = vector.load %arg1[%get3A, %get3A_0] : memref<1x128xf32, #tpu.memory_space<vmem>>, vector<1x128xf32>
    %mul3A = arith.mulf %get3A_1, %get3A_1 : vector<1x128xf32>
    %reduce_sum3A = vector.shape_cast %mul3A : vector<1x128xf32> to vector<1x1x128xf32>
    %reduce_sum3A_2 = arith.constant dense<0.000000e+00> : vector<1xf32>
    %reduce_sum3A_3 = vector.multi_reduction <add>, %reduce_sum3A, %reduce_sum3A_2 [1, 2] : vector<1x1x128xf32> to vector<1xf32>
    %reduce_sum3A_4 = vector.shape_cast %reduce_sum3A_3 : vector<1xf32> to vector<1x1x1xf32>
    %reduce_sum3A_5 = vector.extract %reduce_sum3A_4[0, 0, 0] : f32 from vector<1x1x1xf32>
    %sqrt3A = math.sqrt %reduce_sum3A_5 : f32
    %max3A = arith.constant 9.99999996E-13 : f32
    %max3A_6 = arith.maximumf %sqrt3A, %max3A : f32
    %div3A = vector.broadcast %max3A_6 : f32 to vector<1x128xf32>
    %div3A_7 = arith.divf %get3A_1, %div3A : vector<1x128xf32>
    %get3A_8 = arith.constant 0 : index
    %get3A_9 = arith.constant 0 : index
    %get3A_10 = vector.load %arg2[%get3A_8, %get3A_9] : memref<14336x128xf32, #tpu.memory_space<vmem>>, vector<14336x128xf32>
    %mul3A_11 = arith.mulf %get3A_10, %get3A_10 : vector<14336x128xf32>
    %reduce_sum3A_12 = arith.constant dense<0.000000e+00> : vector<14336xf32>
    %reduce_sum3A_13 = vector.multi_reduction <add>, %mul3A_11, %reduce_sum3A_12 [1] : vector<14336x128xf32> to vector<14336xf32>
    %broadcast_in_dim3A = vector.shape_cast %reduce_sum3A_13 : vector<14336xf32> to vector<14336x1xf32>
    %sqrt3A_14 = math.sqrt %broadcast_in_dim3A : vector<14336x1xf32>
    %max3A_15 = arith.constant 9.99999996E-13 : f32
    %max3A_16 = vector.broadcast %max3A_15 : f32 to vector<14336x1xf32>
    %max3A_17 = arith.maximumf %sqrt3A_14, %max3A_16 : vector<14336x1xf32>
    %div3A_18 = vector.broadcast %max3A_17 : vector<14336x1xf32> to vector<14336x128xf32>
    %div3A_19 = arith.divf %get3A_10, %div3A_18 : vector<14336x128xf32>
    %convert_element_type3A = arith.truncf %div3A_7 : vector<1x128xf32> to vector<1x128xbf16>
    %convert_element_type3A_20 = arith.truncf %div3A_19 : vector<14336x128xf32> to vector<14336x128xbf16>
    %dot_general3A = arith.constant dense<0.000000e+00> : vector<1x14336xf32>
    %dot_general3A_21 = tpu.matmul %convert_element_type3A, %convert_element_type3A_20, %dot_general3A {dimension_numbers = #tpu.dot_dimension_numbers<[1], [1], [0], [0], [0, 0, 1, 0], [], []>, transpose_lhs_hint = false} : vector<1x128xbf16>, vector<14336x128xbf16>, vector<1x14336xf32> -> vector<1x14336xf32>
    %iota3A = tpu.iota {dimensions = array<i32: 1>} : vector<1x14336xi32>
    %mul3A_22 = arith.constant 14336 : i32
    %mul3A_23 = arith.muli %arg0, %mul3A_22 : i32
    %add3A = vector.broadcast %mul3A_23 : i32 to vector<1x14336xi32>
    %add3A_24 = arith.addi %iota3A, %add3A : vector<1x14336xi32>
    %lt3A = arith.constant 100000 : i32
    %lt3A_25 = vector.broadcast %lt3A : i32 to vector<1x14336xi32>
    %lt3A_26 = arith.cmpi slt, %add3A_24, %lt3A_25 : vector<1x14336xi32>
    %jit3A = arith.constant 0xFF800000 : f32
    %broadcast_in_dim3A_27 = vector.broadcast %jit3A : f32 to vector<1x14336xf32>
    %select_n3A = arith.select %lt3A_26, %dot_general3A_21, %broadcast_in_dim3A_27 : vector<1x14336xi1>, vector<1x14336xf32>
    %reshape3A = vector.shape_cast %select_n3A : vector<1x14336xf32> to vector<14336xf32>
    %swap3A = arith.constant 0 : index
    %swap3A_28 = vector.load %arg3[%swap3A] : memref<14336xf32, #tpu.memory_space<vmem>>, vector<14336xf32>
    tpu.vector_store %arg3[%swap3A], %reshape3A {strides = array<i32>} : memref<14336xf32, #tpu.memory_space<vmem>>, vector<14336xf32>,
    return
  }
  func.func @transform_0(%arg0: i32) -> (i32, i32) {
    %c0_i32 = arith.constant 0 : i32
    %c0_i32_0 = arith.constant 0 : i32
    %c0_i32_1 = arith.constant 0 : i32
    return %c0_i32, %c0_i32_0 : i32, i32
  }
  func.func @transform_1(%arg0: i32) -> (i32, i32) {
    %c0_i32 = arith.constant 0 : i32
    %c0_i32_0 = arith.constant 0 : i32
    return %arg0, %c0_i32 : i32, i32
  }
  func.func @transform_2(%arg0: i32) -> i32 {
    %c0_i32 = arith.constant 0 : i32
    return %arg0 : i32
  }
}

</mosaic_0001>

<sc_bundles>
// kernel: kernel.4.cloned.1.call-start
scs
__scs_entry_jumppad:
0x0: {  	(pc) =	sbr.rel $0x88, $3  }
0x1: {  	(tag) =	ssettag $0x0;
	lr =	simm.s32 $0x1  }
0x2: {  	[smem:$0x3F9E] =	sst lr;
	_ =	strace $0xD0000000  }
0x3: {  	_ = 	snop  }
0x4: {  	_ = 	snop  }
0x5: {  	_ = 	snop  }
0x6: {  	_ = 	snop  }
0x7: {  	_ = 	snop  }
__scs_overlays_trampoline_lowered:
0x8: {  	[smem:$0x3FAD] =	sst s0  }
0x9: {  	[smem:$0x3FAE] =	sst s1  }
0xa: {  	[smem:$0x3FAF] =	sst s2  }
0xb: {  	[smem:$0x3FB0] =	sst s3  }
0xc: {  	[smem:$0x3FB1] =	sst s4  }
0xd: {  	[smem:$0x3FB2] =	sst s5  }
0xe: {  	[smem:$0x3FB3] =	sst s6  }
0xf: {  	[smem:$0x3FB4] =	sst s7  }
0x10: {  	[smem:$0x3FB5] =	sst s8  }
0x11: {  	[smem:$0x3FB6] =	sst s9;
	s0 =	simm.s32 @!p0 $0x0  }
0x12: {  	s1 =	sld [smem:$0x3F9C];
	s0 =	simm.s32 @p0 $0x1  }
0x13: {  	[smem:$0x3FB7] =	sst s0;
	s0 =	simm.s32 @!p1 $0x0  }
0x14: {  	s2 =	sld [smem:$0x3F9B];
	s0 =	simm.s32 @p1 $0x1  }
0x15: {  	[smem:$0x3FB8] =	sst s0;
	s0 =	simm.s32 @!p2 $0x0  }
0x16: {  	s3 =	sld [smem:$0x3FDB];
	s0 =	simm.s32 @p2 $0x1  }
0x17: {  	s4 =	simm.s32 $0x1BF5;
	[smem:$0x3FBA] =	sst s0  }
0x18: {  	s0 =	sld [smem:$0x3F9D];
	_ =	swait.ge [sflag:s4], $0x0  }
0x19: {  	s7 =	sld [smem:$0x3F9E]  }
0x1a: {  	s8 =	sadd.s32 $0xFFFFE003, lr  }
0x1b: {  	s9 =	sadd.s32 $0xFFFFFEF7, lr;
	s5 =	simm.s32 $0xFFFFFFFF;
	p2 =	slt.u32 s8, $0xFFFFF086  }
0x1c: {  	p1 =	slt.u32 s9, $0xF7A;
	s5 =	simm.s32 @!p2 $0x0  }
0x1d: {  	s5 =	simm.s32 @p1 $0x1;
	p0 =	seq.s32 s7, s2  }
0x1e: {  	s7 =	smul.u32 @!p0 $0xF7A, s2;
	p2 =	seq.s32 @!p0 s5, $0x0  }
0x1f: {  	s9 =	smul.u32 $0xF7A, s1;
	s8 =	simm.s32 @!p0 $0x1BF5;
	p2 =	por !p2, p0  }
0x20: {  	[sflag:s8] =	ssyncset.s32 @!p0 $0xFFFFF086;
	s6 =	sadd.s32 @!p0 s3, s7;
	s7 =	simm.s32 @!p0 $0x108  }
0x21: {  	s3 =	sadd.s32 s3, s9;
	s6 =	sadd.s32 @!p0 $0x88, s6;
	s7 =	simm.s32 @p2 $0x1082  }
0x22: {  	[simem:s7], [sflag:s8] =	dma.local @!p0 [hbm:s6], $0xF7A  }
0x23: {  	s9 =	sor.u32 $0xD0000000, s2;
	s6 =	simm.s32 $0x108;
	_ =	swait.ge @!p0 [sflag:s8], $0x0  }
0x24: {  	s3 =	sadd.s32 $0x88, s3;
	s6 =	simm.s32 @!p1 $0x1082;
	[sflag:s4] =	ssyncset.s32 $0xFFFFF086  }
0x25: {  	[simem:s6], [sflag:s4] =	dma.local [hbm:s3], $0xF7A  }
0x26: {  	[smem:$0x3F9E] =	sst s1;
	(tag) =	ssettag s2;
	_ =	strace s9  }
0x27: {  	s1 =	sld [smem:$0x3FAE]  }
0x28: {  	s2 =	sld [smem:$0x3FAF]  }
0x29: {  	s4 =	sld [smem:$0x3FB1]  }
0x2a: {  	p0 =	seq.s32 s5, $0x0;
	s5 =	sld [smem:$0x3FB2]  }
0x2b: {  	s6 =	sld [smem:$0x3FB3]  }
0x2c: {  	s7 =	sld [smem:$0x3FB4]  }
0x2d: {  	s3 =	simm.s32 $0x108;
	s8 =	sld [smem:$0x3FB5]  }
0x2e: {  	s3 =	simm.s32 @!p0 $0x1082;
	s9 =	sld [smem:$0x3FB6]  }
0x2f: {  	lr =	sadd.s32 s0, s3;
	s0 =	sld [smem:$0x3FAD]  }
0x30: {  	s3 =	sld [smem:$0x3FB0]  }
0x31: {  	[smem:$0x3FB9] =	sst s10  }
0x32: {  	s10 =	sld [smem:$0x3FB7];
	_ =	sdelay $0x3  }
0x33: {  	p0 =	seq.s32 s10, $0x1;
	s10 =	sld [smem:$0x3FB9];
	_ =	sdelay $0x3  }
0x34: {  	[smem:$0x3FB9] =	sst s10  }
0x35: {  	s10 =	sld [smem:$0x3FB8];
	_ =	sdelay $0x3  }
0x36: {  	p1 =	seq.s32 s10, $0x1;
	s10 =	sld [smem:$0x3FB9];
	_ =	sdelay $0x3  }
0x37: {  	[smem:$0x3FB9] =	sst s10  }
0x38: {  	s10 =	sld [smem:$0x3FBA]  }
0x39: {  	_ = 	snop;
	(pc) =	sbr.ind lr, $3  }
0x3a: {  	_ = 	snop  }
0x3b: {  	_ = 	snop  }
0x3c: {  	p2 =	seq.s32 s10, $0x1;
	s10 =	sld [smem:$0x3FB9]  }
0x3d: {  	_ =	shalt  }
0x3e: {  	_ =	shalt  }
0x3f: {  	_ =	shalt  }
0x40: {  	_ =	shalt  }
0x41: {  	_ =	shalt  }
0x42: {  	_ =	shalt  }
0x43: {  	_ =	shalt  }
0x44: {  	_ =	shalt  }
0x45: {  	_ =	shalt  }
0x46: {  	_ =	shalt  }
0x47: {  	_ =	shalt  }
0x48: {  	_ =	shalt  }
0x49: {  	_ =	shalt  }
0x4a: {  	_ =	shalt  }
0x4b: {  	_ =	shalt  }
0x4c: {  	_ =	shalt  }
0x4d: {  	_ =	shalt  }
0x4e: {  	_ =	shalt  }
0x4f: {  	_ =	shalt  }
0x50: {  	_ =	shalt  }
0x51: {  	_ =	shalt  }
0x52: {  	_ =	shalt  }
0x53: {  	_ =	shalt  }
0x54: {  	_ =	shalt  }
0x55: {  	_ =	shalt  }
0x56: {  	_ =	shalt  }
0x57: {  	_ =	shalt  }
0x58: {  	_ =	shalt  }
0x59: {  	_ =	shalt  }
0x5a: {  	_ =	shalt  }
0x5b: {  	_ =	shalt  }
0x5c: {  	_ =	shalt  }
0x5d: {  	_ =	shalt  }
0x5e: {  	_ =	shalt  }
0x5f: {  	_ =	shalt  }
0x60: {  	_ =	shalt  }
0x61: {  	_ =	shalt  }
0x62: {  	_ =	shalt  }
0x63: {  	_ =	shalt  }
0x64: {  	_ =	shalt  }
0x65: {  	_ =	shalt  }
0x66: {  	_ =	shalt  }
0x67: {  	_ =	shalt  }
0x68: {  	_ =	shalt  }
0x69: {  	_ =	shalt  }
0x6a: {  	_ =	shalt  }
0x6b: {  	_ =	shalt  }
0x6c: {  	_ =	shalt  }
0x6d: {  	_ =	shalt  }
0x6e: {  	_ =	shalt  }
0x6f: {  	_ =	shalt  }
0x70: {  	_ =	shalt  }
0x71: {  	_ =	shalt  }
0x72: {  	_ =	shalt  }
0x73: {  	_ =	shalt  }
0x74: {  	_ =	shalt  }
0x75: {  	_ =	shalt  }
0x76: {  	_ =	shalt  }
0x77: {  	_ =	shalt  }
0x78: {  	_ =	shalt  }
0x79: {  	_ =	shalt  }
0x7a: {  	_ =	shalt  }
0x7b: {  	_ =	shalt  }
0x7c: {  	_ =	shalt  }
0x7d: {  	_ =	shalt  }
0x7e: {  	_ =	shalt  }
0x7f: {  	_ =	shalt  }
0x80: {  	_ =	shalt  }
0x81: {  	_ =	shalt  }
0x82: {  	_ =	shalt  }
0x83: {  	_ =	shalt  }
0x84: {  	_ =	shalt  }
0x85: {  	_ =	shalt  }
0x86: {  	_ =	shalt  }
0x87: {  	_ =	shalt  }
.Lfunc_end0:
.L_simem_size_0:
called_computation_lowered:
.L_overlay_start_0:
0x88: {  	s2 =	sld [smem:$0x3FD9]  }
0x89: {  	s3 =	sld [smem:$0x3FFE];
	_ =	sdelay $0x1  }
0x8a: {  	s1 =	srdreg.scid  }
0x8b: {  	s0 =	sand.u32 $0x1, s1  }
0x8c: {  	s14 =	sshll.u32 s0, $0xA;
	s2 =	sadd.s32 s3, s2  }
0x8d: {  	s2 =	sadd.s32 s2, s14  }
0x8e: {  	[smem:$0x3FC5] =	sst s2  }
0x8f: {  	_ = 	snop  }
0x90: {  	s2 =	sld [smem:$0x3FD0];
	_ =	sdelay $0x2  }
0x91: {  	s4 =	simm.s32 $0xA;
	s5 =	simm.s32 $0x10;
	s15 =	sld [smem:$0x3FC8]  }
0x92: {  	[smem:s5], [sflag:s4] =	dma.local [hbm:s2], $0x1  }
0x93: {  	_ =	swait.eq [sflag:s4], $0x1  }
0x94: {  	[sflag:s4] =	ssyncset.done $0x0  }
0x95: {  	s16 =	sld [smem:$0x10];
	[sflag:s4] =	ssyncadd.s32 $0xFFFFFFFF  }
0x96: {  	s17 =	sld [smem:$0x11];
	(tm) =	ssettm $0x1  }
0x97: {  	s18 =	sld [smem:$0x3FFB];
	_ =	sdelay $0x3  }
0x98: {  	_ =	strace s18  }
0x99: {  	s5 =	sld [smem:$0x3FFC];
	_ =	sdelay $0x3  }
0x9a: {  	_ =	strace s5  }
0x9b: {  	s5 =	sld [smem:$0x3FFD];
	_ =	sdelay $0x3  }
0x9c: {  	_ =	strace s5  }
0x9d: {  	_ =	strace $0x8FFFFFFF  }
0x9e: {  	s19 =	sld [smem:$0x3FDB];
	_ =	sdelay $0x1  }
0x9f: {  	s6 =	simm.s32 $_scs_section_size  }
0xa0: {  	s7 =	simm.s32 $_size__tile_overlayer_lowered;
	s8 =	simm.s32 $_tile_overlayer_lowered  }
0xa1: {  	s22 =	simm.s32 $0x1BFF;
	s21 =	sshll.u32 s8, $0x1;
	s5 =	sadd.s32 s6, s19  }
0xa2: {  	s9 =	simm.s32 $0x0;
	s20 =	sshll.u32 s7, $0x1;
	s7 =	sadd.s32 s21, s5  }
0xa3: {  	[timem:s9], [sflag:s22] =	dma.local [hbm:s7], s20  }
0xa4: {  	_ =	swait.ge [sflag:s22], s20  }
0xa5: {  	s6 =	ssub.s32 $0x0, s20;
	[sflag:s22] =	ssyncset.done $0x0  }
0xa6: {  	[sflag:s22] =	ssyncadd.s32 s6;
	_ =	sdelay $0x1  }
0xa7: {  	s23 =	simm.s32 $0x1B8B  }
0xa8: {  	_ =	swait.ge [sflag:s23], $0x1  }
0xa9: {  	[sflag:s23] =	ssyncset.done $0x0  }
0xaa: {  	s25 =	simm.s32 $0x1B8E;
	s24 =	sld [smem:$0x3FFE];
	[sflag:s23] =	ssyncadd.s32 $0xFFFFFFFF  }
0xab: {  	s26 =	simm.s32 $execute0_lowered;
	[smem:$0x3FD2] =	sst s25  }
0xac: {  	s7 =	sshll.u32 s26, $0x1;
	_ =	strace $0x80000046;
	[dreg:$0x1] =	wrdreg $0xFFFFFFFF  }
0xad: {  	s28 =	simm.s32 $_size_execute0_lowered;
	s5 =	sadd.s32 s5, s7;
	[dreg:$0x0] =	wrdreg $0x0  }
0xae: {  	s7 =	sshll.u32 s28, $0x1;
	[dreg:$0x2] =	wrdreg s5  }
0xaf: {  	[dreg:$0x3] =	wrdreg s7  }
0xb0: {  	[dreg:$0x4] =	wrdreg $0xC0  }
0xb1: {  	_ =	task [dreg:s9], $0x5FFFF  }
0xb2: {  	[dreg:$0x1] =	wrdreg $0xFFFFFFFF  }
0xb3: {  	[dreg:$0x0] =	wrdreg $0x60  }
0xb4: {  	[dreg:$0x2] =	wrdreg s24  }
0xb5: {  	[dreg:$0x3] =	wrdreg s15  }
0xb6: {  	[dreg:$0x4] =	wrdreg s16  }
0xb7: {  	[dreg:$0x5] =	wrdreg s17  }
0xb8: {  	[dreg:$0x6] =	wrdreg $0x9C000  }
0xb9: {  	[dreg:$0x7] =	wrdreg $0x9C400  }
0xba: {  	[dreg:$0x8] =	wrdreg $0x9  }
0xbb: {  	_ =	task.clear_ibuf [dreg:s9], $0x9FFFF;
	_ =	strace $0x90000046  }
0xbc: {  	s29 =	simm.s32 $0x9;
	_ =	strace $0x80000048  }
0xbd: {  	_ =	swait.ge [sflag:s29], $0x1  }
0xbe: {  	[sflag:s29] =	ssyncadd.s32 $0xFFFFFFFF  }
0xbf: {  	_ =	strace $0x90000048  }
0xc0: {  	_ =	sfence  }
0xc1: {  	s30 =	sld [smem:$0x0];
	_ =	sdelay $0x2  }
0xc2: {  	s31 =	sshll.u32 s1, $0xD;
	s1 =	sshrl.u32 s1, $0x2  }
0xc3: {  	s3 =	sand.u32 $0x4000, s31;
	s1 =	sadd.s32 s1, s30  }
0xc4: {  	s0 =	sor.u32 s3, s0;
	s1 =	sshll.u32 s1, $0x11  }
0xc5: {  	s0 =	sor.u32 s1, s0  }
0xc6: {  	s0 =	sadd.s32 $0x8F2B, s0  }
0xc7: {  	[sflag:s0] =	ssyncadd.remote.s32 $0x1  }
0xc8: {  	_ =	sfence.sel $0xFFFF  }
0xc9: {  	[dreg:$0x0] =	wrdreg $0xFFFFFFFF;
	(pc) =	sbr.abs _section_cstart, $3  }
0xca: {  	[dreg:$0x1] =	wrdreg $0xFFFFFFFF  }
0xcb: {  	_ =	task.clear_ibuf [dreg:s9], $0x2FFFF;
	_ =	strace $0x9FFFFFFF  }
0xcc: {  	(tm) =	ssettm $0x7FFFFFFF  }
0xcd: {  	_ =	shalt  }
tec
execute0_lowered:
.L_overlay_start_1:
0x0: {  	(tag) =	ssettag $0x1  }
0x1: {  	s0 =	rddreg [dreg:$0x0]  }
0x2: {  	s4 =	rddreg [dreg:$0x4]  }
0x3: {  	s5 =	rddreg [dreg:$0x5];
	s1 =	stileid.u32  }
0x4: {  	s3 =	srdreg.scid;
	s6 =	simm.s32 $0x0;
	s13 =	simm.s32 $0x2  }
0x5: {  	s14 =	simm.s32 $0x4980;
	s15 =	simm.s32 $0x6200;
	s18 =	simm.s32 $0x7A80  }
0x6: {  	s19 =	simm.s32 $0x40;
	s20 =	simm.s32 $0x7B00;
	s21 =	simm.s32 $0x7B80  }
0x7: {  	s22 =	simm.s32 $0x1;
	s23 =	simm.s32 $0x9B80;
	s24 =	simm.s32 $0x0  }
0x8: {  	s2 =	smul.u32 $0x1880, s1;
	s3 =	sand.u32 $0x1, s3;
	[smem:$0x7FF] =	sst s6  }
.Ltmp0:
0x9: {  	s31 =	sshll.u32 s1, $0x6;
	p0 =	sne.s32 s1, $0x0;
	(pc) =	sbr.rel .LBB2_1-.Ltmp0, $4  }
0xa: {  	v0 =	vlaneseq.u32;
	s3 =	ssub.s32 $0x2, s3;
	_ =	strace $0x80000047;
	s10 =	sadd.s32 s31, s5  }
0xb: {  	v1 =	vmul.u32 $0xFFFFFFFF, v0;
	s7 =	sshrl.u32 s2, $0x3;
	s9 =	sshrl.u32 s3, $0x1;
	s12 =	sor.u32 $0x70, s2  }
0xc: {  	s8 =	sadd.s32 s7, s0;
	s7 =	sadd.s32 $0x3C00, s0;
	s30 =	ssub.s32 s3, s9  }
0xd: {  	v1 =	vadd.s32 $0xF, v1;
	s9 =	sadd.s32 s31, s4;
	s8 =	sadd.s32 $0xA00, s8;
	s11 =	smax.u32 s30, $0x1  }
.LBB2_17:
0xe: {  	s24 =	sadd.s32 $0x1, s24  }
0xf: {  	p1 =	sne.s32 s24, s11  }
.Ltmp1:
0x10: {  	_ = 	snop;
	(pc) =	sbr.rel @!p1 .LBB2_18-.Ltmp1, $1  }
0x11: {  	_ =	sdelay $0x3  }
.LBB2_1:
0x12: {  	[tilespmem:s6], [sflag:$0x2] =	stream.linear.gather [hbm4b:s8+s6], $0x1880, $0x38;
	[tilespmem:$0x9C80] =	vst v63  }
0x13: {  	_ =	swait.ge [sflag:s13], $0x1880  }
0x14: {  	[sflag:s13] =	ssyncset.done $0x0  }
0x15: {  	[sflag:s13] =	ssyncadd.s32 $0xFFFFE780  }
0x16: {  	v2 =	vld [tilespmem:s19+$0x30]  }
0x17: {  	v3 =	vld [tilespmem:s19+$0xFFFFFFE0]  }
0x18: {  	v4 =	vld [tilespmem:s19+$0xFFFFFFF0];
	_ =	sdelay $0x1  }
0x19: {  	s0 =	sadd.s32 $0xFFFFFFB0, s12;
	v6 =	vor.u32 s12, v0;
	v5 =	vld [tilespmem:s19+$0x20]  }
0x1a: {  	s2 =	sadd.s32 $0xFFFFFFC0, s12;
	v7 =	vor.u32 s0, v0;
	(xrf1) =	vsort.ascd.msk.f32 $0xffff, v2, v6  }
0x1b: {  	v2 =	vor.u32 s2, v0;
	(xrf1) =	vsort.ascd.msk.f32 $0xffff, v3, v7;
	v3 =	vld [tilespmem:s19+$0xFFFFFFC0]  }
0x1c: {  	s3 =	sadd.s32 $0xFFFFFFF0, s12;
	v6 =	vld [tilespmem:s19+$0xFFFFFFD0];
	(xrf1) =	vsort.ascd.msk.f32 $0xffff, v4, v2  }
0x1d: {  	v2 =	vor.u32 s3, v0  }
0x1e: {  	s16 =	sadd.s32 $0xFFFFFF90, s12;
	(xrf1) =	vsort.ascd.msk.f32 $0xffff, v5, v2  }
0x1f: {  	s1 =	sadd.s32 $0xFFFFFFA0, s12;
	v2 =	vor.u32 s16, v0  }
0x20: {  	v4 =	vor.u32 s1, v0;
	(xrf1) =	vsort.ascd.msk.f32 $0xffff, v3, v2  }
0x21: {  	v2 =	vld [tilespmem:s19+$0x10];
	(xrf1) =	vsort.ascd.msk.f32 $0xffff, v6, v4;
	_ =	sdelay $0x2  }
0x22: {  	s17 =	sadd.s32 $0xFFFFFFE0, s12;
	v3 =	vld [tilespmem:s19+$0x0]  }
0x23: {  	s25 =	sadd.s32 $0xFFFFFFD0, s12;
	v4 =	vor.u32 s17, v0  }
0x24: {  	(xrf1) =	vsort.ascd.msk.f32 $0xffff, v2, v4;
	v2 =	vor.u32 s25, v0;
	_ =	sdelay $0x1  }
0x25: {  	v4, v5, _ =	vpop (xrf1)  }
0x26: {  	(xrf1) =	vsort.ascd.msk.f32 $0xffff, v3, v2;
	v2, v3, _ =	vpop (xrf1)  }
0x27: {  	v6, v7, _ =	vpop (xrf1)  }
0x28: {  	v4 =	vperm.xlane v4, v1;
	v6 =	vperm.xlane v6, v1  }
0x29: {  	s26 =	simm.s32 $0xC0;
	v8, v9, _ =	vpop (xrf1);
	v7 =	vperm.xlane v7, v1  }
0x2a: {  	v10 =	vld [tilespmem:s26+$0x30];
	v5 =	vperm.xlane v5, v1;
	vm0 =	vle.f32 v8, v4;
	vm1 =	vle.f32 v2, v6  }
0x2b: {  	v16 =	vld [tilespmem:s26+$0xFFFFFFE0];
	v13 =	vsel vm0, v8, v4;
	v11, v12, _ =	vpop (xrf1);
	v14 =	vsel vm1, v6, v2;
	v15 =	vsel vm1, v7, v3  }
0x2c: {  	v2 =	vsel vm1, v2, v6;
	v3 =	vsel vm1, v3, v7;
	v6 =	vld [tilespmem:s26+$0xFFFFFFF0];
	v17, v18, _ =	vpop (xrf1);
	(xrf1) =	vsort.ascd.msk.f32 $0xffff, v14, v15  }
0x2d: {  	s0 =	sadd.s32 $0x80, s12;
	v7 =	vsel vm0, v9, v5;
	(xrf1) =	vsort.ascd.msk.f32 $0xffff, v2, v3;
	v2 =	vperm.xlane v17, v1  }
0x2e: {  	s2 =	sadd.s32 $0xFFFFFFB0, s0;
	v3 =	vor.u32 s0, v0;
	(xrf1) =	vsort.ascd.msk.f32 $0xffff, v13, v7  }
0x2f: {  	s3 =	sadd.s32 $0xFFFFFFC0, s0;
	v7 =	vperm.xlane v18, v1;
	v13 =	vor.u32 s2, v0;
	vm1 =	vle.f32 v11, v2;
	(xrf1) =	vsort.ascd.msk.f32 $0xffff, v10, v3  }
0x30: {  	v3 =	vld [tilespmem:s26+$0x20];
	v10 =	vor.u32 s3, v0;
	v14 =	vsel vm1, v11, v2;
	(xrf1) =	vsort.ascd.msk.f32 $0xffff, v16, v13  }
0x31: {  	v2 =	vsel vm1, v2, v11;
	(xrf1) =	vsort.ascd.msk.f32 $0xffff, v6, v10;
	v6 =	vsel vm1, v7, v12  }
0x32: {  	v7 =	vsel vm1, v12, v7;
	(xrf1) =	vsort.ascd.msk.f32 $0xffff, v2, v6  }
0x33: {  	s16 =	sadd.s32 $0xFFFFFFF0, s0;
	v11, v13, _ =	vpop (xrf1);
	(xrf1) =	vsort.ascd.msk.f32 $0xffff, v14, v7  }
0x34: {  	v10 =	vperm.xlane v11, v1;
	v7 =	vor.u32 s16, v0  }
0x35: {  	v12 =	vld [tilespmem:s26+$0xFFFFFFC0];
	v11 =	vperm.xlane v13, v1;
	(xrf1) =	vsort.ascd.msk.f32 $0xffff, v3, v7;
	v2, v6, _ =	vpop (xrf1)  }
0x36: {  	v3 =	vld [tilespmem:s26+$0xFFFFFFD0];
	vm1 =	vle.f32 v2, v10  }
0x37: {  	s17 =	sadd.s32 $0xFFFFFF90, s0;
	v14 =	vsel vm1, v11, v6  }
0x38: {  	s3 =	sadd.s32 $0xFFFFFFA0, s0;
	v7 =	vor.u32 s17, v0;
	v13 =	vsel vm1, v10, v2  }
0x39: {  	(xrf1) =	vsort.ascd.msk.f32 $0xffff, v13, v14;
	v13 =	vor.u32 s3, v0  }
0x3a: {  	(xrf1) =	vsort.ascd.msk.f32 $0xffff, v12, v7;
	v14, v15, _ =	vpop (xrf1)  }
0x3b: {  	v4 =	vsel vm0, v4, v8;
	(xrf1) =	vsort.ascd.msk.f32 $0xffff, v3, v13;
	v3 =	vld [tilespmem:s26+$0x10];
	v7, v12, _ =	vpop (xrf1)  }
0x3c: {  	v5 =	vsel vm0, v5, v9;
	v17 =	vld [tilespmem:s26+$0x0];
	v2 =	vsel vm1, v2, v10;
	v10 =	vperm.xlane v14, v1;
	v13, v16, _ =	vpop (xrf1)  }
0x3d: {  	v6 =	vsel vm1, v6, v11;
	v15 =	vperm.xlane v15, v1;
	v7 =	vperm.xlane v7, v1;
	v11, v14, _ =	vpop (xrf1)  }
0x3e: {  	s25 =	sadd.s32 $0xFFFFFFE0, s0;
	v12 =	vperm.xlane v12, v1;
	(xrf1) =	vsort.ascd.msk.f32 $0xffff, v4, v5;
	v5 =	vperm.xlane v16, v1;
	v8, v9, _ =	vpop (xrf1)  }
0x3f: {  	s26 =	sadd.s32 $0xFFFFFFD0, s0;
	v4 =	vor.u32 s25, v0;
	v13 =	vperm.xlane v13, v1;
	(xrf1) =	vsort.ascd.msk.f32 $0xffff, v2, v6;
	v6 =	vperm.xlane v11, v1;
	v18, v19, _ =	vpop (xrf1)  }
0x40: {  	v2 =	vor.u32 s26, v0;
	(xrf1) =	vsort.ascd.msk.f32 $0xffff, v3, v4;
	v3 =	vperm.xlane v14, v1;
	v16, v20, _ =	vpop (xrf1);
	v19 =	vperm.xlane v19, v1  }
0x41: {  	vm2 =	vle.f32 v16, v7;
	v11, v21, _ =	vpop (xrf1);
	(xrf1) =	vsort.ascd.msk.f32 $0xffff, v17, v2;
	v17 =	vperm.xlane v18, v1  }
0x42: {  	vm3 =	vle.f32 v11, v10;
	v4 =	vsel vm2, v16, v7;
	v18 =	vsel vm2, v12, v20  }
0x43: {  	v22, v14, _ =	vpop (xrf1);
	v12 =	vsel vm2, v20, v12;
	v7 =	vsel vm2, v7, v16;
	v23 =	vsel vm3, v11, v10  }
0x44: {  	v2 =	vsel vm3, v10, v11;
	vm0 =	vle.f32 v22, v6;
	vm4 =	vle.f32 v8, v17  }
0x45: {  	v20 =	vsel vm0, v22, v6;
	v16 =	vsel vm4, v8, v17;
	v8 =	vsel vm4, v17, v8  }
0x46: {  	v17 =	vsel vm4, v19, v9;
	v9 =	vsel vm4, v9, v19;
	v19 =	vsel vm3, v15, v21  }
0x47: {  	v27 =	vsel vm0, v14, v3;
	v15 =	vsel vm3, v21, v15;
	vm2 =	vle.f32 v23, v4;
	v10, v11, _ =	vpop (xrf1)  }
0x48: {  	v3 =	vsel vm0, v3, v14;
	v30 =	vsel vm2, v4, v23;
	vm1 =	vle.f32 v10, v13  }
0x49: {  	s31 =	simm.s32 $0x140;
	v4 =	vsel vm2, v23, v4;
	v24, v25, _ =	vpop (xrf1);
	(xrf1) =	vsort.ascd.msk.f32 $0xffff, v8, v17;
	v26 =	vsel vm1, v13, v10  }
0x4a: {  	v29 =	vld [tilespmem:s31+$0x30];
	(xrf1) =	vsort.ascd.msk.f32 $0xffff, v16, v9;
	v9 =	vsel vm2, v15, v12;
	v12 =	vsel vm2, v12, v15  }
0x4b: {  	s1 =	sadd.s32 $0x80, s0;
	v21 =	vld [tilespmem:s31+$0xFFFFFFE0];
	v8, v17, _ =	vpop (xrf1);
	v28 =	vsel vm1, v5, v11;
	vm2 =	vle.f32 v2, v7;
	v5 =	vsel vm1, v11, v5  }
0x4c: {  	v16 =	vld [tilespmem:s31+$0xFFFFFFF0];
	v10 =	vsel vm1, v10, v13;
	v8 =	vperm.xlane v8, v1;
	(xrf1) =	vsort.ascd.msk.f32 $0xffff, v20, v27;
	v20 =	vor.u32 s1, v0  }
0x4d: {  	s0 =	sadd.s32 $0xFFFFFFB0, s1;
	v17 =	vperm.xlane v17, v1;
	v11 =	vsel vm2, v18, v19;
	(xrf1) =	vsort.ascd.msk.f32 $0xffff, v30, v12;
	v12, v15, _ =	vpop (xrf1)  }
0x4e: {  	v27 =	vor.u32 s0, v0;
	v30 =	vsel vm2, v19, v18;
	vm3 =	vle.f32 v24, v8;
	(xrf1) =	vsort.ascd.msk.f32 $0xffff, v4, v9;
	v4, v9, _ =	vpop (xrf1)  }
0x4f: {  	s2 =	sadd.s32 $0xFFFFFFC0, s1;
	v23 =	vsel vm3, v24, v8;
	(xrf1) =	vsort.ascd.msk.f32 $0xffff, v29, v20;
	v8 =	vsel vm3, v8, v24;
	v20, v24, _ =	vpop (xrf1)  }
0x50: {  	v31 =	vor.u32 s2, v0;
	v29 =	vld [tilespmem:s31+$0x20];
	v12 =	vperm.xlane v12, v1;
	(xrf1) =	vsort.ascd.msk.f32 $0xffff, v21, v27;
	v20 =	vperm.xlane v20, v1  }
0x51: {  	(xrf1) =	vsort.ascd.msk.f32 $0xffff, v16, v31;
	v16 =	vsel vm3, v25, v17;
	v17 =	vsel vm3, v17, v25  }
0x52: {  	s3 =	sadd.s32 $0xFFFFFFF0, s1;
	v15 =	vperm.xlane v15, v1;
	v31 =	vld [tilespmem:s31+$0xFFFFFFC0];
	v24 =	vperm.xlane v24, v1;
	v21, v27, _ =	vpop (xrf1);
	(xrf1) =	vsort.ascd.msk.f32 $0xffff, v8, v17  }
0x53: {  	v25 =	vld [tilespmem:s31+$0xFFFFFFD0];
	vm4 =	vle.f32 v4, v12;
	v8 =	vor.u32 s3, v0;
	vm3 =	vle.f32 v21, v20;
	(xrf1) =	vsort.ascd.msk.f32 $0xffff, v23, v16  }
0x54: {  	s17 =	sadd.s32 $0xFFFFFFA0, s1;
	v17 =	vsel vm4, v4, v12;
	v4 =	vsel vm4, v12, v4;
	v32 =	vsel vm3, v21, v20  }
0x55: {  	s16 =	sadd.s32 $0xFFFFFF90, s1;
	v12 =	vor.u32 s17, v0;
	v16 =	vsel vm3, v20, v21;
	v20 =	vsel vm3, v24, v27;
	(xrf1) =	vsort.ascd.msk.f32 $0xffff, v29, v8  }
0x56: {  	vm1 =	vle.f32 v4, v26;
	v33 =	vsel vm3, v27, v24;
	v8 =	vor.u32 s16, v0;
	(xrf1) =	vsort.ascd.msk.f32 $0xffff, v16, v20  }
0x57: {  	v23, v24, _ =	vpop (xrf1);
	(xrf1) =	vsort.ascd.msk.f32 $0xffff, v31, v8;
	v8 =	vsel vm2, v7, v2;
	v2 =	vsel vm2, v2, v7  }
0x58: {  	v21 =	vsel vm4, v9, v15;
	v9 =	vsel vm4, v15, v9;
	(xrf1) =	vsort.ascd.msk.f32 $0xffff, v25, v12  }
0x59: {  	v15 =	vsel vm1, v4, v26;
	vm2 =	vle.f32 v17, v10;
	v7, v12, _ =	vpop (xrf1);
	(xrf1) =	vsort.ascd.msk.f32 $0xffff, v2, v30  }
0x5a: {  	v16 =	vsel vm1, v9, v28;
	v14 =	vsel vm1, v28, v9;
	v9 =	vsel vm2, v21, v5;
	v2, v13, _ =	vpop (xrf1)  }
0x5b: {  	v19 =	vperm.xlane v7, v1;
	v7 =	vsel vm2, v17, v10;
	(xrf1) =	vsort.ascd.msk.f32 $0xffff, v15, v16;
	v27, v30, _ =	vpop (xrf1)  }
0x5c: {  	v29 =	vperm.xlane v12, v1;
	v12 =	vld [tilespmem:s31+$0x10];
	(xrf1) =	vsort.ascd.msk.f32 $0xffff, v7, v9;
	v15, v25, _ =	vpop (xrf1)  }
0x5d: {  	v5 =	vsel vm2, v5, v21;
	v9 =	vsel vm2, v10, v17;
	(xrf1) =	vsort.ascd.msk.f32 $0xffff, v8, v11;
	v18, v28, _ =	vpop (xrf1)  }
0x5e: {  	v6 =	vsel vm0, v6, v22;
	v20 =	vsel vm1, v26, v4;
	(xrf1) =	vsort.ascd.msk.f32 $0xffff, v9, v5;
	v31, v22, _ =	vpop (xrf1)  }
0x5f: {  	s25 =	sadd.s32 $0xFFFFFFE0, s1;
	v23 =	vperm.xlane v23, v1;
	v16 =	vperm.xlane v24, v1;
	v10 =	vld [tilespmem:s31+$0x0];
	(xrf1) =	vsort.ascd.msk.f32 $0xffff, v6, v3;
	v17, v11, _ =	vpop (xrf1)  }
0x60: {  	s26 =	sadd.s32 $0xFFFFFFD0, s1;
	v7 =	vperm.xlane v13, v1;
	v5 =	vperm.xlane v2, v1;
	v3 =	vor.u32 s25, v0;
	(xrf1) =	vsort.ascd.msk.f32 $0xffff, v32, v33;
	v4, v13, _ =	vpop (xrf1)  }
0x61: {  	v26 =	vor.u32 s26, v0;
	v2 =	vperm.xlane v18, v1;
	v6 =	vperm.xlane v28, v1;
	(xrf1) =	vsort.ascd.msk.f32 $0xffff, v12, v3;
	v9, v24, _ =	vpop (xrf1)  }
0x62: {  	s3 =	simm.s32 $0x18C0;
	v28 =	vperm.xlane v11, v1;
	vm4 =	vle.f32 v4, v19;
	vm2 =	vle.f32 v9, v23  }
0x63: {  	s0 =	simm.s32 $0x3140;
	[tilespmem:s3+$0xFFFFFFC0] =	vst v15;
	v3, v8, _ =	vpop (xrf1);
	v21 =	vsel vm2, v9, v23;
	v9 =	vsel vm2, v23, v9;
	v23 =	vperm.xlane v17, v1  }
0x64: {  	[tilespmem:s0+$0xFFFFFFC0] =	vst v25;
	v18 =	vsel vm4, v4, v19;
	v25 =	vsel vm4, v13, v29;
	v11, v12, _ =	vpop (xrf1);
	(xrf1) =	vsort.ascd.msk.f32 $0xffff, v10, v26  }
0x65: {  	v10 =	vsel vm4, v29, v13;
	vm0 =	vle.f32 v3, v2;
	v13 =	vsel vm4, v19, v4;
	v17, v15, _ =	vpop (xrf1)  }
0x66: {  	s29 =	simm.s32 $0x1940;
	s28 =	simm.s32 $0x31C0;
	s30 =	simm.s32 $0x31C0;
	[tilespmem:s3+$0xFFFFFFD0] =	vst v27;
	vm1 =	vle.f32 v11, v5;
	v26 =	vsel vm0, v3, v2;
	vm3 =	vle.f32 v31, v23;
	v27, v29, _ =	vpop (xrf1)  }
0x67: {  	s2 =	simm.s32 $0x4;
	s26 =	simm.s32 $0x19C0;
	s25 =	simm.s32 $0x2;
	[tilespmem:s0+$0xFFFFFFD0] =	vst v30;
	v4 =	vsel vm1, v5, v11;
	v30 =	vsel vm3, v31, v23;
	v31 =	vsel vm3, v23, v31;
	v23, v19, _ =	vpop (xrf1)  }
.LBB2_2:
0x68: {  	v32 =	vsel vm3, v22, v28;
	v22 =	vsel vm3, v28, v22;
	v28 =	vsel vm2, v16, v24  }
0x69: {  	s2 =	sadd.s32 $0x2, s2;
	s31 =	sadd.s32 $0x80, s31;
	s28 =	sadd.s32 $0x80, s28;
	v33, v34, _ =	vpop (xrf1);
	v36 =	vsel vm0, v8, v6;
	v16 =	vsel vm2, v24, v16;
	vm3 =	vle.f32 v21, v18  }
0x6a: {  	v27 =	vperm.xlane v27, v1;
	v35 =	vld [tilespmem:s31+$0xFFFFFFE0];
	p1 =	slt.u32 s2, $0x60;
	(xrf1) =	vsort.ascd.msk.f32 $0xffff, v31, v22;
	v22 =	vsel vm1, v7, v12  }
0x6b: {  	vm2 =	vle.f32 v9, v13;
	v8 =	vsel vm0, v6, v8;
	v31 =	vld [tilespmem:s31+$0x30];
	(xrf1) =	vsort.ascd.msk.f32 $0xffff, v20, v14  }
0x6c: {  	s1 =	sadd.s32 $0x80, s1;
	v24 =	vsel vm3, v16, v25;
	v20 =	vperm.xlane v29, v1;
	v14 =	vld [tilespmem:s31+$0xFFFFFFF0];
	(xrf1) =	vsort.ascd.msk.f32 $0xffff, v30, v32;
	v29, v30, _ =	vpop (xrf1)  }
0x6d: {  	v5 =	vsel vm1, v11, v5;
	s16 =	sadd.s32 $0xFFFFFFB0, s1;
	v37 =	vsel vm3, v18, v21;
	v40 =	vsel vm3, v25, v16;
	v32 =	vld [tilespmem:s31+$0x20];
	[tilespmem:s3+$0xFFFFFFE0] =	vst v23;
	v23, v25, _ =	vpop (xrf1)  }
0x6e: {  	v42 =	vsel vm3, v21, v18;
	v39 =	vor.u32 s16, v0;
	v38 =	vld [tilespmem:s31+$0xFFFFFFD0];
	(xrf1) =	vsort.ascd.msk.f32 $0xffff, v26, v36;
	[tilespmem:s0+$0xFFFFFFE0] =	vst v19;
	v19, v26, _ =	vpop (xrf1)  }
0x6f: {  	v41 =	vsel vm2, v28, v10;
	s16 =	sadd.s32 $0xFFFFFFC0, s1;
	vm4 =	vle.f32 v17, v27;
	v36 =	vor.u32 s1, v0;
	(xrf1) =	vsort.ascd.msk.f32 $0xffff, v37, v40;
	v16, v21, _ =	vpop (xrf1)  }
0x70: {  	v7 =	vsel vm1, v12, v7;
	v44 =	vor.u32 s16, v0;
	s16 =	sadd.s32 $0xFFFFFFF0, s1;
	v40 =	vsel vm4, v17, v27;
	(xrf1) =	vsort.ascd.msk.f32 $0xffff, v42, v24;
	v18, v24, _ =	vpop (xrf1)  }
0x71: {  	s17 =	sadd.s32 $0xFFFFFFA0, s1;
	v43 =	vor.u32 s16, v0;
	v17 =	vsel vm4, v27, v17;
	v21 =	vperm.xlane v21, v1;
	v42 =	vld [tilespmem:s31+$0x10];
	(xrf1) =	vsort.ascd.msk.f32 $0xffff, v31, v36;
	v27, v31, _ =	vpop (xrf1)  }
0x72: {  	v16 =	vperm.xlane v16, v1;
	v36 =	vor.u32 s17, v0;
	(xrf1) =	vsort.ascd.msk.f32 $0xffff, v35, v39;
	v27 =	vperm.xlane v27, v1  }
0x73: {  	v35 =	vld [tilespmem:s31+$0xFFFFFFC0];
	(xrf1) =	vsort.ascd.msk.f32 $0xffff, v14, v44;
	v14 =	vsel vm4, v15, v20;
	v15 =	vsel vm4, v20, v15;
	v20, v37, _ =	vpop (xrf1);
	[tilespmem:s3+$0x0] =	vst v29  }
0x74: {  	s16 =	sadd.s32 $0xFFFFFFE0, s1;
	v31 =	vperm.xlane v31, v1;
	vm3 =	vle.f32 v18, v16;
	v29 =	vld [tilespmem:s31+$0x0];
	vm4 =	vle.f32 v20, v27;
	[tilespmem:s0+$0x0] =	vst v30  }
0x75: {  	v30 =	vor.u32 s16, v0;
	v39 =	vsel vm4, v20, v27;
	(xrf1) =	vsort.ascd.msk.f32 $0xffff, v17, v15;
	v15 =	vsel vm3, v18, v16  }
0x76: {  	s16 =	sadd.s32 $0xFFFFFF90, s1;
	v17 =	vsel vm4, v37, v31;
	v20 =	vsel vm4, v27, v20;
	v27 =	vsel vm4, v31, v37;
	[tilespmem:s3+$0x10] =	vst v19  }
0x77: {  	v31 =	vsel vm3, v24, v21;
	v19 =	vor.u32 s16, v0;
	s16 =	sadd.s32 $0xFFFFFFD0, s1;
	(xrf1) =	vsort.ascd.msk.f32 $0xffff, v40, v14;
	[tilespmem:s0+$0x10] =	vst v26  }
0x78: {  	v18 =	vsel vm3, v16, v18;
	v26 =	vor.u32 s16, v0;
	(xrf1) =	vsort.ascd.msk.f32 $0xffff, v32, v43;
	v37, v32, _ =	vpop (xrf1);
	[tilespmem:s3+$0xFFFFFFF0] =	vst v23  }
0x79: {  	v10 =	vsel vm2, v10, v28;
	v23 =	vperm.xlane v37, v1;
	(xrf1) =	vsort.ascd.msk.f32 $0xffff, v20, v27;
	[tilespmem:s0+$0xFFFFFFF0] =	vst v25;
	v12, v14, _ =	vpop (xrf1)  }
0x7a: {  	vm1 =	vle.f32 v18, v4;
	(xrf1) =	vsort.ascd.msk.f32 $0xffff, v35, v19;
	v6, v16, _ =	vpop (xrf1);
	v19 =	vsel vm2, v13, v9;
	[tilespmem:s3+$0x20] =	vst v33  }
0x7b: {  	v27 =	vsel vm2, v9, v13;
	v13 =	vsel vm3, v21, v24;
	(xrf1) =	vsort.ascd.msk.f32 $0xffff, v38, v36;
	[tilespmem:s0+$0x20] =	vst v34  }
0x7c: {  	v11, v20, _ =	vpop (xrf1);
	[tilespmem:s3+$0x30] =	vst v12;
	s3 =	smov.u32 s29;
	s29 =	smov.u32 s26;
	v12 =	vsel vm1, v18, v4  }
0x7d: {  	v21 =	vsel vm1, v13, v22;
	v24, v25, _ =	vpop (xrf1);
	(xrf1) =	vsort.ascd.msk.f32 $0xffff, v27, v41;
	[tilespmem:s0+$0x30] =	vst v14;
	s0 =	smov.u32 s30;
	s30 =	smov.u32 s28  }
0x7e: {  	v33 =	vperm.xlane v6, v1;
	v14 =	vsel vm1, v22, v13;
	v6, v9, _ =	vpop (xrf1);
	(xrf1) =	vsort.ascd.msk.f32 $0xffff, v12, v21  }
0x7f: {  	v3 =	vsel vm0, v2, v3;
	vm0 =	vle.f32 v15, v5;
	v34 =	vperm.xlane v16, v1;
	v12, v13, _ =	vpop (xrf1);
	[tilespmem:s3+$0xFFFFFFC0] =	vst v6  }
0x80: {  	v2 =	vsel vm0, v15, v5;
	v16 =	vperm.xlane v32, v1;
	v6 =	vsel vm0, v31, v7;
	v35, v22, _ =	vpop (xrf1);
	[tilespmem:s0+$0xFFFFFFC0] =	vst v9  }
0x81: {  	v15 =	vsel vm0, v5, v15;
	v21 =	vsel vm0, v7, v31;
	v27, v9, _ =	vpop (xrf1);
	[tilespmem:s3+$0xFFFFFFD0] =	vst v24;
	(xrf1) =	vsort.ascd.msk.f32 $0xffff, v2, v6  }
0x82: {  	v7 =	vperm.xlane v20, v1;
	v20 =	vsel vm1, v4, v18;
	[tilespmem:s0+$0xFFFFFFD0] =	vst v25;
	(xrf1) =	vsort.ascd.msk.f32 $0xffff, v19, v10  }
0x83: {  	v5 =	vperm.xlane v11, v1;
	v4, v19, _ =	vpop (xrf1);
	(xrf1) =	vsort.ascd.msk.f32 $0xffff, v15, v21  }
0x84: {  	v2 =	vperm.xlane v12, v1;
	v6 =	vperm.xlane v13, v1;
	(xrf1) =	vsort.ascd.msk.f32 $0xffff, v3, v8  }
0x85: {  	vm4 =	vle.f32 v4, v33;
	v10, v24, _ =	vpop (xrf1);
	(xrf1) =	vsort.ascd.msk.f32 $0xffff, v39, v17  }
0x86: {  	v18 =	vsel vm4, v4, v33;
	(xrf1) =	vsort.ascd.msk.f32 $0xffff, v42, v30;
	v3, v8, _ =	vpop (xrf1);
	vm2 =	vle.f32 v10, v23  }
.Ltmp2:
0x87: {  	v28 =	vperm.xlane v9, v1;
	v21 =	vsel vm2, v10, v23;
	v9 =	vsel vm2, v23, v10;
	v11, v12, _ =	vpop (xrf1);
	(pc) =	sbr.rel @p1 .LBB2_2-.Ltmp2, $4  }
0x88: {  	v32 =	vperm.xlane v27, v1;
	v10 =	vsel vm4, v34, v19;
	v17, v15, _ =	vpop (xrf1);
	(xrf1) =	vsort.ascd.msk.f32 $0xffff, v29, v26  }
0x89: {  	v25 =	vsel vm4, v19, v34;
	vm0 =	vle.f32 v3, v2;
	vm1 =	vle.f32 v11, v5;
	v27, v29, _ =	vpop (xrf1)  }
0x8a: {  	vm3 =	vle.f32 v35, v32;
	v13 =	vsel vm4, v33, v4;
	v26 =	vsel vm0, v3, v2  }
0x8b: {  	s26 =	sadd.s32 $0x80, s26;
	v31 =	vsel vm3, v32, v35;
	v30 =	vsel vm3, v35, v32;
	v4 =	vsel vm1, v5, v11;
	v23, v19, _ =	vpop (xrf1)  }
0x8c: {  	v32 =	vsel vm3, v22, v28;
	v42 =	vsel vm3, v28, v22;
	v43 =	vsel vm2, v16, v24  }
0x8d: {  	v35 =	vsel vm0, v8, v6;
	v44 =	vsel vm1, v7, v12;
	v16 =	vsel vm2, v24, v16  }
0x8e: {  	v33, v34, _ =	vpop (xrf1);
	vm2 =	vle.f32 v21, v18;
	v27 =	vperm.xlane v27, v1;
	v7 =	vsel vm1, v12, v7  }
0x8f: {  	v5 =	vsel vm1, v11, v5;
	(xrf1) =	vsort.ascd.msk.f32 $0xffff, v31, v42;
	v49 =	vsel vm2, v16, v25;
	v46, v45, _ =	vpop (xrf1)  }
0x90: {  	v16 =	vsel vm2, v25, v16;
	v51 =	vsel vm2, v18, v21;
	(xrf1) =	vsort.ascd.msk.f32 $0xffff, v20, v14;
	v47, v48, _ =	vpop (xrf1)  }
0x91: {  	v18 =	vsel vm2, v21, v18;
	vm2 =	vle.f32 v9, v13;
	(xrf1) =	vsort.ascd.msk.f32 $0xffff, v30, v32;
	v50, v36, _ =	vpop (xrf1)  }
0x92: {  	vm3 =	vle.f32 v17, v27;
	v14 =	vperm.xlane v29, v1;
	(xrf1) =	vsort.ascd.msk.f32 $0xffff, v26, v35;
	v26, v35, _ =	vpop (xrf1)  }
0x93: {  	v53 =	vsel vm3, v17, v27;
	v17 =	vsel vm3, v27, v17;
	(xrf1) =	vsort.ascd.msk.f32 $0xffff, v51, v16;
	v16, v52, _ =	vpop (xrf1)  }
0x94: {  	v6 =	vsel vm0, v6, v8;
	v55 =	vsel vm2, v43, v10;
	(xrf1) =	vsort.ascd.msk.f32 $0xffff, v18, v49;
	v18, v30, _ =	vpop (xrf1)  }
0x95: {  	v54 =	vsel vm3, v14, v15;
	v26 =	vperm.xlane v26, v1;
	v18 =	vperm.xlane v18, v1  }
0x96: {  	v14 =	vsel vm3, v15, v14;
	(xrf1) =	vsort.ascd.msk.f32 $0xffff, v17, v54;
	v30 =	vperm.xlane v30, v1;
	v17, v27, _ =	vpop (xrf1)  }
0x97: {  	v35 =	vperm.xlane v35, v1;
	vm4 =	vle.f32 v16, v26;
	vm3 =	vle.f32 v17, v18  }
0x98: {  	(xrf1) =	vsort.ascd.msk.f32 $0xffff, v53, v14;
	v15 =	vsel vm3, v18, v17;
	v14 =	vsel vm3, v30, v27  }
0x99: {  	v11 =	vsel vm2, v9, v13;
	v12 =	vsel vm4, v35, v52;
	(xrf1) =	vsort.ascd.msk.f32 $0xffff, v15, v14  }
0x9a: {  	v14 =	vsel vm4, v16, v26;
	v15 =	vsel vm4, v26, v16;
	v16 =	vsel vm4, v52, v35  }
0x9b: {  	vm1 =	vle.f32 v15, v4;
	(xrf1) =	vsort.ascd.msk.f32 $0xffff, v11, v55;
	vm4 =	vle.f32 v14, v5  }
0x9c: {  	v56 =	vsel vm1, v15, v4;
	v57 =	vsel vm1, v12, v44;
	v11 =	vsel vm4, v14, v5  }
0x9d: {  	v58 =	vsel vm4, v16, v7;
	v5 =	vsel vm4, v5, v14;
	(xrf1) =	vsort.ascd.msk.f32 $0xffff, v56, v57  }
0x9e: {  	v9 =	vsel vm2, v13, v9;
	v10 =	vsel vm2, v10, v43;
	(xrf1) =	vsort.ascd.msk.f32 $0xffff, v11, v58  }
0x9f: {  	v2 =	vsel vm0, v2, v3;
	v7 =	vsel vm4, v7, v16;
	(xrf1) =	vsort.ascd.msk.f32 $0xffff, v9, v10  }
0xa0: {  	v8 =	vsel vm3, v27, v30;
	(xrf1) =	vsort.ascd.msk.f32 $0xffff, v5, v7  }
0xa1: {  	v3, v5, _ =	vpop (xrf1);
	v7 =	vsel vm3, v17, v18;
	(xrf1) =	vsort.ascd.msk.f32 $0xffff, v2, v6  }
0xa2: {  	v2, v6, _ =	vpop (xrf1)  }
0xa3: {  	v9, v10, _ =	vpop (xrf1);
	(xrf1) =	vsort.ascd.msk.f32 $0xffff, v7, v8  }
0xa4: {  	v7, v8, _ =	vpop (xrf1)  }
0xa5: {  	[tilespmem:s3+$0xFFFFFFE0] =	vst v23;
	v11, v13, _ =	vpop (xrf1)  }
0xa6: {  	[tilespmem:s0+$0xFFFFFFE0] =	vst v19;
	v14, v16, _ =	vpop (xrf1)  }
0xa7: {  	[tilespmem:s3+$0x0] =	vst v46;
	v12 =	vsel vm1, v44, v12;
	v9 =	vperm.xlane v9, v1;
	v17, v18, _ =	vpop (xrf1)  }
0xa8: {  	[tilespmem:s0+$0x0] =	vst v45;
	v4 =	vsel vm1, v4, v15;
	v3 =	vperm.xlane v3, v1;
	v10 =	vperm.xlane v10, v1;
	v19, v59, _ =	vpop (xrf1)  }
0xa9: {  	[tilespmem:s3+$0x10] =	vst v50;
	v5 =	vperm.xlane v5, v1;
	v7 =	vperm.xlane v7, v1;
	vm1 =	vle.f32 v17, v9;
	v15, v60, _ =	vpop (xrf1)  }
0xaa: {  	[tilespmem:s0+$0x10] =	vst v36;
	vm2 =	vle.f32 v19, v3;
	v63 =	vsel vm1, v17, v9;
	v37 =	vsel vm1, v10, v18;
	v61, v62, _ =	vpop (xrf1)  }
0xab: {  	[tilespmem:s3+$0x20] =	vst v33;
	v10 =	vsel vm1, v18, v10;
	v36 =	vsel vm2, v19, v3;
	v3 =	vsel vm2, v3, v19;
	v19, v26, _ =	vpop (xrf1)  }
0xac: {  	[tilespmem:s0+$0x20] =	vst v34;
	v39 =	vsel vm2, v5, v59;
	v5 =	vsel vm2, v59, v5;
	vm2 =	vle.f32 v36, v63;
	v18, v38, _ =	vpop (xrf1)  }
0xad: {  	[tilespmem:s3+$0x30] =	vst v2;
	v8 =	vperm.xlane v8, v1;
	v2 =	vsel vm2, v5, v10;
	v5 =	vsel vm2, v10, v5;
	v40, v41, _ =	vpop (xrf1)  }
0xae: {  	[tilespmem:s3+$0xFFFFFFF0] =	vst v47;
	(xrf1) =	vsort.ascd.msk.f32 $0xffff, v4, v12;
	vm0 =	vle.f32 v15, v7;
	v4 =	vsel vm2, v63, v36;
	v44, v43, _ =	vpop (xrf1)  }
0xaf: {  	[tilespmem:s0+$0xFFFFFFF0] =	vst v48;
	v9 =	vsel vm1, v9, v17;
	v17 =	vsel vm0, v7, v15;
	v12, v45, _ =	vpop (xrf1)  }
0xb0: {  	[tilespmem:s0+$0x30] =	vst v6;
	v42 =	vsel vm0, v8, v60;
	vm1 =	vle.f32 v3, v9;
	v6 =	vperm.xlane v12, v1  }
0xb1: {  	[tilespmem:s29+$0xFFFFFFC0] =	vst v14;
	v10 =	vsel vm2, v36, v63;
	(xrf1) =	vsort.ascd.msk.f32 $0xffff, v4, v5;
	v4, v5, _ =	vpop (xrf1);
	v12 =	vperm.xlane v45, v1  }
0xb2: {  	[tilespmem:s30+$0xFFFFFFC0] =	vst v16;
	v7 =	vsel vm0, v15, v7;
	(xrf1) =	vsort.ascd.msk.f32 $0xffff, v10, v2;
	vm2 =	vle.f32 v4, v6  }
0xb3: {  	[tilespmem:s29+$0xFFFFFFD0] =	vst v11;
	v14 =	vsel vm1, v39, v37;
	v2 =	vsel vm2, v4, v6;
	v10 =	vsel vm2, v5, v12  }
0xb4: {  	[tilespmem:s30+$0xFFFFFFD0] =	vst v13;
	v4 =	vsel vm2, v6, v4;
	v6 =	vsel vm0, v60, v8;
	v8 =	vsel vm1, v3, v9  }
0xb5: {  	[tilespmem:s29+$0xFFFFFFE0] =	vst v61;
	v5 =	vsel vm2, v12, v5;
	vm0 =	vle.f32 v4, v17;
	(xrf1) =	vsort.ascd.msk.f32 $0xffff, v8, v14  }
0xb6: {  	[tilespmem:s30+$0xFFFFFFE0] =	vst v62;
	vm2 =	vle.f32 v2, v7;
	v11 =	vsel vm0, v4, v17;
	v12 =	vsel vm0, v5, v42  }
0xb7: {  	[tilespmem:s29+$0x0] =	vst v18;
	v8 =	vsel vm2, v2, v7;
	(xrf1) =	vsort.ascd.msk.f32 $0xffff, v11, v12;
	v11 =	vsel vm2, v10, v6  }
0xb8: {  	[tilespmem:s30+$0x0] =	vst v38;
	(xrf1) =	vsort.ascd.msk.f32 $0xffff, v8, v11  }
0xb9: {  	[tilespmem:s29+$0xFFFFFFF0] =	vst v40;
	v3 =	vsel vm1, v9, v3;
	v9 =	vsel vm1, v37, v39  }
0xba: {  	[tilespmem:s29+$0x10] =	vst v44;
	v2 =	vsel vm2, v7, v2;
	v6 =	vsel vm2, v6, v10;
	(xrf1) =	vsort.ascd.msk.f32 $0xffff, v3, v9  }
0xbb: {  	[tilespmem:s30+$0xFFFFFFF0] =	vst v41;
	(xrf1) =	vsort.ascd.msk.f32 $0xffff, v2, v6  }
0xbc: {  	[tilespmem:s30+$0x10] =	vst v43  }
0xbd: {  	[tilespmem:s29+$0x20] =	vst v19  }
0xbe: {  	[tilespmem:s30+$0x20] =	vst v26;
	v2, v3, _ =	vpop (xrf1)  }
0xbf: {  	v5 =	vsel vm0, v42, v5;
	v4 =	vsel vm0, v17, v4;
	[tilespmem:s29+$0x30] =	vst v2;
	v2, v6, _ =	vpop (xrf1)  }
0xc0: {  	[tilespmem:s30+$0x30] =	vst v3;
	v3, v7, _ =	vpop (xrf1);
	(xrf1) =	vsort.ascd.msk.f32 $0xffff, v4, v5  }
0xc1: {  	s1 =	sadd.s32 $0x80, s28;
	[tilespmem:s26+$0xFFFFFFC0] =	vst v3  }
0xc2: {  	[tilespmem:s1+$0xFFFFFFC0] =	vst v7  }
0xc3: {  	[tilespmem:s26+$0xFFFFFFD0] =	vst v2  }
0xc4: {  	[tilespmem:s1+$0xFFFFFFD0] =	vst v6;
	v2, v3, _ =	vpop (xrf1)  }
0xc5: {  	[tilespmem:s26+$0xFFFFFFE0] =	vst v2;
	v4, v5, _ =	vpop (xrf1)  }
0xc6: {  	[tilespmem:s1+$0xFFFFFFE0] =	vst v3;
	v2, v6, _ =	vpop (xrf1)  }
0xc7: {  	[tilespmem:s26+$0x0] =	vst v2  }
0xc8: {  	v3, v7, _ =	vpop (xrf1);
	[tilespmem:s1+$0x0] =	vst v6  }
0xc9: {  	v2, v8, _ =	vpop (xrf1);
	[tilespmem:s26+$0xFFFFFFF0] =	vst v3  }
0xca: {  	[tilespmem:s26+$0x10] =	vst v2  }
0xcb: {  	[tilespmem:s1+$0xFFFFFFF0] =	vst v7  }
0xcc: {  	[tilespmem:s1+$0x10] =	vst v8  }
0xcd: {  	[tilespmem:s26+$0x20] =	vst v4  }
0xce: {  	v2, v3, _ =	vpop (xrf1);
	[tilespmem:s1+$0x20] =	vst v5  }
0xcf: {  	[tilespmem:s26+$0x30] =	vst v2  }
0xd0: {  	s28 =	simm.s32 $0x3180;
	[tilespmem:s1+$0x30] =	vst v3  }
0xd1: {  	v2 =	vld [tilespmem:s28+$0x0]  }
0xd2: {  	v3 =	vld [tilespmem:s28+$0x40]  }
0xd3: {  	v4 =	vld [tilespmem:s28+$0x50]  }
0xd4: {  	v5 =	vld [tilespmem:s28+$0x60]  }
0xd5: {  	s29 =	simm.s32 $0x1900;
	v6 =	vld [tilespmem:s28+$0x70]  }
0xd6: {  	v7 =	vld [tilespmem:s29+$0x0]  }
0xd7: {  	v8 =	vld [tilespmem:s29+$0x10]  }
0xd8: {  	v9 =	vld [tilespmem:s29+$0x40]  }
0xd9: {  	v10 =	vld [tilespmem:s29+$0x60]  }
0xda: {  	v11 =	vld [tilespmem:s29+$0x70]  }
0xdb: {  	v12 =	vld [tilespmem:s29+$0x50]  }
0xdc: {  	v13 =	vld [tilespmem:s29+$0x20]  }
0xdd: {  	v19 =	vld [tilespmem:s29+$0xFFFFFFD0]  }
0xde: {  	v46 =	vld [tilespmem:s29+$0xFFFFFFE0]  }
0xdf: {  	v16 =	vld [tilespmem:s29+$0xFFFFFFC0];
	v6 =	vperm.xlane v6, v1;
	v5 =	vperm.xlane v5, v1  }
0xe0: {  	v14 =	vld [tilespmem:s29+$0x30];
	v11 =	vperm.xlane v11, v1;
	v10 =	vperm.xlane v10, v1  }
0xe1: {  	v15 =	vld [tilespmem:s28+$0x10];
	v12 =	vperm.xlane v12, v1;
	v9 =	vperm.xlane v9, v1  }
0xe2: {  	v17 =	vld [tilespmem:s28+$0x20];
	v4 =	vperm.xlane v4, v1;
	v3 =	vperm.xlane v3, v1  }
0xe3: {  	v18 =	vld [tilespmem:s28+$0x30];
	v20 =	vperm.xlane v46, v1;
	v19 =	vperm.xlane v19, v1  }
0xe4: {  	v21 =	vld [tilespmem:s29+$0xFFFFFFF0];
	v16 =	vperm.xlane v16, v1;
	vm0 =	vge.f32 v7, v11;
	vm1 =	vge.f32 v8, v10  }
0xe5: {  	v23 =	vld [tilespmem:s28+$0xFFFFFFD0];
	vm2 =	vge.f32 v13, v12;
	vm3 =	vge.f32 v14, v9;
	v7 =	vsel vm0, v7, v11  }
0xe6: {  	s0 =	simm.s32 $0x1A00;
	v50 =	vld [tilespmem:s28+$0xFFFFFFA0];
	v2 =	vsel vm0, v2, v6;
	v5 =	vsel vm1, v15, v5;
	v6 =	vsel vm1, v8, v10  }
0xe7: {  	v51 =	vld [tilespmem:s0+$0x60];
	v10 =	vsel vm2, v13, v12;
	v9 =	vsel vm3, v14, v9;
	v4 =	vsel vm2, v17, v4  }
0xe8: {  	v11 =	vld [tilespmem:s29+$0xFFFFFF90];
	v3 =	vsel vm3, v18, v3;
	vm0 =	vle.f32 v7, v10;
	vm1 =	vle.f32 v6, v9  }
0xe9: {  	v8 =	vld [tilespmem:s29+$0xFFFFFFA0];
	v14 =	vsel vm0, v7, v10;
	v15 =	vsel vm1, v6, v9;
	v17 =	vsel vm0, v2, v4  }
0xea: {  	v12 =	vld [tilespmem:s29+$0xFFFFFFB0];
	v47 =	vsel vm1, v5, v3;
	v7 =	vsel vm0, v10, v7;
	v2 =	vsel vm0, v4, v2  }
0xeb: {  	v13 =	vld [tilespmem:s29+$0xFFFFFF80];
	v4 =	vsel vm1, v9, v6;
	v3 =	vsel vm1, v3, v5;
	vm2 =	vle.f32 v14, v15  }
0xec: {  	v18 =	vld [tilespmem:s28+$0xFFFFFFC0];
	vm0 =	vle.f32 v7, v4;
	v48 =	vsel vm2, v14, v15;
	v49 =	vsel vm2, v17, v47  }
0xed: {  	v6 =	vld [tilespmem:s28+$0xFFFFFFF0];
	v9 =	vsel vm2, v15, v14;
	v14 =	vsel vm2, v47, v17;
	v15 =	vsel vm0, v7, v4  }
0xee: {  	v10 =	vld [tilespmem:s28+$0xFFFFFFE0];
	v17 =	vsel vm0, v2, v3;
	v4 =	vsel vm0, v4, v7;
	v2 =	vsel vm0, v3, v2  }
0xef: {  	v54 =	vld [tilespmem:s0+$0x70];
	(xrf1) =	vsort.ascd.msk.f32 $0xffff, v48, v49;
	vm0 =	vge.f32 v11, v20;
	vm2 =	vge.f32 v8, v19  }
0xf0: {  	v5 =	vld [tilespmem:s28+$0xFFFFFF80];
	vm3 =	vge.f32 v12, v16;
	(xrf1) =	vsort.ascd.msk.f32 $0xffff, v9, v14;
	v9 =	vperm.xlane v21, v1  }
0xf1: {  	s2 =	simm.s32 $0x3280;
	v14 =	vld [tilespmem:s28+$0xFFFFFF90];
	v7 =	vsel vm0, v11, v20;
	v8 =	vsel vm2, v8, v19;
	v11 =	vsel vm3, v12, v16  }
0xf2: {  	v12 =	vld [tilespmem:s2+$0x60];
	v16 =	vperm.xlane v18, v1;
	(xrf1) =	vsort.ascd.msk.f32 $0xffff, v15, v17;
	v6 =	vperm.xlane v6, v1  }
0xf3: {  	v15 =	vld [tilespmem:s28+$0xFFFFFFB0];
	v10 =	vperm.xlane v10, v1;
	vm5 =	vle.f32 v7, v11;
	vm1 =	vge.f32 v13, v9  }
0xf4: {  	v17 =	vld [tilespmem:s2+$0x70];
	(xrf1) =	vsort.ascd.msk.f32 $0xffff, v4, v2;
	v19 =	vsel vm5, v7, v11;
	v2 =	vsel vm1, v13, v9  }
0xf5: {  	v4 =	vld [tilespmem:s2+$0x40];
	v7 =	vsel vm5, v11, v7;
	v13 =	vperm.xlane v23, v1;
	vm4 =	vle.f32 v2, v8  }
0xf6: {  	v9 =	vld [tilespmem:s2+$0x50];
	v5 =	vsel vm1, v5, v6;
	v18 =	vsel vm4, v2, v8;
	v2 =	vsel vm4, v8, v2  }
0xf7: {  	v6 =	vld [tilespmem:s0+$0x10];
	v10 =	vsel vm0, v14, v10;
	v11 =	vsel vm2, v50, v13;
	v12 =	vperm.xlane v12, v1  }
0xf8: {  	v8 =	vld [tilespmem:s0+$0x0];
	v13 =	vsel vm3, v15, v16;
	vm0 =	vle.f32 v18, v19;
	v15 =	vsel vm4, v5, v11  }
0xf9: {  	v14 =	vld [tilespmem:s0+$0x40];
	vm1 =	vle.f32 v2, v7;
	v5 =	vsel vm4, v11, v5;
	v16 =	vsel vm5, v10, v13  }
0xfa: {  	v11 =	vld [tilespmem:s0+$0x50];
	v52 =	vsel vm0, v18, v19;
	v10 =	vsel vm5, v13, v10;
	v13 =	vsel vm0, v19, v18  }
0xfb: {  	v18 =	vld [tilespmem:s0+$0x20];
	v53 =	vsel vm0, v15, v16;
	v15 =	vsel vm0, v16, v15;
	v16 =	vsel vm1, v2, v7  }
0xfc: {  	v19 =	vsel vm1, v5, v10;
	v5 =	vsel vm1, v10, v5;
	v10 =	vld [tilespmem:s2+$0x10];
	(xrf1) =	vsort.ascd.msk.f32 $0xffff, v52, v53  }
0xfd: {  	v2 =	vsel vm1, v7, v2;
	v7 =	vld [tilespmem:s0+$0x30];
	(xrf1) =	vsort.ascd.msk.f32 $0xffff, v13, v15;
	v13 =	vperm.xlane v17, v1  }
0xfe: {  	v17 =	vperm.xlane v51, v1;
	(xrf1) =	vsort.ascd.msk.f32 $0xffff, v16, v19;
	v16 =	vperm.xlane v54, v1  }
0xff: {  	v3 =	vld [tilespmem:s2+$0x0];
	(xrf1) =	vsort.ascd.msk.f32 $0xffff, v2, v5;
	v5 =	vperm.xlane v11, v1;
	v11 =	vperm.xlane v14, v1  }
0x100: {  	s1 =	simm.s32 $0x49A0;
	v55 =	vld [tilespmem:s2+$0x30];
	v4 =	vperm.xlane v4, v1;
	vm1 =	vge.f32 v6, v17;
	v14, v19, _ =	vpop (xrf1)  }
0x101: {  	s3 =	simm.s32 $0x40;
	s26 =	simm.s32 $0x6220;
	v9 =	vperm.xlane v9, v1;
	v2 =	vld [tilespmem:s2+$0x20];
	vm0 =	vge.f32 v8, v16;
	v10 =	vsel vm1, v10, v12;
	[tilespmem:s1+$0x20] =	vst v14  }
0x102: {  	s16 =	sor.u32 $0x50, s3;
	v6 =	vsel vm1, v6, v17;
	vm2 =	vge.f32 v18, v5;
	vm3 =	vge.f32 v7, v11;
	[tilespmem:s26+$0x20] =	vst v19;
	v19, v56, _ =	vpop (xrf1)  }
0x103: {  	v57 =	vld [tilespmem:s0+$0xFFFFFFE0];
	v8 =	vsel vm0, v8, v16;
	v5 =	vsel vm2, v18, v5;
	v7 =	vsel vm3, v7, v11;
	[tilespmem:s16+$0x4980] =	vst v19  }
0x104: {  	s30 =	sor.u32 $0x60, s3;
	v60 =	vld [tilespmem:s0+$0xFFFFFF80];
	v13 =	vsel vm0, v3, v13;
	[tilespmem:s16+$0x6200] =	vst v56;
	vm0 =	vle.f32 v8, v5;
	vm1 =	vle.f32 v6, v7;
	v3, v11, _ =	vpop (xrf1)  }
0x105: {  	v15 =	vld [tilespmem:s0+$0xFFFFFFC0];
	v18 =	vsel vm0, v8, v5;
	v19 =	vsel vm1, v6, v7;
	[tilespmem:s30+$0x4980] =	vst v3  }
0x106: {  	s31 =	sor.u32 $0x70, s3;
	v12 =	vld [tilespmem:s0+$0xFFFFFFF0];
	v16 =	vsel vm3, v55, v4;
	v9 =	vsel vm2, v2, v9;
	[tilespmem:s30+$0x6200] =	vst v11;
	v4, v11, _ =	vpop (xrf1);
	vm2 =	vle.f32 v18, v19  }
0x107: {  	v17 =	vld [tilespmem:s0+$0xFFFFFF90];
	[tilespmem:s31+$0x6200] =	vst v11;
	v11 =	vsel vm2, v18, v19  }
0x108: {  	v14 =	vld [tilespmem:s0+$0xFFFFFFD0]  }
0x109: {  	v2 =	vld [tilespmem:s0+$0xFFFFFFA0];
	v59 =	vsel vm1, v10, v16;
	v58 =	vsel vm0, v13, v9  }
0x10a: {  	v8 =	vsel vm0, v5, v8;
	v5 =	vld [tilespmem:s2+$0xFFFFFFD0];
	v61 =	vsel vm2, v58, v59  }
0x10b: {  	v63 =	vsel vm1, v7, v6;
	v6 =	vld [tilespmem:s2+$0xFFFFFFE0];
	v62 =	vsel vm0, v9, v13;
	[tilespmem:s31+$0x4980] =	vst v4;
	(xrf1) =	vsort.ascd.msk.f32 $0xffff, v11, v61;
	v9, v11, _ =	vpop (xrf1)  }
0x10c: {  	v16 =	vsel vm1, v16, v10;
	v10 =	vld [tilespmem:s2+$0xFFFFFFF0];
	v7 =	vsel vm2, v19, v18;
	v13 =	vsel vm2, v59, v58;
	[tilespmem:s1+$0xFFFFFFE0] =	vst v9  }
0x10d: {  	v22 =	vperm.xlane v57, v1;
	v3 =	vld [tilespmem:s0+$0xFFFFFFB0];
	vm1 =	vle.f32 v8, v63;
	(xrf1) =	vsort.ascd.msk.f32 $0xffff, v7, v13;
	v9, v18, _ =	vpop (xrf1);
	[tilespmem:s26+$0xFFFFFFE0] =	vst v11  }
0x10e: {  	v4 =	vld [tilespmem:s2+$0xFFFFFFC0];
	v19 =	vperm.xlane v12, v1;
	v12 =	vsel vm1, v62, v16;
	v11 =	vsel vm1, v8, v63;
	[tilespmem:s1+$0xFFFFFFF0] =	vst v9  }
0x10f: {  	v7 =	vld [tilespmem:s2+$0xFFFFFF80];
	v13 =	vperm.xlane v14, v1;
	v14 =	vperm.xlane v15, v1;
	v20, v21, _ =	vpop (xrf1);
	(xrf1) =	vsort.ascd.msk.f32 $0xffff, v11, v12;
	[tilespmem:s26+$0xFFFFFFF0] =	vst v18  }
0x110: {  	vm0 =	vge.f32 v60, v19;
	v15 =	vsel vm1, v16, v62;
	v9 =	vld [tilespmem:s2+$0xFFFFFF90];
	v12 =	vsel vm1, v63, v8;
	[tilespmem:s1+$0x0] =	vst v20  }
0x111: {  	vm2 =	vge.f32 v17, v22;
	v16 =	vsel vm0, v60, v19;
	v11 =	vld [tilespmem:s2+$0xFFFFFFA0];
	v18, v8, _ =	vpop (xrf1);
	(xrf1) =	vsort.ascd.msk.f32 $0xffff, v12, v15;
	[tilespmem:s26+$0x0] =	vst v21  }
0x112: {  	vm3 =	vge.f32 v3, v14;
	vm1 =	vge.f32 v2, v13;
	v12 =	vld [tilespmem:s2+$0xFFFFFFB0];
	v15 =	vsel vm2, v17, v22;
	s2 =	simm.s32 $0x3380;
	[tilespmem:s1+$0x10] =	vst v18  }
.LBB2_4:
0x113: {  	v17 =	vld [tilespmem:s2+$0x0];
	v10 =	vperm.xlane v10, v1;
	v2 =	vsel vm1, v2, v13;
	v3 =	vsel vm3, v3, v14;
	[tilespmem:s26+$0x10] =	vst v8  }
0x114: {  	v6 =	vperm.xlane v6, v1;
	v5 =	vperm.xlane v5, v1;
	v8 =	vld [tilespmem:s2+$0x40];
	vm4 =	vle.f32 v16, v2  }
0x115: {  	v4 =	vperm.xlane v4, v1;
	vm5 =	vle.f32 v15, v3;
	v13 =	vld [tilespmem:s2+$0x50];
	v14 =	vsel vm4, v16, v2  }
0x116: {  	v2 =	vsel vm4, v2, v16;
	v16 =	vsel vm5, v15, v3;
	v3 =	vsel vm5, v3, v15;
	v18 =	vld [tilespmem:s2+$0x60]  }
0x117: {  	s0 =	sadd.s32 $0x100, s0;
	v7 =	vsel vm0, v7, v10;
	v6 =	vsel vm2, v9, v6;
	v5 =	vsel vm1, v11, v5;
	v15 =	vld [tilespmem:s2+$0x70]  }
0x118: {  	vm0 =	vle.f32 v14, v16;
	vm1 =	vle.f32 v2, v3;
	v4 =	vsel vm3, v12, v4;
	v9 =	vld [tilespmem:s0+$0x0]  }
0x119: {  	s1 =	sadd.s32 $0x80, s1;
	v11 =	vsel vm4, v7, v5;
	v5 =	vsel vm4, v5, v7;
	v7 =	vsel vm5, v6, v4;
	v10 =	vld [tilespmem:s0+$0x10];
	v12, v19, _ =	vpop (xrf1)  }
0x11a: {  	s26 =	sadd.s32 $0x80, s26;
	s3 =	sadd.s32 $0x80, s3;
	v24 =	vsel vm0, v14, v16;
	v4 =	vsel vm5, v4, v6;
	v21 =	vsel vm0, v11, v7;
	v20 =	vld [tilespmem:s0+$0x40];
	[tilespmem:s1+$0x20] =	vst v12  }
0x11b: {  	s16 =	sor.u32 $0x50, s3;
	v14 =	vsel vm0, v16, v14;
	v7 =	vsel vm0, v7, v11;
	v11 =	vsel vm1, v2, v3;
	v12 =	vld [tilespmem:s0+$0x60];
	[tilespmem:s26+$0x20] =	vst v19;
	v16, v19, _ =	vpop (xrf1)  }
0x11c: {  	v23 =	vsel vm1, v5, v4;
	v2 =	vsel vm1, v3, v2;
	v3 =	vsel vm1, v4, v5;
	v22 =	vld [tilespmem:s0+$0x70];
	[tilespmem:s16+$0x4980] =	vst v16  }
0x11d: {  	v4 =	vld [tilespmem:s0+$0x50];
	[tilespmem:s16+$0x6200] =	vst v19;
	s16 =	sor.u32 $0x60, s3;
	(xrf1) =	vsort.ascd.msk.f32 $0xffff, v24, v21;
	v5, v6, _ =	vpop (xrf1)  }
0x11e: {  	v16 =	vld [tilespmem:s0+$0x20];
	[tilespmem:s16+$0x4980] =	vst v5;
	(xrf1) =	vsort.ascd.msk.f32 $0xffff, v14, v7  }
0x11f: {  	v5 =	vld [tilespmem:s0+$0x30];
	[tilespmem:s16+$0x6200] =	vst v6;
	s16 =	sor.u32 $0x70, s3;
	(xrf1) =	vsort.ascd.msk.f32 $0xffff, v11, v23;
	v6, v7, _ =	vpop (xrf1)  }
0x120: {  	v14 =	vperm.xlane v15, v1;
	v15 =	vperm.xlane v18, v1;
	v11 =	vld [tilespmem:s2+$0x10];
	[tilespmem:s16+$0x6200] =	vst v7;
	(xrf1) =	vsort.ascd.msk.f32 $0xffff, v2, v3  }
0x121: {  	v3 =	vperm.xlane v12, v1;
	v18 =	vld [tilespmem:s0+$0xFFFFFFC0];
	v2 =	vperm.xlane v22, v1;
	[tilespmem:s16+$0x4980] =	vst v6  }
0x122: {  	v7 =	vperm.xlane v20, v1;
	v6 =	vld [tilespmem:s2+$0x20];
	v4 =	vperm.xlane v4, v1  }
0x123: {  	v8 =	vperm.xlane v8, v1;
	v13 =	vperm.xlane v13, v1;
	v12 =	vld [tilespmem:s2+$0x30];
	vm0 =	vge.f32 v9, v2  }
0x124: {  	s25 =	sadd.s32 $0x2, s25;
	vm1 =	vge.f32 v10, v3;
	v19 =	vld [tilespmem:s0+$0xFFFFFFD0];
	vm2 =	vge.f32 v16, v4;
	vm3 =	vge.f32 v5, v7  }
0x125: {  	p1 =	slt.u32 s25, $0x2E;
	v9 =	vsel vm0, v9, v2;
	v14 =	vsel vm0, v17, v14;
	v20 =	vld [tilespmem:s0+$0xFFFFFFE0];
	v11 =	vsel vm1, v11, v15  }
0x126: {  	v10 =	vsel vm1, v10, v3;
	v16 =	vsel vm2, v16, v4;
	v7 =	vsel vm3, v5, v7;
	v15 =	vld [tilespmem:s0+$0xFFFFFFF0]  }
0x127: {  	vm0 =	vle.f32 v9, v16;
	vm1 =	vle.f32 v10, v7;
	v17 =	vld [tilespmem:s0+$0xFFFFFF90];
	v5 =	vsel vm2, v6, v13  }
0x128: {  	v6 =	vsel vm0, v9, v16;
	v2 =	vld [tilespmem:s0+$0xFFFFFFA0];
	v8 =	vsel vm3, v12, v8;
	v12 =	vsel vm1, v10, v7  }
0x129: {  	v13 =	vsel vm0, v14, v5;
	v3 =	vld [tilespmem:s0+$0xFFFFFFB0];
	v21 =	vsel vm1, v11, v8;
	vm2 =	vle.f32 v6, v12  }
0x12a: {  	v22 =	vld [tilespmem:s0+$0xFFFFFF80];
	v20 =	vperm.xlane v20, v1;
	v23 =	vsel vm2, v6, v12;
	v26 =	vsel vm2, v13, v21  }
0x12b: {  	v16 =	vsel vm0, v16, v9;
	v25 =	vsel vm0, v5, v14;
	v4 =	vld [tilespmem:s2+$0xFFFFFFC0];
	(xrf1) =	vsort.ascd.msk.f32 $0xffff, v23, v26;
	v9, v14, _ =	vpop (xrf1)  }
0x12c: {  	v23 =	vsel vm1, v7, v10;
	v7 =	vsel vm2, v12, v6;
	v10 =	vsel vm2, v21, v13;
	v5 =	vld [tilespmem:s2+$0xFFFFFFD0];
	[tilespmem:s1+$0xFFFFFFE0] =	vst v9;
	v9, v12, _ =	vpop (xrf1)  }
0x12d: {  	v11 =	vsel vm1, v8, v11;
	vm1 =	vle.f32 v16, v23;
	v6 =	vld [tilespmem:s2+$0xFFFFFFE0];
	(xrf1) =	vsort.ascd.msk.f32 $0xffff, v7, v10;
	[tilespmem:s26+$0xFFFFFFE0] =	vst v14;
	v21, v24, _ =	vpop (xrf1)  }
.Ltmp3:
0x12e: {  	v15 =	vperm.xlane v15, v1;
	v26 =	vsel vm1, v16, v23;
	v27 =	vsel vm1, v25, v11;
	v10 =	vld [tilespmem:s2+$0xFFFFFFF0];
	[tilespmem:s1+$0xFFFFFFF0] =	vst v9;
	v28, v8, _ =	vpop (xrf1);
	(pc) =	sbr.rel @p1 .LBB2_4-.Ltmp3, $4  }
0x12f: {  	v13 =	vperm.xlane v19, v1;
	v14 =	vperm.xlane v18, v1;
	v7 =	vld [tilespmem:s2+$0xFFFFFF80];
	(xrf1) =	vsort.ascd.msk.f32 $0xffff, v26, v27;
	[tilespmem:s26+$0xFFFFFFF0] =	vst v12  }
0x130: {  	vm0 =	vge.f32 v22, v15;
	v12 =	vsel vm1, v23, v16;
	v16 =	vsel vm1, v11, v25;
	v9 =	vld [tilespmem:s2+$0xFFFFFF90];
	[tilespmem:s1+$0x0] =	vst v21  }
0x131: {  	vm2 =	vge.f32 v17, v20;
	vm1 =	vge.f32 v2, v13;
	v11 =	vld [tilespmem:s2+$0xFFFFFFA0];
	(xrf1) =	vsort.ascd.msk.f32 $0xffff, v12, v16;
	[tilespmem:s26+$0x0] =	vst v24  }
0x132: {  	vm3 =	vge.f32 v3, v14;
	v16 =	vsel vm0, v22, v15;
	v15 =	vsel vm2, v17, v20;
	v12 =	vld [tilespmem:s2+$0xFFFFFFB0];
	s2 =	sadd.s32 $0x100, s2;
	[tilespmem:s1+$0x10] =	vst v28  }
0x133: {  	v10 =	vperm.xlane v10, v1;
	v2 =	vsel vm1, v2, v13  }
0x134: {  	v3 =	vsel vm3, v3, v14;
	v6 =	vperm.xlane v6, v1;
	v5 =	vperm.xlane v5, v1  }
0x135: {  	v4 =	vperm.xlane v4, v1;
	vm4 =	vle.f32 v16, v2;
	vm5 =	vle.f32 v15, v3  }
0x136: {  	v13 =	vsel vm4, v16, v2;
	v14 =	vsel vm5, v15, v3;
	v7 =	vsel vm0, v7, v10  }
0x137: {  	v6 =	vsel vm2, v9, v6;
	v5 =	vsel vm1, v11, v5;
	v4 =	vsel vm3, v12, v4  }
0x138: {  	vm0 =	vle.f32 v13, v14;
	v9 =	vsel vm4, v7, v5;
	v10 =	vsel vm5, v6, v4  }
0x139: {  	v11 =	vsel vm0, v13, v14;
	v12 =	vsel vm0, v9, v10  }
0x13a: {  	v2 =	vsel vm4, v2, v16;
	v3 =	vsel vm5, v3, v15;
	(xrf1) =	vsort.ascd.msk.f32 $0xffff, v11, v12  }
0x13b: {  	vm1 =	vle.f32 v2, v3;
	v9 =	vsel vm0, v10, v9;
	v11 =	vsel vm0, v14, v13  }
0x13c: {  	v5 =	vsel vm4, v5, v7;
	v4 =	vsel vm5, v4, v6;
	(xrf1) =	vsort.ascd.msk.f32 $0xffff, v11, v9  }
0x13d: {  	v6 =	vsel vm1, v2, v3;
	v7 =	vsel vm1, v5, v4  }
0x13e: {  	v2 =	vsel vm1, v3, v2;
	v3 =	vsel vm1, v4, v5;
	(xrf1) =	vsort.ascd.msk.f32 $0xffff, v6, v7;
	_ =	sdelay $0x1  }
0x13f: {  	[tilespmem:s26+$0x10] =	vst v8;
	s0 =	sadd.s32 $0x80, s1;
	v4, v5, _ =	vpop (xrf1);
	(xrf1) =	vsort.ascd.msk.f32 $0xffff, v2, v3  }
0x140: {  	s16 =	sadd.s32 $0x80, s26;
	s2 =	sadd.s32 $0x80, s3;
	[tilespmem:s0+$0x20] =	vst v4  }
0x141: {  	s3 =	sor.u32 $0x50, s2;
	[tilespmem:s16+$0x20] =	vst v5;
	v2, v3, _ =	vpop (xrf1)  }
0x142: {  	[tilespmem:s3+$0x4980] =	vst v2  }
0x143: {  	s17 =	sor.u32 $0x60, s2;
	[tilespmem:s3+$0x6200] =	vst v3;
	v2, v3, _ =	vpop (xrf1)  }
0x144: {  	[tilespmem:s17+$0x4980] =	vst v2  }
0x145: {  	s2 =	sor.u32 $0x70, s2;
	[tilespmem:s17+$0x6200] =	vst v3;
	v2, v3, _ =	vpop (xrf1)  }
0x146: {  	[tilespmem:s2+$0x6200] =	vst v3  }
0x147: {  	[tilespmem:s2+$0x4980] =	vst v2;
	v2, v3, _ =	vpop (xrf1)  }
0x148: {  	[tilespmem:s0+$0xFFFFFFE0] =	vst v2  }
0x149: {  	v2, v4, _ =	vpop (xrf1);
	[tilespmem:s16+$0xFFFFFFE0] =	vst v3  }
0x14a: {  	[tilespmem:s0+$0xFFFFFFF0] =	vst v2  }
0x14b: {  	v2, v3, _ =	vpop (xrf1);
	[tilespmem:s16+$0xFFFFFFF0] =	vst v4  }
0x14c: {  	[tilespmem:s0+$0x0] =	vst v2  }
0x14d: {  	v2, v4, _ =	vpop (xrf1);
	[tilespmem:s16+$0x0] =	vst v3  }
0x14e: {  	[tilespmem:s0+$0x10] =	vst v2  }
0x14f: {  	[tilespmem:s16+$0x10] =	vst v4  }
0x150: {  	v2 =	vld [tilespmem:$0x3080]  }
0x151: {  	v3 =	vld [tilespmem:$0x3090]  }
0x152: {  	v4 =	vld [tilespmem:$0x30A0]  }
0x153: {  	v5 =	vld [tilespmem:$0x30C0]  }
0x154: {  	v6 =	vld [tilespmem:$0x30D0]  }
0x155: {  	v7 =	vld [tilespmem:$0x30E0]  }
0x156: {  	v8 =	vld [tilespmem:$0x30F0]  }
0x157: {  	v9 =	vld [tilespmem:$0x4940]  }
0x158: {  	v10 =	vld [tilespmem:$0x4960]  }
0x159: {  	v11 =	vld [tilespmem:$0x4970]  }
0x15a: {  	v12 =	vld [tilespmem:$0x4950]  }
0x15b: {  	v14 =	vld [tilespmem:$0x30B0]  }
0x15c: {  	v13 =	vld [tilespmem:$0x4900];
	v8 =	vperm.xlane v8, v1;
	v7 =	vperm.xlane v7, v1  }
0x15d: {  	v16 =	vld [tilespmem:$0x4920];
	v6 =	vperm.xlane v6, v1;
	v5 =	vperm.xlane v5, v1  }
0x15e: {  	v15 =	vld [tilespmem:$0x4910];
	v11 =	vperm.xlane v11, v1;
	v10 =	vperm.xlane v10, v1  }
0x15f: {  	v17 =	vld [tilespmem:$0x4930];
	v12 =	vperm.xlane v12, v1;
	v9 =	vperm.xlane v9, v1;
	vm0 =	vge.f32 v2, v8  }
0x160: {  	vm1 =	vge.f32 v4, v6;
	vm2 =	vge.f32 v14, v5;
	v2 =	vsel vm0, v2, v8  }
0x161: {  	v8 =	vsel vm0, v13, v11;
	vm0 =	vge.f32 v3, v7;
	v4 =	vsel vm1, v4, v6  }
0x162: {  	v5 =	vsel vm2, v14, v5;
	v6 =	vsel vm1, v16, v12;
	v3 =	vsel vm0, v3, v7  }
0x163: {  	v7 =	vsel vm0, v15, v10;
	vm0 =	vle.f32 v2, v4;
	vm1 =	vle.f32 v3, v5  }
0x164: {  	v9 =	vsel vm2, v17, v9;
	v10 =	vsel vm0, v2, v4;
	v11 =	vsel vm1, v3, v5  }
0x165: {  	v12 =	vsel vm0, v8, v6;
	v13 =	vsel vm1, v7, v9;
	vm2 =	vle.f32 v10, v11  }
0x166: {  	v14 =	vsel vm2, v10, v11;
	v15 =	vsel vm2, v12, v13  }
0x167: {  	v2 =	vsel vm0, v4, v2;
	v4 =	vsel vm0, v6, v8;
	(xrf1) =	vsort.ascd.msk.f32 $0xffff, v14, v15  }
0x168: {  	v3 =	vsel vm1, v5, v3;
	v5 =	vsel vm2, v11, v10;
	v6 =	vsel vm2, v13, v12  }
0x169: {  	v7 =	vsel vm1, v9, v7;
	vm0 =	vle.f32 v2, v3;
	(xrf1) =	vsort.ascd.msk.f32 $0xffff, v5, v6  }
0x16a: {  	v5 =	vsel vm0, v2, v3;
	v6 =	vsel vm0, v4, v7  }
0x16b: {  	(xrf1) =	vsort.ascd.msk.f32 $0xffff, v5, v6  }
0x16c: {  	v2 =	vsel vm0, v3, v2;
	v3 =	vsel vm0, v7, v4  }
0x16d: {  	(xrf1) =	vsort.ascd.msk.f32 $0xffff, v2, v3;
	_ =	sdelay $0x7  }
0x16e: {  	v2, v3, _ =	vpop (xrf1)  }
0x16f: {  	[tilespmem:$0x5580] =	vst v2  }
0x170: {  	v2, v4, _ =	vpop (xrf1);
	[tilespmem:$0x6E00] =	vst v3  }
0x171: {  	[tilespmem:$0x5590] =	vst v2  }
0x172: {  	v2, v3, _ =	vpop (xrf1);
	[tilespmem:$0x6E10] =	vst v4  }
0x173: {  	[tilespmem:$0x55A0] =	vst v2  }
0x174: {  	v2, v4, _ =	vpop (xrf1);
	[tilespmem:$0x6E20] =	vst v3  }
0x175: {  	[tilespmem:$0x55B0] =	vst v2  }
0x176: {  	s25 =	simm.s32 $0x6280;
	[tilespmem:$0x6E30] =	vst v4  }
0x177: {  	v2 =	vld [tilespmem:s25+$0x0]  }
0x178: {  	v3 =	vld [tilespmem:s25+$0x40]  }
0x179: {  	v4 =	vld [tilespmem:s25+$0x50]  }
0x17a: {  	v5 =	vld [tilespmem:s25+$0x60]  }
0x17b: {  	s26 =	simm.s32 $0x4A00;
	v6 =	vld [tilespmem:s25+$0x70]  }
0x17c: {  	v7 =	vld [tilespmem:s26+$0x0]  }
0x17d: {  	v8 =	vld [tilespmem:s26+$0x10]  }
0x17e: {  	v9 =	vld [tilespmem:s26+$0x40]  }
0x17f: {  	v10 =	vld [tilespmem:s26+$0x60]  }
0x180: {  	v11 =	vld [tilespmem:s26+$0x70]  }
0x181: {  	v12 =	vld [tilespmem:s26+$0x50]  }
0x182: {  	v13 =	vld [tilespmem:s26+$0x20]  }
0x183: {  	v14 =	vld [tilespmem:s26+$0x30]  }
0x184: {  	v19 =	vld [tilespmem:s26+$0xFFFFFFD0]  }
0x185: {  	v20 =	vld [tilespmem:s26+$0xFFFFFFE0]  }
0x186: {  	v16 =	vld [tilespmem:s26+$0xFFFFFFC0];
	v6 =	vperm.xlane v6, v1;
	v5 =	vperm.xlane v5, v1  }
0x187: {  	v15 =	vld [tilespmem:s25+$0x10];
	v11 =	vperm.xlane v11, v1;
	v10 =	vperm.xlane v10, v1  }
0x188: {  	v17 =	vld [tilespmem:s25+$0x20];
	v12 =	vperm.xlane v12, v1;
	v9 =	vperm.xlane v9, v1  }
0x189: {  	v18 =	vld [tilespmem:s25+$0x30];
	v4 =	vperm.xlane v4, v1;
	v3 =	vperm.xlane v3, v1  }
0x18a: {  	v21 =	vld [tilespmem:s26+$0xFFFFFFF0];
	v20 =	vperm.xlane v20, v1;
	v19 =	vperm.xlane v19, v1  }
0x18b: {  	v24 =	vld [tilespmem:s25+$0xFFFFFFD0];
	v16 =	vperm.xlane v16, v1;
	vm0 =	vge.f32 v7, v11;
	vm1 =	vge.f32 v8, v10  }
0x18c: {  	s0 =	simm.s32 $0x4B00;
	v50 =	vld [tilespmem:s25+$0xFFFFFFA0];
	vm2 =	vge.f32 v13, v12;
	vm3 =	vge.f32 v14, v9;
	v7 =	vsel vm0, v7, v11  }
0x18d: {  	v51 =	vld [tilespmem:s0+$0x60];
	v8 =	vsel vm1, v8, v10;
	v10 =	vsel vm2, v13, v12;
	v9 =	vsel vm3, v14, v9  }
0x18e: {  	v54 =	vld [tilespmem:s0+$0x70];
	v2 =	vsel vm0, v2, v6;
	v5 =	vsel vm1, v15, v5;
	v4 =	vsel vm2, v17, v4  }
0x18f: {  	v11 =	vld [tilespmem:s26+$0xFFFFFF90];
	v3 =	vsel vm3, v18, v3;
	vm0 =	vle.f32 v7, v10;
	vm4 =	vle.f32 v8, v9  }
0x190: {  	v12 =	vld [tilespmem:s26+$0xFFFFFFA0];
	v13 =	vsel vm0, v7, v10;
	v14 =	vsel vm4, v8, v9;
	v18 =	vsel vm0, v2, v4  }
0x191: {  	v6 =	vld [tilespmem:s26+$0xFFFFFFB0];
	v22 =	vsel vm4, v5, v3;
	v7 =	vsel vm0, v10, v7;
	v2 =	vsel vm0, v4, v2  }
0x192: {  	v15 =	vld [tilespmem:s26+$0xFFFFFF80];
	v8 =	vsel vm4, v9, v8;
	v3 =	vsel vm4, v3, v5;
	vm1 =	vle.f32 v13, v14  }
0x193: {  	v17 =	vld [tilespmem:s25+$0xFFFFFFC0];
	vm0 =	vle.f32 v7, v8;
	v23 =	vsel vm1, v13, v14;
	v10 =	vsel vm1, v18, v22  }
0x194: {  	v9 =	vld [tilespmem:s25+$0xFFFFFFF0];
	(xrf1) =	vsort.ascd.msk.f32 $0xffff, v23, v10;
	v10 =	vsel vm1, v14, v13;
	v13 =	vsel vm1, v22, v18  }
0x195: {  	s28 =	simm.s32 $0x6380;
	v4 =	vld [tilespmem:s25+$0xFFFFFFE0];
	v14 =	vsel vm0, v7, v8;
	v18 =	vsel vm0, v2, v3;
	v7 =	vsel vm0, v8, v7  }
0x196: {  	v55 =	vld [tilespmem:s28+$0x30];
	v2 =	vsel vm0, v3, v2;
	vm0 =	vge.f32 v11, v20;
	vm2 =	vge.f32 v12, v19  }
0x197: {  	v5 =	vld [tilespmem:s25+$0xFFFFFF80];
	vm3 =	vge.f32 v6, v16;
	(xrf1) =	vsort.ascd.msk.f32 $0xffff, v10, v13;
	v10 =	vperm.xlane v21, v1  }
0x198: {  	v13 =	vld [tilespmem:s25+$0xFFFFFF90];
	v8 =	vsel vm0, v11, v20;
	v11 =	vsel vm2, v12, v19;
	v6 =	vsel vm3, v6, v16  }
0x199: {  	v16 =	vperm.xlane v17, v1;
	(xrf1) =	vsort.ascd.msk.f32 $0xffff, v14, v18;
	v14 =	vld [tilespmem:s25+$0xFFFFFFB0];
	v9 =	vperm.xlane v9, v1  }
0x19a: {  	v12 =	vld [tilespmem:s28+$0x60];
	v4 =	vperm.xlane v4, v1;
	vm5 =	vle.f32 v8, v6;
	vm1 =	vge.f32 v15, v10  }
0x19b: {  	v17 =	vld [tilespmem:s28+$0x70];
	(xrf1) =	vsort.ascd.msk.f32 $0xffff, v7, v2;
	v19 =	vsel vm5, v8, v6;
	v2 =	vsel vm1, v15, v10  }
0x19c: {  	v7 =	vld [tilespmem:s28+$0x40];
	v6 =	vsel vm5, v6, v8;
	v15 =	vperm.xlane v24, v1;
	vm4 =	vle.f32 v2, v11  }
0x19d: {  	v8 =	vld [tilespmem:s0+$0x10];
	v5 =	vsel vm1, v5, v9;
	v18 =	vsel vm4, v2, v11;
	v2 =	vsel vm4, v11, v2  }
0x19e: {  	v10 =	vld [tilespmem:s28+$0x50];
	v4 =	vsel vm0, v13, v4;
	v9 =	vsel vm2, v50, v15;
	v13 =	vsel vm3, v14, v16  }
0x19f: {  	v11 =	vld [tilespmem:s0+$0x0];
	vm0 =	vle.f32 v18, v19;
	v15 =	vsel vm4, v5, v9;
	v16 =	vsel vm5, v4, v13  }
0x1a0: {  	v12 =	vperm.xlane v12, v1;
	v14 =	vld [tilespmem:s0+$0x40];
	v52 =	vsel vm0, v18, v19;
	v53 =	vsel vm0, v15, v16  }
0x1a1: {  	vm1 =	vle.f32 v2, v6;
	v5 =	vsel vm4, v9, v5;
	v9 =	vld [tilespmem:s0+$0x50];
	(xrf1) =	vsort.ascd.msk.f32 $0xffff, v52, v53  }
0x1a2: {  	v4 =	vsel vm5, v13, v4;
	v13 =	vsel vm0, v19, v18;
	v18 =	vld [tilespmem:s0+$0x20];
	v15 =	vsel vm0, v16, v15  }
0x1a3: {  	v19 =	vsel vm1, v5, v4;
	v4 =	vsel vm1, v4, v5;
	v5 =	vld [tilespmem:s28+$0x10];
	(xrf1) =	vsort.ascd.msk.f32 $0xffff, v13, v15  }
0x1a4: {  	v7 =	vperm.xlane v7, v1;
	v16 =	vsel vm1, v2, v6;
	v2 =	vsel vm1, v6, v2;
	v6 =	vld [tilespmem:s0+$0x30]  }
0x1a5: {  	v3 =	vld [tilespmem:s28+$0x0];
	v13 =	vperm.xlane v17, v1;
	v17 =	vperm.xlane v51, v1;
	(xrf1) =	vsort.ascd.msk.f32 $0xffff, v16, v19  }
0x1a6: {  	v59 =	vld [tilespmem:s0+$0xFFFFFF80];
	v16 =	vperm.xlane v54, v1;
	(xrf1) =	vsort.ascd.msk.f32 $0xffff, v2, v4;
	v4 =	vperm.xlane v9, v1  }
0x1a7: {  	s1 =	simm.s32 $0x18A0;
	v10 =	vperm.xlane v10, v1;
	v2 =	vld [tilespmem:s28+$0x20];
	v9 =	vperm.xlane v14, v1;
	vm1 =	vge.f32 v8, v17;
	v14, v19, _ =	vpop (xrf1)  }
0x1a8: {  	s3 =	simm.s32 $0x3120;
	s25 =	simm.s32 $0x40;
	v15 =	vld [tilespmem:s0+$0xFFFFFFC0];
	vm0 =	vge.f32 v11, v16;
	v12 =	vsel vm1, v5, v12;
	v8 =	vsel vm1, v8, v17;
	[tilespmem:s1+$0x20] =	vst v14  }
0x1a9: {  	s29 =	sor.u32 $0x50, s25;
	v17 =	vld [tilespmem:s0+$0xFFFFFF90];
	vm2 =	vge.f32 v18, v4;
	vm3 =	vge.f32 v6, v9;
	v21, v22, _ =	vpop (xrf1);
	v11 =	vsel vm0, v11, v16;
	[tilespmem:s3+$0x20] =	vst v19  }
0x1aa: {  	v14 =	vld [tilespmem:s0+$0xFFFFFFD0];
	v13 =	vsel vm0, v3, v13;
	v5 =	vsel vm2, v18, v4;
	v6 =	vsel vm3, v6, v9;
	[tilespmem:s29+$0x1880] =	vst v21  }
0x1ab: {  	s30 =	sor.u32 $0x60, s25;
	v16 =	vld [tilespmem:s0+$0xFFFFFFF0];
	v7 =	vsel vm3, v55, v7;
	[tilespmem:s29+$0x3100] =	vst v22;
	vm0 =	vle.f32 v11, v5;
	vm1 =	vle.f32 v8, v6;
	v3, v4, _ =	vpop (xrf1)  }
0x1ac: {  	v19 =	vld [tilespmem:s0+$0xFFFFFFE0];
	v9 =	vsel vm2, v2, v10;
	v10 =	vsel vm0, v11, v5;
	v18 =	vsel vm1, v8, v6;
	[tilespmem:s30+$0x1880] =	vst v3  }
0x1ad: {  	s31 =	sor.u32 $0x70, s25;
	v2 =	vld [tilespmem:s0+$0xFFFFFFA0];
	v58 =	vsel vm1, v12, v7;
	[tilespmem:s30+$0x3100] =	vst v4;
	v4, v56, _ =	vpop (xrf1);
	v57 =	vsel vm0, v13, v9;
	vm2 =	vle.f32 v10, v18  }
0x1ae: {  	v11 =	vsel vm0, v5, v11;
	v5 =	vld [tilespmem:s28+$0xFFFFFFD0];
	[tilespmem:s31+$0x3100] =	vst v56;
	v60 =	vsel vm2, v10, v18;
	v61 =	vsel vm2, v57, v58  }
0x1af: {  	v8 =	vsel vm1, v6, v8;
	v6 =	vld [tilespmem:s28+$0xFFFFFFE0];
	v25 =	vsel vm0, v9, v13;
	[tilespmem:s31+$0x1880] =	vst v4;
	(xrf1) =	vsort.ascd.msk.f32 $0xffff, v60, v61;
	v9, v13, _ =	vpop (xrf1)  }
0x1b0: {  	v12 =	vsel vm1, v7, v12;
	v7 =	vld [tilespmem:s28+$0xFFFFFF80];
	v10 =	vsel vm2, v18, v10;
	v18 =	vsel vm2, v58, v57;
	[tilespmem:s1+$0xFFFFFFE0] =	vst v9  }
0x1b1: {  	v3 =	vld [tilespmem:s0+$0xFFFFFFB0];
	vm1 =	vle.f32 v11, v8;
	v16 =	vperm.xlane v16, v1;
	(xrf1) =	vsort.ascd.msk.f32 $0xffff, v10, v18;
	v9, v62, _ =	vpop (xrf1);
	[tilespmem:s3+$0xFFFFFFE0] =	vst v13  }
0x1b2: {  	v63 =	vsel vm1, v25, v12;
	v12 =	vsel vm1, v12, v25;
	v10 =	vld [tilespmem:s28+$0xFFFFFFF0];
	v18 =	vsel vm1, v11, v8;
	[tilespmem:s1+$0xFFFFFFF0] =	vst v9  }
0x1b3: {  	v4 =	vld [tilespmem:s28+$0xFFFFFFC0];
	v19 =	vperm.xlane v19, v1;
	vm0 =	vge.f32 v59, v16;
	(xrf1) =	vsort.ascd.msk.f32 $0xffff, v18, v63;
	v23, v24, _ =	vpop (xrf1);
	[tilespmem:s3+$0xFFFFFFF0] =	vst v62  }
0x1b4: {  	v13 =	vperm.xlane v14, v1;
	v14 =	vperm.xlane v15, v1;
	v15 =	vsel vm1, v8, v11;
	v11 =	vld [tilespmem:s28+$0xFFFFFFA0];
	[tilespmem:s1+$0x0] =	vst v23  }
0x1b5: {  	vm2 =	vge.f32 v17, v19;
	v16 =	vsel vm0, v59, v16;
	v9 =	vld [tilespmem:s28+$0xFFFFFF90];
	v18, v8, _ =	vpop (xrf1);
	(xrf1) =	vsort.ascd.msk.f32 $0xffff, v15, v12;
	[tilespmem:s3+$0x0] =	vst v24  }
0x1b6: {  	s2 =	simm.s32 $0x2;
	s26 =	simm.s32 $0x6480;
	v12 =	vld [tilespmem:s28+$0xFFFFFFB0];
	v15 =	vsel vm2, v17, v19;
	vm1 =	vge.f32 v2, v13;
	vm3 =	vge.f32 v3, v14;
	[tilespmem:s1+$0x10] =	vst v18  }
.LBB2_6:
0x1b7: {  	v17 =	vld [tilespmem:s26+$0x0];
	v10 =	vperm.xlane v10, v1;
	v2 =	vsel vm1, v2, v13;
	v3 =	vsel vm3, v3, v14;
	[tilespmem:s3+$0x10] =	vst v8  }
0x1b8: {  	v6 =	vperm.xlane v6, v1;
	v5 =	vperm.xlane v5, v1;
	v8 =	vld [tilespmem:s26+$0x40];
	vm4 =	vle.f32 v16, v2  }
0x1b9: {  	v4 =	vperm.xlane v4, v1;
	vm5 =	vle.f32 v15, v3;
	v13 =	vld [tilespmem:s26+$0x50];
	v14 =	vsel vm4, v16, v2  }
0x1ba: {  	v2 =	vsel vm4, v2, v16;
	v16 =	vsel vm5, v15, v3;
	v3 =	vsel vm5, v3, v15;
	v18 =	vld [tilespmem:s26+$0x60]  }
0x1bb: {  	s0 =	sadd.s32 $0x100, s0;
	v7 =	vsel vm0, v7, v10;
	v6 =	vsel vm2, v9, v6;
	v5 =	vsel vm1, v11, v5;
	v15 =	vld [tilespmem:s26+$0x70]  }
0x1bc: {  	vm0 =	vle.f32 v14, v16;
	vm1 =	vle.f32 v2, v3;
	v4 =	vsel vm3, v12, v4;
	v9 =	vld [tilespmem:s0+$0x0]  }
0x1bd: {  	s1 =	sadd.s32 $0x80, s1;
	v11 =	vsel vm4, v7, v5;
	v5 =	vsel vm4, v5, v7;
	v7 =	vsel vm5, v6, v4;
	v10 =	vld [tilespmem:s0+$0x10];
	v12, v19, _ =	vpop (xrf1)  }
0x1be: {  	s3 =	sadd.s32 $0x80, s3;
	s25 =	sadd.s32 $0x80, s25;
	v24 =	vsel vm0, v14, v16;
	v4 =	vsel vm5, v4, v6;
	v21 =	vsel vm0, v11, v7;
	v20 =	vld [tilespmem:s0+$0x40];
	[tilespmem:s1+$0x20] =	vst v12  }
0x1bf: {  	s16 =	sor.u32 $0x50, s25;
	v14 =	vsel vm0, v16, v14;
	v7 =	vsel vm0, v7, v11;
	v11 =	vsel vm1, v2, v3;
	v12 =	vld [tilespmem:s0+$0x60];
	[tilespmem:s3+$0x20] =	vst v19;
	v16, v19, _ =	vpop (xrf1)  }
0x1c0: {  	v23 =	vsel vm1, v5, v4;
	v2 =	vsel vm1, v3, v2;
	v3 =	vsel vm1, v4, v5;
	v22 =	vld [tilespmem:s0+$0x70];
	[tilespmem:s16+$0x1880] =	vst v16  }
0x1c1: {  	v4 =	vld [tilespmem:s0+$0x50];
	[tilespmem:s16+$0x3100] =	vst v19;
	s16 =	sor.u32 $0x60, s25;
	(xrf1) =	vsort.ascd.msk.f32 $0xffff, v24, v21;
	v5, v6, _ =	vpop (xrf1)  }
0x1c2: {  	v16 =	vld [tilespmem:s0+$0x20];
	[tilespmem:s16+$0x1880] =	vst v5;
	(xrf1) =	vsort.ascd.msk.f32 $0xffff, v14, v7  }
0x1c3: {  	v5 =	vld [tilespmem:s0+$0x30];
	[tilespmem:s16+$0x3100] =	vst v6;
	s16 =	sor.u32 $0x70, s25;
	(xrf1) =	vsort.ascd.msk.f32 $0xffff, v11, v23;
	v6, v7, _ =	vpop (xrf1)  }
0x1c4: {  	v14 =	vperm.xlane v15, v1;
	v15 =	vperm.xlane v18, v1;
	v11 =	vld [tilespmem:s26+$0x10];
	[tilespmem:s16+$0x3100] =	vst v7;
	(xrf1) =	vsort.ascd.msk.f32 $0xffff, v2, v3  }
0x1c5: {  	v3 =	vperm.xlane v12, v1;
	v18 =	vld [tilespmem:s0+$0xFFFFFFC0];
	v2 =	vperm.xlane v22, v1;
	[tilespmem:s16+$0x1880] =	vst v6  }
0x1c6: {  	v7 =	vperm.xlane v20, v1;
	v6 =	vld [tilespmem:s26+$0x20];
	v4 =	vperm.xlane v4, v1  }
0x1c7: {  	v8 =	vperm.xlane v8, v1;
	v13 =	vperm.xlane v13, v1;
	v12 =	vld [tilespmem:s26+$0x30];
	vm0 =	vge.f32 v9, v2  }
0x1c8: {  	s2 =	sadd.s32 $0x2, s2;
	vm1 =	vge.f32 v10, v3;
	v19 =	vld [tilespmem:s0+$0xFFFFFFD0];
	vm2 =	vge.f32 v16, v4;
	vm3 =	vge.f32 v5, v7  }
0x1c9: {  	p1 =	slt.u32 s2, $0x16;
	v9 =	vsel vm0, v9, v2;
	v14 =	vsel vm0, v17, v14;
	v20 =	vld [tilespmem:s0+$0xFFFFFFE0];
	v11 =	vsel vm1, v11, v15  }
0x1ca: {  	v10 =	vsel vm1, v10, v3;
	v16 =	vsel vm2, v16, v4;
	v7 =	vsel vm3, v5, v7;
	v15 =	vld [tilespmem:s0+$0xFFFFFFF0]  }
0x1cb: {  	vm0 =	vle.f32 v9, v16;
	vm1 =	vle.f32 v10, v7;
	v17 =	vld [tilespmem:s0+$0xFFFFFF90];
	v5 =	vsel vm2, v6, v13  }
0x1cc: {  	v6 =	vsel vm0, v9, v16;
	v2 =	vld [tilespmem:s0+$0xFFFFFFA0];
	v8 =	vsel vm3, v12, v8;
	v12 =	vsel vm1, v10, v7  }
0x1cd: {  	v13 =	vsel vm0, v14, v5;
	v3 =	vld [tilespmem:s0+$0xFFFFFFB0];
	v21 =	vsel vm1, v11, v8;
	vm2 =	vle.f32 v6, v12  }
0x1ce: {  	v22 =	vld [tilespmem:s0+$0xFFFFFF80];
	v20 =	vperm.xlane v20, v1;
	v23 =	vsel vm2, v6, v12;
	v26 =	vsel vm2, v13, v21  }
0x1cf: {  	v16 =	vsel vm0, v16, v9;
	v25 =	vsel vm0, v5, v14;
	v4 =	vld [tilespmem:s26+$0xFFFFFFC0];
	(xrf1) =	vsort.ascd.msk.f32 $0xffff, v23, v26;
	v9, v14, _ =	vpop (xrf1)  }
0x1d0: {  	v23 =	vsel vm1, v7, v10;
	v7 =	vsel vm2, v12, v6;
	v10 =	vsel vm2, v21, v13;
	v5 =	vld [tilespmem:s26+$0xFFFFFFD0];
	[tilespmem:s1+$0xFFFFFFE0] =	vst v9;
	v9, v12, _ =	vpop (xrf1)  }
0x1d1: {  	v11 =	vsel vm1, v8, v11;
	vm1 =	vle.f32 v16, v23;
	v6 =	vld [tilespmem:s26+$0xFFFFFFE0];
	(xrf1) =	vsort.ascd.msk.f32 $0xffff, v7, v10;
	[tilespmem:s3+$0xFFFFFFE0] =	vst v14;
	v21, v24, _ =	vpop (xrf1)  }
.Ltmp4:
0x1d2: {  	v15 =	vperm.xlane v15, v1;
	v26 =	vsel vm1, v16, v23;
	v27 =	vsel vm1, v25, v11;
	v10 =	vld [tilespmem:s26+$0xFFFFFFF0];
	[tilespmem:s1+$0xFFFFFFF0] =	vst v9;
	v28, v8, _ =	vpop (xrf1);
	(pc) =	sbr.rel @p1 .LBB2_6-.Ltmp4, $4  }
0x1d3: {  	v13 =	vperm.xlane v19, v1;
	v14 =	vperm.xlane v18, v1;
	v7 =	vld [tilespmem:s26+$0xFFFFFF80];
	(xrf1) =	vsort.ascd.msk.f32 $0xffff, v26, v27;
	[tilespmem:s3+$0xFFFFFFF0] =	vst v12  }
0x1d4: {  	vm0 =	vge.f32 v22, v15;
	v12 =	vsel vm1, v23, v16;
	v16 =	vsel vm1, v11, v25;
	v9 =	vld [tilespmem:s26+$0xFFFFFF90];
	[tilespmem:s1+$0x0] =	vst v21  }
0x1d5: {  	vm2 =	vge.f32 v17, v20;
	vm1 =	vge.f32 v2, v13;
	v11 =	vld [tilespmem:s26+$0xFFFFFFA0];
	(xrf1) =	vsort.ascd.msk.f32 $0xffff, v12, v16;
	[tilespmem:s3+$0x0] =	vst v24  }
0x1d6: {  	vm3 =	vge.f32 v3, v14;
	v16 =	vsel vm0, v22, v15;
	v15 =	vsel vm2, v17, v20;
	v12 =	vld [tilespmem:s26+$0xFFFFFFB0];
	s26 =	sadd.s32 $0x100, s26;
	[tilespmem:s1+$0x10] =	vst v28  }
0x1d7: {  	v10 =	vperm.xlane v10, v1;
	v2 =	vsel vm1, v2, v13  }
0x1d8: {  	v3 =	vsel vm3, v3, v14;
	v6 =	vperm.xlane v6, v1;
	v5 =	vperm.xlane v5, v1  }
0x1d9: {  	v4 =	vperm.xlane v4, v1;
	vm4 =	vle.f32 v16, v2;
	vm5 =	vle.f32 v15, v3  }
0x1da: {  	v13 =	vsel vm4, v16, v2;
	v14 =	vsel vm5, v15, v3;
	v7 =	vsel vm0, v7, v10  }
0x1db: {  	v6 =	vsel vm2, v9, v6;
	v5 =	vsel vm1, v11, v5;
	v4 =	vsel vm3, v12, v4  }
0x1dc: {  	vm0 =	vle.f32 v13, v14;
	v9 =	vsel vm4, v7, v5;
	v10 =	vsel vm5, v6, v4  }
0x1dd: {  	v11 =	vsel vm0, v13, v14;
	v12 =	vsel vm0, v9, v10  }
0x1de: {  	v2 =	vsel vm4, v2, v16;
	v3 =	vsel vm5, v3, v15;
	(xrf1) =	vsort.ascd.msk.f32 $0xffff, v11, v12  }
0x1df: {  	vm1 =	vle.f32 v2, v3;
	v9 =	vsel vm0, v10, v9;
	v11 =	vsel vm0, v14, v13  }
0x1e0: {  	v5 =	vsel vm4, v5, v7;
	v4 =	vsel vm5, v4, v6;
	(xrf1) =	vsort.ascd.msk.f32 $0xffff, v11, v9  }
0x1e1: {  	v6 =	vsel vm1, v2, v3;
	v7 =	vsel vm1, v5, v4  }
0x1e2: {  	v2 =	vsel vm1, v3, v2;
	v3 =	vsel vm1, v4, v5;
	(xrf1) =	vsort.ascd.msk.f32 $0xffff, v6, v7;
	_ =	sdelay $0x1  }
0x1e3: {  	[tilespmem:s3+$0x10] =	vst v8;
	s0 =	sadd.s32 $0x80, s1;
	v4, v5, _ =	vpop (xrf1);
	(xrf1) =	vsort.ascd.msk.f32 $0xffff, v2, v3  }
0x1e4: {  	s16 =	sadd.s32 $0x80, s3;
	s2 =	sadd.s32 $0x80, s25;
	[tilespmem:s0+$0x20] =	vst v4  }
0x1e5: {  	s17 =	sor.u32 $0x50, s2;
	[tilespmem:s16+$0x20] =	vst v5;
	v2, v3, _ =	vpop (xrf1)  }
0x1e6: {  	[tilespmem:s17+$0x1880] =	vst v2  }
0x1e7: {  	s25 =	sor.u32 $0x60, s2;
	[tilespmem:s17+$0x3100] =	vst v3;
	v2, v3, _ =	vpop (xrf1)  }
0x1e8: {  	[tilespmem:s25+$0x1880] =	vst v2  }
0x1e9: {  	s2 =	sor.u32 $0x70, s2;
	[tilespmem:s25+$0x3100] =	vst v3;
	v2, v3, _ =	vpop (xrf1)  }
0x1ea: {  	[tilespmem:s2+$0x3100] =	vst v3  }
0x1eb: {  	[tilespmem:s2+$0x1880] =	vst v2;
	v2, v3, _ =	vpop (xrf1)  }
0x1ec: {  	[tilespmem:s0+$0xFFFFFFE0] =	vst v2  }
0x1ed: {  	v2, v4, _ =	vpop (xrf1);
	[tilespmem:s16+$0xFFFFFFE0] =	vst v3  }
0x1ee: {  	[tilespmem:s0+$0xFFFFFFF0] =	vst v2  }
0x1ef: {  	v2, v3, _ =	vpop (xrf1);
	[tilespmem:s16+$0xFFFFFFF0] =	vst v4  }
0x1f0: {  	[tilespmem:s0+$0x0] =	vst v2  }
0x1f1: {  	v2, v4, _ =	vpop (xrf1);
	[tilespmem:s16+$0x0] =	vst v3  }
0x1f2: {  	[tilespmem:s0+$0x10] =	vst v2  }
0x1f3: {  	[tilespmem:s16+$0x10] =	vst v4  }
0x1f4: {  	v2 =	vld [tilespmem:$0x5580]  }
0x1f5: {  	v3 =	vld [tilespmem:$0x6E00]  }
0x1f6: {  	v4 =	vld [tilespmem:$0x5590]  }
0x1f7: {  	v5 =	vld [tilespmem:$0x6E10]  }
0x1f8: {  	v6 =	vld [tilespmem:$0x55A0]  }
0x1f9: {  	[tilespmem:$0x1E80] =	vst v2;
	v2 =	vld [tilespmem:$0x6E20]  }
0x1fa: {  	[tilespmem:$0x3700] =	vst v3;
	v3 =	vld [tilespmem:$0x55B0]  }
0x1fb: {  	[tilespmem:$0x1E90] =	vst v4;
	v4 =	vld [tilespmem:$0x6E30]  }
0x1fc: {  	[tilespmem:$0x3710] =	vst v5  }
0x1fd: {  	[tilespmem:$0x1EA0] =	vst v6  }
0x1fe: {  	[tilespmem:$0x3720] =	vst v2  }
0x1ff: {  	[tilespmem:$0x1EB0] =	vst v3  }
0x200: {  	s26 =	simm.s32 $0x3180;
	[tilespmem:$0x3730] =	vst v4  }
0x201: {  	v2 =	vld [tilespmem:s26+$0x0]  }
0x202: {  	v3 =	vld [tilespmem:s26+$0x40]  }
0x203: {  	v4 =	vld [tilespmem:s26+$0x50]  }
0x204: {  	v5 =	vld [tilespmem:s26+$0x60]  }
0x205: {  	s28 =	simm.s32 $0x1900;
	v6 =	vld [tilespmem:s26+$0x70]  }
0x206: {  	v7 =	vld [tilespmem:s28+$0x0]  }
0x207: {  	v8 =	vld [tilespmem:s28+$0x10]  }
0x208: {  	v9 =	vld [tilespmem:s28+$0x40]  }
0x209: {  	v10 =	vld [tilespmem:s28+$0x60]  }
0x20a: {  	v11 =	vld [tilespmem:s28+$0x70]  }
0x20b: {  	v12 =	vld [tilespmem:s28+$0x50]  }
0x20c: {  	v13 =	vld [tilespmem:s28+$0x20]  }
0x20d: {  	v14 =	vld [tilespmem:s28+$0x30]  }
0x20e: {  	v19 =	vld [tilespmem:s28+$0xFFFFFFD0]  }
0x20f: {  	v20 =	vld [tilespmem:s28+$0xFFFFFFE0]  }
0x210: {  	v16 =	vld [tilespmem:s28+$0xFFFFFFC0];
	v6 =	vperm.xlane v6, v1;
	v5 =	vperm.xlane v5, v1  }
0x211: {  	v15 =	vld [tilespmem:s26+$0x10];
	v11 =	vperm.xlane v11, v1;
	v10 =	vperm.xlane v10, v1  }
0x212: {  	v17 =	vld [tilespmem:s26+$0x20];
	v12 =	vperm.xlane v12, v1;
	v9 =	vperm.xlane v9, v1  }
0x213: {  	v18 =	vld [tilespmem:s26+$0x30];
	v4 =	vperm.xlane v4, v1;
	v3 =	vperm.xlane v3, v1  }
0x214: {  	v21 =	vld [tilespmem:s28+$0xFFFFFFF0];
	v20 =	vperm.xlane v20, v1;
	v19 =	vperm.xlane v19, v1  }
0x215: {  	v24 =	vld [tilespmem:s26+$0xFFFFFFD0];
	v16 =	vperm.xlane v16, v1;
	vm0 =	vge.f32 v7, v11;
	vm1 =	vge.f32 v8, v10  }
0x216: {  	s0 =	simm.s32 $0x1A00;
	v50 =	vld [tilespmem:s26+$0xFFFFFFA0];
	vm2 =	vge.f32 v13, v12;
	vm3 =	vge.f32 v14, v9;
	v7 =	vsel vm0, v7, v11  }
0x217: {  	v51 =	vld [tilespmem:s0+$0x60];
	v8 =	vsel vm1, v8, v10;
	v10 =	vsel vm2, v13, v12;
	v9 =	vsel vm3, v14, v9  }
0x218: {  	v54 =	vld [tilespmem:s0+$0x70];
	v2 =	vsel vm0, v2, v6;
	v5 =	vsel vm1, v15, v5;
	v4 =	vsel vm2, v17, v4  }
0x219: {  	v59 =	vld [tilespmem:s0+$0xFFFFFF80];
	v3 =	vsel vm3, v18, v3;
	vm0 =	vle.f32 v7, v10;
	vm4 =	vle.f32 v8, v9  }
0x21a: {  	v11 =	vld [tilespmem:s28+$0xFFFFFF90];
	v13 =	vsel vm0, v7, v10;
	v14 =	vsel vm4, v8, v9;
	v18 =	vsel vm0, v2, v4  }
0x21b: {  	v12 =	vld [tilespmem:s28+$0xFFFFFFA0];
	v22 =	vsel vm4, v5, v3;
	v7 =	vsel vm0, v10, v7;
	v2 =	vsel vm0, v4, v2  }
0x21c: {  	v6 =	vld [tilespmem:s28+$0xFFFFFFB0];
	v8 =	vsel vm4, v9, v8;
	v3 =	vsel vm4, v3, v5;
	vm1 =	vle.f32 v13, v14  }
0x21d: {  	v17 =	vld [tilespmem:s26+$0xFFFFFFC0];
	vm0 =	vle.f32 v7, v8;
	v23 =	vsel vm1, v13, v14;
	v10 =	vsel vm1, v18, v22  }
0x21e: {  	v9 =	vld [tilespmem:s26+$0xFFFFFFF0];
	(xrf1) =	vsort.ascd.msk.f32 $0xffff, v23, v10;
	v10 =	vsel vm1, v14, v13;
	v13 =	vsel vm1, v22, v18  }
0x21f: {  	v15 =	vld [tilespmem:s28+$0xFFFFFF80];
	v14 =	vsel vm0, v7, v8;
	v18 =	vsel vm0, v2, v3;
	v7 =	vsel vm0, v8, v7  }
0x220: {  	v4 =	vld [tilespmem:s26+$0xFFFFFFE0];
	v2 =	vsel vm0, v3, v2;
	vm0 =	vge.f32 v11, v20;
	vm2 =	vge.f32 v12, v19  }
0x221: {  	v5 =	vld [tilespmem:s26+$0xFFFFFF80];
	vm3 =	vge.f32 v6, v16;
	(xrf1) =	vsort.ascd.msk.f32 $0xffff, v10, v13;
	v10 =	vperm.xlane v21, v1  }
0x222: {  	v13 =	vld [tilespmem:s26+$0xFFFFFF90];
	v8 =	vsel vm0, v11, v20;
	v11 =	vsel vm2, v12, v19;
	v6 =	vsel vm3, v6, v16  }
0x223: {  	v16 =	vperm.xlane v17, v1;
	(xrf1) =	vsort.ascd.msk.f32 $0xffff, v14, v18;
	v14 =	vld [tilespmem:s26+$0xFFFFFFB0];
	s26 =	simm.s32 $0x3280;
	v9 =	vperm.xlane v9, v1  }
0x224: {  	vm5 =	vle.f32 v8, v6;
	vm1 =	vge.f32 v15, v10;
	(xrf1) =	vsort.ascd.msk.f32 $0xffff, v7, v2;
	v7 =	vld [tilespmem:s26+$0x40]  }
0x225: {  	v4 =	vperm.xlane v4, v1;
	v12 =	vld [tilespmem:s26+$0x60];
	v19 =	vsel vm5, v8, v6;
	v2 =	vsel vm1, v15, v10  }
0x226: {  	v17 =	vld [tilespmem:s26+$0x70];
	v6 =	vsel vm5, v6, v8;
	v15 =	vperm.xlane v24, v1;
	vm4 =	vle.f32 v2, v11  }
0x227: {  	v8 =	vld [tilespmem:s0+$0x10];
	v5 =	vsel vm1, v5, v9;
	v18 =	vsel vm4, v2, v11;
	v2 =	vsel vm4, v11, v2  }
0x228: {  	v10 =	vld [tilespmem:s26+$0x50];
	v4 =	vsel vm0, v13, v4;
	v9 =	vsel vm2, v50, v15;
	v13 =	vsel vm3, v14, v16  }
0x229: {  	v11 =	vld [tilespmem:s0+$0x0];
	vm0 =	vle.f32 v18, v19;
	v15 =	vsel vm4, v5, v9;
	v16 =	vsel vm5, v4, v13  }
0x22a: {  	v14 =	vld [tilespmem:s0+$0x40];
	vm1 =	vle.f32 v2, v6;
	v52 =	vsel vm0, v18, v19;
	v53 =	vsel vm0, v15, v16  }
0x22b: {  	v5 =	vsel vm4, v9, v5;
	v9 =	vld [tilespmem:s0+$0x50];
	v4 =	vsel vm5, v13, v4;
	(xrf1) =	vsort.ascd.msk.f32 $0xffff, v52, v53  }
0x22c: {  	v13 =	vsel vm0, v19, v18;
	v18 =	vld [tilespmem:s0+$0x20];
	v12 =	vperm.xlane v12, v1;
	v15 =	vsel vm0, v16, v15  }
0x22d: {  	v19 =	vsel vm1, v5, v4;
	v4 =	vsel vm1, v4, v5;
	v5 =	vld [tilespmem:s26+$0x10];
	(xrf1) =	vsort.ascd.msk.f32 $0xffff, v13, v15  }
0x22e: {  	v7 =	vperm.xlane v7, v1;
	v16 =	vsel vm1, v2, v6;
	v2 =	vsel vm1, v6, v2;
	v6 =	vld [tilespmem:s0+$0x30]  }
0x22f: {  	v3 =	vld [tilespmem:s26+$0x0];
	v13 =	vperm.xlane v17, v1;
	v17 =	vperm.xlane v51, v1;
	(xrf1) =	vsort.ascd.msk.f32 $0xffff, v16, v19  }
0x230: {  	v55 =	vld [tilespmem:s26+$0x30];
	v16 =	vperm.xlane v54, v1;
	(xrf1) =	vsort.ascd.msk.f32 $0xffff, v2, v4;
	v4 =	vperm.xlane v9, v1  }
0x231: {  	s1 =	simm.s32 $0x49A0;
	v10 =	vperm.xlane v10, v1;
	v2 =	vld [tilespmem:s26+$0x20];
	v9 =	vperm.xlane v14, v1;
	vm1 =	vge.f32 v8, v17;
	v14, v19, _ =	vpop (xrf1)  }
0x232: {  	s3 =	simm.s32 $0x6220;
	s25 =	simm.s32 $0x40;
	v15 =	vld [tilespmem:s0+$0xFFFFFFC0];
	vm0 =	vge.f32 v11, v16;
	v12 =	vsel vm1, v5, v12;
	v8 =	vsel vm1, v8, v17;
	[tilespmem:s1+$0x20] =	vst v14  }
0x233: {  	s29 =	sor.u32 $0x50, s25;
	v17 =	vld [tilespmem:s0+$0xFFFFFF90];
	vm2 =	vge.f32 v18, v4;
	vm3 =	vge.f32 v6, v9;
	v21, v22, _ =	vpop (xrf1);
	v11 =	vsel vm0, v11, v16;
	[tilespmem:s3+$0x20] =	vst v19  }
0x234: {  	v14 =	vld [tilespmem:s0+$0xFFFFFFD0];
	v13 =	vsel vm0, v3, v13;
	v5 =	vsel vm2, v18, v4;
	v6 =	vsel vm3, v6, v9;
	[tilespmem:s29+$0x4980] =	vst v21  }
0x235: {  	s30 =	sor.u32 $0x60, s25;
	v16 =	vld [tilespmem:s0+$0xFFFFFFF0];
	v7 =	vsel vm3, v55, v7;
	[tilespmem:s29+$0x6200] =	vst v22;
	vm0 =	vle.f32 v11, v5;
	vm1 =	vle.f32 v8, v6;
	v3, v4, _ =	vpop (xrf1)  }
0x236: {  	v19 =	vld [tilespmem:s0+$0xFFFFFFE0];
	v9 =	vsel vm2, v2, v10;
	v10 =	vsel vm0, v11, v5;
	v18 =	vsel vm1, v8, v6;
	[tilespmem:s30+$0x4980] =	vst v3  }
0x237: {  	s31 =	sor.u32 $0x70, s25;
	v2 =	vld [tilespmem:s0+$0xFFFFFFA0];
	v58 =	vsel vm1, v12, v7;
	[tilespmem:s30+$0x6200] =	vst v4;
	v4, v56, _ =	vpop (xrf1);
	v57 =	vsel vm0, v13, v9;
	vm2 =	vle.f32 v10, v18  }
0x238: {  	v11 =	vsel vm0, v5, v11;
	v5 =	vld [tilespmem:s26+$0xFFFFFFD0];
	[tilespmem:s31+$0x6200] =	vst v56;
	v60 =	vsel vm2, v10, v18;
	v61 =	vsel vm2, v57, v58  }
0x239: {  	v8 =	vsel vm1, v6, v8;
	v6 =	vld [tilespmem:s26+$0xFFFFFFE0];
	v25 =	vsel vm0, v9, v13;
	[tilespmem:s31+$0x4980] =	vst v4;
	(xrf1) =	vsort.ascd.msk.f32 $0xffff, v60, v61;
	v9, v13, _ =	vpop (xrf1)  }
0x23a: {  	v12 =	vsel vm1, v7, v12;
	v7 =	vld [tilespmem:s26+$0xFFFFFF80];
	v10 =	vsel vm2, v18, v10;
	v18 =	vsel vm2, v58, v57;
	[tilespmem:s1+$0xFFFFFFE0] =	vst v9  }
0x23b: {  	v3 =	vld [tilespmem:s0+$0xFFFFFFB0];
	vm1 =	vle.f32 v11, v8;
	v16 =	vperm.xlane v16, v1;
	(xrf1) =	vsort.ascd.msk.f32 $0xffff, v10, v18;
	v9, v62, _ =	vpop (xrf1);
	[tilespmem:s3+$0xFFFFFFE0] =	vst v13  }
0x23c: {  	v63 =	vsel vm1, v25, v12;
	v12 =	vsel vm1, v12, v25;
	v10 =	vld [tilespmem:s26+$0xFFFFFFF0];
	v18 =	vsel vm1, v11, v8;
	[tilespmem:s1+$0xFFFFFFF0] =	vst v9  }
0x23d: {  	v4 =	vld [tilespmem:s26+$0xFFFFFFC0];
	v19 =	vperm.xlane v19, v1;
	vm0 =	vge.f32 v59, v16;
	(xrf1) =	vsort.ascd.msk.f32 $0xffff, v18, v63;
	v23, v24, _ =	vpop (xrf1);
	[tilespmem:s3+$0xFFFFFFF0] =	vst v62  }
0x23e: {  	v13 =	vperm.xlane v14, v1;
	v14 =	vperm.xlane v15, v1;
	v15 =	vsel vm1, v8, v11;
	v11 =	vld [tilespmem:s26+$0xFFFFFFA0];
	[tilespmem:s1+$0x0] =	vst v23  }
0x23f: {  	vm2 =	vge.f32 v17, v19;
	v16 =	vsel vm0, v59, v16;
	v9 =	vld [tilespmem:s26+$0xFFFFFF90];
	v18, v8, _ =	vpop (xrf1);
	(xrf1) =	vsort.ascd.msk.f32 $0xffff, v15, v12;
	[tilespmem:s3+$0x0] =	vst v24  }
0x240: {  	s2 =	simm.s32 $0x2;
	v12 =	vld [tilespmem:s26+$0xFFFFFFB0];
	v15 =	vsel vm2, v17, v19;
	s26 =	simm.s32 $0x3380;
	vm1 =	vge.f32 v2, v13;
	vm3 =	vge.f32 v3, v14;
	[tilespmem:s1+$0x10] =	vst v18  }
.LBB2_8:
0x241: {  	v17 =	vld [tilespmem:s26+$0x0];
	v10 =	vperm.xlane v10, v1;
	v2 =	vsel vm1, v2, v13;
	v3 =	vsel vm3, v3, v14;
	[tilespmem:s3+$0x10] =	vst v8  }
0x242: {  	v6 =	vperm.xlane v6, v1;
	v5 =	vperm.xlane v5, v1;
	v8 =	vld [tilespmem:s26+$0x40];
	vm4 =	vle.f32 v16, v2  }
0x243: {  	v4 =	vperm.xlane v4, v1;
	vm5 =	vle.f32 v15, v3;
	v13 =	vld [tilespmem:s26+$0x50];
	v14 =	vsel vm4, v16, v2  }
0x244: {  	v2 =	vsel vm4, v2, v16;
	v16 =	vsel vm5, v15, v3;
	v3 =	vsel vm5, v3, v15;
	v18 =	vld [tilespmem:s26+$0x60]  }
0x245: {  	s0 =	sadd.s32 $0x100, s0;
	v7 =	vsel vm0, v7, v10;
	v6 =	vsel vm2, v9, v6;
	v5 =	vsel vm1, v11, v5;
	v15 =	vld [tilespmem:s26+$0x70]  }
0x246: {  	vm0 =	vle.f32 v14, v16;
	vm1 =	vle.f32 v2, v3;
	v4 =	vsel vm3, v12, v4;
	v9 =	vld [tilespmem:s0+$0x0]  }
0x247: {  	s1 =	sadd.s32 $0x80, s1;
	v11 =	vsel vm4, v7, v5;
	v5 =	vsel vm4, v5, v7;
	v7 =	vsel vm5, v6, v4;
	v10 =	vld [tilespmem:s0+$0x10];
	v12, v19, _ =	vpop (xrf1)  }
0x248: {  	s3 =	sadd.s32 $0x80, s3;
	s25 =	sadd.s32 $0x80, s25;
	v24 =	vsel vm0, v14, v16;
	v4 =	vsel vm5, v4, v6;
	v21 =	vsel vm0, v11, v7;
	v20 =	vld [tilespmem:s0+$0x40];
	[tilespmem:s1+$0x20] =	vst v12  }
0x249: {  	s16 =	sor.u32 $0x50, s25;
	v14 =	vsel vm0, v16, v14;
	v7 =	vsel vm0, v7, v11;
	v11 =	vsel vm1, v2, v3;
	v12 =	vld [tilespmem:s0+$0x60];
	[tilespmem:s3+$0x20] =	vst v19;
	v16, v19, _ =	vpop (xrf1)  }
0x24a: {  	v23 =	vsel vm1, v5, v4;
	v2 =	vsel vm1, v3, v2;
	v3 =	vsel vm1, v4, v5;
	v22 =	vld [tilespmem:s0+$0x70];
	[tilespmem:s16+$0x4980] =	vst v16  }
0x24b: {  	v4 =	vld [tilespmem:s0+$0x50];
	[tilespmem:s16+$0x6200] =	vst v19;
	s16 =	sor.u32 $0x60, s25;
	(xrf1) =	vsort.ascd.msk.f32 $0xffff, v24, v21;
	v5, v6, _ =	vpop (xrf1)  }
0x24c: {  	v16 =	vld [tilespmem:s0+$0x20];
	[tilespmem:s16+$0x4980] =	vst v5;
	(xrf1) =	vsort.ascd.msk.f32 $0xffff, v14, v7  }
0x24d: {  	v5 =	vld [tilespmem:s0+$0x30];
	[tilespmem:s16+$0x6200] =	vst v6;
	s16 =	sor.u32 $0x70, s25;
	(xrf1) =	vsort.ascd.msk.f32 $0xffff, v11, v23;
	v6, v7, _ =	vpop (xrf1)  }
0x24e: {  	v14 =	vperm.xlane v15, v1;
	v15 =	vperm.xlane v18, v1;
	v11 =	vld [tilespmem:s26+$0x10];
	[tilespmem:s16+$0x6200] =	vst v7;
	(xrf1) =	vsort.ascd.msk.f32 $0xffff, v2, v3  }
0x24f: {  	v3 =	vperm.xlane v12, v1;
	v18 =	vld [tilespmem:s0+$0xFFFFFFC0];
	v2 =	vperm.xlane v22, v1;
	[tilespmem:s16+$0x4980] =	vst v6  }
0x250: {  	v7 =	vperm.xlane v20, v1;
	v6 =	vld [tilespmem:s26+$0x20];
	v4 =	vperm.xlane v4, v1  }
0x251: {  	v8 =	vperm.xlane v8, v1;
	v13 =	vperm.xlane v13, v1;
	v12 =	vld [tilespmem:s26+$0x30];
	vm0 =	vge.f32 v9, v2  }
0x252: {  	s2 =	sadd.s32 $0x2, s2;
	vm1 =	vge.f32 v10, v3;
	v19 =	vld [tilespmem:s0+$0xFFFFFFD0];
	vm2 =	vge.f32 v16, v4;
	vm3 =	vge.f32 v5, v7  }
0x253: {  	p1 =	slt.u32 s2, $0xA;
	v9 =	vsel vm0, v9, v2;
	v14 =	vsel vm0, v17, v14;
	v20 =	vld [tilespmem:s0+$0xFFFFFFE0];
	v11 =	vsel vm1, v11, v15  }
0x254: {  	v10 =	vsel vm1, v10, v3;
	v16 =	vsel vm2, v16, v4;
	v7 =	vsel vm3, v5, v7;
	v15 =	vld [tilespmem:s0+$0xFFFFFFF0]  }
0x255: {  	vm0 =	vle.f32 v9, v16;
	vm1 =	vle.f32 v10, v7;
	v17 =	vld [tilespmem:s0+$0xFFFFFF90];
	v5 =	vsel vm2, v6, v13  }
0x256: {  	v6 =	vsel vm0, v9, v16;
	v2 =	vld [tilespmem:s0+$0xFFFFFFA0];
	v8 =	vsel vm3, v12, v8;
	v12 =	vsel vm1, v10, v7  }
0x257: {  	v13 =	vsel vm0, v14, v5;
	v3 =	vld [tilespmem:s0+$0xFFFFFFB0];
	v21 =	vsel vm1, v11, v8;
	vm2 =	vle.f32 v6, v12  }
0x258: {  	v22 =	vld [tilespmem:s0+$0xFFFFFF80];
	v20 =	vperm.xlane v20, v1;
	v23 =	vsel vm2, v6, v12;
	v26 =	vsel vm2, v13, v21  }
0x259: {  	v16 =	vsel vm0, v16, v9;
	v25 =	vsel vm0, v5, v14;
	v4 =	vld [tilespmem:s26+$0xFFFFFFC0];
	(xrf1) =	vsort.ascd.msk.f32 $0xffff, v23, v26;
	v9, v14, _ =	vpop (xrf1)  }
0x25a: {  	v23 =	vsel vm1, v7, v10;
	v7 =	vsel vm2, v12, v6;
	v10 =	vsel vm2, v21, v13;
	v5 =	vld [tilespmem:s26+$0xFFFFFFD0];
	[tilespmem:s1+$0xFFFFFFE0] =	vst v9;
	v9, v12, _ =	vpop (xrf1)  }
0x25b: {  	v11 =	vsel vm1, v8, v11;
	vm1 =	vle.f32 v16, v23;
	v6 =	vld [tilespmem:s26+$0xFFFFFFE0];
	(xrf1) =	vsort.ascd.msk.f32 $0xffff, v7, v10;
	[tilespmem:s3+$0xFFFFFFE0] =	vst v14;
	v21, v24, _ =	vpop (xrf1)  }
.Ltmp5:
0x25c: {  	v15 =	vperm.xlane v15, v1;
	v26 =	vsel vm1, v16, v23;
	v27 =	vsel vm1, v25, v11;
	v10 =	vld [tilespmem:s26+$0xFFFFFFF0];
	[tilespmem:s1+$0xFFFFFFF0] =	vst v9;
	v28, v8, _ =	vpop (xrf1);
	(pc) =	sbr.rel @p1 .LBB2_8-.Ltmp5, $4  }
0x25d: {  	v13 =	vperm.xlane v19, v1;
	v14 =	vperm.xlane v18, v1;
	v7 =	vld [tilespmem:s26+$0xFFFFFF80];
	(xrf1) =	vsort.ascd.msk.f32 $0xffff, v26, v27;
	[tilespmem:s3+$0xFFFFFFF0] =	vst v12  }
0x25e: {  	vm0 =	vge.f32 v22, v15;
	v12 =	vsel vm1, v23, v16;
	v16 =	vsel vm1, v11, v25;
	v9 =	vld [tilespmem:s26+$0xFFFFFF90];
	[tilespmem:s1+$0x0] =	vst v21  }
0x25f: {  	vm2 =	vge.f32 v17, v20;
	vm1 =	vge.f32 v2, v13;
	v11 =	vld [tilespmem:s26+$0xFFFFFFA0];
	(xrf1) =	vsort.ascd.msk.f32 $0xffff, v12, v16;
	[tilespmem:s3+$0x0] =	vst v24  }
0x260: {  	vm3 =	vge.f32 v3, v14;
	v16 =	vsel vm0, v22, v15;
	v15 =	vsel vm2, v17, v20;
	v12 =	vld [tilespmem:s26+$0xFFFFFFB0];
	s26 =	sadd.s32 $0x100, s26;
	[tilespmem:s1+$0x10] =	vst v28  }
0x261: {  	v10 =	vperm.xlane v10, v1;
	v2 =	vsel vm1, v2, v13  }
0x262: {  	v3 =	vsel vm3, v3, v14;
	v6 =	vperm.xlane v6, v1;
	v5 =	vperm.xlane v5, v1  }
0x263: {  	v4 =	vperm.xlane v4, v1;
	vm4 =	vle.f32 v16, v2;
	vm5 =	vle.f32 v15, v3  }
0x264: {  	v13 =	vsel vm4, v16, v2;
	v14 =	vsel vm5, v15, v3;
	v7 =	vsel vm0, v7, v10  }
0x265: {  	v6 =	vsel vm2, v9, v6;
	v5 =	vsel vm1, v11, v5;
	v4 =	vsel vm3, v12, v4  }
0x266: {  	vm0 =	vle.f32 v13, v14;
	v9 =	vsel vm4, v7, v5;
	v10 =	vsel vm5, v6, v4  }
0x267: {  	v11 =	vsel vm0, v13, v14;
	v12 =	vsel vm0, v9, v10  }
0x268: {  	v2 =	vsel vm4, v2, v16;
	v3 =	vsel vm5, v3, v15;
	(xrf1) =	vsort.ascd.msk.f32 $0xffff, v11, v12  }
0x269: {  	vm1 =	vle.f32 v2, v3;
	v9 =	vsel vm0, v10, v9;
	v11 =	vsel vm0, v14, v13  }
0x26a: {  	v5 =	vsel vm4, v5, v7;
	v4 =	vsel vm5, v4, v6;
	(xrf1) =	vsort.ascd.msk.f32 $0xffff, v11, v9  }
0x26b: {  	v6 =	vsel vm1, v2, v3;
	v7 =	vsel vm1, v5, v4  }
0x26c: {  	v2 =	vsel vm1, v3, v2;
	v3 =	vsel vm1, v4, v5;
	(xrf1) =	vsort.ascd.msk.f32 $0xffff, v6, v7;
	_ =	sdelay $0x1  }
0x26d: {  	[tilespmem:s3+$0x10] =	vst v8;
	s0 =	sadd.s32 $0x80, s1;
	v4, v5, _ =	vpop (xrf1);
	(xrf1) =	vsort.ascd.msk.f32 $0xffff, v2, v3  }
0x26e: {  	s16 =	sadd.s32 $0x80, s3;
	s2 =	sadd.s32 $0x80, s25;
	[tilespmem:s0+$0x20] =	vst v4  }
0x26f: {  	s17 =	sor.u32 $0x50, s2;
	[tilespmem:s16+$0x20] =	vst v5;
	v2, v3, _ =	vpop (xrf1)  }
0x270: {  	[tilespmem:s17+$0x4980] =	vst v2  }
0x271: {  	s25 =	sor.u32 $0x60, s2;
	[tilespmem:s17+$0x6200] =	vst v3;
	v2, v3, _ =	vpop (xrf1)  }
0x272: {  	[tilespmem:s25+$0x4980] =	vst v2  }
0x273: {  	s2 =	sor.u32 $0x70, s2;
	[tilespmem:s25+$0x6200] =	vst v3;
	v2, v3, _ =	vpop (xrf1)  }
0x274: {  	[tilespmem:s2+$0x6200] =	vst v3  }
0x275: {  	[tilespmem:s2+$0x4980] =	vst v2;
	v2, v3, _ =	vpop (xrf1)  }
0x276: {  	[tilespmem:s0+$0xFFFFFFE0] =	vst v2  }
0x277: {  	v2, v4, _ =	vpop (xrf1);
	[tilespmem:s16+$0xFFFFFFE0] =	vst v3  }
0x278: {  	[tilespmem:s0+$0xFFFFFFF0] =	vst v2  }
0x279: {  	v2, v3, _ =	vpop (xrf1);
	[tilespmem:s16+$0xFFFFFFF0] =	vst v4  }
0x27a: {  	[tilespmem:s0+$0x0] =	vst v2  }
0x27b: {  	v2, v4, _ =	vpop (xrf1);
	[tilespmem:s16+$0x0] =	vst v3  }
0x27c: {  	[tilespmem:s0+$0x10] =	vst v2  }
0x27d: {  	[tilespmem:s16+$0x10] =	vst v4  }
0x27e: {  	v2 =	vld [tilespmem:$0x1E80]  }
0x27f: {  	v3 =	vld [tilespmem:$0x3700]  }
0x280: {  	v4 =	vld [tilespmem:$0x1E90]  }
0x281: {  	v5 =	vld [tilespmem:$0x3710]  }
0x282: {  	v6 =	vld [tilespmem:$0x1EA0]  }
0x283: {  	[tilespmem:$0x4C80] =	vst v2;
	v2 =	vld [tilespmem:$0x3720]  }
0x284: {  	[tilespmem:$0x6500] =	vst v3;
	v3 =	vld [tilespmem:$0x1EB0]  }
0x285: {  	[tilespmem:$0x4C90] =	vst v4;
	v4 =	vld [tilespmem:$0x3730]  }
0x286: {  	[tilespmem:$0x6510] =	vst v5  }
0x287: {  	[tilespmem:$0x4CA0] =	vst v6  }
0x288: {  	[tilespmem:$0x6520] =	vst v2  }
0x289: {  	[tilespmem:$0x4CB0] =	vst v3  }
0x28a: {  	s26 =	simm.s32 $0x6280;
	[tilespmem:$0x6530] =	vst v4  }
0x28b: {  	v2 =	vld [tilespmem:s26+$0x0]  }
0x28c: {  	v3 =	vld [tilespmem:s26+$0x40]  }
0x28d: {  	v4 =	vld [tilespmem:s26+$0x50]  }
0x28e: {  	v5 =	vld [tilespmem:s26+$0x60]  }
0x28f: {  	s28 =	simm.s32 $0x4A00;
	v6 =	vld [tilespmem:s26+$0x70]  }
0x290: {  	v7 =	vld [tilespmem:s28+$0x0]  }
0x291: {  	v8 =	vld [tilespmem:s28+$0x10]  }
0x292: {  	v9 =	vld [tilespmem:s28+$0x40]  }
0x293: {  	v10 =	vld [tilespmem:s28+$0x60]  }
0x294: {  	v11 =	vld [tilespmem:s28+$0x70]  }
0x295: {  	v12 =	vld [tilespmem:s28+$0x50]  }
0x296: {  	v13 =	vld [tilespmem:s28+$0x20]  }
0x297: {  	v14 =	vld [tilespmem:s28+$0x30]  }
0x298: {  	v19 =	vld [tilespmem:s28+$0xFFFFFFD0]  }
0x299: {  	v20 =	vld [tilespmem:s28+$0xFFFFFFE0]  }
0x29a: {  	v16 =	vld [tilespmem:s28+$0xFFFFFFC0];
	v6 =	vperm.xlane v6, v1;
	v5 =	vperm.xlane v5, v1  }
0x29b: {  	v15 =	vld [tilespmem:s26+$0x10];
	v11 =	vperm.xlane v11, v1;
	v10 =	vperm.xlane v10, v1  }
0x29c: {  	v17 =	vld [tilespmem:s26+$0x20];
	v12 =	vperm.xlane v12, v1;
	v9 =	vperm.xlane v9, v1  }
0x29d: {  	v18 =	vld [tilespmem:s26+$0x30];
	v4 =	vperm.xlane v4, v1;
	v3 =	vperm.xlane v3, v1  }
0x29e: {  	v21 =	vld [tilespmem:s28+$0xFFFFFFF0];
	v20 =	vperm.xlane v20, v1;
	v19 =	vperm.xlane v19, v1  }
0x29f: {  	v24 =	vld [tilespmem:s26+$0xFFFFFFD0];
	v16 =	vperm.xlane v16, v1;
	vm0 =	vge.f32 v7, v11;
	vm1 =	vge.f32 v8, v10  }
0x2a0: {  	s0 =	simm.s32 $0x4B00;
	v50 =	vld [tilespmem:s26+$0xFFFFFFA0];
	vm2 =	vge.f32 v13, v12;
	vm3 =	vge.f32 v14, v9;
	v7 =	vsel vm0, v7, v11  }
0x2a1: {  	v51 =	vld [tilespmem:s0+$0x60];
	v8 =	vsel vm1, v8, v10;
	v10 =	vsel vm2, v13, v12;
	v9 =	vsel vm3, v14, v9  }
0x2a2: {  	v54 =	vld [tilespmem:s0+$0x70];
	v2 =	vsel vm0, v2, v6;
	v5 =	vsel vm1, v15, v5;
	v4 =	vsel vm2, v17, v4  }
0x2a3: {  	v59 =	vld [tilespmem:s0+$0xFFFFFF80];
	v3 =	vsel vm3, v18, v3;
	vm0 =	vle.f32 v7, v10;
	vm4 =	vle.f32 v8, v9  }
0x2a4: {  	v11 =	vld [tilespmem:s28+$0xFFFFFF90];
	v13 =	vsel vm0, v7, v10;
	v14 =	vsel vm4, v8, v9;
	v18 =	vsel vm0, v2, v4  }
0x2a5: {  	v12 =	vld [tilespmem:s28+$0xFFFFFFA0];
	v22 =	vsel vm4, v5, v3;
	v7 =	vsel vm0, v10, v7;
	v2 =	vsel vm0, v4, v2  }
0x2a6: {  	v6 =	vld [tilespmem:s28+$0xFFFFFFB0];
	v8 =	vsel vm4, v9, v8;
	v3 =	vsel vm4, v3, v5;
	vm1 =	vle.f32 v13, v14  }
0x2a7: {  	v17 =	vld [tilespmem:s26+$0xFFFFFFC0];
	vm0 =	vle.f32 v7, v8;
	v23 =	vsel vm1, v13, v14;
	v10 =	vsel vm1, v18, v22  }
0x2a8: {  	v9 =	vld [tilespmem:s26+$0xFFFFFFF0];
	(xrf1) =	vsort.ascd.msk.f32 $0xffff, v23, v10;
	v10 =	vsel vm1, v14, v13;
	v13 =	vsel vm1, v22, v18  }
0x2a9: {  	v15 =	vld [tilespmem:s28+$0xFFFFFF80];
	v14 =	vsel vm0, v7, v8;
	v18 =	vsel vm0, v2, v3;
	v7 =	vsel vm0, v8, v7  }
0x2aa: {  	v4 =	vld [tilespmem:s26+$0xFFFFFFE0];
	v2 =	vsel vm0, v3, v2;
	vm0 =	vge.f32 v11, v20;
	vm2 =	vge.f32 v12, v19  }
0x2ab: {  	v5 =	vld [tilespmem:s26+$0xFFFFFF80];
	vm3 =	vge.f32 v6, v16;
	(xrf1) =	vsort.ascd.msk.f32 $0xffff, v10, v13;
	v10 =	vperm.xlane v21, v1  }
0x2ac: {  	v13 =	vld [tilespmem:s26+$0xFFFFFF90];
	v8 =	vsel vm0, v11, v20;
	v11 =	vsel vm2, v12, v19;
	v6 =	vsel vm3, v6, v16  }
0x2ad: {  	v16 =	vperm.xlane v17, v1;
	(xrf1) =	vsort.ascd.msk.f32 $0xffff, v14, v18;
	v14 =	vld [tilespmem:s26+$0xFFFFFFB0];
	s26 =	simm.s32 $0x6380;
	v9 =	vperm.xlane v9, v1  }
0x2ae: {  	vm5 =	vle.f32 v8, v6;
	vm1 =	vge.f32 v15, v10;
	(xrf1) =	vsort.ascd.msk.f32 $0xffff, v7, v2;
	v7 =	vld [tilespmem:s26+$0x40]  }
0x2af: {  	v4 =	vperm.xlane v4, v1;
	v12 =	vld [tilespmem:s26+$0x60];
	v19 =	vsel vm5, v8, v6;
	v2 =	vsel vm1, v15, v10  }
0x2b0: {  	v17 =	vld [tilespmem:s26+$0x70];
	v6 =	vsel vm5, v6, v8;
	v15 =	vperm.xlane v24, v1;
	vm4 =	vle.f32 v2, v11  }
0x2b1: {  	v8 =	vld [tilespmem:s0+$0x10];
	v5 =	vsel vm1, v5, v9;
	v18 =	vsel vm4, v2, v11;
	v2 =	vsel vm4, v11, v2  }
0x2b2: {  	v10 =	vld [tilespmem:s26+$0x50];
	v4 =	vsel vm0, v13, v4;
	v9 =	vsel vm2, v50, v15;
	v13 =	vsel vm3, v14, v16  }
0x2b3: {  	v11 =	vld [tilespmem:s0+$0x0];
	vm0 =	vle.f32 v18, v19;
	v15 =	vsel vm4, v5, v9;
	v16 =	vsel vm5, v4, v13  }
0x2b4: {  	v14 =	vld [tilespmem:s0+$0x40];
	vm1 =	vle.f32 v2, v6;
	v52 =	vsel vm0, v18, v19;
	v53 =	vsel vm0, v15, v16  }
0x2b5: {  	v5 =	vsel vm4, v9, v5;
	v9 =	vld [tilespmem:s0+$0x50];
	v4 =	vsel vm5, v13, v4;
	(xrf1) =	vsort.ascd.msk.f32 $0xffff, v52, v53  }
0x2b6: {  	v13 =	vsel vm0, v19, v18;
	v18 =	vld [tilespmem:s0+$0x20];
	v12 =	vperm.xlane v12, v1;
	v15 =	vsel vm0, v16, v15  }
0x2b7: {  	v19 =	vsel vm1, v5, v4;
	v4 =	vsel vm1, v4, v5;
	v5 =	vld [tilespmem:s26+$0x10];
	(xrf1) =	vsort.ascd.msk.f32 $0xffff, v13, v15  }
0x2b8: {  	v7 =	vperm.xlane v7, v1;
	v16 =	vsel vm1, v2, v6;
	v2 =	vsel vm1, v6, v2;
	v6 =	vld [tilespmem:s0+$0x30]  }
0x2b9: {  	v3 =	vld [tilespmem:s26+$0x0];
	v13 =	vperm.xlane v17, v1;
	v17 =	vperm.xlane v51, v1;
	(xrf1) =	vsort.ascd.msk.f32 $0xffff, v16, v19  }
0x2ba: {  	v55 =	vld [tilespmem:s26+$0x30];
	v16 =	vperm.xlane v54, v1;
	(xrf1) =	vsort.ascd.msk.f32 $0xffff, v2, v4;
	v4 =	vperm.xlane v9, v1  }
0x2bb: {  	s1 =	simm.s32 $0x18A0;
	v10 =	vperm.xlane v10, v1;
	v2 =	vld [tilespmem:s26+$0x20];
	v9 =	vperm.xlane v14, v1;
	vm1 =	vge.f32 v8, v17;
	v14, v19, _ =	vpop (xrf1)  }
0x2bc: {  	s3 =	simm.s32 $0x3120;
	s25 =	simm.s32 $0x40;
	v15 =	vld [tilespmem:s0+$0xFFFFFFC0];
	vm0 =	vge.f32 v11, v16;
	v12 =	vsel vm1, v5, v12;
	v8 =	vsel vm1, v8, v17;
	[tilespmem:s1+$0x20] =	vst v14  }
0x2bd: {  	s29 =	sor.u32 $0x50, s25;
	v17 =	vld [tilespmem:s0+$0xFFFFFF90];
	vm2 =	vge.f32 v18, v4;
	vm3 =	vge.f32 v6, v9;
	v21, v22, _ =	vpop (xrf1);
	v11 =	vsel vm0, v11, v16;
	[tilespmem:s3+$0x20] =	vst v19  }
0x2be: {  	v14 =	vld [tilespmem:s0+$0xFFFFFFD0];
	v13 =	vsel vm0, v3, v13;
	v5 =	vsel vm2, v18, v4;
	v6 =	vsel vm3, v6, v9;
	[tilespmem:s29+$0x1880] =	vst v21  }
0x2bf: {  	s30 =	sor.u32 $0x60, s25;
	v16 =	vld [tilespmem:s0+$0xFFFFFFF0];
	v7 =	vsel vm3, v55, v7;
	[tilespmem:s29+$0x3100] =	vst v22;
	vm0 =	vle.f32 v11, v5;
	vm1 =	vle.f32 v8, v6;
	v3, v4, _ =	vpop (xrf1)  }
0x2c0: {  	v19 =	vld [tilespmem:s0+$0xFFFFFFE0];
	v9 =	vsel vm2, v2, v10;
	v10 =	vsel vm0, v11, v5;
	v18 =	vsel vm1, v8, v6;
	[tilespmem:s30+$0x1880] =	vst v3  }
0x2c1: {  	s31 =	sor.u32 $0x70, s25;
	v2 =	vld [tilespmem:s0+$0xFFFFFFA0];
	v58 =	vsel vm1, v12, v7;
	[tilespmem:s30+$0x3100] =	vst v4;
	v4, v56, _ =	vpop (xrf1);
	v57 =	vsel vm0, v13, v9;
	vm2 =	vle.f32 v10, v18  }
0x2c2: {  	v11 =	vsel vm0, v5, v11;
	v5 =	vld [tilespmem:s26+$0xFFFFFFD0];
	[tilespmem:s31+$0x3100] =	vst v56;
	v60 =	vsel vm2, v10, v18;
	v61 =	vsel vm2, v57, v58  }
0x2c3: {  	v8 =	vsel vm1, v6, v8;
	v6 =	vld [tilespmem:s26+$0xFFFFFFE0];
	v25 =	vsel vm0, v9, v13;
	[tilespmem:s31+$0x1880] =	vst v4;
	(xrf1) =	vsort.ascd.msk.f32 $0xffff, v60, v61;
	v9, v13, _ =	vpop (xrf1)  }
0x2c4: {  	v12 =	vsel vm1, v7, v12;
	v7 =	vld [tilespmem:s26+$0xFFFFFF80];
	v10 =	vsel vm2, v18, v10;
	v18 =	vsel vm2, v58, v57;
	[tilespmem:s1+$0xFFFFFFE0] =	vst v9  }
0x2c5: {  	v3 =	vld [tilespmem:s0+$0xFFFFFFB0];
	vm1 =	vle.f32 v11, v8;
	v16 =	vperm.xlane v16, v1;
	(xrf1) =	vsort.ascd.msk.f32 $0xffff, v10, v18;
	v9, v62, _ =	vpop (xrf1);
	[tilespmem:s3+$0xFFFFFFE0] =	vst v13  }
0x2c6: {  	v63 =	vsel vm1, v25, v12;
	v12 =	vsel vm1, v12, v25;
	v10 =	vld [tilespmem:s26+$0xFFFFFFF0];
	v18 =	vsel vm1, v11, v8;
	[tilespmem:s1+$0xFFFFFFF0] =	vst v9  }
0x2c7: {  	v4 =	vld [tilespmem:s26+$0xFFFFFFC0];
	v19 =	vperm.xlane v19, v1;
	vm0 =	vge.f32 v59, v16;
	(xrf1) =	vsort.ascd.msk.f32 $0xffff, v18, v63;
	v23, v24, _ =	vpop (xrf1);
	[tilespmem:s3+$0xFFFFFFF0] =	vst v62  }
0x2c8: {  	v13 =	vperm.xlane v14, v1;
	v14 =	vperm.xlane v15, v1;
	v15 =	vsel vm1, v8, v11;
	v11 =	vld [tilespmem:s26+$0xFFFFFFA0];
	[tilespmem:s1+$0x0] =	vst v23  }
0x2c9: {  	vm2 =	vge.f32 v17, v19;
	v16 =	vsel vm0, v59, v16;
	v9 =	vld [tilespmem:s26+$0xFFFFFF90];
	v18, v8, _ =	vpop (xrf1);
	(xrf1) =	vsort.ascd.msk.f32 $0xffff, v15, v12;
	[tilespmem:s3+$0x0] =	vst v24  }
0x2ca: {  	s2 =	simm.s32 $0x2;
	v12 =	vld [tilespmem:s26+$0xFFFFFFB0];
	v15 =	vsel vm2, v17, v19;
	s26 =	simm.s32 $0x6480;
	vm1 =	vge.f32 v2, v13;
	vm3 =	vge.f32 v3, v14;
	[tilespmem:s1+$0x10] =	vst v18  }
.LBB2_10:
0x2cb: {  	v17 =	vld [tilespmem:s26+$0x0];
	v10 =	vperm.xlane v10, v1;
	v2 =	vsel vm1, v2, v13;
	v3 =	vsel vm3, v3, v14;
	[tilespmem:s3+$0x10] =	vst v8  }
0x2cc: {  	v6 =	vperm.xlane v6, v1;
	v5 =	vperm.xlane v5, v1;
	v8 =	vld [tilespmem:s26+$0x40];
	vm4 =	vle.f32 v16, v2  }
0x2cd: {  	v4 =	vperm.xlane v4, v1;
	vm5 =	vle.f32 v15, v3;
	v13 =	vld [tilespmem:s26+$0x50];
	v14 =	vsel vm4, v16, v2  }
0x2ce: {  	v2 =	vsel vm4, v2, v16;
	v16 =	vsel vm5, v15, v3;
	v3 =	vsel vm5, v3, v15;
	v18 =	vld [tilespmem:s26+$0x60]  }
0x2cf: {  	s0 =	sadd.s32 $0x100, s0;
	v7 =	vsel vm0, v7, v10;
	v6 =	vsel vm2, v9, v6;
	v5 =	vsel vm1, v11, v5;
	v15 =	vld [tilespmem:s26+$0x70]  }
0x2d0: {  	vm0 =	vle.f32 v14, v16;
	vm1 =	vle.f32 v2, v3;
	v4 =	vsel vm3, v12, v4;
	v9 =	vld [tilespmem:s0+$0x0]  }
0x2d1: {  	s1 =	sadd.s32 $0x80, s1;
	v11 =	vsel vm4, v7, v5;
	v5 =	vsel vm4, v5, v7;
	v7 =	vsel vm5, v6, v4;
	v10 =	vld [tilespmem:s0+$0x10];
	v12, v19, _ =	vpop (xrf1)  }
0x2d2: {  	s3 =	sadd.s32 $0x80, s3;
	s25 =	sadd.s32 $0x80, s25;
	v24 =	vsel vm0, v14, v16;
	v4 =	vsel vm5, v4, v6;
	v21 =	vsel vm0, v11, v7;
	v20 =	vld [tilespmem:s0+$0x40];
	[tilespmem:s1+$0x20] =	vst v12  }
0x2d3: {  	s16 =	sor.u32 $0x50, s25;
	v14 =	vsel vm0, v16, v14;
	v7 =	vsel vm0, v7, v11;
	v11 =	vsel vm1, v2, v3;
	v12 =	vld [tilespmem:s0+$0x60];
	[tilespmem:s3+$0x20] =	vst v19;
	v16, v19, _ =	vpop (xrf1)  }
0x2d4: {  	v23 =	vsel vm1, v5, v4;
	v2 =	vsel vm1, v3, v2;
	v3 =	vsel vm1, v4, v5;
	v22 =	vld [tilespmem:s0+$0x70];
	[tilespmem:s16+$0x1880] =	vst v16  }
0x2d5: {  	v4 =	vld [tilespmem:s0+$0x50];
	[tilespmem:s16+$0x3100] =	vst v19;
	s16 =	sor.u32 $0x60, s25;
	(xrf1) =	vsort.ascd.msk.f32 $0xffff, v24, v21;
	v5, v6, _ =	vpop (xrf1)  }
0x2d6: {  	v16 =	vld [tilespmem:s0+$0x20];
	[tilespmem:s16+$0x1880] =	vst v5;
	(xrf1) =	vsort.ascd.msk.f32 $0xffff, v14, v7  }
0x2d7: {  	v5 =	vld [tilespmem:s0+$0x30];
	[tilespmem:s16+$0x3100] =	vst v6;
	s16 =	sor.u32 $0x70, s25;
	(xrf1) =	vsort.ascd.msk.f32 $0xffff, v11, v23;
	v6, v7, _ =	vpop (xrf1)  }
0x2d8: {  	v14 =	vperm.xlane v15, v1;
	v15 =	vperm.xlane v18, v1;
	v11 =	vld [tilespmem:s26+$0x10];
	[tilespmem:s16+$0x3100] =	vst v7;
	(xrf1) =	vsort.ascd.msk.f32 $0xffff, v2, v3  }
0x2d9: {  	v3 =	vperm.xlane v12, v1;
	v18 =	vld [tilespmem:s0+$0xFFFFFFC0];
	v2 =	vperm.xlane v22, v1;
	[tilespmem:s16+$0x1880] =	vst v6  }
0x2da: {  	v7 =	vperm.xlane v20, v1;
	v6 =	vld [tilespmem:s26+$0x20];
	v4 =	vperm.xlane v4, v1  }
0x2db: {  	v8 =	vperm.xlane v8, v1;
	v13 =	vperm.xlane v13, v1;
	v12 =	vld [tilespmem:s26+$0x30];
	vm0 =	vge.f32 v9, v2  }
0x2dc: {  	s2 =	sadd.s32 $0x2, s2;
	vm1 =	vge.f32 v10, v3;
	v19 =	vld [tilespmem:s0+$0xFFFFFFD0];
	vm2 =	vge.f32 v16, v4;
	vm3 =	vge.f32 v5, v7  }
0x2dd: {  	p1 =	slt.u32 s2, $0x4;
	v9 =	vsel vm0, v9, v2;
	v14 =	vsel vm0, v17, v14;
	v20 =	vld [tilespmem:s0+$0xFFFFFFE0];
	v11 =	vsel vm1, v11, v15  }
0x2de: {  	v10 =	vsel vm1, v10, v3;
	v16 =	vsel vm2, v16, v4;
	v7 =	vsel vm3, v5, v7;
	v15 =	vld [tilespmem:s0+$0xFFFFFFF0]  }
0x2df: {  	vm0 =	vle.f32 v9, v16;
	vm1 =	vle.f32 v10, v7;
	v17 =	vld [tilespmem:s0+$0xFFFFFF90];
	v5 =	vsel vm2, v6, v13  }
0x2e0: {  	v6 =	vsel vm0, v9, v16;
	v2 =	vld [tilespmem:s0+$0xFFFFFFA0];
	v8 =	vsel vm3, v12, v8;
	v12 =	vsel vm1, v10, v7  }
0x2e1: {  	v13 =	vsel vm0, v14, v5;
	v3 =	vld [tilespmem:s0+$0xFFFFFFB0];
	v21 =	vsel vm1, v11, v8;
	vm2 =	vle.f32 v6, v12  }
0x2e2: {  	v22 =	vld [tilespmem:s0+$0xFFFFFF80];
	v20 =	vperm.xlane v20, v1;
	v23 =	vsel vm2, v6, v12;
	v26 =	vsel vm2, v13, v21  }
0x2e3: {  	v16 =	vsel vm0, v16, v9;
	v25 =	vsel vm0, v5, v14;
	v4 =	vld [tilespmem:s26+$0xFFFFFFC0];
	(xrf1) =	vsort.ascd.msk.f32 $0xffff, v23, v26;
	v9, v14, _ =	vpop (xrf1)  }
0x2e4: {  	v23 =	vsel vm1, v7, v10;
	v7 =	vsel vm2, v12, v6;
	v10 =	vsel vm2, v21, v13;
	v5 =	vld [tilespmem:s26+$0xFFFFFFD0];
	[tilespmem:s1+$0xFFFFFFE0] =	vst v9;
	v9, v12, _ =	vpop (xrf1)  }
0x2e5: {  	v11 =	vsel vm1, v8, v11;
	vm1 =	vle.f32 v16, v23;
	v6 =	vld [tilespmem:s26+$0xFFFFFFE0];
	(xrf1) =	vsort.ascd.msk.f32 $0xffff, v7, v10;
	[tilespmem:s3+$0xFFFFFFE0] =	vst v14;
	v21, v24, _ =	vpop (xrf1)  }
.Ltmp6:
0x2e6: {  	v15 =	vperm.xlane v15, v1;
	v26 =	vsel vm1, v16, v23;
	v27 =	vsel vm1, v25, v11;
	v10 =	vld [tilespmem:s26+$0xFFFFFFF0];
	[tilespmem:s1+$0xFFFFFFF0] =	vst v9;
	v28, v8, _ =	vpop (xrf1);
	(pc) =	sbr.rel @p1 .LBB2_10-.Ltmp6, $4  }
0x2e7: {  	v13 =	vperm.xlane v19, v1;
	v14 =	vperm.xlane v18, v1;
	v7 =	vld [tilespmem:s26+$0xFFFFFF80];
	(xrf1) =	vsort.ascd.msk.f32 $0xffff, v26, v27;
	[tilespmem:s3+$0xFFFFFFF0] =	vst v12  }
0x2e8: {  	vm0 =	vge.f32 v22, v15;
	v12 =	vsel vm1, v23, v16;
	v16 =	vsel vm1, v11, v25;
	v9 =	vld [tilespmem:s26+$0xFFFFFF90];
	[tilespmem:s1+$0x0] =	vst v21  }
0x2e9: {  	vm2 =	vge.f32 v17, v20;
	vm1 =	vge.f32 v2, v13;
	v11 =	vld [tilespmem:s26+$0xFFFFFFA0];
	(xrf1) =	vsort.ascd.msk.f32 $0xffff, v12, v16;
	[tilespmem:s3+$0x0] =	vst v24  }
0x2ea: {  	vm3 =	vge.f32 v3, v14;
	v16 =	vsel vm0, v22, v15;
	v15 =	vsel vm2, v17, v20;
	v12 =	vld [tilespmem:s26+$0xFFFFFFB0];
	s26 =	sadd.s32 $0x100, s26;
	[tilespmem:s1+$0x10] =	vst v28  }
0x2eb: {  	v10 =	vperm.xlane v10, v1;
	v2 =	vsel vm1, v2, v13  }
0x2ec: {  	v3 =	vsel vm3, v3, v14;
	v6 =	vperm.xlane v6, v1;
	v5 =	vperm.xlane v5, v1  }
0x2ed: {  	v4 =	vperm.xlane v4, v1;
	vm4 =	vle.f32 v16, v2;
	vm5 =	vle.f32 v15, v3  }
0x2ee: {  	v13 =	vsel vm4, v16, v2;
	v14 =	vsel vm5, v15, v3;
	v7 =	vsel vm0, v7, v10  }
0x2ef: {  	v6 =	vsel vm2, v9, v6;
	v5 =	vsel vm1, v11, v5;
	v4 =	vsel vm3, v12, v4  }
0x2f0: {  	vm14 =	vle.f32 v13, v14;
	v44 =	vsel vm4, v7, v5;
	v45 =	vsel vm5, v6, v4  }
0x2f1: {  	v46 =	vsel vm14, v13, v14;
	v47 =	vsel vm14, v44, v45  }
0x2f2: {  	v2 =	vsel vm4, v2, v16;
	v3 =	vsel vm5, v3, v15;
	(xrf1) =	vsort.ascd.msk.f32 $0xffff, v46, v47  }
0x2f3: {  	vm15 =	vle.f32 v2, v3;
	v48 =	vsel vm14, v14, v13;
	v9 =	vsel vm14, v45, v44  }
0x2f4: {  	v5 =	vsel vm4, v5, v7;
	v4 =	vsel vm5, v4, v6;
	(xrf1) =	vsort.ascd.msk.f32 $0xffff, v48, v9  }
0x2f5: {  	v49 =	vsel vm15, v2, v3;
	v7 =	vsel vm15, v5, v4  }
0x2f6: {  	v2 =	vsel vm15, v3, v2;
	v3 =	vsel vm15, v4, v5;
	(xrf1) =	vsort.ascd.msk.f32 $0xffff, v49, v7;
	_ =	sdelay $0x1  }
0x2f7: {  	[tilespmem:s3+$0x10] =	vst v8;
	s0 =	sadd.s32 $0x80, s1;
	v4, v5, _ =	vpop (xrf1);
	(xrf1) =	vsort.ascd.msk.f32 $0xffff, v2, v3  }
0x2f8: {  	s29 =	sadd.s32 $0x80, s3;
	s2 =	sadd.s32 $0x80, s25;
	[tilespmem:s0+$0x20] =	vst v4  }
0x2f9: {  	s30 =	sor.u32 $0x50, s2;
	[tilespmem:s29+$0x20] =	vst v5;
	v2, v3, _ =	vpop (xrf1)  }
0x2fa: {  	[tilespmem:s30+$0x1880] =	vst v2  }
0x2fb: {  	s31 =	sor.u32 $0x60, s2;
	[tilespmem:s30+$0x3100] =	vst v3;
	v2, v3, _ =	vpop (xrf1)  }
0x2fc: {  	[tilespmem:s31+$0x1880] =	vst v2  }
0x2fd: {  	s2 =	sor.u32 $0x70, s2;
	[tilespmem:s31+$0x3100] =	vst v3;
	v2, v3, _ =	vpop (xrf1)  }
0x2fe: {  	[tilespmem:s2+$0x3100] =	vst v3  }
0x2ff: {  	[tilespmem:s2+$0x1880] =	vst v2;
	v2, v3, _ =	vpop (xrf1)  }
0x300: {  	[tilespmem:s0+$0xFFFFFFE0] =	vst v2  }
0x301: {  	v2, v50, _ =	vpop (xrf1);
	[tilespmem:s29+$0xFFFFFFE0] =	vst v3  }
0x302: {  	[tilespmem:s0+$0xFFFFFFF0] =	vst v2  }
0x303: {  	v2, v3, _ =	vpop (xrf1);
	[tilespmem:s29+$0xFFFFFFF0] =	vst v50  }
0x304: {  	[tilespmem:s0+$0x0] =	vst v2  }
0x305: {  	v2, v51, _ =	vpop (xrf1);
	[tilespmem:s29+$0x0] =	vst v3  }
0x306: {  	[tilespmem:s0+$0x10] =	vst v2  }
0x307: {  	[tilespmem:s29+$0x10] =	vst v51  }
0x308: {  	v8 =	vld [tilespmem:$0x4C80]  }
0x309: {  	v7 =	vld [tilespmem:$0x6500]  }
0x30a: {  	v6 =	vld [tilespmem:$0x4C90]  }
0x30b: {  	v5 =	vld [tilespmem:$0x6510]  }
0x30c: {  	v52 =	vld [tilespmem:$0x1880]  }
0x30d: {  	v53 =	vld [tilespmem:$0x1890]  }
0x30e: {  	v54 =	vld [tilespmem:$0x18A0]  }
0x30f: {  	v55 =	vld [tilespmem:$0x18B0]  }
0x310: {  	v56 =	vld [tilespmem:$0x3100]  }
0x311: {  	v57 =	vld [tilespmem:$0x3110]  }
0x312: {  	v58 =	vld [tilespmem:$0x3120]  }
0x313: {  	v59 =	vld [tilespmem:$0x18C0]  }
0x314: {  	v17 =	vld [tilespmem:$0x18D0]  }
0x315: {  	v18 =	vld [tilespmem:$0x18E0]  }
0x316: {  	v19 =	vld [tilespmem:$0x18F0]  }
0x317: {  	v20 =	vld [tilespmem:$0x3150]  }
0x318: {  	v21 =	vld [tilespmem:$0x3170]  }
0x319: {  	v22 =	vld [tilespmem:$0x3160]  }
0x31a: {  	v23 =	vld [tilespmem:$0x3140]  }
0x31b: {  	v24 =	vld [tilespmem:$0x3130]  }
0x31c: {  	v35 =	vld [tilespmem:$0x1960]  }
0x31d: {  	v38 =	vld [tilespmem:$0x1970]  }
0x31e: {  	v43 =	vld [tilespmem:$0x31F0];
	v19 =	vperm.xlane v19, v1  }
0x31f: {  	v25 =	vld [tilespmem:$0x1900];
	v18 =	vperm.xlane v18, v1;
	v17 =	vperm.xlane v17, v1  }
0x320: {  	v26 =	vld [tilespmem:$0x1910];
	v16 =	vperm.xlane v59, v1;
	v21 =	vperm.xlane v21, v1  }
0x321: {  	v62 =	vld [tilespmem:$0x1940];
	v22 =	vperm.xlane v22, v1;
	v20 =	vperm.xlane v20, v1  }
0x322: {  	v63 =	vld [tilespmem:$0x1950];
	v23 =	vperm.xlane v23, v1;
	v48 =	vperm.xlane v38, v1  }
0x323: {  	v28 =	vld [tilespmem:$0x31C0];
	v49 =	vperm.xlane v35, v1;
	v51 =	vperm.xlane v43, v1;
	vm4 =	vge.f32 v52, v19  }
0x324: {  	v42 =	vld [tilespmem:$0x31E0];
	vm5 =	vge.f32 v53, v18;
	vm6 =	vge.f32 v54, v17;
	vm7 =	vge.f32 v55, v16  }
0x325: {  	v4 =	vld [tilespmem:$0x4CA0];
	vm12 =	vge.f32 v25, v48;
	vm13 =	vge.f32 v26, v49;
	v9 =	vsel vm4, v52, v19  }
0x326: {  	v27 =	vld [tilespmem:$0x1920];
	v13 =	vsel vm4, v56, v21;
	v10 =	vsel vm5, v53, v18;
	v14 =	vsel vm5, v57, v22  }
0x327: {  	v60 =	vld [tilespmem:$0x1930];
	v11 =	vsel vm6, v54, v17;
	v15 =	vsel vm6, v58, v20;
	v12 =	vsel vm7, v55, v16  }
0x328: {  	v61 =	vld [tilespmem:$0x3180];
	v33 =	vsel vm7, v24, v23;
	v16 =	vperm.xlane v63, v1;
	v17 =	vperm.xlane v62, v1  }
0x329: {  	v59 =	vld [tilespmem:$0x19D0];
	v52 =	vperm.xlane v42, v1;
	v53 =	vperm.xlane v28, v1;
	vm8 =	vle.f32 v9, v11  }
0x32a: {  	v50 =	vld [tilespmem:$0x31B0];
	vm9 =	vle.f32 v10, v12;
	v34 =	vsel vm8, v9, v11;
	v36 =	vsel vm8, v13, v15  }
0x32b: {  	v45 =	vld [tilespmem:$0x31D0];
	v9 =	vsel vm8, v11, v9;
	v37 =	vsel vm9, v10, v12;
	v13 =	vsel vm8, v15, v13  }
0x32c: {  	v46 =	vld [tilespmem:$0x3190];
	v39 =	vsel vm9, v14, v33;
	v10 =	vsel vm9, v12, v10;
	v40 =	vsel vm9, v33, v14  }
0x32d: {  	v47 =	vld [tilespmem:$0x31A0];
	v14 =	vsel vm12, v25, v48;
	vm14 =	vge.f32 v27, v16;
	vm15 =	vge.f32 v60, v17  }
0x32e: {  	v32 =	vld [tilespmem:$0x19F0];
	v48 =	vperm.xlane v59, v1;
	vm10 =	vle.f32 v34, v37;
	vm11 =	vle.f32 v9, v10  }
0x32f: {  	v42 =	vld [tilespmem:$0x3250];
	v16 =	vsel vm14, v27, v16;
	v17 =	vsel vm15, v60, v17;
	v58 =	vsel vm15, v50, v53  }
0x330: {  	v55 =	vld [tilespmem:$0x19A0];
	v41 =	vsel vm10, v34, v37;
	v29 =	vsel vm10, v36, v39;
	v11 =	vsel vm10, v37, v34  }
0x331: {  	v57 =	vld [tilespmem:$0x19C0];
	v15 =	vsel vm10, v39, v36;
	v44 =	vsel vm11, v9, v10;
	v9 =	vsel vm11, v10, v9  }
0x332: {  	v20 =	vld [tilespmem:$0x1980];
	v30 =	vsel vm11, v13, v40;
	v12 =	vsel vm11, v40, v13;
	v10 =	vperm.xlane v45, v1  }
0x333: {  	v56 =	vld [tilespmem:$0x19B0];
	vm4 =	vle.f32 v14, v16;
	v45 =	vperm.xlane v32, v1;
	(xrf1) =	vsort.ascd.msk.f32 $0xffff, v41, v29  }
0x334: {  	v62 =	vld [tilespmem:$0x19E0];
	v60 =	vsel vm4, v14, v16;
	v14 =	vsel vm4, v16, v14;
	v19 =	vperm.xlane v42, v1  }
0x335: {  	v3 =	vld [tilespmem:$0x6520];
	vm10 =	vge.f32 v55, v48;
	(xrf1) =	vsort.ascd.msk.f32 $0xffff, v11, v15;
	v15 =	vsel vm13, v26, v49  }
0x336: {  	v34 =	vld [tilespmem:$0x3240];
	v10 =	vsel vm14, v47, v10;
	v11 =	vperm.xlane v57, v1;
	(xrf1) =	vsort.ascd.msk.f32 $0xffff, v44, v30  }
0x337: {  	v39 =	vld [tilespmem:$0x3270];
	vm8 =	vge.f32 v20, v45;
	vm5 =	vle.f32 v15, v17;
	(xrf1) =	vsort.ascd.msk.f32 $0xffff, v9, v12  }
0x338: {  	v37 =	vld [tilespmem:$0x3260];
	v9 =	vsel vm12, v61, v51;
	v12 =	vsel vm13, v46, v52;
	v63 =	vsel vm5, v15, v17  }
0x339: {  	v2 =	vld [tilespmem:$0x4CB0];
	v15 =	vsel vm5, v17, v15;
	v46 =	vperm.xlane v62, v1;
	vm11 =	vge.f32 v56, v11  }
0x33a: {  	v43 =	vld [tilespmem:$0x3200];
	v61 =	vsel vm4, v9, v10;
	v9 =	vsel vm4, v10, v9;
	v33 =	vsel vm5, v12, v58  }
0x33b: {  	[tilespmem:$0x3280] =	vst v7;
	v54 =	vld [tilespmem:$0x1990];
	vm6 =	vle.f32 v60, v63;
	v12 =	vsel vm5, v58, v12;
	vm7 =	vle.f32 v14, v15  }
0x33c: {  	[tilespmem:$0x1A10] =	vst v6;
	v6 =	vld [tilespmem:$0x3280];
	v50 =	vperm.xlane v39, v1;
	v35 =	vsel vm6, v60, v63;
	v36 =	vsel vm6, v61, v33  }
0x33d: {  	v47 =	vld [tilespmem:$0x3220];
	v51 =	vperm.xlane v37, v1;
	v17 =	vperm.xlane v34, v1;
	(xrf1) =	vsort.ascd.msk.f32 $0xffff, v35, v36  }
0x33e: {  	v44 =	vld [tilespmem:$0x3210];
	v10 =	vsel vm6, v63, v60;
	v38 =	vsel vm6, v33, v61;
	v40 =	vsel vm7, v14, v15  }
0x33f: {  	[tilespmem:$0x1A00] =	vst v8;
	v49 =	vld [tilespmem:$0x3230];
	v41 =	vsel vm7, v9, v12;
	v14 =	vsel vm7, v15, v14;
	(xrf1) =	vsort.ascd.msk.f32 $0xffff, v10, v38  }
0x340: {  	[tilespmem:$0x3290] =	vst v5;
	v52 =	vld [tilespmem:$0x6530];
	v9 =	vsel vm7, v12, v9;
	v15 =	vsel vm8, v20, v45;
	vm9 =	vge.f32 v54, v46  }
0x341: {  	[tilespmem:$0x1A20] =	vst v4;
	v53 =	vsel vm8, v43, v50;
	v16 =	vsel vm9, v54, v46;
	(xrf1) =	vsort.ascd.msk.f32 $0xffff, v40, v41  }
0x342: {  	[tilespmem:$0x32A0] =	vst v3;
	v54 =	vsel vm10, v47, v19;
	v10 =	vld [tilespmem:$0x1A00];
	(xrf1) =	vsort.ascd.msk.f32 $0xffff, v14, v9;
	v14 =	vsel vm10, v55, v48  }
0x343: {  	[tilespmem:$0x1A30] =	vst v2;
	v12 =	vsel vm9, v44, v51;
	v9 =	vld [tilespmem:$0x1A10];
	v55 =	vsel vm11, v56, v11;
	vm12 =	vle.f32 v15, v14  }
0x344: {  	[tilespmem:$0x62C0] =	vst v6;
	v56 =	vsel vm11, v49, v17;
	v17 =	vld [tilespmem:$0x3290];
	vm13 =	vle.f32 v16, v55;
	v57 =	vsel vm12, v15, v14  }
0x345: {  	[tilespmem:$0x32B0] =	vst v52;
	v3 =	vsel vm12, v53, v54;
	v14 =	vsel vm12, v14, v15;
	v15 =	vld [tilespmem:$0x1A20];
	v59 =	vsel vm13, v16, v55;
	v2, v58, _ =	vpop (xrf1)  }
0x346: {  	v60 =	vsel vm13, v12, v56;
	v11 =	vsel vm13, v56, v12;
	v12 =	vld [tilespmem:$0x1A30];
	vm14 =	vle.f32 v57, v59;
	[tilespmem:$0x4980] =	vst v2  }
0x347: {  	v5 =	vsel vm12, v54, v53;
	v29 =	vsel vm14, v57, v59;
	v30 =	vsel vm14, v3, v60;
	v62, v61, _ =	vpop (xrf1);
	[tilespmem:$0x6200] =	vst v58;
	v33 =	vld [tilespmem:$0x4980]  }
0x348: {  	v7 =	vsel vm14, v59, v57;
	v3 =	vsel vm14, v60, v3;
	(xrf1) =	vsort.ascd.msk.f32 $0xffff, v29, v30;
	[tilespmem:$0x4990] =	vst v62;
	v53 =	vld [tilespmem:$0x6200]  }
0x349: {  	v28, v63, _ =	vpop (xrf1);
	(xrf1) =	vsort.ascd.msk.f32 $0xffff, v7, v3;
	[tilespmem:$0x6210] =	vst v61;
	v3 =	vld [tilespmem:$0x4990]  }
0x34a: {  	v4 =	vsel vm13, v55, v16;
	v32, v31, _ =	vpop (xrf1);
	[tilespmem:$0x49A0] =	vst v28;
	v55 =	vld [tilespmem:$0x6210]  }
0x34b: {  	v40 =	vld [tilespmem:$0x49A0];
	[tilespmem:$0x49B0] =	vst v32;
	v35, v34, _ =	vpop (xrf1)  }
0x34c: {  	v54 =	vld [tilespmem:$0x49B0];
	[tilespmem:$0x49C0] =	vst v35  }
0x34d: {  	v39, v38, _ =	vpop (xrf1);
	[tilespmem:$0x6240] =	vst v34;
	v43 =	vld [tilespmem:$0x49C0]  }
0x34e: {  	[tilespmem:$0x49D0] =	vst v39;
	v49 =	vld [tilespmem:$0x6240]  }
0x34f: {  	v42, v41, _ =	vpop (xrf1);
	[tilespmem:$0x6250] =	vst v38;
	v46 =	vld [tilespmem:$0x49D0]  }
0x350: {  	[tilespmem:$0x49E0] =	vst v42;
	v52 =	vld [tilespmem:$0x6250]  }
0x351: {  	vm15 =	vle.f32 v14, v4;
	v45, v44, _ =	vpop (xrf1);
	[tilespmem:$0x6260] =	vst v41;
	v47 =	vld [tilespmem:$0x49E0]  }
0x352: {  	v36 =	vsel vm15, v14, v4;
	v37 =	vsel vm15, v5, v11;
	[tilespmem:$0x49F0] =	vst v45;
	v50 =	vld [tilespmem:$0x6260]  }
0x353: {  	v4 =	vsel vm15, v4, v14;
	v5 =	vsel vm15, v11, v5;
	(xrf1) =	vsort.ascd.msk.f32 $0xffff, v36, v37;
	[tilespmem:$0x6270] =	vst v44;
	v48 =	vld [tilespmem:$0x49F0]  }
0x354: {  	[tilespmem:$0x6230] =	vst v31;
	(xrf1) =	vsort.ascd.msk.f32 $0xffff, v4, v5;
	v51 =	vld [tilespmem:$0x6270]  }
0x355: {  	[tilespmem:$0x6220] =	vst v63;
	v61 =	vld [tilespmem:$0x6230];
	v4 =	vperm.xlane v43, v1  }
0x356: {  	[tilespmem:$0x4A50] =	vst v9;
	v58 =	vld [tilespmem:$0x6220];
	v16 =	vperm.xlane v49, v1;
	v14 =	vperm.xlane v46, v1  }
0x357: {  	[tilespmem:$0x4A60] =	vst v15;
	v43 =	vld [tilespmem:$0x4A50];
	v18 =	vperm.xlane v52, v1;
	v5 =	vperm.xlane v47, v1  }
0x358: {  	[tilespmem:$0x4A40] =	vst v10;
	v46 =	vld [tilespmem:$0x4A60];
	v7 =	vperm.xlane v50, v1;
	vm7 =	vge.f32 v54, v4;
	v19 =	vperm.xlane v48, v1  }
0x359: {  	v20 =	vld [tilespmem:$0x32A0];
	[tilespmem:$0x62D0] =	vst v17;
	v23 =	vperm.xlane v51, v1;
	vm6 =	vge.f32 v40, v14;
	v4 =	vsel vm7, v54, v4  }
0x35a: {  	[tilespmem:$0x4A70] =	vst v12;
	v56, v57, _ =	vpop (xrf1);
	v50 =	vld [tilespmem:$0x62C0];
	v38 =	vsel vm7, v61, v16;
	vm5 =	vge.f32 v3, v5;
	v11 =	vsel vm6, v40, v14  }
0x35b: {  	v59, v60, _ =	vpop (xrf1);
	[tilespmem:$0x4A00] =	vst v56;
	v48 =	vld [tilespmem:$0x4A70];
	v36 =	vsel vm6, v58, v18;
	vm4 =	vge.f32 v33, v19;
	v3 =	vsel vm5, v3, v5  }
0x35c: {  	v56 =	vld [tilespmem:$0x62D0];
	[tilespmem:$0x6290] =	vst v60;
	v7 =	vsel vm5, v55, v7;
	v60 =	vperm.xlane v43, v1;
	v8 =	vsel vm4, v33, v19  }
0x35d: {  	[tilespmem:$0x4A10] =	vst v59;
	v40 =	vld [tilespmem:$0x4A40];
	v13 =	vsel vm4, v53, v23;
	vm9 =	vle.f32 v3, v4;
	v59 =	vperm.xlane v46, v1  }
0x35e: {  	v2 =	vld [tilespmem:$0x32B0];
	[tilespmem:$0x6280] =	vst v57;
	vm8 =	vle.f32 v8, v11;
	v21 =	vsel vm9, v3, v4;
	v42 =	vsel vm9, v7, v38  }
0x35f: {  	v57 =	vld [tilespmem:$0x6280];
	v3 =	vsel vm9, v4, v3;
	v49 =	vsel vm9, v38, v7;
	v7 =	vperm.xlane v50, v1  }
0x360: {  	v34 =	vld [tilespmem:$0x4A10];
	v39 =	vsel vm8, v8, v11;
	v41 =	vsel vm8, v13, v36;
	v47 =	vsel vm8, v11, v8  }
0x361: {  	[tilespmem:$0x62E0] =	vst v20;
	v19 =	vld [tilespmem:$0x4A00];
	v63, v62, _ =	vpop (xrf1);
	v10 =	vsel vm8, v36, v13;
	v8 =	vperm.xlane v48, v1;
	v11 =	vperm.xlane v56, v1  }
0x362: {  	v53 =	vld [tilespmem:$0x62E0];
	v33, v32, _ =	vpop (xrf1);
	[tilespmem:$0x4A20] =	vst v63;
	vm10 =	vle.f32 v39, v21;
	vm11 =	vle.f32 v47, v3;
	v61 =	vperm.xlane v40, v1  }
0x363: {  	v63 =	vperm.xlane v2, v1;
	[tilespmem:$0x4A30] =	vst v33;
	v35 =	vld [tilespmem:$0x4A20];
	v44 =	vsel vm10, v39, v21;
	v45 =	vsel vm10, v41, v42  }
0x364: {  	v51 =	vsel vm10, v21, v39;
	v52 =	vsel vm10, v42, v41;
	v37 =	vld [tilespmem:$0x4A30];
	(xrf1) =	vsort.ascd.msk.f32 $0xffff, v44, v45  }
0x365: {  	v58 =	vld [tilespmem:$0x6290];
	v54 =	vsel vm11, v47, v3;
	v55 =	vsel vm11, v10, v49;
	[tilespmem:$0x62B0] =	vst v32;
	(xrf1) =	vsort.ascd.msk.f32 $0xffff, v51, v52  }
0x366: {  	[tilespmem:$0x62A0] =	vst v62;
	v3 =	vsel vm11, v3, v47;
	v4 =	vsel vm11, v49, v10;
	v62 =	vld [tilespmem:$0x62B0];
	(xrf1) =	vsort.ascd.msk.f32 $0xffff, v54, v55  }
0x367: {  	vm13 =	vge.f32 v34, v59;
	vm12 =	vge.f32 v19, v8;
	(xrf1) =	vsort.ascd.msk.f32 $0xffff, v3, v4;
	v3 =	vld [tilespmem:$0x62A0]  }
0x368: {  	v12 =	vperm.xlane v53, v1;
	v5 =	vsel vm13, v34, v59;
	v8 =	vsel vm12, v19, v8  }
0x369: {  	v6 =	vsel vm12, v57, v63;
	vm14 =	vge.f32 v35, v60;
	vm15 =	vge.f32 v37, v61  }
0x36a: {  	v9 =	vsel vm13, v58, v12;
	v4 =	vsel vm14, v35, v60;
	v16 =	vsel vm15, v37, v61  }
0x36b: {  	vm4 =	vle.f32 v8, v4;
	v7 =	vsel vm15, v62, v7;
	vm5 =	vle.f32 v5, v16  }
0x36c: {  	v17 =	vsel vm4, v8, v4;
	v3 =	vsel vm14, v3, v11;
	v19 =	vsel vm5, v5, v16  }
0x36d: {  	v20 =	vsel vm5, v9, v7;
	v18 =	vsel vm4, v6, v3;
	vm6 =	vle.f32 v17, v19  }
0x36e: {  	v21 =	vsel vm6, v17, v19;
	v22 =	vsel vm6, v18, v20  }
0x36f: {  	v4 =	vsel vm4, v4, v8;
	v5 =	vsel vm5, v16, v5;
	(xrf1) =	vsort.ascd.msk.f32 $0xffff, v21, v22  }
0x370: {  	v3 =	vsel vm4, v3, v6;
	v6 =	vsel vm6, v19, v17;
	v8 =	vsel vm6, v20, v18  }
0x371: {  	v7 =	vsel vm5, v7, v9;
	vm7 =	vle.f32 v4, v5;
	(xrf1) =	vsort.ascd.msk.f32 $0xffff, v6, v8  }
0x372: {  	v23 =	vsel vm7, v4, v5;
	v24 =	vsel vm7, v3, v7  }
0x373: {  	(xrf1) =	vsort.ascd.msk.f32 $0xffff, v23, v24  }
0x374: {  	v4 =	vsel vm7, v5, v4;
	v3 =	vsel vm7, v7, v3  }
0x375: {  	(xrf1) =	vsort.ascd.msk.f32 $0xffff, v4, v3;
	_ =	sdelay $0x3  }
0x376: {  	v3, v4, _ =	vpop (xrf1)  }
0x377: {  	v26, v25, _ =	vpop (xrf1);
	[tilespmem:$0x1880] =	vst v3  }
0x378: {  	[tilespmem:$0x3100] =	vst v4;
	v28, v27, _ =	vpop (xrf1)  }
0x379: {  	v30 =	vld [tilespmem:$0x1880];
	v3, v29, _ =	vpop (xrf1);
	[tilespmem:$0x18A0] =	vst v28  }
0x37a: {  	v36 =	vld [tilespmem:$0x18A0];
	[tilespmem:$0x18B0] =	vst v3;
	v32, v31, _ =	vpop (xrf1)  }
0x37b: {  	v48 =	vld [tilespmem:$0x18B0];
	[tilespmem:$0x18C0] =	vst v32  }
0x37c: {  	v35, v34, _ =	vpop (xrf1);
	[tilespmem:$0x3140] =	vst v31;
	v42 =	vld [tilespmem:$0x18C0]  }
0x37d: {  	[tilespmem:$0x18D0] =	vst v35;
	v3 =	vld [tilespmem:$0x3140]  }
0x37e: {  	v37, v38, _ =	vpop (xrf1);
	[tilespmem:$0x3150] =	vst v34;
	v43 =	vld [tilespmem:$0x18D0]  }
0x37f: {  	[tilespmem:$0x18E0] =	vst v37;
	v46 =	vld [tilespmem:$0x3150]  }
0x380: {  	v41, v40, _ =	vpop (xrf1);
	[tilespmem:$0x3160] =	vst v38;
	v45 =	vld [tilespmem:$0x18E0]  }
0x381: {  	[tilespmem:$0x18F0] =	vst v41;
	v47 =	vld [tilespmem:$0x3160]  }
0x382: {  	[tilespmem:$0x3130] =	vst v29;
	v44 =	vld [tilespmem:$0x18F0]  }
0x383: {  	[tilespmem:$0x1890] =	vst v26;
	v52 =	vld [tilespmem:$0x3130]  }
0x384: {  	v33 =	vld [tilespmem:$0x1890];
	[tilespmem:$0x3120] =	vst v27;
	v51 =	vperm.xlane v40, v1;
	v4 =	vperm.xlane v42, v1  }
0x385: {  	[tilespmem:$0x3110] =	vst v25;
	v50 =	vld [tilespmem:$0x3120];
	v3 =	vperm.xlane v3, v1;
	v16 =	vperm.xlane v43, v1  }
0x386: {  	v49 =	vld [tilespmem:$0x3110];
	v15 =	vperm.xlane v46, v1;
	v12 =	vperm.xlane v45, v1  }
0x387: {  	v39 =	vld [tilespmem:$0x3100];
	v10 =	vperm.xlane v47, v1;
	vm11 =	vge.f32 v48, v4;
	v14 =	vperm.xlane v44, v1  }
0x388: {  	vm10 =	vge.f32 v36, v16;
	v4 =	vsel vm11, v48, v4;
	v3 =	vsel vm11, v52, v3  }
0x389: {  	vm9 =	vge.f32 v33, v12;
	v53 =	vsel vm10, v36, v16;
	vm8 =	vge.f32 v30, v14  }
0x38a: {  	v54 =	vsel vm10, v50, v15;
	v11 =	vsel vm9, v33, v12;
	v5 =	vsel vm8, v30, v14  }
0x38b: {  	v8 =	vsel vm9, v49, v10;
	vm13 =	vle.f32 v11, v4;
	vm12 =	vle.f32 v5, v53  }
0x38c: {  	v7 =	vsel vm8, v39, v51;
	v12 =	vsel vm13, v11, v4;
	v55 =	vsel vm12, v5, v53  }
0x38d: {  	v14 =	vsel vm13, v8, v3;
	v56 =	vsel vm12, v7, v54;
	vm14 =	vle.f32 v55, v12  }
0x38e: {  	v57 =	vsel vm14, v55, v12;
	v58 =	vsel vm14, v56, v14  }
0x38f: {  	v4 =	vsel vm13, v4, v11;
	v3 =	vsel vm13, v3, v8;
	(xrf1) =	vsort.ascd.msk.f32 $0xffff, v57, v58  }
0x390: {  	v5 =	vsel vm12, v53, v5;
	v59 =	vsel vm14, v12, v55;
	v60 =	vsel vm14, v14, v56  }
0x391: {  	v6 =	vsel vm12, v54, v7;
	vm15 =	vle.f32 v5, v4;
	(xrf1) =	vsort.ascd.msk.f32 $0xffff, v59, v60  }
0x392: {  	v61 =	vsel vm15, v5, v4;
	v8 =	vsel vm15, v6, v3  }
0x393: {  	(xrf1) =	vsort.ascd.msk.f32 $0xffff, v61, v8  }
0x394: {  	v4 =	vsel vm15, v4, v5;
	v3 =	vsel vm15, v3, v6  }
0x395: {  	(xrf1) =	vsort.ascd.msk.f32 $0xffff, v4, v3;
	_ =	sdelay $0x6  }
0x396: {  	[tilespmem:$0x62F0] =	vst v2  }
0x397: {  	[tilespmem:$0x3170] =	vst v40;
	v2, v3, _ =	vpop (xrf1)  }
0x398: {  	[tilespmem:$0x4980] =	vst v2  }
0x399: {  	v2, v62, _ =	vpop (xrf1);
	[tilespmem:$0x6200] =	vst v3  }
0x39a: {  	[tilespmem:$0x4990] =	vst v2  }
0x39b: {  	v2, v3, _ =	vpop (xrf1);
	[tilespmem:$0x6210] =	vst v62  }
0x39c: {  	[tilespmem:$0x49A0] =	vst v2  }
0x39d: {  	v2, v63, _ =	vpop (xrf1);
	[tilespmem:$0x6220] =	vst v3  }
0x39e: {  	[tilespmem:$0x49B0] =	vst v2  }
0x39f: {  	[tilespmem:$0x6230] =	vst v63  }
0x3a0: {  	[spmem:s9] =	stream.linear.scatter [tilespmem:s14], [sflag:$0x2], $0x40, $0x38;
	[tilespmem:$0x9C80] =	vst v63  }
0x3a1: {  	_ =	swait.ge [sflag:s13], $0x40  }
0x3a2: {  	[sflag:s13] =	ssyncset.done $0x0  }
0x3a3: {  	[sflag:s13] =	ssyncadd.s32 $0xFFFFFFC0  }
0x3a4: {  	[spmem:s10] =	stream.linear.scatter [tilespmem:s15], [sflag:$0x2], $0x40, $0x38;
	[tilespmem:$0x9C80] =	vst v63  }
.Ltmp7:
0x3a5: {  	_ =	swait.ge [sflag:s13], $0x40;
	(pc) =	sbr.rel @p0 .LBB2_17-.Ltmp7, $3  }
0x3a6: {  	[sflag:s13] =	ssyncset.done $0x0  }
0x3a7: {  	[sflag:s13] =	ssyncadd.s32 $0xFFFFFFC0  }
0x3a8: {  	[bflag:$0x0] =	sbarrier.arrive $0xFFFF;
	_ =	sdelay $0x1  }
0x3a9: {  	s0 =	simm.s32 $0x1880  }
0x3aa: {  	[tilespmem:s0], [sflag:$0x2] =	stream.linear.gather [spmem:s4], $0x400, $0x38;
	[tilespmem:$0x9C80] =	vst v63  }
0x3ab: {  	_ =	swait.ge [sflag:s13], $0x400  }
0x3ac: {  	[sflag:s13] =	ssyncset.done $0x0  }
0x3ad: {  	s28 =	simm.s32 $0x3100;
	[sflag:s13] =	ssyncadd.s32 $0xFFFFFC00  }
0x3ae: {  	[tilespmem:s28], [sflag:$0x2] =	stream.linear.gather [spmem:s5], $0x400, $0x38;
	[tilespmem:$0x9C80] =	vst v63  }
0x3af: {  	_ =	swait.ge [sflag:s13], $0x400  }
0x3b0: {  	[sflag:s13] =	ssyncset.done $0x0  }
0x3b1: {  	[sflag:s13] =	ssyncadd.s32 $0xFFFFFC00  }
0x3b2: {  	[tilespmem:s18], [sflag:$0x2] =	stream.linear.gather [hbm4b:s7+s6], $0x80, $0x38;
	[tilespmem:$0x9C80] =	vst v63  }
0x3b3: {  	_ =	swait.ge [sflag:s13], $0x80  }
0x3b4: {  	[sflag:s13] =	ssyncset.done $0x0  }
0x3b5: {  	s29 =	simm.s32 $0x3180;
	[sflag:s13] =	ssyncadd.s32 $0xFFFFFF80  }
0x3b6: {  	v2 =	vld [tilespmem:s29+$0x0]  }
0x3b7: {  	v3 =	vld [tilespmem:s29+$0x40]  }
0x3b8: {  	v4 =	vld [tilespmem:s29+$0x50]  }
0x3b9: {  	v5 =	vld [tilespmem:s29+$0x60]  }
0x3ba: {  	s1 =	simm.s32 $0x1900;
	v6 =	vld [tilespmem:s29+$0x70]  }
0x3bb: {  	v7 =	vld [tilespmem:s1+$0x0]  }
0x3bc: {  	v8 =	vld [tilespmem:s1+$0x10]  }
0x3bd: {  	v9 =	vld [tilespmem:s1+$0x40]  }
0x3be: {  	v10 =	vld [tilespmem:s1+$0x60]  }
0x3bf: {  	v11 =	vld [tilespmem:s1+$0x70]  }
0x3c0: {  	v12 =	vld [tilespmem:s1+$0x50]  }
0x3c1: {  	v13 =	vld [tilespmem:s1+$0x20]  }
0x3c2: {  	v14 =	vld [tilespmem:s1+$0x30]  }
0x3c3: {  	v19 =	vld [tilespmem:s1+$0xFFFFFFD0]  }
0x3c4: {  	v20 =	vld [tilespmem:s1+$0xFFFFFFE0]  }
0x3c5: {  	v16 =	vld [tilespmem:s1+$0xFFFFFFC0];
	v6 =	vperm.xlane v6, v1;
	v5 =	vperm.xlane v5, v1  }
0x3c6: {  	v15 =	vld [tilespmem:s29+$0x10];
	v11 =	vperm.xlane v11, v1;
	v10 =	vperm.xlane v10, v1  }
0x3c7: {  	v17 =	vld [tilespmem:s29+$0x20];
	v12 =	vperm.xlane v12, v1;
	v9 =	vperm.xlane v9, v1  }
0x3c8: {  	v18 =	vld [tilespmem:s29+$0x30];
	v4 =	vperm.xlane v4, v1;
	v3 =	vperm.xlane v3, v1  }
0x3c9: {  	v21 =	vld [tilespmem:s1+$0xFFFFFFF0];
	v20 =	vperm.xlane v20, v1;
	v19 =	vperm.xlane v19, v1  }
0x3ca: {  	v24 =	vld [tilespmem:s29+$0xFFFFFFD0];
	v16 =	vperm.xlane v16, v1;
	vm0 =	vge.f32 v7, v11;
	vm1 =	vge.f32 v8, v10  }
0x3cb: {  	s0 =	simm.s32 $0x1A00;
	v50 =	vld [tilespmem:s29+$0xFFFFFFA0];
	vm2 =	vge.f32 v13, v12;
	vm3 =	vge.f32 v14, v9;
	v7 =	vsel vm0, v7, v11  }
0x3cc: {  	v51 =	vld [tilespmem:s0+$0x60];
	v8 =	vsel vm1, v8, v10;
	v10 =	vsel vm2, v13, v12;
	v9 =	vsel vm3, v14, v9  }
0x3cd: {  	v54 =	vld [tilespmem:s0+$0x70];
	v2 =	vsel vm0, v2, v6;
	v5 =	vsel vm1, v15, v5;
	v4 =	vsel vm2, v17, v4  }
0x3ce: {  	v11 =	vld [tilespmem:s1+$0xFFFFFF90];
	v3 =	vsel vm3, v18, v3;
	vm0 =	vle.f32 v7, v10;
	vm4 =	vle.f32 v8, v9  }
0x3cf: {  	v12 =	vld [tilespmem:s1+$0xFFFFFFA0];
	v13 =	vsel vm0, v7, v10;
	v14 =	vsel vm4, v8, v9;
	v18 =	vsel vm0, v2, v4  }
0x3d0: {  	v6 =	vld [tilespmem:s1+$0xFFFFFFB0];
	v22 =	vsel vm4, v5, v3;
	v7 =	vsel vm0, v10, v7;
	v2 =	vsel vm0, v4, v2  }
0x3d1: {  	v15 =	vld [tilespmem:s1+$0xFFFFFF80];
	v8 =	vsel vm4, v9, v8;
	v3 =	vsel vm4, v3, v5;
	vm1 =	vle.f32 v13, v14  }
0x3d2: {  	v17 =	vld [tilespmem:s29+$0xFFFFFFC0];
	vm0 =	vle.f32 v7, v8;
	v23 =	vsel vm1, v13, v14;
	v10 =	vsel vm1, v18, v22  }
0x3d3: {  	v9 =	vld [tilespmem:s29+$0xFFFFFFF0];
	(xrf1) =	vsort.ascd.msk.f32 $0xffff, v23, v10;
	v10 =	vsel vm1, v14, v13;
	v13 =	vsel vm1, v22, v18  }
0x3d4: {  	s26 =	simm.s32 $0x3280;
	v4 =	vld [tilespmem:s29+$0xFFFFFFE0];
	v14 =	vsel vm0, v7, v8;
	v18 =	vsel vm0, v2, v3;
	v7 =	vsel vm0, v8, v7  }
0x3d5: {  	v55 =	vld [tilespmem:s26+$0x30];
	v2 =	vsel vm0, v3, v2;
	vm0 =	vge.f32 v11, v20;
	vm2 =	vge.f32 v12, v19  }
0x3d6: {  	v5 =	vld [tilespmem:s29+$0xFFFFFF80];
	vm3 =	vge.f32 v6, v16;
	(xrf1) =	vsort.ascd.msk.f32 $0xffff, v10, v13;
	v10 =	vperm.xlane v21, v1  }
0x3d7: {  	v13 =	vld [tilespmem:s29+$0xFFFFFF90];
	v8 =	vsel vm0, v11, v20;
	v11 =	vsel vm2, v12, v19;
	v6 =	vsel vm3, v6, v16  }
0x3d8: {  	v16 =	vperm.xlane v17, v1;
	(xrf1) =	vsort.ascd.msk.f32 $0xffff, v14, v18;
	v14 =	vld [tilespmem:s29+$0xFFFFFFB0];
	v9 =	vperm.xlane v9, v1  }
0x3d9: {  	v12 =	vld [tilespmem:s26+$0x60];
	v4 =	vperm.xlane v4, v1;
	vm5 =	vle.f32 v8, v6;
	vm1 =	vge.f32 v15, v10  }
0x3da: {  	v17 =	vld [tilespmem:s26+$0x70];
	(xrf1) =	vsort.ascd.msk.f32 $0xffff, v7, v2;
	v19 =	vsel vm5, v8, v6;
	v2 =	vsel vm1, v15, v10  }
0x3db: {  	v7 =	vld [tilespmem:s26+$0x40];
	v6 =	vsel vm5, v6, v8;
	v15 =	vperm.xlane v24, v1;
	vm4 =	vle.f32 v2, v11  }
0x3dc: {  	v8 =	vld [tilespmem:s0+$0x10];
	v5 =	vsel vm1, v5, v9;
	v18 =	vsel vm4, v2, v11;
	v2 =	vsel vm4, v11, v2  }
0x3dd: {  	v10 =	vld [tilespmem:s26+$0x50];
	v4 =	vsel vm0, v13, v4;
	v9 =	vsel vm2, v50, v15;
	v13 =	vsel vm3, v14, v16  }
0x3de: {  	v11 =	vld [tilespmem:s0+$0x0];
	vm0 =	vle.f32 v18, v19;
	v15 =	vsel vm4, v5, v9;
	v16 =	vsel vm5, v4, v13  }
0x3df: {  	v12 =	vperm.xlane v12, v1;
	v14 =	vld [tilespmem:s0+$0x40];
	v52 =	vsel vm0, v18, v19;
	v53 =	vsel vm0, v15, v16  }
0x3e0: {  	vm1 =	vle.f32 v2, v6;
	v5 =	vsel vm4, v9, v5;
	v9 =	vld [tilespmem:s0+$0x50];
	(xrf1) =	vsort.ascd.msk.f32 $0xffff, v52, v53  }
0x3e1: {  	v4 =	vsel vm5, v13, v4;
	v13 =	vsel vm0, v19, v18;
	v18 =	vld [tilespmem:s0+$0x20];
	v15 =	vsel vm0, v16, v15  }
0x3e2: {  	v19 =	vsel vm1, v5, v4;
	v4 =	vsel vm1, v4, v5;
	v5 =	vld [tilespmem:s26+$0x10];
	(xrf1) =	vsort.ascd.msk.f32 $0xffff, v13, v15  }
0x3e3: {  	v7 =	vperm.xlane v7, v1;
	v16 =	vsel vm1, v2, v6;
	v2 =	vsel vm1, v6, v2;
	v6 =	vld [tilespmem:s0+$0x30]  }
0x3e4: {  	v3 =	vld [tilespmem:s26+$0x0];
	v13 =	vperm.xlane v17, v1;
	v17 =	vperm.xlane v51, v1;
	(xrf1) =	vsort.ascd.msk.f32 $0xffff, v16, v19  }
0x3e5: {  	v59 =	vld [tilespmem:s0+$0xFFFFFF80];
	v16 =	vperm.xlane v54, v1;
	(xrf1) =	vsort.ascd.msk.f32 $0xffff, v2, v4;
	v4 =	vperm.xlane v9, v1  }
0x3e6: {  	s1 =	simm.s32 $0x49A0;
	v10 =	vperm.xlane v10, v1;
	v2 =	vld [tilespmem:s26+$0x20];
	v9 =	vperm.xlane v14, v1;
	vm1 =	vge.f32 v8, v17;
	v14, v19, _ =	vpop (xrf1)  }
0x3e7: {  	s3 =	simm.s32 $0x6220;
	s25 =	simm.s32 $0x40;
	v15 =	vld [tilespmem:s0+$0xFFFFFFC0];
	vm0 =	vge.f32 v11, v16;
	v12 =	vsel vm1, v5, v12;
	v8 =	vsel vm1, v8, v17;
	[tilespmem:s1+$0x20] =	vst v14  }
0x3e8: {  	s2 =	sor.u32 $0x50, s25;
	v17 =	vld [tilespmem:s0+$0xFFFFFF90];
	vm2 =	vge.f32 v18, v4;
	vm3 =	vge.f32 v6, v9;
	v21, v22, _ =	vpop (xrf1);
	v11 =	vsel vm0, v11, v16;
	[tilespmem:s3+$0x20] =	vst v19  }
0x3e9: {  	v14 =	vld [tilespmem:s0+$0xFFFFFFD0];
	v13 =	vsel vm0, v3, v13;
	v5 =	vsel vm2, v18, v4;
	v6 =	vsel vm3, v6, v9;
	[tilespmem:s2+$0x4980] =	vst v21  }
0x3ea: {  	s30 =	sor.u32 $0x60, s25;
	v16 =	vld [tilespmem:s0+$0xFFFFFFF0];
	v7 =	vsel vm3, v55, v7;
	[tilespmem:s2+$0x6200] =	vst v22;
	vm0 =	vle.f32 v11, v5;
	vm1 =	vle.f32 v8, v6;
	v3, v4, _ =	vpop (xrf1)  }
0x3eb: {  	v19 =	vld [tilespmem:s0+$0xFFFFFFE0];
	v9 =	vsel vm2, v2, v10;
	v10 =	vsel vm0, v11, v5;
	v18 =	vsel vm1, v8, v6;
	[tilespmem:s30+$0x4980] =	vst v3  }
0x3ec: {  	s31 =	sor.u32 $0x70, s25;
	v2 =	vld [tilespmem:s0+$0xFFFFFFA0];
	v58 =	vsel vm1, v12, v7;
	[tilespmem:s30+$0x6200] =	vst v4;
	v4, v56, _ =	vpop (xrf1);
	v57 =	vsel vm0, v13, v9;
	vm2 =	vle.f32 v10, v18  }
0x3ed: {  	v11 =	vsel vm0, v5, v11;
	v5 =	vld [tilespmem:s26+$0xFFFFFFD0];
	[tilespmem:s31+$0x6200] =	vst v56;
	v60 =	vsel vm2, v10, v18;
	v61 =	vsel vm2, v57, v58  }
0x3ee: {  	v8 =	vsel vm1, v6, v8;
	v6 =	vld [tilespmem:s26+$0xFFFFFFE0];
	v25 =	vsel vm0, v9, v13;
	[tilespmem:s31+$0x4980] =	vst v4;
	(xrf1) =	vsort.ascd.msk.f32 $0xffff, v60, v61;
	v9, v13, _ =	vpop (xrf1)  }
0x3ef: {  	v12 =	vsel vm1, v7, v12;
	v7 =	vld [tilespmem:s26+$0xFFFFFF80];
	v10 =	vsel vm2, v18, v10;
	v18 =	vsel vm2, v58, v57;
	[tilespmem:s1+$0xFFFFFFE0] =	vst v9  }
0x3f0: {  	v3 =	vld [tilespmem:s0+$0xFFFFFFB0];
	vm1 =	vle.f32 v11, v8;
	v16 =	vperm.xlane v16, v1;
	(xrf1) =	vsort.ascd.msk.f32 $0xffff, v10, v18;
	v9, v62, _ =	vpop (xrf1);
	[tilespmem:s3+$0xFFFFFFE0] =	vst v13  }
0x3f1: {  	v63 =	vsel vm1, v25, v12;
	v12 =	vsel vm1, v12, v25;
	v10 =	vld [tilespmem:s26+$0xFFFFFFF0];
	v18 =	vsel vm1, v11, v8;
	[tilespmem:s1+$0xFFFFFFF0] =	vst v9  }
0x3f2: {  	v4 =	vld [tilespmem:s26+$0xFFFFFFC0];
	v19 =	vperm.xlane v19, v1;
	vm0 =	vge.f32 v59, v16;
	(xrf1) =	vsort.ascd.msk.f32 $0xffff, v18, v63;
	v23, v24, _ =	vpop (xrf1);
	[tilespmem:s3+$0xFFFFFFF0] =	vst v62  }
0x3f3: {  	v13 =	vperm.xlane v14, v1;
	v14 =	vperm.xlane v15, v1;
	v15 =	vsel vm1, v8, v11;
	v11 =	vld [tilespmem:s26+$0xFFFFFFA0];
	[tilespmem:s1+$0x0] =	vst v23  }
0x3f4: {  	vm2 =	vge.f32 v17, v19;
	v16 =	vsel vm0, v59, v16;
	v9 =	vld [tilespmem:s26+$0xFFFFFF90];
	v18, v8, _ =	vpop (xrf1);
	(xrf1) =	vsort.ascd.msk.f32 $0xffff, v15, v12;
	[tilespmem:s3+$0x0] =	vst v24  }
0x3f5: {  	s2 =	simm.s32 $0x2;
	v12 =	vld [tilespmem:s26+$0xFFFFFFB0];
	v15 =	vsel vm2, v17, v19;
	s26 =	simm.s32 $0x3380;
	vm1 =	vge.f32 v2, v13;
	vm3 =	vge.f32 v3, v14;
	[tilespmem:s1+$0x10] =	vst v18  }
.LBB2_13:
0x3f6: {  	v17 =	vld [tilespmem:s26+$0x0];
	v10 =	vperm.xlane v10, v1;
	v2 =	vsel vm1, v2, v13;
	v3 =	vsel vm3, v3, v14;
	[tilespmem:s3+$0x10] =	vst v8  }
0x3f7: {  	v6 =	vperm.xlane v6, v1;
	v5 =	vperm.xlane v5, v1;
	v8 =	vld [tilespmem:s26+$0x40];
	vm4 =	vle.f32 v16, v2  }
0x3f8: {  	v4 =	vperm.xlane v4, v1;
	vm5 =	vle.f32 v15, v3;
	v13 =	vld [tilespmem:s26+$0x50];
	v14 =	vsel vm4, v16, v2  }
0x3f9: {  	v2 =	vsel vm4, v2, v16;
	v16 =	vsel vm5, v15, v3;
	v3 =	vsel vm5, v3, v15;
	v18 =	vld [tilespmem:s26+$0x60]  }
0x3fa: {  	s0 =	sadd.s32 $0x100, s0;
	v7 =	vsel vm0, v7, v10;
	v6 =	vsel vm2, v9, v6;
	v5 =	vsel vm1, v11, v5;
	v15 =	vld [tilespmem:s26+$0x70]  }
0x3fb: {  	vm0 =	vle.f32 v14, v16;
	vm1 =	vle.f32 v2, v3;
	v4 =	vsel vm3, v12, v4;
	v9 =	vld [tilespmem:s0+$0x0]  }
0x3fc: {  	s1 =	sadd.s32 $0x80, s1;
	v11 =	vsel vm4, v7, v5;
	v5 =	vsel vm4, v5, v7;
	v7 =	vsel vm5, v6, v4;
	v10 =	vld [tilespmem:s0+$0x10];
	v12, v19, _ =	vpop (xrf1)  }
0x3fd: {  	s3 =	sadd.s32 $0x80, s3;
	s25 =	sadd.s32 $0x80, s25;
	v24 =	vsel vm0, v14, v16;
	v4 =	vsel vm5, v4, v6;
	v21 =	vsel vm0, v11, v7;
	v20 =	vld [tilespmem:s0+$0x40];
	[tilespmem:s1+$0x20] =	vst v12  }
0x3fe: {  	s16 =	sor.u32 $0x50, s25;
	v14 =	vsel vm0, v16, v14;
	v7 =	vsel vm0, v7, v11;
	v11 =	vsel vm1, v2, v3;
	v12 =	vld [tilespmem:s0+$0x60];
	[tilespmem:s3+$0x20] =	vst v19;
	v16, v19, _ =	vpop (xrf1)  }
0x3ff: {  	v23 =	vsel vm1, v5, v4;
	v2 =	vsel vm1, v3, v2;
	v3 =	vsel vm1, v4, v5;
	v22 =	vld [tilespmem:s0+$0x70];
	[tilespmem:s16+$0x4980] =	vst v16  }
0x400: {  	v4 =	vld [tilespmem:s0+$0x50];
	[tilespmem:s16+$0x6200] =	vst v19;
	s16 =	sor.u32 $0x60, s25;
	(xrf1) =	vsort.ascd.msk.f32 $0xffff, v24, v21;
	v5, v6, _ =	vpop (xrf1)  }
0x401: {  	v16 =	vld [tilespmem:s0+$0x20];
	[tilespmem:s16+$0x4980] =	vst v5;
	(xrf1) =	vsort.ascd.msk.f32 $0xffff, v14, v7  }
0x402: {  	v5 =	vld [tilespmem:s0+$0x30];
	[tilespmem:s16+$0x6200] =	vst v6;
	s16 =	sor.u32 $0x70, s25;
	(xrf1) =	vsort.ascd.msk.f32 $0xffff, v11, v23;
	v6, v7, _ =	vpop (xrf1)  }
0x403: {  	v14 =	vperm.xlane v15, v1;
	v15 =	vperm.xlane v18, v1;
	v11 =	vld [tilespmem:s26+$0x10];
	[tilespmem:s16+$0x6200] =	vst v7;
	(xrf1) =	vsort.ascd.msk.f32 $0xffff, v2, v3  }
0x404: {  	v3 =	vperm.xlane v12, v1;
	v18 =	vld [tilespmem:s0+$0xFFFFFFC0];
	v2 =	vperm.xlane v22, v1;
	[tilespmem:s16+$0x4980] =	vst v6  }
0x405: {  	v7 =	vperm.xlane v20, v1;
	v6 =	vld [tilespmem:s26+$0x20];
	v4 =	vperm.xlane v4, v1  }
0x406: {  	v8 =	vperm.xlane v8, v1;
	v13 =	vperm.xlane v13, v1;
	v12 =	vld [tilespmem:s26+$0x30];
	vm0 =	vge.f32 v9, v2  }
0x407: {  	s2 =	sadd.s32 $0x2, s2;
	vm1 =	vge.f32 v10, v3;
	v19 =	vld [tilespmem:s0+$0xFFFFFFD0];
	vm2 =	vge.f32 v16, v4;
	vm3 =	vge.f32 v5, v7  }
0x408: {  	p1 =	slt.u32 s2, $0x6;
	v9 =	vsel vm0, v9, v2;
	v14 =	vsel vm0, v17, v14;
	v20 =	vld [tilespmem:s0+$0xFFFFFFE0];
	v11 =	vsel vm1, v11, v15  }
0x409: {  	v10 =	vsel vm1, v10, v3;
	v16 =	vsel vm2, v16, v4;
	v7 =	vsel vm3, v5, v7;
	v15 =	vld [tilespmem:s0+$0xFFFFFFF0]  }
0x40a: {  	vm0 =	vle.f32 v9, v16;
	vm1 =	vle.f32 v10, v7;
	v17 =	vld [tilespmem:s0+$0xFFFFFF90];
	v5 =	vsel vm2, v6, v13  }
0x40b: {  	v6 =	vsel vm0, v9, v16;
	v2 =	vld [tilespmem:s0+$0xFFFFFFA0];
	v8 =	vsel vm3, v12, v8;
	v12 =	vsel vm1, v10, v7  }
0x40c: {  	v13 =	vsel vm0, v14, v5;
	v3 =	vld [tilespmem:s0+$0xFFFFFFB0];
	v21 =	vsel vm1, v11, v8;
	vm2 =	vle.f32 v6, v12  }
0x40d: {  	v22 =	vld [tilespmem:s0+$0xFFFFFF80];
	v20 =	vperm.xlane v20, v1;
	v23 =	vsel vm2, v6, v12;
	v26 =	vsel vm2, v13, v21  }
0x40e: {  	v16 =	vsel vm0, v16, v9;
	v25 =	vsel vm0, v5, v14;
	v4 =	vld [tilespmem:s26+$0xFFFFFFC0];
	(xrf1) =	vsort.ascd.msk.f32 $0xffff, v23, v26;
	v9, v14, _ =	vpop (xrf1)  }
0x40f: {  	v23 =	vsel vm1, v7, v10;
	v7 =	vsel vm2, v12, v6;
	v10 =	vsel vm2, v21, v13;
	v5 =	vld [tilespmem:s26+$0xFFFFFFD0];
	[tilespmem:s1+$0xFFFFFFE0] =	vst v9;
	v9, v12, _ =	vpop (xrf1)  }
0x410: {  	v11 =	vsel vm1, v8, v11;
	vm1 =	vle.f32 v16, v23;
	v6 =	vld [tilespmem:s26+$0xFFFFFFE0];
	(xrf1) =	vsort.ascd.msk.f32 $0xffff, v7, v10;
	[tilespmem:s3+$0xFFFFFFE0] =	vst v14;
	v21, v24, _ =	vpop (xrf1)  }
.Ltmp8:
0x411: {  	v15 =	vperm.xlane v15, v1;
	v26 =	vsel vm1, v16, v23;
	v27 =	vsel vm1, v25, v11;
	v10 =	vld [tilespmem:s26+$0xFFFFFFF0];
	[tilespmem:s1+$0xFFFFFFF0] =	vst v9;
	v28, v8, _ =	vpop (xrf1);
	(pc) =	sbr.rel @p1 .LBB2_13-.Ltmp8, $4  }
0x412: {  	v13 =	vperm.xlane v19, v1;
	v14 =	vperm.xlane v18, v1;
	v7 =	vld [tilespmem:s26+$0xFFFFFF80];
	(xrf1) =	vsort.ascd.msk.f32 $0xffff, v26, v27;
	[tilespmem:s3+$0xFFFFFFF0] =	vst v12  }
0x413: {  	vm0 =	vge.f32 v22, v15;
	v12 =	vsel vm1, v23, v16;
	v16 =	vsel vm1, v11, v25;
	v9 =	vld [tilespmem:s26+$0xFFFFFF90];
	[tilespmem:s1+$0x0] =	vst v21  }
0x414: {  	vm2 =	vge.f32 v17, v20;
	vm1 =	vge.f32 v2, v13;
	v11 =	vld [tilespmem:s26+$0xFFFFFFA0];
	(xrf1) =	vsort.ascd.msk.f32 $0xffff, v12, v16;
	[tilespmem:s3+$0x0] =	vst v24  }
0x415: {  	vm3 =	vge.f32 v3, v14;
	v16 =	vsel vm0, v22, v15;
	v15 =	vsel vm2, v17, v20;
	v12 =	vld [tilespmem:s26+$0xFFFFFFB0];
	s26 =	sadd.s32 $0x100, s26;
	[tilespmem:s1+$0x10] =	vst v28  }
0x416: {  	v10 =	vperm.xlane v10, v1;
	v2 =	vsel vm1, v2, v13  }
0x417: {  	v3 =	vsel vm3, v3, v14;
	v6 =	vperm.xlane v6, v1;
	v5 =	vperm.xlane v5, v1  }
0x418: {  	v4 =	vperm.xlane v4, v1;
	vm4 =	vle.f32 v16, v2;
	vm5 =	vle.f32 v15, v3  }
0x419: {  	v7 =	vsel vm0, v7, v10;
	v54 =	vsel vm4, v16, v2;
	v55 =	vsel vm5, v15, v3  }
0x41a: {  	v6 =	vsel vm2, v9, v6;
	v5 =	vsel vm1, v11, v5;
	v4 =	vsel vm3, v12, v4  }
0x41b: {  	vm14 =	vle.f32 v54, v55;
	v56 =	vsel vm4, v7, v5;
	v57 =	vsel vm5, v6, v4  }
0x41c: {  	v58 =	vsel vm14, v54, v55;
	v59 =	vsel vm14, v56, v57  }
0x41d: {  	v2 =	vsel vm4, v2, v16;
	v3 =	vsel vm5, v3, v15;
	(xrf1) =	vsort.ascd.msk.f32 $0xffff, v58, v59  }
0x41e: {  	vm15 =	vle.f32 v2, v3;
	v10 =	vsel vm14, v55, v54;
	v9 =	vsel vm14, v57, v56  }
0x41f: {  	v5 =	vsel vm4, v5, v7;
	v4 =	vsel vm5, v4, v6;
	(xrf1) =	vsort.ascd.msk.f32 $0xffff, v10, v9  }
0x420: {  	v60 =	vsel vm15, v2, v3;
	v7 =	vsel vm15, v5, v4  }
0x421: {  	v2 =	vsel vm15, v3, v2;
	v3 =	vsel vm15, v4, v5;
	(xrf1) =	vsort.ascd.msk.f32 $0xffff, v60, v7;
	_ =	sdelay $0x1  }
0x422: {  	[tilespmem:s3+$0x10] =	vst v8;
	s0 =	sadd.s32 $0x80, s1;
	v4, v5, _ =	vpop (xrf1);
	(xrf1) =	vsort.ascd.msk.f32 $0xffff, v2, v3  }
0x423: {  	s29 =	sadd.s32 $0x80, s3;
	s2 =	sadd.s32 $0x80, s25;
	[tilespmem:s0+$0x20] =	vst v4  }
0x424: {  	s30 =	sor.u32 $0x50, s2;
	v2, v3, _ =	vpop (xrf1);
	[tilespmem:s29+$0x20] =	vst v5  }
0x425: {  	[tilespmem:s30+$0x4980] =	vst v2  }
0x426: {  	s31 =	sor.u32 $0x60, s2;
	v2, v61, _ =	vpop (xrf1);
	[tilespmem:s30+$0x6200] =	vst v3  }
0x427: {  	[tilespmem:s31+$0x4980] =	vst v2  }
0x428: {  	s2 =	sor.u32 $0x70, s2;
	v2, v3, _ =	vpop (xrf1);
	[tilespmem:s31+$0x6200] =	vst v61  }
0x429: {  	[tilespmem:s2+$0x6200] =	vst v3  }
0x42a: {  	[tilespmem:s2+$0x4980] =	vst v2;
	v2, v3, _ =	vpop (xrf1)  }
0x42b: {  	[tilespmem:s0+$0xFFFFFFE0] =	vst v2  }
0x42c: {  	v2, v62, _ =	vpop (xrf1);
	[tilespmem:s29+$0xFFFFFFE0] =	vst v3  }
0x42d: {  	[tilespmem:s0+$0xFFFFFFF0] =	vst v2  }
0x42e: {  	v2, v3, _ =	vpop (xrf1);
	[tilespmem:s29+$0xFFFFFFF0] =	vst v62  }
0x42f: {  	[tilespmem:s0+$0x0] =	vst v2  }
0x430: {  	v2, v63, _ =	vpop (xrf1);
	[tilespmem:s29+$0x0] =	vst v3  }
0x431: {  	[tilespmem:s0+$0x10] =	vst v2  }
0x432: {  	p1 =	por $0x1, $0x1;
	s0 =	simm.s32 $0x0;
	[tilespmem:s29+$0x10] =	vst v63  }
.LBB2_15:
0x433: {  	s2 =	sshll.u32 s0, $0x7  }
0x434: {  	v2 =	vld [tilespmem:s2+$0x4980]  }
0x435: {  	v3 =	vld [tilespmem:s2+$0x4990]  }
0x436: {  	v4 =	vld [tilespmem:s2+$0x49A0]  }
0x437: {  	v5 =	vld [tilespmem:s2+$0x49B0]  }
0x438: {  	v6 =	vld [tilespmem:s2+$0x49C0]  }
0x439: {  	v7 =	vld [tilespmem:s2+$0x49D0]  }
0x43a: {  	v8 =	vld [tilespmem:s2+$0x49E0]  }
0x43b: {  	v9 =	vld [tilespmem:s2+$0x49F0]  }
0x43c: {  	v10 =	vld [tilespmem:s2+$0x6240]  }
0x43d: {  	v11 =	vld [tilespmem:s2+$0x6260]  }
0x43e: {  	v12 =	vld [tilespmem:s2+$0x6270]  }
0x43f: {  	s1 =	sor.u32 $0x1, s0;
	v13 =	vld [tilespmem:s2+$0x6250]  }
0x440: {  	v14 =	vld [tilespmem:s2+$0x6200];
	s28 =	sshll.u32 s1, $0x7  }
0x441: {  	v18 =	vld [tilespmem:s28+$0x49F0]  }
0x442: {  	v38 =	vld [tilespmem:s28+$0x6260]  }
0x443: {  	v39 =	vld [tilespmem:s28+$0x6270];
	v9 =	vperm.xlane v9, v1  }
0x444: {  	v15 =	vld [tilespmem:s2+$0x6210];
	v8 =	vperm.xlane v8, v1;
	v7 =	vperm.xlane v7, v1  }
0x445: {  	v16 =	vld [tilespmem:s2+$0x6220];
	v6 =	vperm.xlane v6, v1;
	v12 =	vperm.xlane v12, v1  }
0x446: {  	v17 =	vld [tilespmem:s2+$0x6230];
	v11 =	vperm.xlane v11, v1;
	v13 =	vperm.xlane v13, v1  }
0x447: {  	v29 =	vld [tilespmem:s28+$0x49C0];
	v10 =	vperm.xlane v10, v1;
	v44 =	vperm.xlane v18, v1  }
0x448: {  	v32 =	vld [tilespmem:s28+$0x49D0];
	v46 =	vperm.xlane v39, v1;
	v47 =	vperm.xlane v38, v1  }
0x449: {  	vm0 =	vge.f32 v2, v9;
	vm15 =	vge.f32 v3, v8;
	vm1 =	vge.f32 v4, v7  }
0x44a: {  	vm4 =	vge.f32 v5, v6;
	v2 =	vsel vm0, v2, v9;
	v12 =	vsel vm0, v14, v12  }
0x44b: {  	v3 =	vsel vm15, v3, v8;
	v26 =	vsel vm15, v15, v11;
	v4 =	vsel vm1, v4, v7  }
0x44c: {  	v24 =	vld [tilespmem:s28+$0x4980];
	v28 =	vsel vm1, v16, v13;
	v5 =	vsel vm4, v5, v6;
	v30 =	vsel vm4, v17, v10  }
0x44d: {  	v25 =	vld [tilespmem:s28+$0x4990];
	v15 =	vperm.xlane v32, v1;
	v13 =	vperm.xlane v29, v1;
	vm5 =	vle.f32 v2, v4  }
0x44e: {  	v27 =	vld [tilespmem:s28+$0x49A0];
	vm6 =	vle.f32 v3, v5;
	v31 =	vsel vm5, v2, v4;
	v16 =	vsel vm5, v12, v28  }
0x44f: {  	v36 =	vld [tilespmem:s28+$0x6240];
	v2 =	vsel vm5, v4, v2;
	v11 =	vsel vm5, v28, v12;
	v34 =	vsel vm6, v3, v5  }
0x450: {  	v33 =	vld [tilespmem:s28+$0x49E0];
	v17 =	vsel vm6, v26, v30;
	v3 =	vsel vm6, v5, v3;
	vm7 =	vle.f32 v31, v34  }
0x451: {  	v42 =	vld [tilespmem:s28+$0x6250];
	v35 =	vsel vm6, v30, v26;
	vm8 =	vle.f32 v2, v3;
	v37 =	vsel vm7, v31, v34  }
0x452: {  	v43 =	vld [tilespmem:s28+$0x6200];
	v19 =	vsel vm7, v16, v17;
	v10 =	vsel vm7, v34, v31;
	v16 =	vsel vm7, v17, v16  }
0x453: {  	v40 =	vsel vm8, v2, v3;
	v2 =	vsel vm8, v3, v2;
	v3 =	vld [tilespmem:s28+$0x49B0];
	(xrf1) =	vsort.ascd.msk.f32 $0xffff, v37, v19  }
0x454: {  	v45 =	vld [tilespmem:s28+$0x6210];
	v6 =	vperm.xlane v36, v1;
	v41 =	vsel vm8, v11, v35;
	(xrf1) =	vsort.ascd.msk.f32 $0xffff, v10, v16  }
0x455: {  	v48 =	vld [tilespmem:s28+$0x6230];
	v4 =	vperm.xlane v33, v1;
	v5 =	vsel vm8, v35, v11;
	(xrf1) =	vsort.ascd.msk.f32 $0xffff, v40, v41  }
0x456: {  	vm9 =	vge.f32 v24, v44;
	vm11 =	vge.f32 v27, v15;
	(xrf1) =	vsort.ascd.msk.f32 $0xffff, v2, v5;
	v2 =	vld [tilespmem:s28+$0x6220]  }
0x457: {  	v9 =	vsel vm9, v24, v44;
	v7 =	vsel vm11, v27, v15;
	vm10 =	vge.f32 v25, v4  }
0x458: {  	vm12 =	vle.f32 v9, v7;
	v4 =	vsel vm10, v25, v4;
	vm2 =	vge.f32 v3, v13  }
0x459: {  	v8 =	vsel vm10, v45, v47;
	v16 =	vperm.xlane v42, v1;
	v3 =	vsel vm2, v3, v13  }
0x45a: {  	v49 =	vsel vm12, v9, v7;
	v5 =	vsel vm9, v43, v46;
	vm13 =	vle.f32 v4, v3  }
0x45b: {  	v6 =	vsel vm2, v48, v6;
	v50 =	vsel vm13, v4, v3;
	v2 =	vsel vm11, v2, v16  }
0x45c: {  	v52 =	vsel vm13, v8, v6;
	vm14 =	vle.f32 v49, v50;
	v51 =	vsel vm12, v5, v2  }
0x45d: {  	v53 =	vsel vm14, v49, v50;
	v54 =	vsel vm14, v51, v52  }
0x45e: {  	v7 =	vsel vm12, v7, v9;
	v3 =	vsel vm13, v3, v4;
	(xrf1) =	vsort.ascd.msk.f32 $0xffff, v53, v54  }
0x45f: {  	v57 =	vsel vm13, v6, v8;
	v55 =	vsel vm14, v50, v49;
	v56 =	vsel vm14, v52, v51  }
0x460: {  	vm15 =	vle.f32 v7, v3;
	v2 =	vsel vm12, v2, v5;
	(xrf1) =	vsort.ascd.msk.f32 $0xffff, v55, v56  }
0x461: {  	v58 =	vsel vm15, v7, v3;
	v6 =	vsel vm15, v2, v57  }
0x462: {  	v3 =	vsel vm15, v3, v7;
	(xrf1) =	vsort.ascd.msk.f32 $0xffff, v58, v6  }
0x463: {  	v2 =	vsel vm15, v57, v2  }
0x464: {  	s29 =	sshll.u32 s0, $0x6;
	v60, v59, _ =	vpop (xrf1);
	(xrf1) =	vsort.ascd.msk.f32 $0xffff, v3, v2  }
0x465: {  	[tilespmem:s29+$0x1880] =	vst v60  }
0x466: {  	v2, v3, _ =	vpop (xrf1);
	[tilespmem:s29+$0x3100] =	vst v59  }
0x467: {  	[tilespmem:s29+$0x1890] =	vst v2  }
0x468: {  	v2, v61, _ =	vpop (xrf1);
	[tilespmem:s29+$0x3110] =	vst v3  }
0x469: {  	[tilespmem:s29+$0x18A0] =	vst v2  }
0x46a: {  	v2, v3, _ =	vpop (xrf1);
	[tilespmem:s29+$0x3120] =	vst v61  }
0x46b: {  	[tilespmem:s29+$0x18B0] =	vst v2  }
0x46c: {  	s30 =	sshll.u32 s1, $0x6;
	[tilespmem:s29+$0x3130] =	vst v3;
	v2, v62, _ =	vpop (xrf1)  }
0x46d: {  	[tilespmem:s30+$0x1880] =	vst v2  }
0x46e: {  	s1 =	sor.u32 $0x50, s30;
	v2, v3, _ =	vpop (xrf1);
	[tilespmem:s30+$0x3100] =	vst v62  }
0x46f: {  	p2 =	por p1, p1;
	[tilespmem:s1+$0x1880] =	vst v2  }
.Ltmp9:
0x470: {  	s31 =	sor.u32 $0x60, s30;
	v2, v63, _ =	vpop (xrf1);
	[tilespmem:s1+$0x3100] =	vst v3;
	(pc) =	sbr.rel @p2 .LBB2_15-.Ltmp9, $4  }
0x471: {  	[tilespmem:s31+$0x1880] =	vst v2  }
0x472: {  	s0 =	sor.u32 $0x70, s30;
	v2, v3, _ =	vpop (xrf1);
	[tilespmem:s31+$0x3100] =	vst v63  }
0x473: {  	[tilespmem:s0+$0x1880] =	vst v2  }
0x474: {  	p1 =	por $0x0, $0x0;
	[tilespmem:s0+$0x3100] =	vst v3;
	s0 =	simm.s32 $0x2  }
0x475: {  	v2 =	vld [tilespmem:$0x1880]  }
0x476: {  	v3 =	vld [tilespmem:$0x1890]  }
0x477: {  	v4 =	vld [tilespmem:$0x18A0]  }
0x478: {  	v5 =	vld [tilespmem:$0x18B0]  }
0x479: {  	v6 =	vld [tilespmem:$0x3100]  }
0x47a: {  	v7 =	vld [tilespmem:$0x18C0]  }
0x47b: {  	v8 =	vld [tilespmem:$0x18D0]  }
0x47c: {  	v9 =	vld [tilespmem:$0x18E0]  }
0x47d: {  	v10 =	vld [tilespmem:$0x18F0]  }
0x47e: {  	v11 =	vld [tilespmem:$0x3140]  }
0x47f: {  	v12 =	vld [tilespmem:$0x3160]  }
0x480: {  	v13 =	vld [tilespmem:$0x3170]  }
0x481: {  	v14 =	vld [tilespmem:$0x3150]  }
0x482: {  	v25 =	vld [tilespmem:$0x1950]  }
0x483: {  	v21 =	vld [tilespmem:$0x1970]  }
0x484: {  	v28 =	vld [tilespmem:$0x1960];
	v10 =	vperm.xlane v10, v1  }
0x485: {  	v23 =	vld [tilespmem:$0x31C0];
	v9 =	vperm.xlane v9, v1;
	v8 =	vperm.xlane v8, v1  }
0x486: {  	v18 =	vld [tilespmem:$0x1900];
	v7 =	vperm.xlane v7, v1;
	v13 =	vperm.xlane v13, v1  }
0x487: {  	v19 =	vld [tilespmem:$0x1910];
	v12 =	vperm.xlane v12, v1;
	v14 =	vperm.xlane v14, v1  }
0x488: {  	v15 =	vld [tilespmem:$0x3110];
	v11 =	vperm.xlane v11, v1;
	v38 =	vperm.xlane v21, v1  }
0x489: {  	v16 =	vld [tilespmem:$0x3120];
	v39 =	vperm.xlane v28, v1;
	v40 =	vperm.xlane v25, v1  }
0x48a: {  	v17 =	vld [tilespmem:$0x3130];
	v42 =	vperm.xlane v23, v1;
	vm0 =	vge.f32 v2, v10;
	vm15 =	vge.f32 v3, v9  }
0x48b: {  	vm1 =	vge.f32 v4, v8;
	vm2 =	vge.f32 v5, v7;
	vm8 =	vge.f32 v18, v38  }
0x48c: {  	vm9 =	vge.f32 v19, v39;
	v2 =	vsel vm0, v2, v10;
	v6 =	vsel vm0, v6, v13  }
0x48d: {  	v3 =	vsel vm15, v3, v9;
	v12 =	vsel vm15, v15, v12;
	v4 =	vsel vm1, v4, v8  }
0x48e: {  	v61 =	vld [tilespmem:$0x1920];
	v5 =	vsel vm2, v5, v7;
	v24 =	vsel vm1, v16, v14;
	vm4 =	vle.f32 v2, v4  }
0x48f: {  	v62 =	vld [tilespmem:$0x1930];
	v11 =	vsel vm2, v17, v11;
	vm5 =	vle.f32 v3, v5;
	v26 =	vsel vm4, v2, v4  }
0x490: {  	v63 =	vld [tilespmem:$0x1940];
	v27 =	vsel vm5, v3, v5;
	v29 =	vsel vm4, v6, v24;
	v20 =	vsel vm5, v12, v11  }
0x491: {  	v31 =	vld [tilespmem:$0x31E0];
	v2 =	vsel vm4, v4, v2;
	v6 =	vsel vm4, v24, v6;
	v3 =	vsel vm5, v5, v3  }
0x492: {  	v34 =	vld [tilespmem:$0x31F0];
	v11 =	vsel vm5, v11, v12;
	vm6 =	vle.f32 v26, v27;
	vm7 =	vle.f32 v2, v3  }
0x493: {  	v36 =	vld [tilespmem:$0x31D0];
	v30 =	vsel vm6, v26, v27;
	v22 =	vsel vm6, v29, v20;
	v32 =	vsel vm6, v27, v26  }
0x494: {  	v37 =	vld [tilespmem:$0x3180];
	v33 =	vsel vm6, v20, v29;
	v35 =	vsel vm7, v2, v3;
	(xrf1) =	vsort.ascd.msk.f32 $0xffff, v30, v22  }
0x495: {  	v41 =	vld [tilespmem:$0x31B0];
	v2 =	vsel vm7, v3, v2;
	v3 =	vsel vm7, v6, v11;
	(xrf1) =	vsort.ascd.msk.f32 $0xffff, v32, v33  }
0x496: {  	vm10 =	vge.f32 v61, v40;
	v6 =	vsel vm7, v11, v6;
	(xrf1) =	vsort.ascd.msk.f32 $0xffff, v35, v3;
	v3 =	vld [tilespmem:$0x3190]  }
0x497: {  	v7 =	vperm.xlane v63, v1;
	v14 =	vperm.xlane v34, v1;
	(xrf1) =	vsort.ascd.msk.f32 $0xffff, v2, v6;
	v2 =	vld [tilespmem:$0x31A0]  }
0x498: {  	v8 =	vperm.xlane v36, v1;
	v43 =	vsel vm10, v61, v40;
	v4 =	vperm.xlane v31, v1  }
0x499: {  	v5 =	vsel vm8, v18, v38;
	v12 =	vsel vm9, v19, v39;
	vm11 =	vge.f32 v62, v7  }
0x49a: {  	vm12 =	vle.f32 v5, v43;
	v44 =	vsel vm11, v62, v7;
	v45 =	vsel vm11, v41, v42  }
0x49b: {  	v11 =	vsel vm8, v37, v14;
	v46 =	vsel vm12, v5, v43;
	vm13 =	vle.f32 v12, v44  }
0x49c: {  	v48 =	vsel vm13, v12, v44;
	v3 =	vsel vm9, v3, v4;
	v2 =	vsel vm10, v2, v8  }
0x49d: {  	vm14 =	vle.f32 v46, v48;
	v49 =	vsel vm13, v3, v45;
	v47 =	vsel vm12, v11, v2  }
0x49e: {  	v50 =	vsel vm14, v46, v48;
	v51 =	vsel vm14, v47, v49  }
0x49f: {  	v6 =	vsel vm13, v44, v12;
	v4 =	vsel vm12, v43, v5;
	(xrf1) =	vsort.ascd.msk.f32 $0xffff, v50, v51  }
0x4a0: {  	v5 =	vsel vm14, v48, v46;
	v3 =	vsel vm13, v45, v3;
	v52 =	vsel vm14, v49, v47  }
0x4a1: {  	vm15 =	vle.f32 v4, v6;
	v2 =	vsel vm12, v2, v11;
	(xrf1) =	vsort.ascd.msk.f32 $0xffff, v5, v52  }
0x4a2: {  	v53 =	vsel vm15, v4, v6;
	v54 =	vsel vm15, v2, v3  }
0x4a3: {  	(xrf1) =	vsort.ascd.msk.f32 $0xffff, v53, v54  }
0x4a4: {  	v4 =	vsel vm15, v6, v4;
	v2 =	vsel vm15, v3, v2  }
0x4a5: {  	(xrf1) =	vsort.ascd.msk.f32 $0xffff, v4, v2;
	_ =	sdelay $0x2  }
0x4a6: {  	v2, v3, _ =	vpop (xrf1)  }
0x4a7: {  	[tilespmem:$0x4980] =	vst v2  }
0x4a8: {  	v56, v55, _ =	vpop (xrf1);
	[tilespmem:$0x6200] =	vst v3  }
0x4a9: {  	v2, v57, _ =	vpop (xrf1);
	[tilespmem:$0x4990] =	vst v56;
	v58 =	vld [tilespmem:$0x4980]  }
0x4aa: {  	v60, v59, _ =	vpop (xrf1);
	[tilespmem:$0x49A0] =	vst v2;
	v2 =	vld [tilespmem:$0x4990]  }
0x4ab: {  	[tilespmem:$0x49B0] =	vst v60;
	v63 =	vld [tilespmem:$0x49A0];
	v62, v61, _ =	vpop (xrf1)  }
0x4ac: {  	v23 =	vld [tilespmem:$0x49B0];
	[tilespmem:$0x49C0] =	vst v62  }
0x4ad: {  	v22, v21, _ =	vpop (xrf1);
	[tilespmem:$0x6240] =	vst v61;
	v26 =	vld [tilespmem:$0x49C0]  }
0x4ae: {  	[tilespmem:$0x49D0] =	vst v22;
	v32 =	vld [tilespmem:$0x6240]  }
0x4af: {  	v25, v24, _ =	vpop (xrf1);
	[tilespmem:$0x6250] =	vst v21;
	v29 =	vld [tilespmem:$0x49D0]  }
0x4b0: {  	[tilespmem:$0x49E0] =	vst v25;
	v3 =	vld [tilespmem:$0x6250]  }
0x4b1: {  	v28, v27, _ =	vpop (xrf1);
	[tilespmem:$0x6260] =	vst v24;
	v30 =	vld [tilespmem:$0x49E0]  }
0x4b2: {  	[tilespmem:$0x49F0] =	vst v28;
	v33 =	vld [tilespmem:$0x6260]  }
0x4b3: {  	[tilespmem:$0x6230] =	vst v59;
	v31 =	vld [tilespmem:$0x49F0]  }
0x4b4: {  	[tilespmem:$0x6220] =	vst v57;
	v37 =	vld [tilespmem:$0x6230];
	v38 =	vperm.xlane v27, v1  }
0x4b5: {  	[tilespmem:$0x6210] =	vst v55;
	v36 =	vld [tilespmem:$0x6220];
	v11 =	vperm.xlane v26, v1;
	v39 =	vperm.xlane v32, v1  }
0x4b6: {  	v35 =	vld [tilespmem:$0x6210];
	v13 =	vperm.xlane v29, v1;
	v3 =	vperm.xlane v3, v1  }
0x4b7: {  	v34 =	vld [tilespmem:$0x6200];
	v15 =	vperm.xlane v30, v1;
	v12 =	vperm.xlane v33, v1  }
0x4b8: {  	vm7 =	vge.f32 v23, v11;
	v9 =	vperm.xlane v31, v1;
	vm6 =	vge.f32 v63, v13  }
0x4b9: {  	v7 =	vsel vm7, v23, v11;
	v40 =	vsel vm7, v37, v39;
	vm5 =	vge.f32 v2, v15  }
0x4ba: {  	v10 =	vsel vm6, v63, v13;
	v3 =	vsel vm6, v36, v3;
	vm4 =	vge.f32 v58, v9  }
0x4bb: {  	v2 =	vsel vm5, v2, v15;
	v6 =	vsel vm5, v35, v12;
	v4 =	vsel vm4, v58, v9  }
0x4bc: {  	v5 =	vsel vm4, v34, v38;
	vm9 =	vle.f32 v2, v7;
	vm8 =	vle.f32 v4, v10  }
0x4bd: {  	v43 =	vsel vm9, v2, v7;
	v44 =	vsel vm9, v6, v40;
	v2 =	vsel vm9, v7, v2  }
0x4be: {  	v6 =	vsel vm9, v40, v6;
	v41 =	vsel vm8, v4, v10;
	v42 =	vsel vm8, v5, v3  }
0x4bf: {  	v4 =	vsel vm8, v10, v4;
	v3 =	vsel vm8, v3, v5;
	vm10 =	vle.f32 v41, v43  }
0x4c0: {  	vm11 =	vle.f32 v4, v2;
	v45 =	vsel vm10, v41, v43;
	v46 =	vsel vm10, v42, v44  }
0x4c1: {  	v5 =	vsel vm10, v43, v41;
	v47 =	vsel vm10, v44, v42;
	(xrf1) =	vsort.ascd.msk.f32 $0xffff, v45, v46  }
0x4c2: {  	v48 =	vsel vm11, v4, v2;
	v49 =	vsel vm11, v3, v6;
	(xrf1) =	vsort.ascd.msk.f32 $0xffff, v5, v47  }
0x4c3: {  	v2 =	vsel vm11, v2, v4;
	v3 =	vsel vm11, v6, v3;
	(xrf1) =	vsort.ascd.msk.f32 $0xffff, v48, v49  }
0x4c4: {  	(xrf1) =	vsort.ascd.msk.f32 $0xffff, v2, v3;
	_ =	sdelay $0xa  }
0x4c5: {  	v2, v3, _ =	vpop (xrf1)  }
0x4c6: {  	v50, v5, _ =	vpop (xrf1)  }
0x4c7: {  	v51, v7, _ =	vpop (xrf1)  }
0x4c8: {  	v53, v52, _ =	vpop (xrf1)  }
0x4c9: {  	[tilespmem:$0x3130] =	vst v52  }
0x4ca: {  	v9 =	vld [tilespmem:$0x3130]  }
0x4cb: {  	v54 =	vld [tilespmem:$0x7A80];
	[tilespmem:$0x3120] =	vst v7  }
0x4cc: {  	[tilespmem:$0x18B0] =	vst v53;
	v55 =	vld [tilespmem:$0x3120]  }
0x4cd: {  	[tilespmem:$0x3110] =	vst v5;
	v56 =	vld [tilespmem:$0x18B0]  }
0x4ce: {  	[tilespmem:$0x18A0] =	vst v51;
	v57 =	vld [tilespmem:$0x3110]  }
0x4cf: {  	[tilespmem:$0x3100] =	vst v3;
	v58 =	vld [tilespmem:$0x18A0];
	v3 =	vperm.xlane v9, v1  }
0x4d0: {  	[tilespmem:$0x1890] =	vst v50;
	v59 =	vld [tilespmem:$0x3100]  }
0x4d1: {  	v60 =	vld [tilespmem:$0x1890];
	v8 =	vperm.xlane v55, v1;
	v3 =	vadd.s32 v54, v3  }
0x4d2: {  	[tilespmem:$0x1880] =	vst v2;
	v2 =	vperm.xlane v56, v1;
	vm12 =	vgt.s32 v3, $0x0  }
0x4d3: {  	[tilespmem:$0x6270] =	vst v27;
	v62 =	vld [tilespmem:$0x1880];
	v6 =	vperm.xlane v57, v1;
	v61 =	vadd.s32 v54, v8;
	v3 =	vnsel vm12, $0x0, v3  }
0x4d4: {  	[tilespmem:$0x9B80] =	vst v2;
	vm13 =	vgt.s32 v61, $0x0;
	v2 =	vmin.u32 v3, $0x1869F;
	v3 =	vperm.xlane v58, v1  }
0x4d5: {  	v4 =	vperm.xlane v59, v1;
	v63 =	vadd.s32 v54, v6;
	[tilespmem:$0x7B00] =	vst v2;
	v2 =	vnsel vm13, $0x0, v61  }
0x4d6: {  	vm14 =	vgt.s32 v63, $0x0;
	[tilespmem:$0x9B90] =	vst v3;
	v2 =	vmin.u32 v2, $0x1869F;
	v3 =	vperm.xlane v60, v1  }
0x4d7: {  	v4 =	vadd.s32 v54, v4;
	[tilespmem:$0x7B10] =	vst v2;
	v2 =	vnsel vm14, $0x0, v63  }
0x4d8: {  	vm15 =	vgt.s32 v4, $0x0;
	[tilespmem:$0x9BA0] =	vst v3;
	v2 =	vmin.u32 v2, $0x1869F;
	v3 =	vperm.xlane v62, v1  }
0x4d9: {  	[tilespmem:$0x7B20] =	vst v2;
	v2 =	vnsel vm15, $0x0, v4  }
0x4da: {  	[tilespmem:$0x9BB0] =	vst v3;
	v2 =	vmin.u32 v2, $0x1869F  }
0x4db: {  	s0 =	rddreg [dreg:$0x1];
	[tilespmem:$0x7B30] =	vst v2  }
0x4dc: {  	[tilespmem:s21], [sflag:$0x1] =	stream.indirect.gather [hbm4b:s0+s19], $0x80, s20, s19, $0xb8;
	[tilespmem:$0x9C80] =	vst v63  }
0x4dd: {  	_ =	swait.ge [sflag:s22], $0x2000  }
0x4de: {  	[sflag:s22] =	ssyncset.done $0x0  }
0x4df: {  	[sflag:s22] =	ssyncadd.s32 $0xFFFFE000  }
0x4e0: {  	s30 =	rddreg [dreg:$0x2]  }
0x4e1: {  	[hbm4b:s30+s6] =	stream.linear.scatter [tilespmem:s21], [sflag:$0x2], $0x2000, $0x38;
	[tilespmem:$0x9C80] =	vst v63  }
0x4e2: {  	_ =	swait.ge [sflag:s13], $0x2000  }
0x4e3: {  	[sflag:s13] =	ssyncset.done $0x0  }
0x4e4: {  	[sflag:s13] =	ssyncadd.s32 $0xFFFFE000  }
.Ltmp10:
0x4e5: {  	s31 =	rddreg [dreg:$0x3];
	(pc) =	sbr.rel .LBB2_17-.Ltmp10, $4  }
0x4e6: {  	[hbm4b:s31+s6] =	stream.linear.scatter [tilespmem:s23], [sflag:$0x2], $0x80, $0x38;
	[tilespmem:$0x9C80] =	vst v63  }
0x4e7: {  	_ =	swait.ge [sflag:s13], $0x80  }
0x4e8: {  	[sflag:s13] =	ssyncset.done $0x0  }
0x4e9: {  	[sflag:s13] =	ssyncadd.s32 $0xFFFFFF80  }
.LBB2_18:
0x4ea: {  	_ =	sfence.sel $0x180000  }
0x4eb: {  	[bflag:$0x0] =	sbarrier.arrive $0xFFFF  }
0x4ec: {  	_ =	strace $0x90000047  }
0x4ed: {  	[bflag:$0x2] =	sbarrier.arrive $0xFFFF  }
0x4ee: {  	s0 =	rddreg [dreg:$0x6]  }
0x4ef: {  	s0 =	sadd.s32 @!p0 $0x100000, s0  }
0x4f0: {  	[sflag:s0] =	ssyncadd.tile.s32 @!p0 $0x1;
	_ =	shalt  }
.Lfunc_end2:
_tile_overlayer_lowered:
.L_overlay_start_2:
0x4f1: {  	(tag) =	ssettag $0x2  }
0x4f2: {  	s0 =	rddreg [dreg:$0x0];
	s2 =	stileid.u32  }
0x4f3: {  	s1 =	rddreg [dreg:$0x1];
	p0 =	sne.s32 s2, $0x0  }
0x4f4: {  	s3 =	rddreg [dreg:$0x2];
	[bflag:$0x3] =	sbarrier.arrive $0xFFFF;
	s2 =	simm.s32 @!p0 $0x1C02  }
0x4f5: {  	[timem:s3], [sflag:s2] =	dma.local @!p0 [hbm:s0], s1  }
0x4f6: {  	s0 =	simm.s32 @!p0 $0x2  }
0x4f7: {  	_ =	swait.ge @!p0 [sflag:s0], s1  }
0x4f8: {  	s1 =	ssub.s32 @!p0 $0x0, s1;
	[sflag:s0] =	ssyncset.done @!p0 $0x0  }
0x4f9: {  	[sflag:s0] =	ssyncadd.s32 @!p0 s1  }
0x4fa: {  	[bflag:$0x3] =	sbarrier.arrive $0xFFFF  }
0x4fb: {  	_ =	shalt  }

</sc_bundles>
